<compile_context>
chip_gen: v7x
topology: tpu7x:2x2x1
jax: 0.10.2.dev20260603
libtpu: 0.0.44.dev20260713+nightly
codegen_flags: <defaults>
</compile_context>

<pallas_src>
import functools

import jax
import jax.numpy as jnp
from jax import lax
from jax.experimental import pallas as pl
from jax.experimental.pallas import tpu as pltpu
from jax.experimental.pallas import tpu_sc as plsc

HIDDEN = 32
LAYERS = 3
NN = 100000
NE = 1600000
D_EDGE = 4

LANES = 16
NSUB = 16
NCORE = 2
CR = 4
CE = CR * 128
R_TOTAL = 12544
NE_PAD = R_TOTAL * 128
R_TILE = R_TOTAL // NSUB
NCHUNK = R_TILE // CR
N_TILE = 6256
N_TILE_LAST = NN - 15 * N_TILE
NPAD_ROWS = 8
DUMMY_NODE = NN

BN = 5000
NBLK = NN // BN


def _edge_body(np_hbm, snd_hbm, rcv_hbm, ef_hbm, wt_hbm, bm_hbm, z_hbm,
               agg_out, agg_sh, snd_v, rcv_v, ef_v, rows_v, wt_v, bm_v,
               gsem, ssem):
    c = lax.axis_index("c")
    s = lax.axis_index("s")

    @pl.when(s < NSUB - 1)
    def _():
        pltpu.sync_copy(z_hbm, agg_sh.at[pl.ds(s * N_TILE, N_TILE)])

    @pl.when(s == NSUB - 1)
    def _():
        pltpu.sync_copy(z_hbm.at[pl.ds(0, N_TILE_LAST + NPAD_ROWS)],
                        agg_sh.at[pl.ds(15 * N_TILE,
                                        N_TILE_LAST + NPAD_ROWS)])

    pltpu.sync_copy(wt_hbm.at[c], wt_v)
    pltpu.sync_copy(bm_hbm.at[c], bm_v)
    plsc.subcore_barrier()

    w0 = wt_v[0]
    w1 = wt_v[1]
    w2 = wt_v[2]
    w3 = wt_v[3]
    bm = bm_v[...]
    base_row = s * R_TILE

    def chunk_body(i, carry):
        r0 = base_row + i * CR
        pltpu.sync_copy(snd_hbm.at[pl.ds(r0, CR)], snd_v)
        pltpu.sync_copy(rcv_hbm.at[pl.ds(r0, CR)], rcv_v)
        pltpu.sync_copy(ef_hbm.at[pl.ds(r0 * 32, CE // 4)], ef_v)

        def addoff(j, cc):
            for k in range(8):
                sl = pl.ds(k * LANES, LANES)
                snd_v[j, sl] = snd_v[j, sl] * 2 + c
            return cc

        lax.fori_loop(0, CR, addoff, 0)

        gathers = []
        for j in range(CR):
            gathers.append(pltpu.async_copy(
                np_hbm.at[snd_v.at[j]],
                rows_v.at[pl.ds(j * 128, 128)], gsem))
        for cp in gathers:
            cp.wait()

        def edge_group(g, cc):
            efv = ef_v[g]
            for j in range(4):
                e = g * 4 + j
                ep = (bm + efv[4 * j] * w0 + efv[4 * j + 1] * w1
                      + efv[4 * j + 2] * w2 + efv[4 * j + 3] * w3)
                rows_v[e] = jnp.maximum(rows_v[e] + ep, 0.0)
            return cc

        lax.fori_loop(0, CE // 4, edge_group, 0, unroll=4)

        scatters = []
        for j in range(CR):
            scatters.append(pltpu.async_copy(
                rows_v.at[pl.ds(j * 128, 128)],
                agg_sh.at[rcv_v.at[j]], ssem, add=True))
        for cp in scatters:
            cp.wait()
        return carry

    lax.fori_loop(0, NCHUNK, chunk_body, 0)
    plsc.subcore_barrier()

    @pl.when(s < NSUB - 1)
    def _():
        pltpu.sync_copy(agg_sh.at[pl.ds(s * N_TILE, N_TILE)],
                        agg_out.at[c, pl.ds(s * N_TILE, N_TILE)])

    @pl.when(s == NSUB - 1)
    def _():
        pltpu.sync_copy(agg_sh.at[pl.ds(15 * N_TILE, N_TILE_LAST)],
                        agg_out.at[c, pl.ds(15 * N_TILE, N_TILE_LAST)])


def _sc_edge(np_flat, snd2, rcv2, ef_pad, wt2, bm2, zrows):
    mesh = plsc.VectorSubcoreMesh(core_axis_name="c", subcore_axis_name="s")
    fn = functools.partial(
        pl.kernel,
        out_type=jax.ShapeDtypeStruct((NCORE, NN, LANES), jnp.float32),
        mesh=mesh,
        scratch_types=[
            pltpu.VMEM_SHARED((NN + NPAD_ROWS, LANES), jnp.float32),
            pltpu.VMEM((CR, 128), jnp.int32),
            pltpu.VMEM((CR, 128), jnp.int32),
            pltpu.VMEM((CE // 4, LANES), jnp.float32),
            pltpu.VMEM((CE, LANES), jnp.float32),
            pltpu.VMEM((D_EDGE, LANES), jnp.float32),
            pltpu.VMEM((LANES,), jnp.float32),
            pltpu.SemaphoreType.DMA,
            pltpu.SemaphoreType.DMA,
        ],
        compiler_params=pltpu.CompilerParams(use_tc_tiling_on_sc=False),
    )(_edge_body)
    return fn(np_flat, snd2, rcv2, ef_pad, wt2, bm2, zrows)



def _k0_body(pq, w_enc, b_enc, wm_main, wu_main, bu, ni_out, np_out, u_out):
    h = jnp.dot(pq[...], w_enc[...], preferred_element_type=jnp.float32)
    h = h + b_enc[...]
    np_out[...] = (jnp.dot(h, wm_main[...][2:], preferred_element_type=jnp.float32)
                   + wm_main[...][0:1])
    u_out[...] = (jnp.dot(h, wu_main[...][2:], preferred_element_type=jnp.float32)
                  + wu_main[...][0:1] + bu[...])
    n = h.shape[0]
    v0 = jnp.concatenate(
        [jnp.ones((n, 1), jnp.float32), jnp.zeros((n, 1), jnp.float32)], axis=1)
    ni_out[...] = jnp.concatenate([v0, h], axis=1)


def _k0(pq, w_enc, b_enc, wm_main, wu_main, bu):
    full = lambda i: (0, 0)
    return pl.pallas_call(
        _k0_body,
        grid=(NBLK,),
        in_specs=[
            pl.BlockSpec((BN, 2), lambda i: (i, 0)),
            pl.BlockSpec((2, HIDDEN), full),
            pl.BlockSpec((1, HIDDEN), full),
            pl.BlockSpec((2 + HIDDEN, HIDDEN), full),
            pl.BlockSpec((2 + HIDDEN, HIDDEN), full),
            pl.BlockSpec((1, HIDDEN), full),
        ],
        out_specs=[
            pl.BlockSpec((BN, 2 + HIDDEN), lambda i: (i, 0)),
            pl.BlockSpec((BN, HIDDEN), lambda i: (i, 0)),
            pl.BlockSpec((BN, HIDDEN), lambda i: (i, 0)),
        ],
        out_shape=[
            jax.ShapeDtypeStruct((NN, 2 + HIDDEN), jnp.float32),
            jax.ShapeDtypeStruct((NN, HIDDEN), jnp.float32),
            jax.ShapeDtypeStruct((NN, HIDDEN), jnp.float32),
        ],
    )(pq, w_enc, b_enc, wm_main, wu_main, bu)


def _kb_body(agg2, u, wu_tail, gpad, wg, bg, h1_out, g_out):
    i = pl.program_id(0)
    agg = jnp.concatenate([agg2[0], agg2[1]], axis=1)
    h1 = jnp.maximum(
        u[...] + jnp.dot(agg, wu_tail[...], preferred_element_type=jnp.float32),
        0.0)
    h1_out[...] = h1
    part = jnp.sum(h1, axis=0, keepdims=True)
    part8 = jnp.concatenate([part, jnp.zeros((7, HIDDEN), jnp.float32)], axis=0)

    @pl.when(i == 0)
    def _():
        g_out[...] = jnp.zeros_like(g_out)

    acc = g_out[...] + part8

    @pl.when(i < NBLK - 1)
    def _():
        g_out[...] = acc

    @pl.when(i == NBLK - 1)
    def _():
        mean = acc[0:1] / jnp.float32(NN)
        gin = jnp.concatenate([mean, gpad[...][0:1]], axis=1)
        gnew = jnp.maximum(
            jnp.dot(gin, wg[...], preferred_element_type=jnp.float32) + bg[...],
            0.0)
        g_out[...] = jnp.concatenate(
            [gnew, jnp.zeros((7, HIDDEN), jnp.float32)], axis=0)


def _kb(agg2, u, wu_tail, gpad, wg, bg):
    full = lambda i: (0, 0)
    return pl.pallas_call(
        _kb_body,
        grid=(NBLK,),
        in_specs=[
            pl.BlockSpec((NCORE, BN, LANES), lambda i: (0, i, 0)),
            pl.BlockSpec((BN, HIDDEN), lambda i: (i, 0)),
            pl.BlockSpec((HIDDEN, HIDDEN), full),
            pl.BlockSpec((8, HIDDEN), full),
            pl.BlockSpec((2 * HIDDEN, HIDDEN), full),
            pl.BlockSpec((1, HIDDEN), full),
        ],
        out_specs=[
            pl.BlockSpec((BN, HIDDEN), lambda i: (i, 0)),
            pl.BlockSpec((8, HIDDEN), full),
        ],
        out_shape=[
            jax.ShapeDtypeStruct((NN, HIDDEN), jnp.float32),
            jax.ShapeDtypeStruct((8, HIDDEN), jnp.float32),
        ],
    )(agg2, u, wu_tail, gpad, wg, bg)


def _kc_body_mid(h1, g2, ni, wn_main, wn_tail, bn, wdv, bdv,
                 wm_next, wu_next, bu_next, ni_out, np_out, u_out):
    gb = (jnp.dot(g2[...][0:1], wn_tail[...], preferred_element_type=jnp.float32)
          + bn[...])
    h2 = jnp.maximum(
        jnp.dot(h1[...], wn_main[...], preferred_element_type=jnp.float32) + gb,
        0.0)
    dv = jnp.dot(h2, wdv[...], preferred_element_type=jnp.float32) + bdv[...]
    vn = ni[...][:, 0:2] + dv
    nin = jnp.concatenate([vn, h2], axis=1)
    ni_out[...] = nin
    np_out[...] = jnp.dot(nin, wm_next[...], preferred_element_type=jnp.float32)
    u_out[...] = (jnp.dot(nin, wu_next[...], preferred_element_type=jnp.float32)
                  + bu_next[...])


def _kc_body_last(h1, g2, ni, wn_main, wn_tail, bn, wdv, bdv, v_out):
    gb = (jnp.dot(g2[...][0:1], wn_tail[...], preferred_element_type=jnp.float32)
          + bn[...])
    h2 = jnp.maximum(
        jnp.dot(h1[...], wn_main[...], preferred_element_type=jnp.float32) + gb,
        0.0)
    dv = jnp.dot(h2, wdv[...], preferred_element_type=jnp.float32) + bdv[...]
    v_out[...] = ni[...][:, 0:2] + dv


def _kc(h1, g2, ni, wn_main, wn_tail, bn, wdv, bdv, nxt):
    full = lambda i: (0, 0)
    in_specs = [
        pl.BlockSpec((BN, HIDDEN), lambda i: (i, 0)),
        pl.BlockSpec((8, HIDDEN), full),
        pl.BlockSpec((BN, 2 + HIDDEN), lambda i: (i, 0)),
        pl.BlockSpec((HIDDEN, HIDDEN), full),
        pl.BlockSpec((HIDDEN, HIDDEN), full),
        pl.BlockSpec((1, HIDDEN), full),
        pl.BlockSpec((HIDDEN, 2), full),
        pl.BlockSpec((1, 2), full),
    ]
    args = [h1, g2, ni, wn_main, wn_tail, bn, wdv, bdv]
    if nxt is None:
        return pl.pallas_call(
            _kc_body_last,
            grid=(NBLK,),
            in_specs=in_specs,
            out_specs=[pl.BlockSpec((BN, 2), lambda i: (i, 0))],
            out_shape=[jax.ShapeDtypeStruct((NN, 2), jnp.float32)],
        )(*args)[0]
    wm_next, wu_next, bu_next = nxt
    in_specs += [
        pl.BlockSpec((2 + HIDDEN, HIDDEN), full),
        pl.BlockSpec((2 + HIDDEN, HIDDEN), full),
        pl.BlockSpec((1, HIDDEN), full),
    ]
    args += [wm_next, wu_next, bu_next]
    return pl.pallas_call(
        _kc_body_mid,
        grid=(NBLK,),
        in_specs=in_specs,
        out_specs=[
            pl.BlockSpec((BN, 2 + HIDDEN), lambda i: (i, 0)),
            pl.BlockSpec((BN, HIDDEN), lambda i: (i, 0)),
            pl.BlockSpec((BN, HIDDEN), lambda i: (i, 0)),
        ],
        out_shape=[
            jax.ShapeDtypeStruct((NN, 2 + HIDDEN), jnp.float32),
            jax.ShapeDtypeStruct((NN, HIDDEN), jnp.float32),
            jax.ShapeDtypeStruct((NN, HIDDEN), jnp.float32),
        ],
    )(*args)


def kernel(P_Q_inj, senders, receivers, edge_features,
           W_enc, b_enc, W_msg, b_msg, W_upd, b_upd,
           W_g, b_g, W_n, b_n, W_dv, b_dv):
    f32 = jnp.float32
    node_in = 2 + HIDDEN

    pad = NE_PAD - NE
    snd_p = jnp.concatenate(
        [senders.astype(jnp.int32), jnp.zeros((pad,), jnp.int32)])
    rcv_p = jnp.concatenate(
        [receivers.astype(jnp.int32),
         jnp.full((pad,), DUMMY_NODE, jnp.int32)])
    snd2 = snd_p.reshape(R_TOTAL, 128)
    rcv2 = rcv_p.reshape(R_TOTAL, 128)
    ef_pad = jnp.concatenate(
        [edge_features.astype(f32), jnp.zeros((pad, D_EDGE), f32)],
        axis=0).reshape(NE_PAD // 4, 4 * D_EDGE)
    zrows = jnp.zeros((N_TILE, LANES), f32)

    b2 = lambda b: b.reshape(1, -1).astype(f32)

    ni, np_l, u_l = _k0(
        P_Q_inj.astype(f32), W_enc.astype(f32), b2(b_enc),
        W_msg[0][:node_in].astype(f32), W_upd[0][:node_in].astype(f32),
        b2(b_upd[0]))

    gpad = jnp.zeros((8, HIDDEN), f32)
    v_final = None
    for l in range(LAYERS):
        wt2 = jnp.stack([W_msg[l][node_in:, :LANES],
                         W_msg[l][node_in:, LANES:]]).astype(f32)
        bm2 = b_msg[l].reshape(NCORE, LANES).astype(f32)
        np_flat = np_l.reshape(2 * NN, LANES)
        agg2 = _sc_edge(np_flat, snd2, rcv2, ef_pad, wt2, bm2, zrows)
        h1, g2 = _kb(agg2, u_l, W_upd[l][node_in:].astype(f32), gpad,
                     W_g[l].astype(f32), b2(b_g[l]))
        gpad = g2
        if l < LAYERS - 1:
            nxt = (W_msg[l + 1][:node_in].astype(f32),
                   W_upd[l + 1][:node_in].astype(f32), b2(b_upd[l + 1]))
            ni, np_l, u_l = _kc(h1, g2, ni, W_n[l][:HIDDEN].astype(f32),
                                W_n[l][HIDDEN:].astype(f32), b2(b_n[l]),
                                W_dv[l].astype(f32), b2(b_dv[l]), nxt)
        else:
            v_final = _kc(h1, g2, ni, W_n[l][:HIDDEN].astype(f32),
                          W_n[l][HIDDEN:].astype(f32), b2(b_n[l]),
                          W_dv[l].astype(f32), b2(b_dv[l]), None)
    return v_final

# --- scband reference (transcript-rebuilt; emitter-appended) ---
"""Pipeline reference for scband-power-flow-soft-super-node-gnn-12678743458345 (READ-ONLY COPY).

The authoritative reference and input builder live on the scoring server;
editing this copy changes nothing except your own understanding.
"""

import jax, jax.numpy as jnp
import numpy as np

HIDDEN = 32
LAYERS = 3
N_NODES = 100000
N_EDGES = 1600000
D_EDGE = 4


def setup_inputs(seed: int = 0) -> dict:
    key = jax.random.key(seed)
    ks = jax.random.split(key, 16)
    P_Q_inj = jax.random.normal(ks[0], (N_NODES, 2), dtype=jnp.float32)
    senders = jax.random.randint(ks[1], (N_EDGES,), 0, N_NODES, dtype=jnp.int64 if jax.config.jax_enable_x64 else jnp.int32).astype(jnp.int32)
    receivers = jax.random.randint(ks[2], (N_EDGES,), 0, N_NODES, dtype=jnp.int32)
    edge_features = jax.random.normal(ks[3], (N_EDGES, D_EDGE), dtype=jnp.float32)
    s = 0.05
    node_in = 2 + HIDDEN  # V_pred(2) concat h(HIDDEN)
    W_enc = jax.random.normal(ks[4], (2, HIDDEN), dtype=jnp.float32) * s
    b_enc = jnp.zeros((HIDDEN,), dtype=jnp.float32)
    W_msg = jax.random.normal(ks[5], (LAYERS, node_in + D_EDGE, HIDDEN), dtype=jnp.float32) * s
    b_msg = jnp.zeros((LAYERS, HIDDEN), dtype=jnp.float32)
    W_upd = jax.random.normal(ks[6], (LAYERS, node_in + HIDDEN, HIDDEN), dtype=jnp.float32) * s
    b_upd = jnp.zeros((LAYERS, HIDDEN), dtype=jnp.float32)
    W_g = jax.random.normal(ks[7], (LAYERS, 2 * HIDDEN, HIDDEN), dtype=jnp.float32) * s
    b_g = jnp.zeros((LAYERS, HIDDEN), dtype=jnp.float32)
    W_n = jax.random.normal(ks[8], (LAYERS, 2 * HIDDEN, HIDDEN), dtype=jnp.float32) * s
    b_n = jnp.zeros((LAYERS, HIDDEN), dtype=jnp.float32)
    W_dv = jax.random.normal(ks[9], (LAYERS, HIDDEN, 2), dtype=jnp.float32) * s
    b_dv = jnp.zeros((LAYERS, 2), dtype=jnp.float32)
    return {
        'P_Q_inj': P_Q_inj, 'senders': senders, 'receivers': receivers,
        'edge_features': edge_features,
        'W_enc': W_enc, 'b_enc': b_enc,
        'W_msg': W_msg, 'b_msg': b_msg,
        'W_upd': W_upd, 'b_upd': b_upd,
        'W_g': W_g, 'b_g': b_g,
        'W_n': W_n, 'b_n': b_n,
        'W_dv': W_dv, 'b_dv': b_dv,
    }


def reference(P_Q_inj, senders, receivers, edge_features,
              W_enc, b_enc, W_msg, b_msg, W_upd, b_upd,
              W_g, b_g, W_n, b_n, W_dv, b_dv):
    N = P_Q_inj.shape[0]
    V_pred = jnp.zeros_like(P_Q_inj)
    V_pred = V_pred.at[:, 0].set(1.0)
    h = P_Q_inj @ W_enc + b_enc
    global_state = jnp.zeros((1, HIDDEN), dtype=P_Q_inj.dtype)
    for l in range(LAYERS):
        node_inputs = jnp.concatenate([V_pred, h], axis=-1)
        # SoftPhysicsGNNLayer: gather sender feats, edge MLP messages, scatter-add to receivers, node update
        sender_feats = jnp.take(node_inputs, senders, axis=0)
        msg_in = jnp.concatenate([sender_feats, edge_features], axis=-1)
        msgs = jax.nn.relu(msg_in @ W_msg[l] + b_msg[l])
        agg = jnp.zeros((N, HIDDEN), dtype=msgs.dtype).at[receivers].add(msgs)
        v_out = jnp.concatenate([node_inputs, agg], axis=-1) @ W_upd[l] + b_upd[l]
        h = jax.nn.relu(v_out)
        # GlobalSuperNodeLayer: node->global mean aggregation, global update, global->node broadcast
        node_mean = jnp.mean(h, axis=0, keepdims=True)
        global_state = jax.nn.relu(jnp.concatenate([node_mean, global_state], axis=-1) @ W_g[l] + b_g[l])
        g_bcast = jnp.broadcast_to(global_state, (N, HIDDEN))
        h = jax.nn.relu(jnp.concatenate([h, g_bcast], axis=-1) @ W_n[l] + b_n[l])
        delta_V = h @ W_dv[l] + b_dv[l]
        V_pred = V_pred + delta_V
    return V_pred

if __name__ == "__main__":
    import jax
    _d = setup_inputs()
    print(jax.jit(kernel)(*tuple(_d.values())))

</pallas_src>

<mosaic_0001>
#map = affine_map<(d0, d1) -> (0, 0)>
#map1 = affine_map<(d0, d1) -> (0, 0, 0)>
module attributes {stable_mosaic.version = 14 : i64} {
  func.func @_edge_body(%arg0: i32, %arg1: i32, %arg2: memref<200000x16xf32, #tpu.memory_space<hbm>>, %arg3: memref<12544x128xi32, #tpu.memory_space<hbm>>, %arg4: memref<12544x128xi32, #tpu.memory_space<hbm>>, %arg5: memref<401408x16xf32, #tpu.memory_space<hbm>>, %arg6: memref<2x4x16xf32, #tpu.memory_space<hbm>>, %arg7: memref<2x16xf32, #tpu.memory_space<hbm>>, %arg8: memref<6256x16xf32, #tpu.memory_space<hbm>>, %arg9: memref<2x100000x16xf32, #tpu.memory_space<hbm>>, %arg10: memref<100008x16xf32, #tpu.memory_space<vmem_shared>>, %arg11: memref<4x128xi32, #tpu.memory_space<vmem>>, %arg12: memref<4x128xi32, #tpu.memory_space<vmem>>, %arg13: memref<128x16xf32, #tpu.memory_space<vmem>>, %arg14: memref<512x16xf32, #tpu.memory_space<vmem>>, %arg15: memref<4x16xf32, #tpu.memory_space<vmem>>, %arg16: memref<16xf32, #tpu.memory_space<vmem>>, %arg17: memref<!tpu.dma_semaphore, #tpu.memory_space<semaphore_mem>>, %arg18: memref<!tpu.dma_semaphore, #tpu.memory_space<semaphore_mem>>) attributes {dimension_semantics = [#tpu.dimension_semantics<core_parallel>, #tpu.dimension_semantics<subcore_parallel>], iteration_bounds = array<i64: 2, 16>, scalar_prefetch = 0 : i64, scratch_operands = 9 : i64, tpu.core_type = #tpu.core_type<sc_vector_subcore>, window_params = [{transform_indices = #map}, {transform_indices = #map}, {transform_indices = #map}, {transform_indices = #map}, {transform_indices = #map1}, {transform_indices = #map}, {transform_indices = #map}, {transform_indices = #map1}]} {
    %lt3A = arith.constant 15 : i32
    %lt3A_0 = arith.cmpi slt, %arg1, %lt3A : i32
    %convert_element_type3A = arith.extui %lt3A_0 : i1 to i32
    %cond3A = arith.constant 0 : i32
    %cond3A_1 = arith.cmpi ne, %convert_element_type3A, %cond3A : i32
    scf.if %cond3A_1 {
      %mul3A_45 = arith.constant 6256 : i32
      %mul3A_46 = arith.muli %arg1, %mul3A_45 : i32
      "tpu.region"() ({
        %run_scoped3A = tpu.sem_alloc : memref<!tpu.dma_semaphore, #tpu.memory_space<semaphore_mem>>
        %dma_start3A = arith.constant 0 : i32
        %dma_start3A_47 = tpu.memref_slice %arg10[%mul3A_46, %dma_start3A] : memref<100008x16xf32, #tpu.memory_space<vmem_shared>> -> memref<6256x16xf32, #tpu.memory_space<vmem_shared>>
        tpu.enqueue_dma source(%arg8 : memref<6256x16xf32, #tpu.memory_space<hbm>>) target(%dma_start3A_47 : memref<6256x16xf32, #tpu.memory_space<vmem_shared>>) target_semaphore(%run_scoped3A : memref<!tpu.dma_semaphore, #tpu.memory_space<semaphore_mem>>)
        %dma_wait3A = arith.constant 0 : i32
        %dma_wait3A_48 = tpu.memref_slice %arg10[%mul3A_46, %dma_wait3A] : memref<100008x16xf32, #tpu.memory_space<vmem_shared>> -> memref<6256x16xf32, #tpu.memory_space<vmem_shared>>
        tpu.wait_dma2 semaphore(%run_scoped3A : memref<!tpu.dma_semaphore, #tpu.memory_space<semaphore_mem>>) src(%arg8 : memref<6256x16xf32, #tpu.memory_space<hbm>>) dst(%dma_wait3A_48 : memref<6256x16xf32, #tpu.memory_space<vmem_shared>>)
        tpu.yield
      }) : () -> ()
    } else {
    }
    %eq3A = arith.constant 15 : i32
    %eq3A_2 = arith.cmpi eq, %arg1, %eq3A : i32
    %convert_element_type3A_3 = arith.extui %eq3A_2 : i1 to i32
    %cond3A_4 = arith.constant 0 : i32
    %cond3A_5 = arith.cmpi ne, %convert_element_type3A_3, %cond3A_4 : i32
    scf.if %cond3A_5 {
      "tpu.region"() ({
        %run_scoped3A = tpu.sem_alloc : memref<!tpu.dma_semaphore, #tpu.memory_space<semaphore_mem>>
        %dma_start3A = arith.constant 93840 : i32
        %dma_start3A_45 = arith.constant 0 : i32
        %dma_start3A_46 = tpu.memref_slice %arg10[%dma_start3A, %dma_start3A_45] : memref<100008x16xf32, #tpu.memory_space<vmem_shared>> -> memref<6168x16xf32, #tpu.memory_space<vmem_shared>>
        %dma_start3A_47 = arith.constant 0 : i32
        %dma_start3A_48 = arith.constant 0 : i32
        %dma_start3A_49 = tpu.memref_slice %arg8[%dma_start3A_47, %dma_start3A_48] : memref<6256x16xf32, #tpu.memory_space<hbm>> -> memref<6168x16xf32, #tpu.memory_space<hbm>>
        tpu.enqueue_dma source(%dma_start3A_49 : memref<6168x16xf32, #tpu.memory_space<hbm>>) target(%dma_start3A_46 : memref<6168x16xf32, #tpu.memory_space<vmem_shared>>) target_semaphore(%run_scoped3A : memref<!tpu.dma_semaphore, #tpu.memory_space<semaphore_mem>>)
        %dma_wait3A = arith.constant 93840 : i32
        %dma_wait3A_50 = arith.constant 0 : i32
        %dma_wait3A_51 = tpu.memref_slice %arg10[%dma_wait3A, %dma_wait3A_50] : memref<100008x16xf32, #tpu.memory_space<vmem_shared>> -> memref<6168x16xf32, #tpu.memory_space<vmem_shared>>
        %dma_wait3A_52 = arith.constant 0 : i32
        %dma_wait3A_53 = arith.constant 0 : i32
        %dma_wait3A_54 = tpu.memref_slice %arg8[%dma_wait3A_52, %dma_wait3A_53] : memref<6256x16xf32, #tpu.memory_space<hbm>> -> memref<6168x16xf32, #tpu.memory_space<hbm>>
        tpu.wait_dma2 semaphore(%run_scoped3A : memref<!tpu.dma_semaphore, #tpu.memory_space<semaphore_mem>>) src(%dma_wait3A_54 : memref<6168x16xf32, #tpu.memory_space<hbm>>) dst(%dma_wait3A_51 : memref<6168x16xf32, #tpu.memory_space<vmem_shared>>)
        tpu.yield
      }) : () -> ()
    } else {
    }
    "tpu.region"() ({
      %run_scoped3A = tpu.sem_alloc : memref<!tpu.dma_semaphore, #tpu.memory_space<semaphore_mem>>
      %dma_start3A = arith.constant 0 : i32
      %dma_start3A_45 = arith.constant 0 : i32
      %dma_start3A_46 = tpu.memref_slice %arg6[%arg0, %dma_start3A, %dma_start3A_45] : memref<2x4x16xf32, #tpu.memory_space<hbm>> -> memref<1x4x16xf32, #tpu.memory_space<hbm>>
      %dma_start3A_47 = tpu.memref_squeeze %dma_start3A_46 : memref<1x4x16xf32, #tpu.memory_space<hbm>> -> memref<4x16xf32, #tpu.memory_space<hbm>>
      %dma_start3A_48 = arith.constant 0 : i32
      %dma_start3A_49 = arith.constant 0 : i32
      %dma_start3A_50 = tpu.memref_slice %arg6[%arg0, %dma_start3A_48, %dma_start3A_49] : memref<2x4x16xf32, #tpu.memory_space<hbm>> -> memref<1x4x16xf32, #tpu.memory_space<hbm>>
      %dma_start3A_51 = tpu.memref_squeeze %dma_start3A_50 : memref<1x4x16xf32, #tpu.memory_space<hbm>> -> memref<4x16xf32, #tpu.memory_space<hbm>>
      tpu.enqueue_dma source(%dma_start3A_51 : memref<4x16xf32, #tpu.memory_space<hbm>>) target(%arg15 : memref<4x16xf32, #tpu.memory_space<vmem>>) target_semaphore(%run_scoped3A : memref<!tpu.dma_semaphore, #tpu.memory_space<semaphore_mem>>)
      %dma_wait3A = arith.constant 0 : i32
      %dma_wait3A_52 = arith.constant 0 : i32
      %dma_wait3A_53 = tpu.memref_slice %arg6[%arg0, %dma_wait3A, %dma_wait3A_52] : memref<2x4x16xf32, #tpu.memory_space<hbm>> -> memref<1x4x16xf32, #tpu.memory_space<hbm>>
      %dma_wait3A_54 = tpu.memref_squeeze %dma_wait3A_53 : memref<1x4x16xf32, #tpu.memory_space<hbm>> -> memref<4x16xf32, #tpu.memory_space<hbm>>
      %dma_wait3A_55 = arith.constant 0 : i32
      %dma_wait3A_56 = arith.constant 0 : i32
      %dma_wait3A_57 = tpu.memref_slice %arg6[%arg0, %dma_wait3A_55, %dma_wait3A_56] : memref<2x4x16xf32, #tpu.memory_space<hbm>> -> memref<1x4x16xf32, #tpu.memory_space<hbm>>
      %dma_wait3A_58 = tpu.memref_squeeze %dma_wait3A_57 : memref<1x4x16xf32, #tpu.memory_space<hbm>> -> memref<4x16xf32, #tpu.memory_space<hbm>>
      tpu.wait_dma2 semaphore(%run_scoped3A : memref<!tpu.dma_semaphore, #tpu.memory_space<semaphore_mem>>) src(%dma_wait3A_58 : memref<4x16xf32, #tpu.memory_space<hbm>>) dst(%arg15 : memref<4x16xf32, #tpu.memory_space<vmem>>)
      tpu.yield
    }) : () -> ()
    "tpu.region"() ({
      %run_scoped3A = tpu.sem_alloc : memref<!tpu.dma_semaphore, #tpu.memory_space<semaphore_mem>>
      %dma_start3A = arith.constant 0 : i32
      %dma_start3A_45 = tpu.memref_slice %arg7[%arg0, %dma_start3A] : memref<2x16xf32, #tpu.memory_space<hbm>> -> memref<1x16xf32, #tpu.memory_space<hbm>>
      %dma_start3A_46 = tpu.memref_squeeze %dma_start3A_45 : memref<1x16xf32, #tpu.memory_space<hbm>> -> memref<16xf32, #tpu.memory_space<hbm>>
      %dma_start3A_47 = arith.constant 0 : i32
      %dma_start3A_48 = tpu.memref_slice %arg7[%arg0, %dma_start3A_47] : memref<2x16xf32, #tpu.memory_space<hbm>> -> memref<1x16xf32, #tpu.memory_space<hbm>>
      %dma_start3A_49 = tpu.memref_squeeze %dma_start3A_48 : memref<1x16xf32, #tpu.memory_space<hbm>> -> memref<16xf32, #tpu.memory_space<hbm>>
      tpu.enqueue_dma source(%dma_start3A_49 : memref<16xf32, #tpu.memory_space<hbm>>) target(%arg16 : memref<16xf32, #tpu.memory_space<vmem>>) target_semaphore(%run_scoped3A : memref<!tpu.dma_semaphore, #tpu.memory_space<semaphore_mem>>)
      %dma_wait3A = arith.constant 0 : i32
      %dma_wait3A_50 = tpu.memref_slice %arg7[%arg0, %dma_wait3A] : memref<2x16xf32, #tpu.memory_space<hbm>> -> memref<1x16xf32, #tpu.memory_space<hbm>>
      %dma_wait3A_51 = tpu.memref_squeeze %dma_wait3A_50 : memref<1x16xf32, #tpu.memory_space<hbm>> -> memref<16xf32, #tpu.memory_space<hbm>>
      %dma_wait3A_52 = arith.constant 0 : i32
      %dma_wait3A_53 = tpu.memref_slice %arg7[%arg0, %dma_wait3A_52] : memref<2x16xf32, #tpu.memory_space<hbm>> -> memref<1x16xf32, #tpu.memory_space<hbm>>
      %dma_wait3A_54 = tpu.memref_squeeze %dma_wait3A_53 : memref<1x16xf32, #tpu.memory_space<hbm>> -> memref<16xf32, #tpu.memory_space<hbm>>
      tpu.wait_dma2 semaphore(%run_scoped3A : memref<!tpu.dma_semaphore, #tpu.memory_space<semaphore_mem>>) src(%dma_wait3A_54 : memref<16xf32, #tpu.memory_space<hbm>>) dst(%arg16 : memref<16xf32, #tpu.memory_space<vmem>>)
      tpu.yield
    }) : () -> ()
    %barrier3A = arith.constant 0 : index
    tpu.barrier barrier_id(%barrier3A)
    %get3A = arith.constant 0 : i32
    %get3A_6 = arith.index_cast %get3A : i32 to index
    %get3A_7 = arith.constant 0 : index
    %get3A_8 = tpu.vector_load %arg15[%get3A_6, %get3A_7] {strides = array<i32>} : memref<4x16xf32, #tpu.memory_space<vmem>>, vector<1x16xf32>,
    %get3A_9 = vector.shape_cast %get3A_8 : vector<1x16xf32> to vector<16xf32>
    %get3A_10 = arith.constant 1 : i32
    %get3A_11 = arith.index_cast %get3A_10 : i32 to index
    %get3A_12 = arith.constant 0 : index
    %get3A_13 = tpu.vector_load %arg15[%get3A_11, %get3A_12] {strides = array<i32>} : memref<4x16xf32, #tpu.memory_space<vmem>>, vector<1x16xf32>,
    %get3A_14 = vector.shape_cast %get3A_13 : vector<1x16xf32> to vector<16xf32>
    %get3A_15 = arith.constant 2 : i32
    %get3A_16 = arith.index_cast %get3A_15 : i32 to index
    %get3A_17 = arith.constant 0 : index
    %get3A_18 = tpu.vector_load %arg15[%get3A_16, %get3A_17] {strides = array<i32>} : memref<4x16xf32, #tpu.memory_space<vmem>>, vector<1x16xf32>,
    %get3A_19 = vector.shape_cast %get3A_18 : vector<1x16xf32> to vector<16xf32>
    %get3A_20 = arith.constant 3 : i32
    %get3A_21 = arith.index_cast %get3A_20 : i32 to index
    %get3A_22 = arith.constant 0 : index
    %get3A_23 = tpu.vector_load %arg15[%get3A_21, %get3A_22] {strides = array<i32>} : memref<4x16xf32, #tpu.memory_space<vmem>>, vector<1x16xf32>,
    %get3A_24 = vector.shape_cast %get3A_23 : vector<1x16xf32> to vector<16xf32>
    %get3A_25 = arith.constant 0 : index
    %get3A_26 = tpu.vector_load %arg16[%get3A_25] {strides = array<i32>} : memref<16xf32, #tpu.memory_space<vmem>>, vector<16xf32>,
    %get3A_27 = vector.shape_cast %get3A_26 : vector<16xf32> to vector<16xf32>
    %mul3A = arith.constant 784 : i32
    %mul3A_28 = arith.muli %arg1, %mul3A : i32
    %scan3A = arith.constant 0 : i32
    %scan3A_29 = arith.constant 0 : i32
    %scan3A_30 = arith.constant 196 : i32
    %scan3A_31 = arith.addi %scan3A_29, %scan3A_30 : i32
    %scan3A_32 = arith.constant 1 : i32
    scf.for %scan3A_45 = %scan3A_29 to %scan3A_31 step %scan3A_32  : i32 {
      %mul3A_46 = arith.constant 4 : i32
      %mul3A_47 = arith.muli %scan3A_45, %mul3A_46 : i32
      %add3A = arith.addi %mul3A_28, %mul3A_47 : i32
      "tpu.region"() ({
        %run_scoped3A = tpu.sem_alloc : memref<!tpu.dma_semaphore, #tpu.memory_space<semaphore_mem>>
        %dma_start3A_220 = arith.constant 0 : i32
        %dma_start3A_221 = tpu.memref_slice %arg3[%add3A, %dma_start3A_220] : memref<12544x128xi32, #tpu.memory_space<hbm>> -> memref<4x128xi32, #tpu.memory_space<hbm>>
        %dma_start3A_222 = arith.constant 0 : i32
        %dma_start3A_223 = tpu.memref_slice %arg3[%add3A, %dma_start3A_222] : memref<12544x128xi32, #tpu.memory_space<hbm>> -> memref<4x128xi32, #tpu.memory_space<hbm>>
        tpu.enqueue_dma source(%dma_start3A_223 : memref<4x128xi32, #tpu.memory_space<hbm>>) target(%arg11 : memref<4x128xi32, #tpu.memory_space<vmem>>) target_semaphore(%run_scoped3A : memref<!tpu.dma_semaphore, #tpu.memory_space<semaphore_mem>>)
        %dma_wait3A_224 = arith.constant 0 : i32
        %dma_wait3A_225 = tpu.memref_slice %arg3[%add3A, %dma_wait3A_224] : memref<12544x128xi32, #tpu.memory_space<hbm>> -> memref<4x128xi32, #tpu.memory_space<hbm>>
        %dma_wait3A_226 = arith.constant 0 : i32
        %dma_wait3A_227 = tpu.memref_slice %arg3[%add3A, %dma_wait3A_226] : memref<12544x128xi32, #tpu.memory_space<hbm>> -> memref<4x128xi32, #tpu.memory_space<hbm>>
        tpu.wait_dma2 semaphore(%run_scoped3A : memref<!tpu.dma_semaphore, #tpu.memory_space<semaphore_mem>>) src(%dma_wait3A_227 : memref<4x128xi32, #tpu.memory_space<hbm>>) dst(%arg11 : memref<4x128xi32, #tpu.memory_space<vmem>>)
        tpu.yield
      }) : () -> ()
      "tpu.region"() ({
        %run_scoped3A = tpu.sem_alloc : memref<!tpu.dma_semaphore, #tpu.memory_space<semaphore_mem>>
        %dma_start3A_220 = arith.constant 0 : i32
        %dma_start3A_221 = tpu.memref_slice %arg4[%add3A, %dma_start3A_220] : memref<12544x128xi32, #tpu.memory_space<hbm>> -> memref<4x128xi32, #tpu.memory_space<hbm>>
        %dma_start3A_222 = arith.constant 0 : i32
        %dma_start3A_223 = tpu.memref_slice %arg4[%add3A, %dma_start3A_222] : memref<12544x128xi32, #tpu.memory_space<hbm>> -> memref<4x128xi32, #tpu.memory_space<hbm>>
        tpu.enqueue_dma source(%dma_start3A_223 : memref<4x128xi32, #tpu.memory_space<hbm>>) target(%arg12 : memref<4x128xi32, #tpu.memory_space<vmem>>) target_semaphore(%run_scoped3A : memref<!tpu.dma_semaphore, #tpu.memory_space<semaphore_mem>>)
        %dma_wait3A_224 = arith.constant 0 : i32
        %dma_wait3A_225 = tpu.memref_slice %arg4[%add3A, %dma_wait3A_224] : memref<12544x128xi32, #tpu.memory_space<hbm>> -> memref<4x128xi32, #tpu.memory_space<hbm>>
        %dma_wait3A_226 = arith.constant 0 : i32
        %dma_wait3A_227 = tpu.memref_slice %arg4[%add3A, %dma_wait3A_226] : memref<12544x128xi32, #tpu.memory_space<hbm>> -> memref<4x128xi32, #tpu.memory_space<hbm>>
        tpu.wait_dma2 semaphore(%run_scoped3A : memref<!tpu.dma_semaphore, #tpu.memory_space<semaphore_mem>>) src(%dma_wait3A_227 : memref<4x128xi32, #tpu.memory_space<hbm>>) dst(%arg12 : memref<4x128xi32, #tpu.memory_space<vmem>>)
        tpu.yield
      }) : () -> ()
      %mul3A_48 = arith.constant 32 : i32
      %mul3A_49 = arith.muli %add3A, %mul3A_48 : i32
      "tpu.region"() ({
        %run_scoped3A = tpu.sem_alloc : memref<!tpu.dma_semaphore, #tpu.memory_space<semaphore_mem>>
        %dma_start3A_220 = arith.constant 0 : i32
        %dma_start3A_221 = tpu.memref_slice %arg5[%mul3A_49, %dma_start3A_220] : memref<401408x16xf32, #tpu.memory_space<hbm>> -> memref<128x16xf32, #tpu.memory_space<hbm>>
        %dma_start3A_222 = arith.constant 0 : i32
        %dma_start3A_223 = tpu.memref_slice %arg5[%mul3A_49, %dma_start3A_222] : memref<401408x16xf32, #tpu.memory_space<hbm>> -> memref<128x16xf32, #tpu.memory_space<hbm>>
        tpu.enqueue_dma source(%dma_start3A_223 : memref<128x16xf32, #tpu.memory_space<hbm>>) target(%arg13 : memref<128x16xf32, #tpu.memory_space<vmem>>) target_semaphore(%run_scoped3A : memref<!tpu.dma_semaphore, #tpu.memory_space<semaphore_mem>>)
        %dma_wait3A_224 = arith.constant 0 : i32
        %dma_wait3A_225 = tpu.memref_slice %arg5[%mul3A_49, %dma_wait3A_224] : memref<401408x16xf32, #tpu.memory_space<hbm>> -> memref<128x16xf32, #tpu.memory_space<hbm>>
        %dma_wait3A_226 = arith.constant 0 : i32
        %dma_wait3A_227 = tpu.memref_slice %arg5[%mul3A_49, %dma_wait3A_226] : memref<401408x16xf32, #tpu.memory_space<hbm>> -> memref<128x16xf32, #tpu.memory_space<hbm>>
        tpu.wait_dma2 semaphore(%run_scoped3A : memref<!tpu.dma_semaphore, #tpu.memory_space<semaphore_mem>>) src(%dma_wait3A_227 : memref<128x16xf32, #tpu.memory_space<hbm>>) dst(%arg13 : memref<128x16xf32, #tpu.memory_space<vmem>>)
        tpu.yield
      }) : () -> ()
      %scan3A_50 = arith.constant 0 : i32
      %scan3A_51 = arith.constant 0 : i32
      %scan3A_52 = arith.constant 4 : i32
      %scan3A_53 = arith.addi %scan3A_51, %scan3A_52 : i32
      %scan3A_54 = arith.constant 1 : i32
      scf.for %scan3A_220 = %scan3A_51 to %scan3A_53 step %scan3A_54  : i32 {
        %get3A_221 = arith.index_cast %scan3A_220 : i32 to index
        %get3A_222 = arith.constant 0 : index
        %get3A_223 = tpu.vector_load %arg11[%get3A_221, %get3A_222] {strides = array<i32>} : memref<4x128xi32, #tpu.memory_space<vmem>>, vector<1x16xi32>,
        %get3A_224 = vector.shape_cast %get3A_223 : vector<1x16xi32> to vector<16xi32>
        %mul3A_225 = arith.constant 2 : i32
        %mul3A_226 = vector.broadcast %mul3A_225 : i32 to vector<16xi32>
        %mul3A_227 = arith.muli %get3A_224, %mul3A_226 : vector<16xi32>
        %add3A_228 = vector.broadcast %arg0 : i32 to vector<16xi32>
        %add3A_229 = arith.addi %mul3A_227, %add3A_228 : vector<16xi32>
        %swap3A = arith.index_cast %scan3A_220 : i32 to index
        %swap3A_230 = arith.constant 0 : index
        %swap3A_231 = tpu.vector_load %arg11[%swap3A, %swap3A_230] {strides = array<i32>} : memref<4x128xi32, #tpu.memory_space<vmem>>, vector<1x16xi32>,
        %swap3A_232 = vector.shape_cast %swap3A_231 : vector<1x16xi32> to vector<16xi32>
        %swap3A_233 = vector.shape_cast %add3A_229 : vector<16xi32> to vector<1x16xi32>
        tpu.vector_store %arg11[%swap3A, %swap3A_230], %swap3A_233 {strides = array<i32>} : memref<4x128xi32, #tpu.memory_space<vmem>>, vector<1x16xi32>,
        %get3A_234 = arith.index_cast %scan3A_220 : i32 to index
        %get3A_235 = arith.constant 16 : index
        %get3A_236 = tpu.vector_load %arg11[%get3A_234, %get3A_235] {strides = array<i32>} : memref<4x128xi32, #tpu.memory_space<vmem>>, vector<1x16xi32>,
        %get3A_237 = vector.shape_cast %get3A_236 : vector<1x16xi32> to vector<16xi32>
        %mul3A_238 = arith.constant 2 : i32
        %mul3A_239 = vector.broadcast %mul3A_238 : i32 to vector<16xi32>
        %mul3A_240 = arith.muli %get3A_237, %mul3A_239 : vector<16xi32>
        %add3A_241 = vector.broadcast %arg0 : i32 to vector<16xi32>
        %add3A_242 = arith.addi %mul3A_240, %add3A_241 : vector<16xi32>
        %swap3A_243 = arith.index_cast %scan3A_220 : i32 to index
        %swap3A_244 = arith.constant 16 : index
        %swap3A_245 = tpu.vector_load %arg11[%swap3A_243, %swap3A_244] {strides = array<i32>} : memref<4x128xi32, #tpu.memory_space<vmem>>, vector<1x16xi32>,
        %swap3A_246 = vector.shape_cast %swap3A_245 : vector<1x16xi32> to vector<16xi32>
        %swap3A_247 = vector.shape_cast %add3A_242 : vector<16xi32> to vector<1x16xi32>
        tpu.vector_store %arg11[%swap3A_243, %swap3A_244], %swap3A_247 {strides = array<i32>} : memref<4x128xi32, #tpu.memory_space<vmem>>, vector<1x16xi32>,
        %get3A_248 = arith.index_cast %scan3A_220 : i32 to index
        %get3A_249 = arith.constant 32 : index
        %get3A_250 = tpu.vector_load %arg11[%get3A_248, %get3A_249] {strides = array<i32>} : memref<4x128xi32, #tpu.memory_space<vmem>>, vector<1x16xi32>,
        %get3A_251 = vector.shape_cast %get3A_250 : vector<1x16xi32> to vector<16xi32>
        %mul3A_252 = arith.constant 2 : i32
        %mul3A_253 = vector.broadcast %mul3A_252 : i32 to vector<16xi32>
        %mul3A_254 = arith.muli %get3A_251, %mul3A_253 : vector<16xi32>
        %add3A_255 = vector.broadcast %arg0 : i32 to vector<16xi32>
        %add3A_256 = arith.addi %mul3A_254, %add3A_255 : vector<16xi32>
        %swap3A_257 = arith.index_cast %scan3A_220 : i32 to index
        %swap3A_258 = arith.constant 32 : index
        %swap3A_259 = tpu.vector_load %arg11[%swap3A_257, %swap3A_258] {strides = array<i32>} : memref<4x128xi32, #tpu.memory_space<vmem>>, vector<1x16xi32>,
        %swap3A_260 = vector.shape_cast %swap3A_259 : vector<1x16xi32> to vector<16xi32>
        %swap3A_261 = vector.shape_cast %add3A_256 : vector<16xi32> to vector<1x16xi32>
        tpu.vector_store %arg11[%swap3A_257, %swap3A_258], %swap3A_261 {strides = array<i32>} : memref<4x128xi32, #tpu.memory_space<vmem>>, vector<1x16xi32>,
        %get3A_262 = arith.index_cast %scan3A_220 : i32 to index
        %get3A_263 = arith.constant 48 : index
        %get3A_264 = tpu.vector_load %arg11[%get3A_262, %get3A_263] {strides = array<i32>} : memref<4x128xi32, #tpu.memory_space<vmem>>, vector<1x16xi32>,
        %get3A_265 = vector.shape_cast %get3A_264 : vector<1x16xi32> to vector<16xi32>
        %mul3A_266 = arith.constant 2 : i32
        %mul3A_267 = vector.broadcast %mul3A_266 : i32 to vector<16xi32>
        %mul3A_268 = arith.muli %get3A_265, %mul3A_267 : vector<16xi32>
        %add3A_269 = vector.broadcast %arg0 : i32 to vector<16xi32>
        %add3A_270 = arith.addi %mul3A_268, %add3A_269 : vector<16xi32>
        %swap3A_271 = arith.index_cast %scan3A_220 : i32 to index
        %swap3A_272 = arith.constant 48 : index
        %swap3A_273 = tpu.vector_load %arg11[%swap3A_271, %swap3A_272] {strides = array<i32>} : memref<4x128xi32, #tpu.memory_space<vmem>>, vector<1x16xi32>,
        %swap3A_274 = vector.shape_cast %swap3A_273 : vector<1x16xi32> to vector<16xi32>
        %swap3A_275 = vector.shape_cast %add3A_270 : vector<16xi32> to vector<1x16xi32>
        tpu.vector_store %arg11[%swap3A_271, %swap3A_272], %swap3A_275 {strides = array<i32>} : memref<4x128xi32, #tpu.memory_space<vmem>>, vector<1x16xi32>,
        %get3A_276 = arith.index_cast %scan3A_220 : i32 to index
        %get3A_277 = arith.constant 64 : index
        %get3A_278 = tpu.vector_load %arg11[%get3A_276, %get3A_277] {strides = array<i32>} : memref<4x128xi32, #tpu.memory_space<vmem>>, vector<1x16xi32>,
        %get3A_279 = vector.shape_cast %get3A_278 : vector<1x16xi32> to vector<16xi32>
        %mul3A_280 = arith.constant 2 : i32
        %mul3A_281 = vector.broadcast %mul3A_280 : i32 to vector<16xi32>
        %mul3A_282 = arith.muli %get3A_279, %mul3A_281 : vector<16xi32>
        %add3A_283 = vector.broadcast %arg0 : i32 to vector<16xi32>
        %add3A_284 = arith.addi %mul3A_282, %add3A_283 : vector<16xi32>
        %swap3A_285 = arith.index_cast %scan3A_220 : i32 to index
        %swap3A_286 = arith.constant 64 : index
        %swap3A_287 = tpu.vector_load %arg11[%swap3A_285, %swap3A_286] {strides = array<i32>} : memref<4x128xi32, #tpu.memory_space<vmem>>, vector<1x16xi32>,
        %swap3A_288 = vector.shape_cast %swap3A_287 : vector<1x16xi32> to vector<16xi32>
        %swap3A_289 = vector.shape_cast %add3A_284 : vector<16xi32> to vector<1x16xi32>
        tpu.vector_store %arg11[%swap3A_285, %swap3A_286], %swap3A_289 {strides = array<i32>} : memref<4x128xi32, #tpu.memory_space<vmem>>, vector<1x16xi32>,
        %get3A_290 = arith.index_cast %scan3A_220 : i32 to index
        %get3A_291 = arith.constant 80 : index
        %get3A_292 = tpu.vector_load %arg11[%get3A_290, %get3A_291] {strides = array<i32>} : memref<4x128xi32, #tpu.memory_space<vmem>>, vector<1x16xi32>,
        %get3A_293 = vector.shape_cast %get3A_292 : vector<1x16xi32> to vector<16xi32>
        %mul3A_294 = arith.constant 2 : i32
        %mul3A_295 = vector.broadcast %mul3A_294 : i32 to vector<16xi32>
        %mul3A_296 = arith.muli %get3A_293, %mul3A_295 : vector<16xi32>
        %add3A_297 = vector.broadcast %arg0 : i32 to vector<16xi32>
        %add3A_298 = arith.addi %mul3A_296, %add3A_297 : vector<16xi32>
        %swap3A_299 = arith.index_cast %scan3A_220 : i32 to index
        %swap3A_300 = arith.constant 80 : index
        %swap3A_301 = tpu.vector_load %arg11[%swap3A_299, %swap3A_300] {strides = array<i32>} : memref<4x128xi32, #tpu.memory_space<vmem>>, vector<1x16xi32>,
        %swap3A_302 = vector.shape_cast %swap3A_301 : vector<1x16xi32> to vector<16xi32>
        %swap3A_303 = vector.shape_cast %add3A_298 : vector<16xi32> to vector<1x16xi32>
        tpu.vector_store %arg11[%swap3A_299, %swap3A_300], %swap3A_303 {strides = array<i32>} : memref<4x128xi32, #tpu.memory_space<vmem>>, vector<1x16xi32>,
        %get3A_304 = arith.index_cast %scan3A_220 : i32 to index
        %get3A_305 = arith.constant 96 : index
        %get3A_306 = tpu.vector_load %arg11[%get3A_304, %get3A_305] {strides = array<i32>} : memref<4x128xi32, #tpu.memory_space<vmem>>, vector<1x16xi32>,
        %get3A_307 = vector.shape_cast %get3A_306 : vector<1x16xi32> to vector<16xi32>
        %mul3A_308 = arith.constant 2 : i32
        %mul3A_309 = vector.broadcast %mul3A_308 : i32 to vector<16xi32>
        %mul3A_310 = arith.muli %get3A_307, %mul3A_309 : vector<16xi32>
        %add3A_311 = vector.broadcast %arg0 : i32 to vector<16xi32>
        %add3A_312 = arith.addi %mul3A_310, %add3A_311 : vector<16xi32>
        %swap3A_313 = arith.index_cast %scan3A_220 : i32 to index
        %swap3A_314 = arith.constant 96 : index
        %swap3A_315 = tpu.vector_load %arg11[%swap3A_313, %swap3A_314] {strides = array<i32>} : memref<4x128xi32, #tpu.memory_space<vmem>>, vector<1x16xi32>,
        %swap3A_316 = vector.shape_cast %swap3A_315 : vector<1x16xi32> to vector<16xi32>
        %swap3A_317 = vector.shape_cast %add3A_312 : vector<16xi32> to vector<1x16xi32>
        tpu.vector_store %arg11[%swap3A_313, %swap3A_314], %swap3A_317 {strides = array<i32>} : memref<4x128xi32, #tpu.memory_space<vmem>>, vector<1x16xi32>,
        %get3A_318 = arith.index_cast %scan3A_220 : i32 to index
        %get3A_319 = arith.constant 112 : index
        %get3A_320 = tpu.vector_load %arg11[%get3A_318, %get3A_319] {strides = array<i32>} : memref<4x128xi32, #tpu.memory_space<vmem>>, vector<1x16xi32>,
        %get3A_321 = vector.shape_cast %get3A_320 : vector<1x16xi32> to vector<16xi32>
        %mul3A_322 = arith.constant 2 : i32
        %mul3A_323 = vector.broadcast %mul3A_322 : i32 to vector<16xi32>
        %mul3A_324 = arith.muli %get3A_321, %mul3A_323 : vector<16xi32>
        %add3A_325 = vector.broadcast %arg0 : i32 to vector<16xi32>
        %add3A_326 = arith.addi %mul3A_324, %add3A_325 : vector<16xi32>
        %swap3A_327 = arith.index_cast %scan3A_220 : i32 to index
        %swap3A_328 = arith.constant 112 : index
        %swap3A_329 = tpu.vector_load %arg11[%swap3A_327, %swap3A_328] {strides = array<i32>} : memref<4x128xi32, #tpu.memory_space<vmem>>, vector<1x16xi32>,
        %swap3A_330 = vector.shape_cast %swap3A_329 : vector<1x16xi32> to vector<16xi32>
        %swap3A_331 = vector.shape_cast %add3A_326 : vector<16xi32> to vector<1x16xi32>
        tpu.vector_store %arg11[%swap3A_327, %swap3A_328], %swap3A_331 {strides = array<i32>} : memref<4x128xi32, #tpu.memory_space<vmem>>, vector<1x16xi32>,
      }
      %scan3A_55 = arith.constant 4 : i32
      %dma_start3A = arith.constant 0 : i32
      %dma_start3A_56 = arith.constant 0 : i32
      %dma_start3A_57 = arith.constant 0 : i32
      %dma_start3A_58 = tpu.memref_slice %arg14[%dma_start3A_56, %dma_start3A_57] : memref<512x16xf32, #tpu.memory_space<vmem>> -> memref<128x16xf32, #tpu.memory_space<vmem>>
      %dma_start3A_59 = arith.constant 0 : i32
      %dma_start3A_60 = tpu.memref_slice %arg11[%dma_start3A, %dma_start3A_59] : memref<4x128xi32, #tpu.memory_space<vmem>> -> memref<1x128xi32, #tpu.memory_space<vmem>>
      %dma_start3A_61 = tpu.memref_squeeze %dma_start3A_60 : memref<1x128xi32, #tpu.memory_space<vmem>> -> memref<128xi32, #tpu.memory_space<vmem>>
      %dma_start3A_62 = arith.constant 0 : i32
      %dma_start3A_63 = arith.constant 0 : i32
      %dma_start3A_64 = tpu.memref_slice %arg2[%dma_start3A_62, %dma_start3A_63] : memref<200000x16xf32, #tpu.memory_space<hbm>> -> memref<200000x16xf32, #tpu.memory_space<hbm>>
      tpu.enqueue_indirect_dma source(%dma_start3A_64 : memref<200000x16xf32, #tpu.memory_space<hbm>>) target(%dma_start3A_58 : memref<128x16xf32, #tpu.memory_space<vmem>>) offsets(%dma_start3A_61 : memref<128xi32, #tpu.memory_space<vmem>>) semaphore(%arg17 : memref<!tpu.dma_semaphore, #tpu.memory_space<semaphore_mem>>)
      %dma_start3A_65 = arith.constant 1 : i32
      %dma_start3A_66 = arith.constant 128 : i32
      %dma_start3A_67 = arith.constant 0 : i32
      %dma_start3A_68 = tpu.memref_slice %arg14[%dma_start3A_66, %dma_start3A_67] : memref<512x16xf32, #tpu.memory_space<vmem>> -> memref<128x16xf32, #tpu.memory_space<vmem>>
      %dma_start3A_69 = arith.constant 0 : i32
      %dma_start3A_70 = tpu.memref_slice %arg11[%dma_start3A_65, %dma_start3A_69] : memref<4x128xi32, #tpu.memory_space<vmem>> -> memref<1x128xi32, #tpu.memory_space<vmem>>
      %dma_start3A_71 = tpu.memref_squeeze %dma_start3A_70 : memref<1x128xi32, #tpu.memory_space<vmem>> -> memref<128xi32, #tpu.memory_space<vmem>>
      %dma_start3A_72 = arith.constant 0 : i32
      %dma_start3A_73 = arith.constant 0 : i32
      %dma_start3A_74 = tpu.memref_slice %arg2[%dma_start3A_72, %dma_start3A_73] : memref<200000x16xf32, #tpu.memory_space<hbm>> -> memref<200000x16xf32, #tpu.memory_space<hbm>>
      tpu.enqueue_indirect_dma source(%dma_start3A_74 : memref<200000x16xf32, #tpu.memory_space<hbm>>) target(%dma_start3A_68 : memref<128x16xf32, #tpu.memory_space<vmem>>) offsets(%dma_start3A_71 : memref<128xi32, #tpu.memory_space<vmem>>) semaphore(%arg17 : memref<!tpu.dma_semaphore, #tpu.memory_space<semaphore_mem>>)
      %dma_start3A_75 = arith.constant 2 : i32
      %dma_start3A_76 = arith.constant 256 : i32
      %dma_start3A_77 = arith.constant 0 : i32
      %dma_start3A_78 = tpu.memref_slice %arg14[%dma_start3A_76, %dma_start3A_77] : memref<512x16xf32, #tpu.memory_space<vmem>> -> memref<128x16xf32, #tpu.memory_space<vmem>>
      %dma_start3A_79 = arith.constant 0 : i32
      %dma_start3A_80 = tpu.memref_slice %arg11[%dma_start3A_75, %dma_start3A_79] : memref<4x128xi32, #tpu.memory_space<vmem>> -> memref<1x128xi32, #tpu.memory_space<vmem>>
      %dma_start3A_81 = tpu.memref_squeeze %dma_start3A_80 : memref<1x128xi32, #tpu.memory_space<vmem>> -> memref<128xi32, #tpu.memory_space<vmem>>
      %dma_start3A_82 = arith.constant 0 : i32
      %dma_start3A_83 = arith.constant 0 : i32
      %dma_start3A_84 = tpu.memref_slice %arg2[%dma_start3A_82, %dma_start3A_83] : memref<200000x16xf32, #tpu.memory_space<hbm>> -> memref<200000x16xf32, #tpu.memory_space<hbm>>
      tpu.enqueue_indirect_dma source(%dma_start3A_84 : memref<200000x16xf32, #tpu.memory_space<hbm>>) target(%dma_start3A_78 : memref<128x16xf32, #tpu.memory_space<vmem>>) offsets(%dma_start3A_81 : memref<128xi32, #tpu.memory_space<vmem>>) semaphore(%arg17 : memref<!tpu.dma_semaphore, #tpu.memory_space<semaphore_mem>>)
      %dma_start3A_85 = arith.constant 3 : i32
      %dma_start3A_86 = arith.constant 384 : i32
      %dma_start3A_87 = arith.constant 0 : i32
      %dma_start3A_88 = tpu.memref_slice %arg14[%dma_start3A_86, %dma_start3A_87] : memref<512x16xf32, #tpu.memory_space<vmem>> -> memref<128x16xf32, #tpu.memory_space<vmem>>
      %dma_start3A_89 = arith.constant 0 : i32
      %dma_start3A_90 = tpu.memref_slice %arg11[%dma_start3A_85, %dma_start3A_89] : memref<4x128xi32, #tpu.memory_space<vmem>> -> memref<1x128xi32, #tpu.memory_space<vmem>>
      %dma_start3A_91 = tpu.memref_squeeze %dma_start3A_90 : memref<1x128xi32, #tpu.memory_space<vmem>> -> memref<128xi32, #tpu.memory_space<vmem>>
      %dma_start3A_92 = arith.constant 0 : i32
      %dma_start3A_93 = arith.constant 0 : i32
      %dma_start3A_94 = tpu.memref_slice %arg2[%dma_start3A_92, %dma_start3A_93] : memref<200000x16xf32, #tpu.memory_space<hbm>> -> memref<200000x16xf32, #tpu.memory_space<hbm>>
      tpu.enqueue_indirect_dma source(%dma_start3A_94 : memref<200000x16xf32, #tpu.memory_space<hbm>>) target(%dma_start3A_88 : memref<128x16xf32, #tpu.memory_space<vmem>>) offsets(%dma_start3A_91 : memref<128xi32, #tpu.memory_space<vmem>>) semaphore(%arg17 : memref<!tpu.dma_semaphore, #tpu.memory_space<semaphore_mem>>)
      %dma_wait3A = arith.constant 0 : i32
      %dma_wait3A_95 = arith.constant 0 : i32
      %dma_wait3A_96 = arith.constant 0 : i32
      %dma_wait3A_97 = tpu.memref_slice %arg14[%dma_wait3A_95, %dma_wait3A_96] : memref<512x16xf32, #tpu.memory_space<vmem>> -> memref<128x16xf32, #tpu.memory_space<vmem>>
      %dma_wait3A_98 = arith.constant 0 : i32
      %dma_wait3A_99 = tpu.memref_slice %arg11[%dma_wait3A, %dma_wait3A_98] : memref<4x128xi32, #tpu.memory_space<vmem>> -> memref<1x128xi32, #tpu.memory_space<vmem>>
      %dma_wait3A_100 = tpu.memref_squeeze %dma_wait3A_99 : memref<1x128xi32, #tpu.memory_space<vmem>> -> memref<128xi32, #tpu.memory_space<vmem>>
      %dma_wait3A_101 = arith.constant 0 : i32
      %dma_wait3A_102 = arith.constant 0 : i32
      %dma_wait3A_103 = tpu.memref_slice %arg2[%dma_wait3A_101, %dma_wait3A_102] : memref<200000x16xf32, #tpu.memory_space<hbm>> -> memref<200000x16xf32, #tpu.memory_space<hbm>>
      tpu.wait_indirect_dma semaphore(%arg17 : memref<!tpu.dma_semaphore, #tpu.memory_space<semaphore_mem>>) src(%dma_wait3A_103 : memref<200000x16xf32, #tpu.memory_space<hbm>>) dst(%dma_wait3A_97 : memref<128x16xf32, #tpu.memory_space<vmem>>)
      %dma_wait3A_104 = arith.constant 1 : i32
      %dma_wait3A_105 = arith.constant 128 : i32
      %dma_wait3A_106 = arith.constant 0 : i32
      %dma_wait3A_107 = tpu.memref_slice %arg14[%dma_wait3A_105, %dma_wait3A_106] : memref<512x16xf32, #tpu.memory_space<vmem>> -> memref<128x16xf32, #tpu.memory_space<vmem>>
      %dma_wait3A_108 = arith.constant 0 : i32
      %dma_wait3A_109 = tpu.memref_slice %arg11[%dma_wait3A_104, %dma_wait3A_108] : memref<4x128xi32, #tpu.memory_space<vmem>> -> memref<1x128xi32, #tpu.memory_space<vmem>>
      %dma_wait3A_110 = tpu.memref_squeeze %dma_wait3A_109 : memref<1x128xi32, #tpu.memory_space<vmem>> -> memref<128xi32, #tpu.memory_space<vmem>>
      %dma_wait3A_111 = arith.constant 0 : i32
      %dma_wait3A_112 = arith.constant 0 : i32
      %dma_wait3A_113 = tpu.memref_slice %arg2[%dma_wait3A_111, %dma_wait3A_112] : memref<200000x16xf32, #tpu.memory_space<hbm>> -> memref<200000x16xf32, #tpu.memory_space<hbm>>
      tpu.wait_indirect_dma semaphore(%arg17 : memref<!tpu.dma_semaphore, #tpu.memory_space<semaphore_mem>>) src(%dma_wait3A_113 : memref<200000x16xf32, #tpu.memory_space<hbm>>) dst(%dma_wait3A_107 : memref<128x16xf32, #tpu.memory_space<vmem>>)
      %dma_wait3A_114 = arith.constant 2 : i32
      %dma_wait3A_115 = arith.constant 256 : i32
      %dma_wait3A_116 = arith.constant 0 : i32
      %dma_wait3A_117 = tpu.memref_slice %arg14[%dma_wait3A_115, %dma_wait3A_116] : memref<512x16xf32, #tpu.memory_space<vmem>> -> memref<128x16xf32, #tpu.memory_space<vmem>>
      %dma_wait3A_118 = arith.constant 0 : i32
      %dma_wait3A_119 = tpu.memref_slice %arg11[%dma_wait3A_114, %dma_wait3A_118] : memref<4x128xi32, #tpu.memory_space<vmem>> -> memref<1x128xi32, #tpu.memory_space<vmem>>
      %dma_wait3A_120 = tpu.memref_squeeze %dma_wait3A_119 : memref<1x128xi32, #tpu.memory_space<vmem>> -> memref<128xi32, #tpu.memory_space<vmem>>
      %dma_wait3A_121 = arith.constant 0 : i32
      %dma_wait3A_122 = arith.constant 0 : i32
      %dma_wait3A_123 = tpu.memref_slice %arg2[%dma_wait3A_121, %dma_wait3A_122] : memref<200000x16xf32, #tpu.memory_space<hbm>> -> memref<200000x16xf32, #tpu.memory_space<hbm>>
      tpu.wait_indirect_dma semaphore(%arg17 : memref<!tpu.dma_semaphore, #tpu.memory_space<semaphore_mem>>) src(%dma_wait3A_123 : memref<200000x16xf32, #tpu.memory_space<hbm>>) dst(%dma_wait3A_117 : memref<128x16xf32, #tpu.memory_space<vmem>>)
      %dma_wait3A_124 = arith.constant 3 : i32
      %dma_wait3A_125 = arith.constant 384 : i32
      %dma_wait3A_126 = arith.constant 0 : i32
      %dma_wait3A_127 = tpu.memref_slice %arg14[%dma_wait3A_125, %dma_wait3A_126] : memref<512x16xf32, #tpu.memory_space<vmem>> -> memref<128x16xf32, #tpu.memory_space<vmem>>
      %dma_wait3A_128 = arith.constant 0 : i32
      %dma_wait3A_129 = tpu.memref_slice %arg11[%dma_wait3A_124, %dma_wait3A_128] : memref<4x128xi32, #tpu.memory_space<vmem>> -> memref<1x128xi32, #tpu.memory_space<vmem>>
      %dma_wait3A_130 = tpu.memref_squeeze %dma_wait3A_129 : memref<1x128xi32, #tpu.memory_space<vmem>> -> memref<128xi32, #tpu.memory_space<vmem>>
      %dma_wait3A_131 = arith.constant 0 : i32
      %dma_wait3A_132 = arith.constant 0 : i32
      %dma_wait3A_133 = tpu.memref_slice %arg2[%dma_wait3A_131, %dma_wait3A_132] : memref<200000x16xf32, #tpu.memory_space<hbm>> -> memref<200000x16xf32, #tpu.memory_space<hbm>>
      tpu.wait_indirect_dma semaphore(%arg17 : memref<!tpu.dma_semaphore, #tpu.memory_space<semaphore_mem>>) src(%dma_wait3A_133 : memref<200000x16xf32, #tpu.memory_space<hbm>>) dst(%dma_wait3A_127 : memref<128x16xf32, #tpu.memory_space<vmem>>)
      %scan3A_134 = arith.constant 0 : i32
      %scan3A_135 = arith.constant 0 : i32
      %scan3A_136 = arith.constant 128 : i32
      %scan3A_137 = arith.addi %scan3A_135, %scan3A_136 : i32
      %scan3A_138 = arith.constant 4 : i32
      scf.for %scan3A_220 = %scan3A_135 to %scan3A_137 step %scan3A_138  : i32 {
        %get3A_221 = arith.index_cast %scan3A_220 : i32 to index
        %get3A_222 = arith.constant 0 : index
        %get3A_223 = tpu.vector_load %arg13[%get3A_221, %get3A_222] {strides = array<i32>} : memref<128x16xf32, #tpu.memory_space<vmem>>, vector<1x16xf32>,
        %get3A_224 = vector.shape_cast %get3A_223 : vector<1x16xf32> to vector<16xf32>
        %mul3A_225 = arith.constant 4 : i32
        %mul3A_226 = arith.muli %scan3A_220, %mul3A_225 : i32
        %add3A_227 = arith.constant 0 : i32
        %add3A_228 = arith.addi %mul3A_226, %add3A_227 : i32
        %slice3A = vector.extract_strided_slice %get3A_224 {offsets = [0], sizes = [1], strides = [1]} : vector<16xf32> to vector<1xf32>
        %squeeze3A = vector.extract %slice3A[0] : f32 from vector<1xf32>
        %mul3A_229 = vector.broadcast %squeeze3A : f32 to vector<16xf32>
        %mul3A_230 = arith.mulf %mul3A_229, %get3A_9 : vector<16xf32>
        %add3A_231 = arith.addf %get3A_27, %mul3A_230 : vector<16xf32>
        %slice3A_232 = vector.extract_strided_slice %get3A_224 {offsets = [1], sizes = [1], strides = [1]} : vector<16xf32> to vector<1xf32>
        %squeeze3A_233 = vector.extract %slice3A_232[0] : f32 from vector<1xf32>
        %mul3A_234 = vector.broadcast %squeeze3A_233 : f32 to vector<16xf32>
        %mul3A_235 = arith.mulf %mul3A_234, %get3A_14 : vector<16xf32>
        %add3A_236 = arith.addf %add3A_231, %mul3A_235 : vector<16xf32>
        %slice3A_237 = vector.extract_strided_slice %get3A_224 {offsets = [2], sizes = [1], strides = [1]} : vector<16xf32> to vector<1xf32>
        %squeeze3A_238 = vector.extract %slice3A_237[0] : f32 from vector<1xf32>
        %mul3A_239 = vector.broadcast %squeeze3A_238 : f32 to vector<16xf32>
        %mul3A_240 = arith.mulf %mul3A_239, %get3A_19 : vector<16xf32>
        %add3A_241 = arith.addf %add3A_236, %mul3A_240 : vector<16xf32>
        %slice3A_242 = vector.extract_strided_slice %get3A_224 {offsets = [3], sizes = [1], strides = [1]} : vector<16xf32> to vector<1xf32>
        %squeeze3A_243 = vector.extract %slice3A_242[0] : f32 from vector<1xf32>
        %mul3A_244 = vector.broadcast %squeeze3A_243 : f32 to vector<16xf32>
        %mul3A_245 = arith.mulf %mul3A_244, %get3A_24 : vector<16xf32>
        %add3A_246 = arith.addf %add3A_241, %mul3A_245 : vector<16xf32>
        %get3A_247 = arith.index_cast %add3A_228 : i32 to index
        %get3A_248 = arith.constant 0 : index
        %get3A_249 = tpu.vector_load %arg14[%get3A_247, %get3A_248] {strides = array<i32>} : memref<512x16xf32, #tpu.memory_space<vmem>>, vector<1x16xf32>,
        %get3A_250 = vector.shape_cast %get3A_249 : vector<1x16xf32> to vector<16xf32>
        %add3A_251 = arith.addf %get3A_250, %add3A_246 : vector<16xf32>
        %max3A = arith.constant 0.000000e+00 : f32
        %max3A_252 = vector.broadcast %max3A : f32 to vector<16xf32>
        %max3A_253 = arith.maximumf %add3A_251, %max3A_252 : vector<16xf32>
        %swap3A = arith.index_cast %add3A_228 : i32 to index
        %swap3A_254 = arith.constant 0 : index
        %swap3A_255 = tpu.vector_load %arg14[%swap3A, %swap3A_254] {strides = array<i32>} : memref<512x16xf32, #tpu.memory_space<vmem>>, vector<1x16xf32>,
        %swap3A_256 = vector.shape_cast %swap3A_255 : vector<1x16xf32> to vector<16xf32>
        %swap3A_257 = vector.shape_cast %max3A_253 : vector<16xf32> to vector<1x16xf32>
        tpu.vector_store %arg14[%swap3A, %swap3A_254], %swap3A_257 {strides = array<i32>} : memref<512x16xf32, #tpu.memory_space<vmem>>, vector<1x16xf32>,
        %mul3A_258 = arith.constant 4 : i32
        %mul3A_259 = arith.muli %scan3A_220, %mul3A_258 : i32
        %add3A_260 = arith.constant 1 : i32
        %add3A_261 = arith.addi %mul3A_259, %add3A_260 : i32
        %slice3A_262 = vector.extract_strided_slice %get3A_224 {offsets = [4], sizes = [1], strides = [1]} : vector<16xf32> to vector<1xf32>
        %squeeze3A_263 = vector.extract %slice3A_262[0] : f32 from vector<1xf32>
        %mul3A_264 = vector.broadcast %squeeze3A_263 : f32 to vector<16xf32>
        %mul3A_265 = arith.mulf %mul3A_264, %get3A_9 : vector<16xf32>
        %add3A_266 = arith.addf %get3A_27, %mul3A_265 : vector<16xf32>
        %slice3A_267 = vector.extract_strided_slice %get3A_224 {offsets = [5], sizes = [1], strides = [1]} : vector<16xf32> to vector<1xf32>
        %squeeze3A_268 = vector.extract %slice3A_267[0] : f32 from vector<1xf32>
        %mul3A_269 = vector.broadcast %squeeze3A_268 : f32 to vector<16xf32>
        %mul3A_270 = arith.mulf %mul3A_269, %get3A_14 : vector<16xf32>
        %add3A_271 = arith.addf %add3A_266, %mul3A_270 : vector<16xf32>
        %slice3A_272 = vector.extract_strided_slice %get3A_224 {offsets = [6], sizes = [1], strides = [1]} : vector<16xf32> to vector<1xf32>
        %squeeze3A_273 = vector.extract %slice3A_272[0] : f32 from vector<1xf32>
        %mul3A_274 = vector.broadcast %squeeze3A_273 : f32 to vector<16xf32>
        %mul3A_275 = arith.mulf %mul3A_274, %get3A_19 : vector<16xf32>
        %add3A_276 = arith.addf %add3A_271, %mul3A_275 : vector<16xf32>
        %slice3A_277 = vector.extract_strided_slice %get3A_224 {offsets = [7], sizes = [1], strides = [1]} : vector<16xf32> to vector<1xf32>
        %squeeze3A_278 = vector.extract %slice3A_277[0] : f32 from vector<1xf32>
        %mul3A_279 = vector.broadcast %squeeze3A_278 : f32 to vector<16xf32>
        %mul3A_280 = arith.mulf %mul3A_279, %get3A_24 : vector<16xf32>
        %add3A_281 = arith.addf %add3A_276, %mul3A_280 : vector<16xf32>
        %get3A_282 = arith.index_cast %add3A_261 : i32 to index
        %get3A_283 = arith.constant 0 : index
        %get3A_284 = tpu.vector_load %arg14[%get3A_282, %get3A_283] {strides = array<i32>} : memref<512x16xf32, #tpu.memory_space<vmem>>, vector<1x16xf32>,
        %get3A_285 = vector.shape_cast %get3A_284 : vector<1x16xf32> to vector<16xf32>
        %add3A_286 = arith.addf %get3A_285, %add3A_281 : vector<16xf32>
        %max3A_287 = arith.constant 0.000000e+00 : f32
        %max3A_288 = vector.broadcast %max3A_287 : f32 to vector<16xf32>
        %max3A_289 = arith.maximumf %add3A_286, %max3A_288 : vector<16xf32>
        %swap3A_290 = arith.index_cast %add3A_261 : i32 to index
        %swap3A_291 = arith.constant 0 : index
        %swap3A_292 = tpu.vector_load %arg14[%swap3A_290, %swap3A_291] {strides = array<i32>} : memref<512x16xf32, #tpu.memory_space<vmem>>, vector<1x16xf32>,
        %swap3A_293 = vector.shape_cast %swap3A_292 : vector<1x16xf32> to vector<16xf32>
        %swap3A_294 = vector.shape_cast %max3A_289 : vector<16xf32> to vector<1x16xf32>
        tpu.vector_store %arg14[%swap3A_290, %swap3A_291], %swap3A_294 {strides = array<i32>} : memref<512x16xf32, #tpu.memory_space<vmem>>, vector<1x16xf32>,
        %mul3A_295 = arith.constant 4 : i32
        %mul3A_296 = arith.muli %scan3A_220, %mul3A_295 : i32
        %add3A_297 = arith.constant 2 : i32
        %add3A_298 = arith.addi %mul3A_296, %add3A_297 : i32
        %slice3A_299 = vector.extract_strided_slice %get3A_224 {offsets = [8], sizes = [1], strides = [1]} : vector<16xf32> to vector<1xf32>
        %squeeze3A_300 = vector.extract %slice3A_299[0] : f32 from vector<1xf32>
        %mul3A_301 = vector.broadcast %squeeze3A_300 : f32 to vector<16xf32>
        %mul3A_302 = arith.mulf %mul3A_301, %get3A_9 : vector<16xf32>
        %add3A_303 = arith.addf %get3A_27, %mul3A_302 : vector<16xf32>
        %slice3A_304 = vector.extract_strided_slice %get3A_224 {offsets = [9], sizes = [1], strides = [1]} : vector<16xf32> to vector<1xf32>
        %squeeze3A_305 = vector.extract %slice3A_304[0] : f32 from vector<1xf32>
        %mul3A_306 = vector.broadcast %squeeze3A_305 : f32 to vector<16xf32>
        %mul3A_307 = arith.mulf %mul3A_306, %get3A_14 : vector<16xf32>
        %add3A_308 = arith.addf %add3A_303, %mul3A_307 : vector<16xf32>
        %slice3A_309 = vector.extract_strided_slice %get3A_224 {offsets = [10], sizes = [1], strides = [1]} : vector<16xf32> to vector<1xf32>
        %squeeze3A_310 = vector.extract %slice3A_309[0] : f32 from vector<1xf32>
        %mul3A_311 = vector.broadcast %squeeze3A_310 : f32 to vector<16xf32>
        %mul3A_312 = arith.mulf %mul3A_311, %get3A_19 : vector<16xf32>
        %add3A_313 = arith.addf %add3A_308, %mul3A_312 : vector<16xf32>
        %slice3A_314 = vector.extract_strided_slice %get3A_224 {offsets = [11], sizes = [1], strides = [1]} : vector<16xf32> to vector<1xf32>
        %squeeze3A_315 = vector.extract %slice3A_314[0] : f32 from vector<1xf32>
        %mul3A_316 = vector.broadcast %squeeze3A_315 : f32 to vector<16xf32>
        %mul3A_317 = arith.mulf %mul3A_316, %get3A_24 : vector<16xf32>
        %add3A_318 = arith.addf %add3A_313, %mul3A_317 : vector<16xf32>
        %get3A_319 = arith.index_cast %add3A_298 : i32 to index
        %get3A_320 = arith.constant 0 : index
        %get3A_321 = tpu.vector_load %arg14[%get3A_319, %get3A_320] {strides = array<i32>} : memref<512x16xf32, #tpu.memory_space<vmem>>, vector<1x16xf32>,
        %get3A_322 = vector.shape_cast %get3A_321 : vector<1x16xf32> to vector<16xf32>
        %add3A_323 = arith.addf %get3A_322, %add3A_318 : vector<16xf32>
        %max3A_324 = arith.constant 0.000000e+00 : f32
        %max3A_325 = vector.broadcast %max3A_324 : f32 to vector<16xf32>
        %max3A_326 = arith.maximumf %add3A_323, %max3A_325 : vector<16xf32>
        %swap3A_327 = arith.index_cast %add3A_298 : i32 to index
        %swap3A_328 = arith.constant 0 : index
        %swap3A_329 = tpu.vector_load %arg14[%swap3A_327, %swap3A_328] {strides = array<i32>} : memref<512x16xf32, #tpu.memory_space<vmem>>, vector<1x16xf32>,
        %swap3A_330 = vector.shape_cast %swap3A_329 : vector<1x16xf32> to vector<16xf32>
        %swap3A_331 = vector.shape_cast %max3A_326 : vector<16xf32> to vector<1x16xf32>
        tpu.vector_store %arg14[%swap3A_327, %swap3A_328], %swap3A_331 {strides = array<i32>} : memref<512x16xf32, #tpu.memory_space<vmem>>, vector<1x16xf32>,
        %mul3A_332 = arith.constant 4 : i32
        %mul3A_333 = arith.muli %scan3A_220, %mul3A_332 : i32
        %add3A_334 = arith.constant 3 : i32
        %add3A_335 = arith.addi %mul3A_333, %add3A_334 : i32
        %slice3A_336 = vector.extract_strided_slice %get3A_224 {offsets = [12], sizes = [1], strides = [1]} : vector<16xf32> to vector<1xf32>
        %squeeze3A_337 = vector.extract %slice3A_336[0] : f32 from vector<1xf32>
        %mul3A_338 = vector.broadcast %squeeze3A_337 : f32 to vector<16xf32>
        %mul3A_339 = arith.mulf %mul3A_338, %get3A_9 : vector<16xf32>
        %add3A_340 = arith.addf %get3A_27, %mul3A_339 : vector<16xf32>
        %slice3A_341 = vector.extract_strided_slice %get3A_224 {offsets = [13], sizes = [1], strides = [1]} : vector<16xf32> to vector<1xf32>
        %squeeze3A_342 = vector.extract %slice3A_341[0] : f32 from vector<1xf32>
        %mul3A_343 = vector.broadcast %squeeze3A_342 : f32 to vector<16xf32>
        %mul3A_344 = arith.mulf %mul3A_343, %get3A_14 : vector<16xf32>
        %add3A_345 = arith.addf %add3A_340, %mul3A_344 : vector<16xf32>
        %slice3A_346 = vector.extract_strided_slice %get3A_224 {offsets = [14], sizes = [1], strides = [1]} : vector<16xf32> to vector<1xf32>
        %squeeze3A_347 = vector.extract %slice3A_346[0] : f32 from vector<1xf32>
        %mul3A_348 = vector.broadcast %squeeze3A_347 : f32 to vector<16xf32>
        %mul3A_349 = arith.mulf %mul3A_348, %get3A_19 : vector<16xf32>
        %add3A_350 = arith.addf %add3A_345, %mul3A_349 : vector<16xf32>
        %slice3A_351 = vector.extract_strided_slice %get3A_224 {offsets = [15], sizes = [1], strides = [1]} : vector<16xf32> to vector<1xf32>
        %squeeze3A_352 = vector.extract %slice3A_351[0] : f32 from vector<1xf32>
        %mul3A_353 = vector.broadcast %squeeze3A_352 : f32 to vector<16xf32>
        %mul3A_354 = arith.mulf %mul3A_353, %get3A_24 : vector<16xf32>
        %add3A_355 = arith.addf %add3A_350, %mul3A_354 : vector<16xf32>
        %get3A_356 = arith.index_cast %add3A_335 : i32 to index
        %get3A_357 = arith.constant 0 : index
        %get3A_358 = tpu.vector_load %arg14[%get3A_356, %get3A_357] {strides = array<i32>} : memref<512x16xf32, #tpu.memory_space<vmem>>, vector<1x16xf32>,
        %get3A_359 = vector.shape_cast %get3A_358 : vector<1x16xf32> to vector<16xf32>
        %add3A_360 = arith.addf %get3A_359, %add3A_355 : vector<16xf32>
        %max3A_361 = arith.constant 0.000000e+00 : f32
        %max3A_362 = vector.broadcast %max3A_361 : f32 to vector<16xf32>
        %max3A_363 = arith.maximumf %add3A_360, %max3A_362 : vector<16xf32>
        %swap3A_364 = arith.index_cast %add3A_335 : i32 to index
        %swap3A_365 = arith.constant 0 : index
        %swap3A_366 = tpu.vector_load %arg14[%swap3A_364, %swap3A_365] {strides = array<i32>} : memref<512x16xf32, #tpu.memory_space<vmem>>, vector<1x16xf32>,
        %swap3A_367 = vector.shape_cast %swap3A_366 : vector<1x16xf32> to vector<16xf32>
        %swap3A_368 = vector.shape_cast %max3A_363 : vector<16xf32> to vector<1x16xf32>
        tpu.vector_store %arg14[%swap3A_364, %swap3A_365], %swap3A_368 {strides = array<i32>} : memref<512x16xf32, #tpu.memory_space<vmem>>, vector<1x16xf32>,
        %scan3A_369 = arith.constant 1 : i32
        %scan3A_370 = arith.addi %scan3A_220, %scan3A_369 : i32
        %get3A_371 = arith.index_cast %scan3A_370 : i32 to index
        %get3A_372 = arith.constant 0 : index
        %get3A_373 = tpu.vector_load %arg13[%get3A_371, %get3A_372] {strides = array<i32>} : memref<128x16xf32, #tpu.memory_space<vmem>>, vector<1x16xf32>,
        %get3A_374 = vector.shape_cast %get3A_373 : vector<1x16xf32> to vector<16xf32>
        %mul3A_375 = arith.constant 4 : i32
        %mul3A_376 = arith.muli %scan3A_370, %mul3A_375 : i32
        %add3A_377 = arith.constant 0 : i32
        %add3A_378 = arith.addi %mul3A_376, %add3A_377 : i32
        %slice3A_379 = vector.extract_strided_slice %get3A_374 {offsets = [0], sizes = [1], strides = [1]} : vector<16xf32> to vector<1xf32>
        %squeeze3A_380 = vector.extract %slice3A_379[0] : f32 from vector<1xf32>
        %mul3A_381 = vector.broadcast %squeeze3A_380 : f32 to vector<16xf32>
        %mul3A_382 = arith.mulf %mul3A_381, %get3A_9 : vector<16xf32>
        %add3A_383 = arith.addf %get3A_27, %mul3A_382 : vector<16xf32>
        %slice3A_384 = vector.extract_strided_slice %get3A_374 {offsets = [1], sizes = [1], strides = [1]} : vector<16xf32> to vector<1xf32>
        %squeeze3A_385 = vector.extract %slice3A_384[0] : f32 from vector<1xf32>
        %mul3A_386 = vector.broadcast %squeeze3A_385 : f32 to vector<16xf32>
        %mul3A_387 = arith.mulf %mul3A_386, %get3A_14 : vector<16xf32>
        %add3A_388 = arith.addf %add3A_383, %mul3A_387 : vector<16xf32>
        %slice3A_389 = vector.extract_strided_slice %get3A_374 {offsets = [2], sizes = [1], strides = [1]} : vector<16xf32> to vector<1xf32>
        %squeeze3A_390 = vector.extract %slice3A_389[0] : f32 from vector<1xf32>
        %mul3A_391 = vector.broadcast %squeeze3A_390 : f32 to vector<16xf32>
        %mul3A_392 = arith.mulf %mul3A_391, %get3A_19 : vector<16xf32>
        %add3A_393 = arith.addf %add3A_388, %mul3A_392 : vector<16xf32>
        %slice3A_394 = vector.extract_strided_slice %get3A_374 {offsets = [3], sizes = [1], strides = [1]} : vector<16xf32> to vector<1xf32>
        %squeeze3A_395 = vector.extract %slice3A_394[0] : f32 from vector<1xf32>
        %mul3A_396 = vector.broadcast %squeeze3A_395 : f32 to vector<16xf32>
        %mul3A_397 = arith.mulf %mul3A_396, %get3A_24 : vector<16xf32>
        %add3A_398 = arith.addf %add3A_393, %mul3A_397 : vector<16xf32>
        %get3A_399 = arith.index_cast %add3A_378 : i32 to index
        %get3A_400 = arith.constant 0 : index
        %get3A_401 = tpu.vector_load %arg14[%get3A_399, %get3A_400] {strides = array<i32>} : memref<512x16xf32, #tpu.memory_space<vmem>>, vector<1x16xf32>,
        %get3A_402 = vector.shape_cast %get3A_401 : vector<1x16xf32> to vector<16xf32>
        %add3A_403 = arith.addf %get3A_402, %add3A_398 : vector<16xf32>
        %max3A_404 = arith.constant 0.000000e+00 : f32
        %max3A_405 = vector.broadcast %max3A_404 : f32 to vector<16xf32>
        %max3A_406 = arith.maximumf %add3A_403, %max3A_405 : vector<16xf32>
        %swap3A_407 = arith.index_cast %add3A_378 : i32 to index
        %swap3A_408 = arith.constant 0 : index
        %swap3A_409 = tpu.vector_load %arg14[%swap3A_407, %swap3A_408] {strides = array<i32>} : memref<512x16xf32, #tpu.memory_space<vmem>>, vector<1x16xf32>,
        %swap3A_410 = vector.shape_cast %swap3A_409 : vector<1x16xf32> to vector<16xf32>
        %swap3A_411 = vector.shape_cast %max3A_406 : vector<16xf32> to vector<1x16xf32>
        tpu.vector_store %arg14[%swap3A_407, %swap3A_408], %swap3A_411 {strides = array<i32>} : memref<512x16xf32, #tpu.memory_space<vmem>>, vector<1x16xf32>,
        %mul3A_412 = arith.constant 4 : i32
        %mul3A_413 = arith.muli %scan3A_370, %mul3A_412 : i32
        %add3A_414 = arith.constant 1 : i32
        %add3A_415 = arith.addi %mul3A_413, %add3A_414 : i32
        %slice3A_416 = vector.extract_strided_slice %get3A_374 {offsets = [4], sizes = [1], strides = [1]} : vector<16xf32> to vector<1xf32>
        %squeeze3A_417 = vector.extract %slice3A_416[0] : f32 from vector<1xf32>
        %mul3A_418 = vector.broadcast %squeeze3A_417 : f32 to vector<16xf32>
        %mul3A_419 = arith.mulf %mul3A_418, %get3A_9 : vector<16xf32>
        %add3A_420 = arith.addf %get3A_27, %mul3A_419 : vector<16xf32>
        %slice3A_421 = vector.extract_strided_slice %get3A_374 {offsets = [5], sizes = [1], strides = [1]} : vector<16xf32> to vector<1xf32>
        %squeeze3A_422 = vector.extract %slice3A_421[0] : f32 from vector<1xf32>
        %mul3A_423 = vector.broadcast %squeeze3A_422 : f32 to vector<16xf32>
        %mul3A_424 = arith.mulf %mul3A_423, %get3A_14 : vector<16xf32>
        %add3A_425 = arith.addf %add3A_420, %mul3A_424 : vector<16xf32>
        %slice3A_426 = vector.extract_strided_slice %get3A_374 {offsets = [6], sizes = [1], strides = [1]} : vector<16xf32> to vector<1xf32>
        %squeeze3A_427 = vector.extract %slice3A_426[0] : f32 from vector<1xf32>
        %mul3A_428 = vector.broadcast %squeeze3A_427 : f32 to vector<16xf32>
        %mul3A_429 = arith.mulf %mul3A_428, %get3A_19 : vector<16xf32>
        %add3A_430 = arith.addf %add3A_425, %mul3A_429 : vector<16xf32>
        %slice3A_431 = vector.extract_strided_slice %get3A_374 {offsets = [7], sizes = [1], strides = [1]} : vector<16xf32> to vector<1xf32>
        %squeeze3A_432 = vector.extract %slice3A_431[0] : f32 from vector<1xf32>
        %mul3A_433 = vector.broadcast %squeeze3A_432 : f32 to vector<16xf32>
        %mul3A_434 = arith.mulf %mul3A_433, %get3A_24 : vector<16xf32>
        %add3A_435 = arith.addf %add3A_430, %mul3A_434 : vector<16xf32>
        %get3A_436 = arith.index_cast %add3A_415 : i32 to index
        %get3A_437 = arith.constant 0 : index
        %get3A_438 = tpu.vector_load %arg14[%get3A_436, %get3A_437] {strides = array<i32>} : memref<512x16xf32, #tpu.memory_space<vmem>>, vector<1x16xf32>,
        %get3A_439 = vector.shape_cast %get3A_438 : vector<1x16xf32> to vector<16xf32>
        %add3A_440 = arith.addf %get3A_439, %add3A_435 : vector<16xf32>
        %max3A_441 = arith.constant 0.000000e+00 : f32
        %max3A_442 = vector.broadcast %max3A_441 : f32 to vector<16xf32>
        %max3A_443 = arith.maximumf %add3A_440, %max3A_442 : vector<16xf32>
        %swap3A_444 = arith.index_cast %add3A_415 : i32 to index
        %swap3A_445 = arith.constant 0 : index
        %swap3A_446 = tpu.vector_load %arg14[%swap3A_444, %swap3A_445] {strides = array<i32>} : memref<512x16xf32, #tpu.memory_space<vmem>>, vector<1x16xf32>,
        %swap3A_447 = vector.shape_cast %swap3A_446 : vector<1x16xf32> to vector<16xf32>
        %swap3A_448 = vector.shape_cast %max3A_443 : vector<16xf32> to vector<1x16xf32>
        tpu.vector_store %arg14[%swap3A_444, %swap3A_445], %swap3A_448 {strides = array<i32>} : memref<512x16xf32, #tpu.memory_space<vmem>>, vector<1x16xf32>,
        %mul3A_449 = arith.constant 4 : i32
        %mul3A_450 = arith.muli %scan3A_370, %mul3A_449 : i32
        %add3A_451 = arith.constant 2 : i32
        %add3A_452 = arith.addi %mul3A_450, %add3A_451 : i32
        %slice3A_453 = vector.extract_strided_slice %get3A_374 {offsets = [8], sizes = [1], strides = [1]} : vector<16xf32> to vector<1xf32>
        %squeeze3A_454 = vector.extract %slice3A_453[0] : f32 from vector<1xf32>
        %mul3A_455 = vector.broadcast %squeeze3A_454 : f32 to vector<16xf32>
        %mul3A_456 = arith.mulf %mul3A_455, %get3A_9 : vector<16xf32>
        %add3A_457 = arith.addf %get3A_27, %mul3A_456 : vector<16xf32>
        %slice3A_458 = vector.extract_strided_slice %get3A_374 {offsets = [9], sizes = [1], strides = [1]} : vector<16xf32> to vector<1xf32>
        %squeeze3A_459 = vector.extract %slice3A_458[0] : f32 from vector<1xf32>
        %mul3A_460 = vector.broadcast %squeeze3A_459 : f32 to vector<16xf32>
        %mul3A_461 = arith.mulf %mul3A_460, %get3A_14 : vector<16xf32>
        %add3A_462 = arith.addf %add3A_457, %mul3A_461 : vector<16xf32>
        %slice3A_463 = vector.extract_strided_slice %get3A_374 {offsets = [10], sizes = [1], strides = [1]} : vector<16xf32> to vector<1xf32>
        %squeeze3A_464 = vector.extract %slice3A_463[0] : f32 from vector<1xf32>
        %mul3A_465 = vector.broadcast %squeeze3A_464 : f32 to vector<16xf32>
        %mul3A_466 = arith.mulf %mul3A_465, %get3A_19 : vector<16xf32>
        %add3A_467 = arith.addf %add3A_462, %mul3A_466 : vector<16xf32>
        %slice3A_468 = vector.extract_strided_slice %get3A_374 {offsets = [11], sizes = [1], strides = [1]} : vector<16xf32> to vector<1xf32>
        %squeeze3A_469 = vector.extract %slice3A_468[0] : f32 from vector<1xf32>
        %mul3A_470 = vector.broadcast %squeeze3A_469 : f32 to vector<16xf32>
        %mul3A_471 = arith.mulf %mul3A_470, %get3A_24 : vector<16xf32>
        %add3A_472 = arith.addf %add3A_467, %mul3A_471 : vector<16xf32>
        %get3A_473 = arith.index_cast %add3A_452 : i32 to index
        %get3A_474 = arith.constant 0 : index
        %get3A_475 = tpu.vector_load %arg14[%get3A_473, %get3A_474] {strides = array<i32>} : memref<512x16xf32, #tpu.memory_space<vmem>>, vector<1x16xf32>,
        %get3A_476 = vector.shape_cast %get3A_475 : vector<1x16xf32> to vector<16xf32>
        %add3A_477 = arith.addf %get3A_476, %add3A_472 : vector<16xf32>
        %max3A_478 = arith.constant 0.000000e+00 : f32
        %max3A_479 = vector.broadcast %max3A_478 : f32 to vector<16xf32>
        %max3A_480 = arith.maximumf %add3A_477, %max3A_479 : vector<16xf32>
        %swap3A_481 = arith.index_cast %add3A_452 : i32 to index
        %swap3A_482 = arith.constant 0 : index
        %swap3A_483 = tpu.vector_load %arg14[%swap3A_481, %swap3A_482] {strides = array<i32>} : memref<512x16xf32, #tpu.memory_space<vmem>>, vector<1x16xf32>,
        %swap3A_484 = vector.shape_cast %swap3A_483 : vector<1x16xf32> to vector<16xf32>
        %swap3A_485 = vector.shape_cast %max3A_480 : vector<16xf32> to vector<1x16xf32>
        tpu.vector_store %arg14[%swap3A_481, %swap3A_482], %swap3A_485 {strides = array<i32>} : memref<512x16xf32, #tpu.memory_space<vmem>>, vector<1x16xf32>,
        %mul3A_486 = arith.constant 4 : i32
        %mul3A_487 = arith.muli %scan3A_370, %mul3A_486 : i32
        %add3A_488 = arith.constant 3 : i32
        %add3A_489 = arith.addi %mul3A_487, %add3A_488 : i32
        %slice3A_490 = vector.extract_strided_slice %get3A_374 {offsets = [12], sizes = [1], strides = [1]} : vector<16xf32> to vector<1xf32>
        %squeeze3A_491 = vector.extract %slice3A_490[0] : f32 from vector<1xf32>
        %mul3A_492 = vector.broadcast %squeeze3A_491 : f32 to vector<16xf32>
        %mul3A_493 = arith.mulf %mul3A_492, %get3A_9 : vector<16xf32>
        %add3A_494 = arith.addf %get3A_27, %mul3A_493 : vector<16xf32>
        %slice3A_495 = vector.extract_strided_slice %get3A_374 {offsets = [13], sizes = [1], strides = [1]} : vector<16xf32> to vector<1xf32>
        %squeeze3A_496 = vector.extract %slice3A_495[0] : f32 from vector<1xf32>
        %mul3A_497 = vector.broadcast %squeeze3A_496 : f32 to vector<16xf32>
        %mul3A_498 = arith.mulf %mul3A_497, %get3A_14 : vector<16xf32>
        %add3A_499 = arith.addf %add3A_494, %mul3A_498 : vector<16xf32>
        %slice3A_500 = vector.extract_strided_slice %get3A_374 {offsets = [14], sizes = [1], strides = [1]} : vector<16xf32> to vector<1xf32>
        %squeeze3A_501 = vector.extract %slice3A_500[0] : f32 from vector<1xf32>
        %mul3A_502 = vector.broadcast %squeeze3A_501 : f32 to vector<16xf32>
        %mul3A_503 = arith.mulf %mul3A_502, %get3A_19 : vector<16xf32>
        %add3A_504 = arith.addf %add3A_499, %mul3A_503 : vector<16xf32>
        %slice3A_505 = vector.extract_strided_slice %get3A_374 {offsets = [15], sizes = [1], strides = [1]} : vector<16xf32> to vector<1xf32>
        %squeeze3A_506 = vector.extract %slice3A_505[0] : f32 from vector<1xf32>
        %mul3A_507 = vector.broadcast %squeeze3A_506 : f32 to vector<16xf32>
        %mul3A_508 = arith.mulf %mul3A_507, %get3A_24 : vector<16xf32>
        %add3A_509 = arith.addf %add3A_504, %mul3A_508 : vector<16xf32>
        %get3A_510 = arith.index_cast %add3A_489 : i32 to index
        %get3A_511 = arith.constant 0 : index
        %get3A_512 = tpu.vector_load %arg14[%get3A_510, %get3A_511] {strides = array<i32>} : memref<512x16xf32, #tpu.memory_space<vmem>>, vector<1x16xf32>,
        %get3A_513 = vector.shape_cast %get3A_512 : vector<1x16xf32> to vector<16xf32>
        %add3A_514 = arith.addf %get3A_513, %add3A_509 : vector<16xf32>
        %max3A_515 = arith.constant 0.000000e+00 : f32
        %max3A_516 = vector.broadcast %max3A_515 : f32 to vector<16xf32>
        %max3A_517 = arith.maximumf %add3A_514, %max3A_516 : vector<16xf32>
        %swap3A_518 = arith.index_cast %add3A_489 : i32 to index
        %swap3A_519 = arith.constant 0 : index
        %swap3A_520 = tpu.vector_load %arg14[%swap3A_518, %swap3A_519] {strides = array<i32>} : memref<512x16xf32, #tpu.memory_space<vmem>>, vector<1x16xf32>,
        %swap3A_521 = vector.shape_cast %swap3A_520 : vector<1x16xf32> to vector<16xf32>
        %swap3A_522 = vector.shape_cast %max3A_517 : vector<16xf32> to vector<1x16xf32>
        tpu.vector_store %arg14[%swap3A_518, %swap3A_519], %swap3A_522 {strides = array<i32>} : memref<512x16xf32, #tpu.memory_space<vmem>>, vector<1x16xf32>,
        %scan3A_523 = arith.constant 2 : i32
        %scan3A_524 = arith.addi %scan3A_220, %scan3A_523 : i32
        %get3A_525 = arith.index_cast %scan3A_524 : i32 to index
        %get3A_526 = arith.constant 0 : index
        %get3A_527 = tpu.vector_load %arg13[%get3A_525, %get3A_526] {strides = array<i32>} : memref<128x16xf32, #tpu.memory_space<vmem>>, vector<1x16xf32>,
        %get3A_528 = vector.shape_cast %get3A_527 : vector<1x16xf32> to vector<16xf32>
        %mul3A_529 = arith.constant 4 : i32
        %mul3A_530 = arith.muli %scan3A_524, %mul3A_529 : i32
        %add3A_531 = arith.constant 0 : i32
        %add3A_532 = arith.addi %mul3A_530, %add3A_531 : i32
        %slice3A_533 = vector.extract_strided_slice %get3A_528 {offsets = [0], sizes = [1], strides = [1]} : vector<16xf32> to vector<1xf32>
        %squeeze3A_534 = vector.extract %slice3A_533[0] : f32 from vector<1xf32>
        %mul3A_535 = vector.broadcast %squeeze3A_534 : f32 to vector<16xf32>
        %mul3A_536 = arith.mulf %mul3A_535, %get3A_9 : vector<16xf32>
        %add3A_537 = arith.addf %get3A_27, %mul3A_536 : vector<16xf32>
        %slice3A_538 = vector.extract_strided_slice %get3A_528 {offsets = [1], sizes = [1], strides = [1]} : vector<16xf32> to vector<1xf32>
        %squeeze3A_539 = vector.extract %slice3A_538[0] : f32 from vector<1xf32>
        %mul3A_540 = vector.broadcast %squeeze3A_539 : f32 to vector<16xf32>
        %mul3A_541 = arith.mulf %mul3A_540, %get3A_14 : vector<16xf32>
        %add3A_542 = arith.addf %add3A_537, %mul3A_541 : vector<16xf32>
        %slice3A_543 = vector.extract_strided_slice %get3A_528 {offsets = [2], sizes = [1], strides = [1]} : vector<16xf32> to vector<1xf32>
        %squeeze3A_544 = vector.extract %slice3A_543[0] : f32 from vector<1xf32>
        %mul3A_545 = vector.broadcast %squeeze3A_544 : f32 to vector<16xf32>
        %mul3A_546 = arith.mulf %mul3A_545, %get3A_19 : vector<16xf32>
        %add3A_547 = arith.addf %add3A_542, %mul3A_546 : vector<16xf32>
        %slice3A_548 = vector.extract_strided_slice %get3A_528 {offsets = [3], sizes = [1], strides = [1]} : vector<16xf32> to vector<1xf32>
        %squeeze3A_549 = vector.extract %slice3A_548[0] : f32 from vector<1xf32>
        %mul3A_550 = vector.broadcast %squeeze3A_549 : f32 to vector<16xf32>
        %mul3A_551 = arith.mulf %mul3A_550, %get3A_24 : vector<16xf32>
        %add3A_552 = arith.addf %add3A_547, %mul3A_551 : vector<16xf32>
        %get3A_553 = arith.index_cast %add3A_532 : i32 to index
        %get3A_554 = arith.constant 0 : index
        %get3A_555 = tpu.vector_load %arg14[%get3A_553, %get3A_554] {strides = array<i32>} : memref<512x16xf32, #tpu.memory_space<vmem>>, vector<1x16xf32>,
        %get3A_556 = vector.shape_cast %get3A_555 : vector<1x16xf32> to vector<16xf32>
        %add3A_557 = arith.addf %get3A_556, %add3A_552 : vector<16xf32>
        %max3A_558 = arith.constant 0.000000e+00 : f32
        %max3A_559 = vector.broadcast %max3A_558 : f32 to vector<16xf32>
        %max3A_560 = arith.maximumf %add3A_557, %max3A_559 : vector<16xf32>
        %swap3A_561 = arith.index_cast %add3A_532 : i32 to index
        %swap3A_562 = arith.constant 0 : index
        %swap3A_563 = tpu.vector_load %arg14[%swap3A_561, %swap3A_562] {strides = array<i32>} : memref<512x16xf32, #tpu.memory_space<vmem>>, vector<1x16xf32>,
        %swap3A_564 = vector.shape_cast %swap3A_563 : vector<1x16xf32> to vector<16xf32>
        %swap3A_565 = vector.shape_cast %max3A_560 : vector<16xf32> to vector<1x16xf32>
        tpu.vector_store %arg14[%swap3A_561, %swap3A_562], %swap3A_565 {strides = array<i32>} : memref<512x16xf32, #tpu.memory_space<vmem>>, vector<1x16xf32>,
        %mul3A_566 = arith.constant 4 : i32
        %mul3A_567 = arith.muli %scan3A_524, %mul3A_566 : i32
        %add3A_568 = arith.constant 1 : i32
        %add3A_569 = arith.addi %mul3A_567, %add3A_568 : i32
        %slice3A_570 = vector.extract_strided_slice %get3A_528 {offsets = [4], sizes = [1], strides = [1]} : vector<16xf32> to vector<1xf32>
        %squeeze3A_571 = vector.extract %slice3A_570[0] : f32 from vector<1xf32>
        %mul3A_572 = vector.broadcast %squeeze3A_571 : f32 to vector<16xf32>
        %mul3A_573 = arith.mulf %mul3A_572, %get3A_9 : vector<16xf32>
        %add3A_574 = arith.addf %get3A_27, %mul3A_573 : vector<16xf32>
        %slice3A_575 = vector.extract_strided_slice %get3A_528 {offsets = [5], sizes = [1], strides = [1]} : vector<16xf32> to vector<1xf32>
        %squeeze3A_576 = vector.extract %slice3A_575[0] : f32 from vector<1xf32>
        %mul3A_577 = vector.broadcast %squeeze3A_576 : f32 to vector<16xf32>
        %mul3A_578 = arith.mulf %mul3A_577, %get3A_14 : vector<16xf32>
        %add3A_579 = arith.addf %add3A_574, %mul3A_578 : vector<16xf32>
        %slice3A_580 = vector.extract_strided_slice %get3A_528 {offsets = [6], sizes = [1], strides = [1]} : vector<16xf32> to vector<1xf32>
        %squeeze3A_581 = vector.extract %slice3A_580[0] : f32 from vector<1xf32>
        %mul3A_582 = vector.broadcast %squeeze3A_581 : f32 to vector<16xf32>
        %mul3A_583 = arith.mulf %mul3A_582, %get3A_19 : vector<16xf32>
        %add3A_584 = arith.addf %add3A_579, %mul3A_583 : vector<16xf32>
        %slice3A_585 = vector.extract_strided_slice %get3A_528 {offsets = [7], sizes = [1], strides = [1]} : vector<16xf32> to vector<1xf32>
        %squeeze3A_586 = vector.extract %slice3A_585[0] : f32 from vector<1xf32>
        %mul3A_587 = vector.broadcast %squeeze3A_586 : f32 to vector<16xf32>
        %mul3A_588 = arith.mulf %mul3A_587, %get3A_24 : vector<16xf32>
        %add3A_589 = arith.addf %add3A_584, %mul3A_588 : vector<16xf32>
        %get3A_590 = arith.index_cast %add3A_569 : i32 to index
        %get3A_591 = arith.constant 0 : index
        %get3A_592 = tpu.vector_load %arg14[%get3A_590, %get3A_591] {strides = array<i32>} : memref<512x16xf32, #tpu.memory_space<vmem>>, vector<1x16xf32>,
        %get3A_593 = vector.shape_cast %get3A_592 : vector<1x16xf32> to vector<16xf32>
        %add3A_594 = arith.addf %get3A_593, %add3A_589 : vector<16xf32>
        %max3A_595 = arith.constant 0.000000e+00 : f32
        %max3A_596 = vector.broadcast %max3A_595 : f32 to vector<16xf32>
        %max3A_597 = arith.maximumf %add3A_594, %max3A_596 : vector<16xf32>
        %swap3A_598 = arith.index_cast %add3A_569 : i32 to index
        %swap3A_599 = arith.constant 0 : index
        %swap3A_600 = tpu.vector_load %arg14[%swap3A_598, %swap3A_599] {strides = array<i32>} : memref<512x16xf32, #tpu.memory_space<vmem>>, vector<1x16xf32>,
        %swap3A_601 = vector.shape_cast %swap3A_600 : vector<1x16xf32> to vector<16xf32>
        %swap3A_602 = vector.shape_cast %max3A_597 : vector<16xf32> to vector<1x16xf32>
        tpu.vector_store %arg14[%swap3A_598, %swap3A_599], %swap3A_602 {strides = array<i32>} : memref<512x16xf32, #tpu.memory_space<vmem>>, vector<1x16xf32>,
        %mul3A_603 = arith.constant 4 : i32
        %mul3A_604 = arith.muli %scan3A_524, %mul3A_603 : i32
        %add3A_605 = arith.constant 2 : i32
        %add3A_606 = arith.addi %mul3A_604, %add3A_605 : i32
        %slice3A_607 = vector.extract_strided_slice %get3A_528 {offsets = [8], sizes = [1], strides = [1]} : vector<16xf32> to vector<1xf32>
        %squeeze3A_608 = vector.extract %slice3A_607[0] : f32 from vector<1xf32>
        %mul3A_609 = vector.broadcast %squeeze3A_608 : f32 to vector<16xf32>
        %mul3A_610 = arith.mulf %mul3A_609, %get3A_9 : vector<16xf32>
        %add3A_611 = arith.addf %get3A_27, %mul3A_610 : vector<16xf32>
        %slice3A_612 = vector.extract_strided_slice %get3A_528 {offsets = [9], sizes = [1], strides = [1]} : vector<16xf32> to vector<1xf32>
        %squeeze3A_613 = vector.extract %slice3A_612[0] : f32 from vector<1xf32>
        %mul3A_614 = vector.broadcast %squeeze3A_613 : f32 to vector<16xf32>
        %mul3A_615 = arith.mulf %mul3A_614, %get3A_14 : vector<16xf32>
        %add3A_616 = arith.addf %add3A_611, %mul3A_615 : vector<16xf32>
        %slice3A_617 = vector.extract_strided_slice %get3A_528 {offsets = [10], sizes = [1], strides = [1]} : vector<16xf32> to vector<1xf32>
        %squeeze3A_618 = vector.extract %slice3A_617[0] : f32 from vector<1xf32>
        %mul3A_619 = vector.broadcast %squeeze3A_618 : f32 to vector<16xf32>
        %mul3A_620 = arith.mulf %mul3A_619, %get3A_19 : vector<16xf32>
        %add3A_621 = arith.addf %add3A_616, %mul3A_620 : vector<16xf32>
        %slice3A_622 = vector.extract_strided_slice %get3A_528 {offsets = [11], sizes = [1], strides = [1]} : vector<16xf32> to vector<1xf32>
        %squeeze3A_623 = vector.extract %slice3A_622[0] : f32 from vector<1xf32>
        %mul3A_624 = vector.broadcast %squeeze3A_623 : f32 to vector<16xf32>
        %mul3A_625 = arith.mulf %mul3A_624, %get3A_24 : vector<16xf32>
        %add3A_626 = arith.addf %add3A_621, %mul3A_625 : vector<16xf32>
        %get3A_627 = arith.index_cast %add3A_606 : i32 to index
        %get3A_628 = arith.constant 0 : index
        %get3A_629 = tpu.vector_load %arg14[%get3A_627, %get3A_628] {strides = array<i32>} : memref<512x16xf32, #tpu.memory_space<vmem>>, vector<1x16xf32>,
        %get3A_630 = vector.shape_cast %get3A_629 : vector<1x16xf32> to vector<16xf32>
        %add3A_631 = arith.addf %get3A_630, %add3A_626 : vector<16xf32>
        %max3A_632 = arith.constant 0.000000e+00 : f32
        %max3A_633 = vector.broadcast %max3A_632 : f32 to vector<16xf32>
        %max3A_634 = arith.maximumf %add3A_631, %max3A_633 : vector<16xf32>
        %swap3A_635 = arith.index_cast %add3A_606 : i32 to index
        %swap3A_636 = arith.constant 0 : index
        %swap3A_637 = tpu.vector_load %arg14[%swap3A_635, %swap3A_636] {strides = array<i32>} : memref<512x16xf32, #tpu.memory_space<vmem>>, vector<1x16xf32>,
        %swap3A_638 = vector.shape_cast %swap3A_637 : vector<1x16xf32> to vector<16xf32>
        %swap3A_639 = vector.shape_cast %max3A_634 : vector<16xf32> to vector<1x16xf32>
        tpu.vector_store %arg14[%swap3A_635, %swap3A_636], %swap3A_639 {strides = array<i32>} : memref<512x16xf32, #tpu.memory_space<vmem>>, vector<1x16xf32>,
        %mul3A_640 = arith.constant 4 : i32
        %mul3A_641 = arith.muli %scan3A_524, %mul3A_640 : i32
        %add3A_642 = arith.constant 3 : i32
        %add3A_643 = arith.addi %mul3A_641, %add3A_642 : i32
        %slice3A_644 = vector.extract_strided_slice %get3A_528 {offsets = [12], sizes = [1], strides = [1]} : vector<16xf32> to vector<1xf32>
        %squeeze3A_645 = vector.extract %slice3A_644[0] : f32 from vector<1xf32>
        %mul3A_646 = vector.broadcast %squeeze3A_645 : f32 to vector<16xf32>
        %mul3A_647 = arith.mulf %mul3A_646, %get3A_9 : vector<16xf32>
        %add3A_648 = arith.addf %get3A_27, %mul3A_647 : vector<16xf32>
        %slice3A_649 = vector.extract_strided_slice %get3A_528 {offsets = [13], sizes = [1], strides = [1]} : vector<16xf32> to vector<1xf32>
        %squeeze3A_650 = vector.extract %slice3A_649[0] : f32 from vector<1xf32>
        %mul3A_651 = vector.broadcast %squeeze3A_650 : f32 to vector<16xf32>
        %mul3A_652 = arith.mulf %mul3A_651, %get3A_14 : vector<16xf32>
        %add3A_653 = arith.addf %add3A_648, %mul3A_652 : vector<16xf32>
        %slice3A_654 = vector.extract_strided_slice %get3A_528 {offsets = [14], sizes = [1], strides = [1]} : vector<16xf32> to vector<1xf32>
        %squeeze3A_655 = vector.extract %slice3A_654[0] : f32 from vector<1xf32>
        %mul3A_656 = vector.broadcast %squeeze3A_655 : f32 to vector<16xf32>
        %mul3A_657 = arith.mulf %mul3A_656, %get3A_19 : vector<16xf32>
        %add3A_658 = arith.addf %add3A_653, %mul3A_657 : vector<16xf32>
        %slice3A_659 = vector.extract_strided_slice %get3A_528 {offsets = [15], sizes = [1], strides = [1]} : vector<16xf32> to vector<1xf32>
        %squeeze3A_660 = vector.extract %slice3A_659[0] : f32 from vector<1xf32>
        %mul3A_661 = vector.broadcast %squeeze3A_660 : f32 to vector<16xf32>
        %mul3A_662 = arith.mulf %mul3A_661, %get3A_24 : vector<16xf32>
        %add3A_663 = arith.addf %add3A_658, %mul3A_662 : vector<16xf32>
        %get3A_664 = arith.index_cast %add3A_643 : i32 to index
        %get3A_665 = arith.constant 0 : index
        %get3A_666 = tpu.vector_load %arg14[%get3A_664, %get3A_665] {strides = array<i32>} : memref<512x16xf32, #tpu.memory_space<vmem>>, vector<1x16xf32>,
        %get3A_667 = vector.shape_cast %get3A_666 : vector<1x16xf32> to vector<16xf32>
        %add3A_668 = arith.addf %get3A_667, %add3A_663 : vector<16xf32>
        %max3A_669 = arith.constant 0.000000e+00 : f32
        %max3A_670 = vector.broadcast %max3A_669 : f32 to vector<16xf32>
        %max3A_671 = arith.maximumf %add3A_668, %max3A_670 : vector<16xf32>
        %swap3A_672 = arith.index_cast %add3A_643 : i32 to index
        %swap3A_673 = arith.constant 0 : index
        %swap3A_674 = tpu.vector_load %arg14[%swap3A_672, %swap3A_673] {strides = array<i32>} : memref<512x16xf32, #tpu.memory_space<vmem>>, vector<1x16xf32>,
        %swap3A_675 = vector.shape_cast %swap3A_674 : vector<1x16xf32> to vector<16xf32>
        %swap3A_676 = vector.shape_cast %max3A_671 : vector<16xf32> to vector<1x16xf32>
        tpu.vector_store %arg14[%swap3A_672, %swap3A_673], %swap3A_676 {strides = array<i32>} : memref<512x16xf32, #tpu.memory_space<vmem>>, vector<1x16xf32>,
        %scan3A_677 = arith.constant 3 : i32
        %scan3A_678 = arith.addi %scan3A_220, %scan3A_677 : i32
        %get3A_679 = arith.index_cast %scan3A_678 : i32 to index
        %get3A_680 = arith.constant 0 : index
        %get3A_681 = tpu.vector_load %arg13[%get3A_679, %get3A_680] {strides = array<i32>} : memref<128x16xf32, #tpu.memory_space<vmem>>, vector<1x16xf32>,
        %get3A_682 = vector.shape_cast %get3A_681 : vector<1x16xf32> to vector<16xf32>
        %mul3A_683 = arith.constant 4 : i32
        %mul3A_684 = arith.muli %scan3A_678, %mul3A_683 : i32
        %add3A_685 = arith.constant 0 : i32
        %add3A_686 = arith.addi %mul3A_684, %add3A_685 : i32
        %slice3A_687 = vector.extract_strided_slice %get3A_682 {offsets = [0], sizes = [1], strides = [1]} : vector<16xf32> to vector<1xf32>
        %squeeze3A_688 = vector.extract %slice3A_687[0] : f32 from vector<1xf32>
        %mul3A_689 = vector.broadcast %squeeze3A_688 : f32 to vector<16xf32>
        %mul3A_690 = arith.mulf %mul3A_689, %get3A_9 : vector<16xf32>
        %add3A_691 = arith.addf %get3A_27, %mul3A_690 : vector<16xf32>
        %slice3A_692 = vector.extract_strided_slice %get3A_682 {offsets = [1], sizes = [1], strides = [1]} : vector<16xf32> to vector<1xf32>
        %squeeze3A_693 = vector.extract %slice3A_692[0] : f32 from vector<1xf32>
        %mul3A_694 = vector.broadcast %squeeze3A_693 : f32 to vector<16xf32>
        %mul3A_695 = arith.mulf %mul3A_694, %get3A_14 : vector<16xf32>
        %add3A_696 = arith.addf %add3A_691, %mul3A_695 : vector<16xf32>
        %slice3A_697 = vector.extract_strided_slice %get3A_682 {offsets = [2], sizes = [1], strides = [1]} : vector<16xf32> to vector<1xf32>
        %squeeze3A_698 = vector.extract %slice3A_697[0] : f32 from vector<1xf32>
        %mul3A_699 = vector.broadcast %squeeze3A_698 : f32 to vector<16xf32>
        %mul3A_700 = arith.mulf %mul3A_699, %get3A_19 : vector<16xf32>
        %add3A_701 = arith.addf %add3A_696, %mul3A_700 : vector<16xf32>
        %slice3A_702 = vector.extract_strided_slice %get3A_682 {offsets = [3], sizes = [1], strides = [1]} : vector<16xf32> to vector<1xf32>
        %squeeze3A_703 = vector.extract %slice3A_702[0] : f32 from vector<1xf32>
        %mul3A_704 = vector.broadcast %squeeze3A_703 : f32 to vector<16xf32>
        %mul3A_705 = arith.mulf %mul3A_704, %get3A_24 : vector<16xf32>
        %add3A_706 = arith.addf %add3A_701, %mul3A_705 : vector<16xf32>
        %get3A_707 = arith.index_cast %add3A_686 : i32 to index
        %get3A_708 = arith.constant 0 : index
        %get3A_709 = tpu.vector_load %arg14[%get3A_707, %get3A_708] {strides = array<i32>} : memref<512x16xf32, #tpu.memory_space<vmem>>, vector<1x16xf32>,
        %get3A_710 = vector.shape_cast %get3A_709 : vector<1x16xf32> to vector<16xf32>
        %add3A_711 = arith.addf %get3A_710, %add3A_706 : vector<16xf32>
        %max3A_712 = arith.constant 0.000000e+00 : f32
        %max3A_713 = vector.broadcast %max3A_712 : f32 to vector<16xf32>
        %max3A_714 = arith.maximumf %add3A_711, %max3A_713 : vector<16xf32>
        %swap3A_715 = arith.index_cast %add3A_686 : i32 to index
        %swap3A_716 = arith.constant 0 : index
        %swap3A_717 = tpu.vector_load %arg14[%swap3A_715, %swap3A_716] {strides = array<i32>} : memref<512x16xf32, #tpu.memory_space<vmem>>, vector<1x16xf32>,
        %swap3A_718 = vector.shape_cast %swap3A_717 : vector<1x16xf32> to vector<16xf32>
        %swap3A_719 = vector.shape_cast %max3A_714 : vector<16xf32> to vector<1x16xf32>
        tpu.vector_store %arg14[%swap3A_715, %swap3A_716], %swap3A_719 {strides = array<i32>} : memref<512x16xf32, #tpu.memory_space<vmem>>, vector<1x16xf32>,
        %mul3A_720 = arith.constant 4 : i32
        %mul3A_721 = arith.muli %scan3A_678, %mul3A_720 : i32
        %add3A_722 = arith.constant 1 : i32
        %add3A_723 = arith.addi %mul3A_721, %add3A_722 : i32
        %slice3A_724 = vector.extract_strided_slice %get3A_682 {offsets = [4], sizes = [1], strides = [1]} : vector<16xf32> to vector<1xf32>
        %squeeze3A_725 = vector.extract %slice3A_724[0] : f32 from vector<1xf32>
        %mul3A_726 = vector.broadcast %squeeze3A_725 : f32 to vector<16xf32>
        %mul3A_727 = arith.mulf %mul3A_726, %get3A_9 : vector<16xf32>
        %add3A_728 = arith.addf %get3A_27, %mul3A_727 : vector<16xf32>
        %slice3A_729 = vector.extract_strided_slice %get3A_682 {offsets = [5], sizes = [1], strides = [1]} : vector<16xf32> to vector<1xf32>
        %squeeze3A_730 = vector.extract %slice3A_729[0] : f32 from vector<1xf32>
        %mul3A_731 = vector.broadcast %squeeze3A_730 : f32 to vector<16xf32>
        %mul3A_732 = arith.mulf %mul3A_731, %get3A_14 : vector<16xf32>
        %add3A_733 = arith.addf %add3A_728, %mul3A_732 : vector<16xf32>
        %slice3A_734 = vector.extract_strided_slice %get3A_682 {offsets = [6], sizes = [1], strides = [1]} : vector<16xf32> to vector<1xf32>
        %squeeze3A_735 = vector.extract %slice3A_734[0] : f32 from vector<1xf32>
        %mul3A_736 = vector.broadcast %squeeze3A_735 : f32 to vector<16xf32>
        %mul3A_737 = arith.mulf %mul3A_736, %get3A_19 : vector<16xf32>
        %add3A_738 = arith.addf %add3A_733, %mul3A_737 : vector<16xf32>
        %slice3A_739 = vector.extract_strided_slice %get3A_682 {offsets = [7], sizes = [1], strides = [1]} : vector<16xf32> to vector<1xf32>
        %squeeze3A_740 = vector.extract %slice3A_739[0] : f32 from vector<1xf32>
        %mul3A_741 = vector.broadcast %squeeze3A_740 : f32 to vector<16xf32>
        %mul3A_742 = arith.mulf %mul3A_741, %get3A_24 : vector<16xf32>
        %add3A_743 = arith.addf %add3A_738, %mul3A_742 : vector<16xf32>
        %get3A_744 = arith.index_cast %add3A_723 : i32 to index
        %get3A_745 = arith.constant 0 : index
        %get3A_746 = tpu.vector_load %arg14[%get3A_744, %get3A_745] {strides = array<i32>} : memref<512x16xf32, #tpu.memory_space<vmem>>, vector<1x16xf32>,
        %get3A_747 = vector.shape_cast %get3A_746 : vector<1x16xf32> to vector<16xf32>
        %add3A_748 = arith.addf %get3A_747, %add3A_743 : vector<16xf32>
        %max3A_749 = arith.constant 0.000000e+00 : f32
        %max3A_750 = vector.broadcast %max3A_749 : f32 to vector<16xf32>
        %max3A_751 = arith.maximumf %add3A_748, %max3A_750 : vector<16xf32>
        %swap3A_752 = arith.index_cast %add3A_723 : i32 to index
        %swap3A_753 = arith.constant 0 : index
        %swap3A_754 = tpu.vector_load %arg14[%swap3A_752, %swap3A_753] {strides = array<i32>} : memref<512x16xf32, #tpu.memory_space<vmem>>, vector<1x16xf32>,
        %swap3A_755 = vector.shape_cast %swap3A_754 : vector<1x16xf32> to vector<16xf32>
        %swap3A_756 = vector.shape_cast %max3A_751 : vector<16xf32> to vector<1x16xf32>
        tpu.vector_store %arg14[%swap3A_752, %swap3A_753], %swap3A_756 {strides = array<i32>} : memref<512x16xf32, #tpu.memory_space<vmem>>, vector<1x16xf32>,
        %mul3A_757 = arith.constant 4 : i32
        %mul3A_758 = arith.muli %scan3A_678, %mul3A_757 : i32
        %add3A_759 = arith.constant 2 : i32
        %add3A_760 = arith.addi %mul3A_758, %add3A_759 : i32
        %slice3A_761 = vector.extract_strided_slice %get3A_682 {offsets = [8], sizes = [1], strides = [1]} : vector<16xf32> to vector<1xf32>
        %squeeze3A_762 = vector.extract %slice3A_761[0] : f32 from vector<1xf32>
        %mul3A_763 = vector.broadcast %squeeze3A_762 : f32 to vector<16xf32>
        %mul3A_764 = arith.mulf %mul3A_763, %get3A_9 : vector<16xf32>
        %add3A_765 = arith.addf %get3A_27, %mul3A_764 : vector<16xf32>
        %slice3A_766 = vector.extract_strided_slice %get3A_682 {offsets = [9], sizes = [1], strides = [1]} : vector<16xf32> to vector<1xf32>
        %squeeze3A_767 = vector.extract %slice3A_766[0] : f32 from vector<1xf32>
        %mul3A_768 = vector.broadcast %squeeze3A_767 : f32 to vector<16xf32>
        %mul3A_769 = arith.mulf %mul3A_768, %get3A_14 : vector<16xf32>
        %add3A_770 = arith.addf %add3A_765, %mul3A_769 : vector<16xf32>
        %slice3A_771 = vector.extract_strided_slice %get3A_682 {offsets = [10], sizes = [1], strides = [1]} : vector<16xf32> to vector<1xf32>
        %squeeze3A_772 = vector.extract %slice3A_771[0] : f32 from vector<1xf32>
        %mul3A_773 = vector.broadcast %squeeze3A_772 : f32 to vector<16xf32>
        %mul3A_774 = arith.mulf %mul3A_773, %get3A_19 : vector<16xf32>
        %add3A_775 = arith.addf %add3A_770, %mul3A_774 : vector<16xf32>
        %slice3A_776 = vector.extract_strided_slice %get3A_682 {offsets = [11], sizes = [1], strides = [1]} : vector<16xf32> to vector<1xf32>
        %squeeze3A_777 = vector.extract %slice3A_776[0] : f32 from vector<1xf32>
        %mul3A_778 = vector.broadcast %squeeze3A_777 : f32 to vector<16xf32>
        %mul3A_779 = arith.mulf %mul3A_778, %get3A_24 : vector<16xf32>
        %add3A_780 = arith.addf %add3A_775, %mul3A_779 : vector<16xf32>
        %get3A_781 = arith.index_cast %add3A_760 : i32 to index
        %get3A_782 = arith.constant 0 : index
        %get3A_783 = tpu.vector_load %arg14[%get3A_781, %get3A_782] {strides = array<i32>} : memref<512x16xf32, #tpu.memory_space<vmem>>, vector<1x16xf32>,
        %get3A_784 = vector.shape_cast %get3A_783 : vector<1x16xf32> to vector<16xf32>
        %add3A_785 = arith.addf %get3A_784, %add3A_780 : vector<16xf32>
        %max3A_786 = arith.constant 0.000000e+00 : f32
        %max3A_787 = vector.broadcast %max3A_786 : f32 to vector<16xf32>
        %max3A_788 = arith.maximumf %add3A_785, %max3A_787 : vector<16xf32>
        %swap3A_789 = arith.index_cast %add3A_760 : i32 to index
        %swap3A_790 = arith.constant 0 : index
        %swap3A_791 = tpu.vector_load %arg14[%swap3A_789, %swap3A_790] {strides = array<i32>} : memref<512x16xf32, #tpu.memory_space<vmem>>, vector<1x16xf32>,
        %swap3A_792 = vector.shape_cast %swap3A_791 : vector<1x16xf32> to vector<16xf32>
        %swap3A_793 = vector.shape_cast %max3A_788 : vector<16xf32> to vector<1x16xf32>
        tpu.vector_store %arg14[%swap3A_789, %swap3A_790], %swap3A_793 {strides = array<i32>} : memref<512x16xf32, #tpu.memory_space<vmem>>, vector<1x16xf32>,
        %mul3A_794 = arith.constant 4 : i32
        %mul3A_795 = arith.muli %scan3A_678, %mul3A_794 : i32
        %add3A_796 = arith.constant 3 : i32
        %add3A_797 = arith.addi %mul3A_795, %add3A_796 : i32
        %slice3A_798 = vector.extract_strided_slice %get3A_682 {offsets = [12], sizes = [1], strides = [1]} : vector<16xf32> to vector<1xf32>
        %squeeze3A_799 = vector.extract %slice3A_798[0] : f32 from vector<1xf32>
        %mul3A_800 = vector.broadcast %squeeze3A_799 : f32 to vector<16xf32>
        %mul3A_801 = arith.mulf %mul3A_800, %get3A_9 : vector<16xf32>
        %add3A_802 = arith.addf %get3A_27, %mul3A_801 : vector<16xf32>
        %slice3A_803 = vector.extract_strided_slice %get3A_682 {offsets = [13], sizes = [1], strides = [1]} : vector<16xf32> to vector<1xf32>
        %squeeze3A_804 = vector.extract %slice3A_803[0] : f32 from vector<1xf32>
        %mul3A_805 = vector.broadcast %squeeze3A_804 : f32 to vector<16xf32>
        %mul3A_806 = arith.mulf %mul3A_805, %get3A_14 : vector<16xf32>
        %add3A_807 = arith.addf %add3A_802, %mul3A_806 : vector<16xf32>
        %slice3A_808 = vector.extract_strided_slice %get3A_682 {offsets = [14], sizes = [1], strides = [1]} : vector<16xf32> to vector<1xf32>
        %squeeze3A_809 = vector.extract %slice3A_808[0] : f32 from vector<1xf32>
        %mul3A_810 = vector.broadcast %squeeze3A_809 : f32 to vector<16xf32>
        %mul3A_811 = arith.mulf %mul3A_810, %get3A_19 : vector<16xf32>
        %add3A_812 = arith.addf %add3A_807, %mul3A_811 : vector<16xf32>
        %slice3A_813 = vector.extract_strided_slice %get3A_682 {offsets = [15], sizes = [1], strides = [1]} : vector<16xf32> to vector<1xf32>
        %squeeze3A_814 = vector.extract %slice3A_813[0] : f32 from vector<1xf32>
        %mul3A_815 = vector.broadcast %squeeze3A_814 : f32 to vector<16xf32>
        %mul3A_816 = arith.mulf %mul3A_815, %get3A_24 : vector<16xf32>
        %add3A_817 = arith.addf %add3A_812, %mul3A_816 : vector<16xf32>
        %get3A_818 = arith.index_cast %add3A_797 : i32 to index
        %get3A_819 = arith.constant 0 : index
        %get3A_820 = tpu.vector_load %arg14[%get3A_818, %get3A_819] {strides = array<i32>} : memref<512x16xf32, #tpu.memory_space<vmem>>, vector<1x16xf32>,
        %get3A_821 = vector.shape_cast %get3A_820 : vector<1x16xf32> to vector<16xf32>
        %add3A_822 = arith.addf %get3A_821, %add3A_817 : vector<16xf32>
        %max3A_823 = arith.constant 0.000000e+00 : f32
        %max3A_824 = vector.broadcast %max3A_823 : f32 to vector<16xf32>
        %max3A_825 = arith.maximumf %add3A_822, %max3A_824 : vector<16xf32>
        %swap3A_826 = arith.index_cast %add3A_797 : i32 to index
        %swap3A_827 = arith.constant 0 : index
        %swap3A_828 = tpu.vector_load %arg14[%swap3A_826, %swap3A_827] {strides = array<i32>} : memref<512x16xf32, #tpu.memory_space<vmem>>, vector<1x16xf32>,
        %swap3A_829 = vector.shape_cast %swap3A_828 : vector<1x16xf32> to vector<16xf32>
        %swap3A_830 = vector.shape_cast %max3A_825 : vector<16xf32> to vector<1x16xf32>
        tpu.vector_store %arg14[%swap3A_826, %swap3A_827], %swap3A_830 {strides = array<i32>} : memref<512x16xf32, #tpu.memory_space<vmem>>, vector<1x16xf32>,
      }
      %scan3A_139 = arith.constant 128 : i32
      %dma_start3A_140 = arith.constant 0 : i32
      %dma_start3A_141 = arith.constant 0 : i32
      %dma_start3A_142 = arith.constant 0 : i32
      %dma_start3A_143 = tpu.memref_slice %arg14[%dma_start3A_141, %dma_start3A_142] : memref<512x16xf32, #tpu.memory_space<vmem>> -> memref<128x16xf32, #tpu.memory_space<vmem>>
      %dma_start3A_144 = arith.constant 0 : i32
      %dma_start3A_145 = tpu.memref_slice %arg12[%dma_start3A_140, %dma_start3A_144] : memref<4x128xi32, #tpu.memory_space<vmem>> -> memref<1x128xi32, #tpu.memory_space<vmem>>
      %dma_start3A_146 = tpu.memref_squeeze %dma_start3A_145 : memref<1x128xi32, #tpu.memory_space<vmem>> -> memref<128xi32, #tpu.memory_space<vmem>>
      %dma_start3A_147 = arith.constant 0 : i32
      %dma_start3A_148 = arith.constant 0 : i32
      %dma_start3A_149 = tpu.memref_slice %arg10[%dma_start3A_147, %dma_start3A_148] : memref<100008x16xf32, #tpu.memory_space<vmem_shared>> -> memref<100008x16xf32, #tpu.memory_space<vmem_shared>>
      tpu.enqueue_indirect_dma source(%dma_start3A_143 : memref<128x16xf32, #tpu.memory_space<vmem>>) target(%dma_start3A_149 : memref<100008x16xf32, #tpu.memory_space<vmem_shared>>) offsets(%dma_start3A_146 : memref<128xi32, #tpu.memory_space<vmem>>) semaphore(%arg18 : memref<!tpu.dma_semaphore, #tpu.memory_space<semaphore_mem>>) {add = true}
      %dma_start3A_150 = arith.constant 1 : i32
      %dma_start3A_151 = arith.constant 128 : i32
      %dma_start3A_152 = arith.constant 0 : i32
      %dma_start3A_153 = tpu.memref_slice %arg14[%dma_start3A_151, %dma_start3A_152] : memref<512x16xf32, #tpu.memory_space<vmem>> -> memref<128x16xf32, #tpu.memory_space<vmem>>
      %dma_start3A_154 = arith.constant 0 : i32
      %dma_start3A_155 = tpu.memref_slice %arg12[%dma_start3A_150, %dma_start3A_154] : memref<4x128xi32, #tpu.memory_space<vmem>> -> memref<1x128xi32, #tpu.memory_space<vmem>>
      %dma_start3A_156 = tpu.memref_squeeze %dma_start3A_155 : memref<1x128xi32, #tpu.memory_space<vmem>> -> memref<128xi32, #tpu.memory_space<vmem>>
      %dma_start3A_157 = arith.constant 0 : i32
      %dma_start3A_158 = arith.constant 0 : i32
      %dma_start3A_159 = tpu.memref_slice %arg10[%dma_start3A_157, %dma_start3A_158] : memref<100008x16xf32, #tpu.memory_space<vmem_shared>> -> memref<100008x16xf32, #tpu.memory_space<vmem_shared>>
      tpu.enqueue_indirect_dma source(%dma_start3A_153 : memref<128x16xf32, #tpu.memory_space<vmem>>) target(%dma_start3A_159 : memref<100008x16xf32, #tpu.memory_space<vmem_shared>>) offsets(%dma_start3A_156 : memref<128xi32, #tpu.memory_space<vmem>>) semaphore(%arg18 : memref<!tpu.dma_semaphore, #tpu.memory_space<semaphore_mem>>) {add = true}
      %dma_start3A_160 = arith.constant 2 : i32
      %dma_start3A_161 = arith.constant 256 : i32
      %dma_start3A_162 = arith.constant 0 : i32
      %dma_start3A_163 = tpu.memref_slice %arg14[%dma_start3A_161, %dma_start3A_162] : memref<512x16xf32, #tpu.memory_space<vmem>> -> memref<128x16xf32, #tpu.memory_space<vmem>>
      %dma_start3A_164 = arith.constant 0 : i32
      %dma_start3A_165 = tpu.memref_slice %arg12[%dma_start3A_160, %dma_start3A_164] : memref<4x128xi32, #tpu.memory_space<vmem>> -> memref<1x128xi32, #tpu.memory_space<vmem>>
      %dma_start3A_166 = tpu.memref_squeeze %dma_start3A_165 : memref<1x128xi32, #tpu.memory_space<vmem>> -> memref<128xi32, #tpu.memory_space<vmem>>
      %dma_start3A_167 = arith.constant 0 : i32
      %dma_start3A_168 = arith.constant 0 : i32
      %dma_start3A_169 = tpu.memref_slice %arg10[%dma_start3A_167, %dma_start3A_168] : memref<100008x16xf32, #tpu.memory_space<vmem_shared>> -> memref<100008x16xf32, #tpu.memory_space<vmem_shared>>
      tpu.enqueue_indirect_dma source(%dma_start3A_163 : memref<128x16xf32, #tpu.memory_space<vmem>>) target(%dma_start3A_169 : memref<100008x16xf32, #tpu.memory_space<vmem_shared>>) offsets(%dma_start3A_166 : memref<128xi32, #tpu.memory_space<vmem>>) semaphore(%arg18 : memref<!tpu.dma_semaphore, #tpu.memory_space<semaphore_mem>>) {add = true}
      %dma_start3A_170 = arith.constant 3 : i32
      %dma_start3A_171 = arith.constant 384 : i32
      %dma_start3A_172 = arith.constant 0 : i32
      %dma_start3A_173 = tpu.memref_slice %arg14[%dma_start3A_171, %dma_start3A_172] : memref<512x16xf32, #tpu.memory_space<vmem>> -> memref<128x16xf32, #tpu.memory_space<vmem>>
      %dma_start3A_174 = arith.constant 0 : i32
      %dma_start3A_175 = tpu.memref_slice %arg12[%dma_start3A_170, %dma_start3A_174] : memref<4x128xi32, #tpu.memory_space<vmem>> -> memref<1x128xi32, #tpu.memory_space<vmem>>
      %dma_start3A_176 = tpu.memref_squeeze %dma_start3A_175 : memref<1x128xi32, #tpu.memory_space<vmem>> -> memref<128xi32, #tpu.memory_space<vmem>>
      %dma_start3A_177 = arith.constant 0 : i32
      %dma_start3A_178 = arith.constant 0 : i32
      %dma_start3A_179 = tpu.memref_slice %arg10[%dma_start3A_177, %dma_start3A_178] : memref<100008x16xf32, #tpu.memory_space<vmem_shared>> -> memref<100008x16xf32, #tpu.memory_space<vmem_shared>>
      tpu.enqueue_indirect_dma source(%dma_start3A_173 : memref<128x16xf32, #tpu.memory_space<vmem>>) target(%dma_start3A_179 : memref<100008x16xf32, #tpu.memory_space<vmem_shared>>) offsets(%dma_start3A_176 : memref<128xi32, #tpu.memory_space<vmem>>) semaphore(%arg18 : memref<!tpu.dma_semaphore, #tpu.memory_space<semaphore_mem>>) {add = true}
      %dma_wait3A_180 = arith.constant 0 : i32
      %dma_wait3A_181 = arith.constant 0 : i32
      %dma_wait3A_182 = arith.constant 0 : i32
      %dma_wait3A_183 = tpu.memref_slice %arg14[%dma_wait3A_181, %dma_wait3A_182] : memref<512x16xf32, #tpu.memory_space<vmem>> -> memref<128x16xf32, #tpu.memory_space<vmem>>
      %dma_wait3A_184 = arith.constant 0 : i32
      %dma_wait3A_185 = tpu.memref_slice %arg12[%dma_wait3A_180, %dma_wait3A_184] : memref<4x128xi32, #tpu.memory_space<vmem>> -> memref<1x128xi32, #tpu.memory_space<vmem>>
      %dma_wait3A_186 = tpu.memref_squeeze %dma_wait3A_185 : memref<1x128xi32, #tpu.memory_space<vmem>> -> memref<128xi32, #tpu.memory_space<vmem>>
      %dma_wait3A_187 = arith.constant 0 : i32
      %dma_wait3A_188 = arith.constant 0 : i32
      %dma_wait3A_189 = tpu.memref_slice %arg10[%dma_wait3A_187, %dma_wait3A_188] : memref<100008x16xf32, #tpu.memory_space<vmem_shared>> -> memref<100008x16xf32, #tpu.memory_space<vmem_shared>>
      tpu.wait_indirect_dma semaphore(%arg18 : memref<!tpu.dma_semaphore, #tpu.memory_space<semaphore_mem>>) src(%dma_wait3A_183 : memref<128x16xf32, #tpu.memory_space<vmem>>) dst(%dma_wait3A_189 : memref<100008x16xf32, #tpu.memory_space<vmem_shared>>)
      %dma_wait3A_190 = arith.constant 1 : i32
      %dma_wait3A_191 = arith.constant 128 : i32
      %dma_wait3A_192 = arith.constant 0 : i32
      %dma_wait3A_193 = tpu.memref_slice %arg14[%dma_wait3A_191, %dma_wait3A_192] : memref<512x16xf32, #tpu.memory_space<vmem>> -> memref<128x16xf32, #tpu.memory_space<vmem>>
      %dma_wait3A_194 = arith.constant 0 : i32
      %dma_wait3A_195 = tpu.memref_slice %arg12[%dma_wait3A_190, %dma_wait3A_194] : memref<4x128xi32, #tpu.memory_space<vmem>> -> memref<1x128xi32, #tpu.memory_space<vmem>>
      %dma_wait3A_196 = tpu.memref_squeeze %dma_wait3A_195 : memref<1x128xi32, #tpu.memory_space<vmem>> -> memref<128xi32, #tpu.memory_space<vmem>>
      %dma_wait3A_197 = arith.constant 0 : i32
      %dma_wait3A_198 = arith.constant 0 : i32
      %dma_wait3A_199 = tpu.memref_slice %arg10[%dma_wait3A_197, %dma_wait3A_198] : memref<100008x16xf32, #tpu.memory_space<vmem_shared>> -> memref<100008x16xf32, #tpu.memory_space<vmem_shared>>
      tpu.wait_indirect_dma semaphore(%arg18 : memref<!tpu.dma_semaphore, #tpu.memory_space<semaphore_mem>>) src(%dma_wait3A_193 : memref<128x16xf32, #tpu.memory_space<vmem>>) dst(%dma_wait3A_199 : memref<100008x16xf32, #tpu.memory_space<vmem_shared>>)
      %dma_wait3A_200 = arith.constant 2 : i32
      %dma_wait3A_201 = arith.constant 256 : i32
      %dma_wait3A_202 = arith.constant 0 : i32
      %dma_wait3A_203 = tpu.memref_slice %arg14[%dma_wait3A_201, %dma_wait3A_202] : memref<512x16xf32, #tpu.memory_space<vmem>> -> memref<128x16xf32, #tpu.memory_space<vmem>>
      %dma_wait3A_204 = arith.constant 0 : i32
      %dma_wait3A_205 = tpu.memref_slice %arg12[%dma_wait3A_200, %dma_wait3A_204] : memref<4x128xi32, #tpu.memory_space<vmem>> -> memref<1x128xi32, #tpu.memory_space<vmem>>
      %dma_wait3A_206 = tpu.memref_squeeze %dma_wait3A_205 : memref<1x128xi32, #tpu.memory_space<vmem>> -> memref<128xi32, #tpu.memory_space<vmem>>
      %dma_wait3A_207 = arith.constant 0 : i32
      %dma_wait3A_208 = arith.constant 0 : i32
      %dma_wait3A_209 = tpu.memref_slice %arg10[%dma_wait3A_207, %dma_wait3A_208] : memref<100008x16xf32, #tpu.memory_space<vmem_shared>> -> memref<100008x16xf32, #tpu.memory_space<vmem_shared>>
      tpu.wait_indirect_dma semaphore(%arg18 : memref<!tpu.dma_semaphore, #tpu.memory_space<semaphore_mem>>) src(%dma_wait3A_203 : memref<128x16xf32, #tpu.memory_space<vmem>>) dst(%dma_wait3A_209 : memref<100008x16xf32, #tpu.memory_space<vmem_shared>>)
      %dma_wait3A_210 = arith.constant 3 : i32
      %dma_wait3A_211 = arith.constant 384 : i32
      %dma_wait3A_212 = arith.constant 0 : i32
      %dma_wait3A_213 = tpu.memref_slice %arg14[%dma_wait3A_211, %dma_wait3A_212] : memref<512x16xf32, #tpu.memory_space<vmem>> -> memref<128x16xf32, #tpu.memory_space<vmem>>
      %dma_wait3A_214 = arith.constant 0 : i32
      %dma_wait3A_215 = tpu.memref_slice %arg12[%dma_wait3A_210, %dma_wait3A_214] : memref<4x128xi32, #tpu.memory_space<vmem>> -> memref<1x128xi32, #tpu.memory_space<vmem>>
      %dma_wait3A_216 = tpu.memref_squeeze %dma_wait3A_215 : memref<1x128xi32, #tpu.memory_space<vmem>> -> memref<128xi32, #tpu.memory_space<vmem>>
      %dma_wait3A_217 = arith.constant 0 : i32
      %dma_wait3A_218 = arith.constant 0 : i32
      %dma_wait3A_219 = tpu.memref_slice %arg10[%dma_wait3A_217, %dma_wait3A_218] : memref<100008x16xf32, #tpu.memory_space<vmem_shared>> -> memref<100008x16xf32, #tpu.memory_space<vmem_shared>>
      tpu.wait_indirect_dma semaphore(%arg18 : memref<!tpu.dma_semaphore, #tpu.memory_space<semaphore_mem>>) src(%dma_wait3A_213 : memref<128x16xf32, #tpu.memory_space<vmem>>) dst(%dma_wait3A_219 : memref<100008x16xf32, #tpu.memory_space<vmem_shared>>)
    }
    %scan3A_33 = arith.constant 196 : i32
    %barrier3A_34 = arith.constant 0 : index
    tpu.barrier barrier_id(%barrier3A_34)
    %lt3A_35 = arith.constant 15 : i32
    %lt3A_36 = arith.cmpi slt, %arg1, %lt3A_35 : i32
    %convert_element_type3A_37 = arith.extui %lt3A_36 : i1 to i32
    %cond3A_38 = arith.constant 0 : i32
    %cond3A_39 = arith.cmpi ne, %convert_element_type3A_37, %cond3A_38 : i32
    scf.if %cond3A_39 {
      %mul3A_45 = arith.constant 6256 : i32
      %mul3A_46 = arith.muli %arg1, %mul3A_45 : i32
      %mul3A_47 = arith.constant 6256 : i32
      %mul3A_48 = arith.muli %arg1, %mul3A_47 : i32
      "tpu.region"() ({
        %run_scoped3A = tpu.sem_alloc : memref<!tpu.dma_semaphore, #tpu.memory_space<semaphore_mem>>
        %dma_start3A = arith.constant 0 : i32
        %dma_start3A_49 = tpu.memref_slice %arg9[%arg0, %mul3A_48, %dma_start3A] : memref<2x100000x16xf32, #tpu.memory_space<hbm>> -> memref<1x6256x16xf32, #tpu.memory_space<hbm>>
        %dma_start3A_50 = tpu.memref_squeeze %dma_start3A_49 : memref<1x6256x16xf32, #tpu.memory_space<hbm>> -> memref<6256x16xf32, #tpu.memory_space<hbm>>
        %dma_start3A_51 = arith.constant 0 : i32
        %dma_start3A_52 = tpu.memref_slice %arg10[%mul3A_46, %dma_start3A_51] : memref<100008x16xf32, #tpu.memory_space<vmem_shared>> -> memref<6256x16xf32, #tpu.memory_space<vmem_shared>>
        tpu.enqueue_dma source(%dma_start3A_52 : memref<6256x16xf32, #tpu.memory_space<vmem_shared>>) target(%dma_start3A_50 : memref<6256x16xf32, #tpu.memory_space<hbm>>) target_semaphore(%run_scoped3A : memref<!tpu.dma_semaphore, #tpu.memory_space<semaphore_mem>>)
        %dma_wait3A = arith.constant 0 : i32
        %dma_wait3A_53 = tpu.memref_slice %arg9[%arg0, %mul3A_48, %dma_wait3A] : memref<2x100000x16xf32, #tpu.memory_space<hbm>> -> memref<1x6256x16xf32, #tpu.memory_space<hbm>>
        %dma_wait3A_54 = tpu.memref_squeeze %dma_wait3A_53 : memref<1x6256x16xf32, #tpu.memory_space<hbm>> -> memref<6256x16xf32, #tpu.memory_space<hbm>>
        %dma_wait3A_55 = arith.constant 0 : i32
        %dma_wait3A_56 = tpu.memref_slice %arg10[%mul3A_46, %dma_wait3A_55] : memref<100008x16xf32, #tpu.memory_space<vmem_shared>> -> memref<6256x16xf32, #tpu.memory_space<vmem_shared>>
        tpu.wait_dma2 semaphore(%run_scoped3A : memref<!tpu.dma_semaphore, #tpu.memory_space<semaphore_mem>>) src(%dma_wait3A_56 : memref<6256x16xf32, #tpu.memory_space<vmem_shared>>) dst(%dma_wait3A_54 : memref<6256x16xf32, #tpu.memory_space<hbm>>)
        tpu.yield
      }) : () -> ()
    } else {
    }
    %eq3A_40 = arith.constant 15 : i32
    %eq3A_41 = arith.cmpi eq, %arg1, %eq3A_40 : i32
    %convert_element_type3A_42 = arith.extui %eq3A_41 : i1 to i32
    %cond3A_43 = arith.constant 0 : i32
    %cond3A_44 = arith.cmpi ne, %convert_element_type3A_42, %cond3A_43 : i32
    scf.if %cond3A_44 {
      "tpu.region"() ({
        %run_scoped3A = tpu.sem_alloc : memref<!tpu.dma_semaphore, #tpu.memory_space<semaphore_mem>>
        %dma_start3A = arith.constant 93840 : i32
        %dma_start3A_45 = arith.constant 0 : i32
        %dma_start3A_46 = tpu.memref_slice %arg9[%arg0, %dma_start3A, %dma_start3A_45] : memref<2x100000x16xf32, #tpu.memory_space<hbm>> -> memref<1x6160x16xf32, #tpu.memory_space<hbm>>
        %dma_start3A_47 = tpu.memref_squeeze %dma_start3A_46 : memref<1x6160x16xf32, #tpu.memory_space<hbm>> -> memref<6160x16xf32, #tpu.memory_space<hbm>>
        %dma_start3A_48 = arith.constant 93840 : i32
        %dma_start3A_49 = arith.constant 0 : i32
        %dma_start3A_50 = tpu.memref_slice %arg10[%dma_start3A_48, %dma_start3A_49] : memref<100008x16xf32, #tpu.memory_space<vmem_shared>> -> memref<6160x16xf32, #tpu.memory_space<vmem_shared>>
        tpu.enqueue_dma source(%dma_start3A_50 : memref<6160x16xf32, #tpu.memory_space<vmem_shared>>) target(%dma_start3A_47 : memref<6160x16xf32, #tpu.memory_space<hbm>>) target_semaphore(%run_scoped3A : memref<!tpu.dma_semaphore, #tpu.memory_space<semaphore_mem>>)
        %dma_wait3A = arith.constant 93840 : i32
        %dma_wait3A_51 = arith.constant 0 : i32
        %dma_wait3A_52 = tpu.memref_slice %arg9[%arg0, %dma_wait3A, %dma_wait3A_51] : memref<2x100000x16xf32, #tpu.memory_space<hbm>> -> memref<1x6160x16xf32, #tpu.memory_space<hbm>>
        %dma_wait3A_53 = tpu.memref_squeeze %dma_wait3A_52 : memref<1x6160x16xf32, #tpu.memory_space<hbm>> -> memref<6160x16xf32, #tpu.memory_space<hbm>>
        %dma_wait3A_54 = arith.constant 93840 : i32
        %dma_wait3A_55 = arith.constant 0 : i32
        %dma_wait3A_56 = tpu.memref_slice %arg10[%dma_wait3A_54, %dma_wait3A_55] : memref<100008x16xf32, #tpu.memory_space<vmem_shared>> -> memref<6160x16xf32, #tpu.memory_space<vmem_shared>>
        tpu.wait_dma2 semaphore(%run_scoped3A : memref<!tpu.dma_semaphore, #tpu.memory_space<semaphore_mem>>) src(%dma_wait3A_56 : memref<6160x16xf32, #tpu.memory_space<vmem_shared>>) dst(%dma_wait3A_53 : memref<6160x16xf32, #tpu.memory_space<hbm>>)
        tpu.yield
      }) : () -> ()
    } else {
    }
    return
  }
}

#map = affine_map<(d0, d1) -> (0, 0)>
#map1 = affine_map<(d0, d1) -> (0, 0, 0)>
module attributes {stable_mosaic.version = 14 : i64} {
  func.func @_edge_body(%arg0: i32, %arg1: i32, %arg2: memref<200000x16xf32, #tpu.memory_space<hbm>>, %arg3: memref<12544x128xi32, #tpu.memory_space<hbm>>, %arg4: memref<12544x128xi32, #tpu.memory_space<hbm>>, %arg5: memref<401408x16xf32, #tpu.memory_space<hbm>>, %arg6: memref<2x4x16xf32, #tpu.memory_space<hbm>>, %arg7: memref<2x16xf32, #tpu.memory_space<hbm>>, %arg8: memref<6256x16xf32, #tpu.memory_space<hbm>>, %arg9: memref<2x100000x16xf32, #tpu.memory_space<hbm>>, %arg10: memref<100008x16xf32, #tpu.memory_space<vmem_shared>>, %arg11: memref<4x128xi32, #tpu.memory_space<vmem>>, %arg12: memref<4x128xi32, #tpu.memory_space<vmem>>, %arg13: memref<128x16xf32, #tpu.memory_space<vmem>>, %arg14: memref<512x16xf32, #tpu.memory_space<vmem>>, %arg15: memref<4x16xf32, #tpu.memory_space<vmem>>, %arg16: memref<16xf32, #tpu.memory_space<vmem>>, %arg17: memref<!tpu.dma_semaphore, #tpu.memory_space<semaphore_mem>>, %arg18: memref<!tpu.dma_semaphore, #tpu.memory_space<semaphore_mem>>) attributes {dimension_semantics = [#tpu.dimension_semantics<core_parallel>, #tpu.dimension_semantics<subcore_parallel>], iteration_bounds = array<i64: 2, 16>, scalar_prefetch = 0 : i64, scratch_operands = 9 : i64, tpu.core_type = #tpu.core_type<sc_vector_subcore>, window_params = [{transform_indices = #map}, {transform_indices = #map}, {transform_indices = #map}, {transform_indices = #map}, {transform_indices = #map1}, {transform_indices = #map}, {transform_indices = #map}, {transform_indices = #map1}]} {
    %lt3A = arith.constant 15 : i32
    %lt3A_0 = arith.cmpi slt, %arg1, %lt3A : i32
    %convert_element_type3A = arith.extui %lt3A_0 : i1 to i32
    %cond3A = arith.constant 0 : i32
    %cond3A_1 = arith.cmpi ne, %convert_element_type3A, %cond3A : i32
    scf.if %cond3A_1 {
      %mul3A_45 = arith.constant 6256 : i32
      %mul3A_46 = arith.muli %arg1, %mul3A_45 : i32
      "tpu.region"() ({
        %run_scoped3A = tpu.sem_alloc : memref<!tpu.dma_semaphore, #tpu.memory_space<semaphore_mem>>
        %dma_start3A = arith.constant 0 : i32
        %dma_start3A_47 = tpu.memref_slice %arg10[%mul3A_46, %dma_start3A] : memref<100008x16xf32, #tpu.memory_space<vmem_shared>> -> memref<6256x16xf32, #tpu.memory_space<vmem_shared>>
        tpu.enqueue_dma source(%arg8 : memref<6256x16xf32, #tpu.memory_space<hbm>>) target(%dma_start3A_47 : memref<6256x16xf32, #tpu.memory_space<vmem_shared>>) target_semaphore(%run_scoped3A : memref<!tpu.dma_semaphore, #tpu.memory_space<semaphore_mem>>)
        %dma_wait3A = arith.constant 0 : i32
        %dma_wait3A_48 = tpu.memref_slice %arg10[%mul3A_46, %dma_wait3A] : memref<100008x16xf32, #tpu.memory_space<vmem_shared>> -> memref<6256x16xf32, #tpu.memory_space<vmem_shared>>
        tpu.wait_dma2 semaphore(%run_scoped3A : memref<!tpu.dma_semaphore, #tpu.memory_space<semaphore_mem>>) src(%arg8 : memref<6256x16xf32, #tpu.memory_space<hbm>>) dst(%dma_wait3A_48 : memref<6256x16xf32, #tpu.memory_space<vmem_shared>>)
        tpu.yield
      }) : () -> ()
    } else {
    }
    %eq3A = arith.constant 15 : i32
    %eq3A_2 = arith.cmpi eq, %arg1, %eq3A : i32
    %convert_element_type3A_3 = arith.extui %eq3A_2 : i1 to i32
    %cond3A_4 = arith.constant 0 : i32
    %cond3A_5 = arith.cmpi ne, %convert_element_type3A_3, %cond3A_4 : i32
    scf.if %cond3A_5 {
      "tpu.region"() ({
        %run_scoped3A = tpu.sem_alloc : memref<!tpu.dma_semaphore, #tpu.memory_space<semaphore_mem>>
        %dma_start3A = arith.constant 93840 : i32
        %dma_start3A_45 = arith.constant 0 : i32
        %dma_start3A_46 = tpu.memref_slice %arg10[%dma_start3A, %dma_start3A_45] : memref<100008x16xf32, #tpu.memory_space<vmem_shared>> -> memref<6168x16xf32, #tpu.memory_space<vmem_shared>>
        %dma_start3A_47 = arith.constant 0 : i32
        %dma_start3A_48 = arith.constant 0 : i32
        %dma_start3A_49 = tpu.memref_slice %arg8[%dma_start3A_47, %dma_start3A_48] : memref<6256x16xf32, #tpu.memory_space<hbm>> -> memref<6168x16xf32, #tpu.memory_space<hbm>>
        tpu.enqueue_dma source(%dma_start3A_49 : memref<6168x16xf32, #tpu.memory_space<hbm>>) target(%dma_start3A_46 : memref<6168x16xf32, #tpu.memory_space<vmem_shared>>) target_semaphore(%run_scoped3A : memref<!tpu.dma_semaphore, #tpu.memory_space<semaphore_mem>>)
        %dma_wait3A = arith.constant 93840 : i32
        %dma_wait3A_50 = arith.constant 0 : i32
        %dma_wait3A_51 = tpu.memref_slice %arg10[%dma_wait3A, %dma_wait3A_50] : memref<100008x16xf32, #tpu.memory_space<vmem_shared>> -> memref<6168x16xf32, #tpu.memory_space<vmem_shared>>
        %dma_wait3A_52 = arith.constant 0 : i32
        %dma_wait3A_53 = arith.constant 0 : i32
        %dma_wait3A_54 = tpu.memref_slice %arg8[%dma_wait3A_52, %dma_wait3A_53] : memref<6256x16xf32, #tpu.memory_space<hbm>> -> memref<6168x16xf32, #tpu.memory_space<hbm>>
        tpu.wait_dma2 semaphore(%run_scoped3A : memref<!tpu.dma_semaphore, #tpu.memory_space<semaphore_mem>>) src(%dma_wait3A_54 : memref<6168x16xf32, #tpu.memory_space<hbm>>) dst(%dma_wait3A_51 : memref<6168x16xf32, #tpu.memory_space<vmem_shared>>)
        tpu.yield
      }) : () -> ()
    } else {
    }
    "tpu.region"() ({
      %run_scoped3A = tpu.sem_alloc : memref<!tpu.dma_semaphore, #tpu.memory_space<semaphore_mem>>
      %dma_start3A = arith.constant 0 : i32
      %dma_start3A_45 = arith.constant 0 : i32
      %dma_start3A_46 = tpu.memref_slice %arg6[%arg0, %dma_start3A, %dma_start3A_45] : memref<2x4x16xf32, #tpu.memory_space<hbm>> -> memref<1x4x16xf32, #tpu.memory_space<hbm>>
      %dma_start3A_47 = tpu.memref_squeeze %dma_start3A_46 : memref<1x4x16xf32, #tpu.memory_space<hbm>> -> memref<4x16xf32, #tpu.memory_space<hbm>>
      %dma_start3A_48 = arith.constant 0 : i32
      %dma_start3A_49 = arith.constant 0 : i32
      %dma_start3A_50 = tpu.memref_slice %arg6[%arg0, %dma_start3A_48, %dma_start3A_49] : memref<2x4x16xf32, #tpu.memory_space<hbm>> -> memref<1x4x16xf32, #tpu.memory_space<hbm>>
      %dma_start3A_51 = tpu.memref_squeeze %dma_start3A_50 : memref<1x4x16xf32, #tpu.memory_space<hbm>> -> memref<4x16xf32, #tpu.memory_space<hbm>>
      tpu.enqueue_dma source(%dma_start3A_51 : memref<4x16xf32, #tpu.memory_space<hbm>>) target(%arg15 : memref<4x16xf32, #tpu.memory_space<vmem>>) target_semaphore(%run_scoped3A : memref<!tpu.dma_semaphore, #tpu.memory_space<semaphore_mem>>)
      %dma_wait3A = arith.constant 0 : i32
      %dma_wait3A_52 = arith.constant 0 : i32
      %dma_wait3A_53 = tpu.memref_slice %arg6[%arg0, %dma_wait3A, %dma_wait3A_52] : memref<2x4x16xf32, #tpu.memory_space<hbm>> -> memref<1x4x16xf32, #tpu.memory_space<hbm>>
      %dma_wait3A_54 = tpu.memref_squeeze %dma_wait3A_53 : memref<1x4x16xf32, #tpu.memory_space<hbm>> -> memref<4x16xf32, #tpu.memory_space<hbm>>
      %dma_wait3A_55 = arith.constant 0 : i32
      %dma_wait3A_56 = arith.constant 0 : i32
      %dma_wait3A_57 = tpu.memref_slice %arg6[%arg0, %dma_wait3A_55, %dma_wait3A_56] : memref<2x4x16xf32, #tpu.memory_space<hbm>> -> memref<1x4x16xf32, #tpu.memory_space<hbm>>
      %dma_wait3A_58 = tpu.memref_squeeze %dma_wait3A_57 : memref<1x4x16xf32, #tpu.memory_space<hbm>> -> memref<4x16xf32, #tpu.memory_space<hbm>>
      tpu.wait_dma2 semaphore(%run_scoped3A : memref<!tpu.dma_semaphore, #tpu.memory_space<semaphore_mem>>) src(%dma_wait3A_58 : memref<4x16xf32, #tpu.memory_space<hbm>>) dst(%arg15 : memref<4x16xf32, #tpu.memory_space<vmem>>)
      tpu.yield
    }) : () -> ()
    "tpu.region"() ({
      %run_scoped3A = tpu.sem_alloc : memref<!tpu.dma_semaphore, #tpu.memory_space<semaphore_mem>>
      %dma_start3A = arith.constant 0 : i32
      %dma_start3A_45 = tpu.memref_slice %arg7[%arg0, %dma_start3A] : memref<2x16xf32, #tpu.memory_space<hbm>> -> memref<1x16xf32, #tpu.memory_space<hbm>>
      %dma_start3A_46 = tpu.memref_squeeze %dma_start3A_45 : memref<1x16xf32, #tpu.memory_space<hbm>> -> memref<16xf32, #tpu.memory_space<hbm>>
      %dma_start3A_47 = arith.constant 0 : i32
      %dma_start3A_48 = tpu.memref_slice %arg7[%arg0, %dma_start3A_47] : memref<2x16xf32, #tpu.memory_space<hbm>> -> memref<1x16xf32, #tpu.memory_space<hbm>>
      %dma_start3A_49 = tpu.memref_squeeze %dma_start3A_48 : memref<1x16xf32, #tpu.memory_space<hbm>> -> memref<16xf32, #tpu.memory_space<hbm>>
      tpu.enqueue_dma source(%dma_start3A_49 : memref<16xf32, #tpu.memory_space<hbm>>) target(%arg16 : memref<16xf32, #tpu.memory_space<vmem>>) target_semaphore(%run_scoped3A : memref<!tpu.dma_semaphore, #tpu.memory_space<semaphore_mem>>)
      %dma_wait3A = arith.constant 0 : i32
      %dma_wait3A_50 = tpu.memref_slice %arg7[%arg0, %dma_wait3A] : memref<2x16xf32, #tpu.memory_space<hbm>> -> memref<1x16xf32, #tpu.memory_space<hbm>>
      %dma_wait3A_51 = tpu.memref_squeeze %dma_wait3A_50 : memref<1x16xf32, #tpu.memory_space<hbm>> -> memref<16xf32, #tpu.memory_space<hbm>>
      %dma_wait3A_52 = arith.constant 0 : i32
      %dma_wait3A_53 = tpu.memref_slice %arg7[%arg0, %dma_wait3A_52] : memref<2x16xf32, #tpu.memory_space<hbm>> -> memref<1x16xf32, #tpu.memory_space<hbm>>
      %dma_wait3A_54 = tpu.memref_squeeze %dma_wait3A_53 : memref<1x16xf32, #tpu.memory_space<hbm>> -> memref<16xf32, #tpu.memory_space<hbm>>
      tpu.wait_dma2 semaphore(%run_scoped3A : memref<!tpu.dma_semaphore, #tpu.memory_space<semaphore_mem>>) src(%dma_wait3A_54 : memref<16xf32, #tpu.memory_space<hbm>>) dst(%arg16 : memref<16xf32, #tpu.memory_space<vmem>>)
      tpu.yield
    }) : () -> ()
    %barrier3A = arith.constant 0 : index
    tpu.barrier barrier_id(%barrier3A)
    %get3A = arith.constant 0 : i32
    %get3A_6 = arith.index_cast %get3A : i32 to index
    %get3A_7 = arith.constant 0 : index
    %get3A_8 = tpu.vector_load %arg15[%get3A_6, %get3A_7] {strides = array<i32>} : memref<4x16xf32, #tpu.memory_space<vmem>>, vector<1x16xf32>,
    %get3A_9 = vector.shape_cast %get3A_8 : vector<1x16xf32> to vector<16xf32>
    %get3A_10 = arith.constant 1 : i32
    %get3A_11 = arith.index_cast %get3A_10 : i32 to index
    %get3A_12 = arith.constant 0 : index
    %get3A_13 = tpu.vector_load %arg15[%get3A_11, %get3A_12] {strides = array<i32>} : memref<4x16xf32, #tpu.memory_space<vmem>>, vector<1x16xf32>,
    %get3A_14 = vector.shape_cast %get3A_13 : vector<1x16xf32> to vector<16xf32>
    %get3A_15 = arith.constant 2 : i32
    %get3A_16 = arith.index_cast %get3A_15 : i32 to index
    %get3A_17 = arith.constant 0 : index
    %get3A_18 = tpu.vector_load %arg15[%get3A_16, %get3A_17] {strides = array<i32>} : memref<4x16xf32, #tpu.memory_space<vmem>>, vector<1x16xf32>,
    %get3A_19 = vector.shape_cast %get3A_18 : vector<1x16xf32> to vector<16xf32>
    %get3A_20 = arith.constant 3 : i32
    %get3A_21 = arith.index_cast %get3A_20 : i32 to index
    %get3A_22 = arith.constant 0 : index
    %get3A_23 = tpu.vector_load %arg15[%get3A_21, %get3A_22] {strides = array<i32>} : memref<4x16xf32, #tpu.memory_space<vmem>>, vector<1x16xf32>,
    %get3A_24 = vector.shape_cast %get3A_23 : vector<1x16xf32> to vector<16xf32>
    %get3A_25 = arith.constant 0 : index
    %get3A_26 = tpu.vector_load %arg16[%get3A_25] {strides = array<i32>} : memref<16xf32, #tpu.memory_space<vmem>>, vector<16xf32>,
    %get3A_27 = vector.shape_cast %get3A_26 : vector<16xf32> to vector<16xf32>
    %mul3A = arith.constant 784 : i32
    %mul3A_28 = arith.muli %arg1, %mul3A : i32
    %scan3A = arith.constant 0 : i32
    %scan3A_29 = arith.constant 0 : i32
    %scan3A_30 = arith.constant 196 : i32
    %scan3A_31 = arith.addi %scan3A_29, %scan3A_30 : i32
    %scan3A_32 = arith.constant 1 : i32
    scf.for %scan3A_45 = %scan3A_29 to %scan3A_31 step %scan3A_32  : i32 {
      %mul3A_46 = arith.constant 4 : i32
      %mul3A_47 = arith.muli %scan3A_45, %mul3A_46 : i32
      %add3A = arith.addi %mul3A_28, %mul3A_47 : i32
      "tpu.region"() ({
        %run_scoped3A = tpu.sem_alloc : memref<!tpu.dma_semaphore, #tpu.memory_space<semaphore_mem>>
        %dma_start3A_220 = arith.constant 0 : i32
        %dma_start3A_221 = tpu.memref_slice %arg3[%add3A, %dma_start3A_220] : memref<12544x128xi32, #tpu.memory_space<hbm>> -> memref<4x128xi32, #tpu.memory_space<hbm>>
        %dma_start3A_222 = arith.constant 0 : i32
        %dma_start3A_223 = tpu.memref_slice %arg3[%add3A, %dma_start3A_222] : memref<12544x128xi32, #tpu.memory_space<hbm>> -> memref<4x128xi32, #tpu.memory_space<hbm>>
        tpu.enqueue_dma source(%dma_start3A_223 : memref<4x128xi32, #tpu.memory_space<hbm>>) target(%arg11 : memref<4x128xi32, #tpu.memory_space<vmem>>) target_semaphore(%run_scoped3A : memref<!tpu.dma_semaphore, #tpu.memory_space<semaphore_mem>>)
        %dma_wait3A_224 = arith.constant 0 : i32
        %dma_wait3A_225 = tpu.memref_slice %arg3[%add3A, %dma_wait3A_224] : memref<12544x128xi32, #tpu.memory_space<hbm>> -> memref<4x128xi32, #tpu.memory_space<hbm>>
        %dma_wait3A_226 = arith.constant 0 : i32
        %dma_wait3A_227 = tpu.memref_slice %arg3[%add3A, %dma_wait3A_226] : memref<12544x128xi32, #tpu.memory_space<hbm>> -> memref<4x128xi32, #tpu.memory_space<hbm>>
        tpu.wait_dma2 semaphore(%run_scoped3A : memref<!tpu.dma_semaphore, #tpu.memory_space<semaphore_mem>>) src(%dma_wait3A_227 : memref<4x128xi32, #tpu.memory_space<hbm>>) dst(%arg11 : memref<4x128xi32, #tpu.memory_space<vmem>>)
        tpu.yield
      }) : () -> ()
      "tpu.region"() ({
        %run_scoped3A = tpu.sem_alloc : memref<!tpu.dma_semaphore, #tpu.memory_space<semaphore_mem>>
        %dma_start3A_220 = arith.constant 0 : i32
        %dma_start3A_221 = tpu.memref_slice %arg4[%add3A, %dma_start3A_220] : memref<12544x128xi32, #tpu.memory_space<hbm>> -> memref<4x128xi32, #tpu.memory_space<hbm>>
        %dma_start3A_222 = arith.constant 0 : i32
        %dma_start3A_223 = tpu.memref_slice %arg4[%add3A, %dma_start3A_222] : memref<12544x128xi32, #tpu.memory_space<hbm>> -> memref<4x128xi32, #tpu.memory_space<hbm>>
        tpu.enqueue_dma source(%dma_start3A_223 : memref<4x128xi32, #tpu.memory_space<hbm>>) target(%arg12 : memref<4x128xi32, #tpu.memory_space<vmem>>) target_semaphore(%run_scoped3A : memref<!tpu.dma_semaphore, #tpu.memory_space<semaphore_mem>>)
        %dma_wait3A_224 = arith.constant 0 : i32
        %dma_wait3A_225 = tpu.memref_slice %arg4[%add3A, %dma_wait3A_224] : memref<12544x128xi32, #tpu.memory_space<hbm>> -> memref<4x128xi32, #tpu.memory_space<hbm>>
        %dma_wait3A_226 = arith.constant 0 : i32
        %dma_wait3A_227 = tpu.memref_slice %arg4[%add3A, %dma_wait3A_226] : memref<12544x128xi32, #tpu.memory_space<hbm>> -> memref<4x128xi32, #tpu.memory_space<hbm>>
        tpu.wait_dma2 semaphore(%run_scoped3A : memref<!tpu.dma_semaphore, #tpu.memory_space<semaphore_mem>>) src(%dma_wait3A_227 : memref<4x128xi32, #tpu.memory_space<hbm>>) dst(%arg12 : memref<4x128xi32, #tpu.memory_space<vmem>>)
        tpu.yield
      }) : () -> ()
      %mul3A_48 = arith.constant 32 : i32
      %mul3A_49 = arith.muli %add3A, %mul3A_48 : i32
      "tpu.region"() ({
        %run_scoped3A = tpu.sem_alloc : memref<!tpu.dma_semaphore, #tpu.memory_space<semaphore_mem>>
        %dma_start3A_220 = arith.constant 0 : i32
        %dma_start3A_221 = tpu.memref_slice %arg5[%mul3A_49, %dma_start3A_220] : memref<401408x16xf32, #tpu.memory_space<hbm>> -> memref<128x16xf32, #tpu.memory_space<hbm>>
        %dma_start3A_222 = arith.constant 0 : i32
        %dma_start3A_223 = tpu.memref_slice %arg5[%mul3A_49, %dma_start3A_222] : memref<401408x16xf32, #tpu.memory_space<hbm>> -> memref<128x16xf32, #tpu.memory_space<hbm>>
        tpu.enqueue_dma source(%dma_start3A_223 : memref<128x16xf32, #tpu.memory_space<hbm>>) target(%arg13 : memref<128x16xf32, #tpu.memory_space<vmem>>) target_semaphore(%run_scoped3A : memref<!tpu.dma_semaphore, #tpu.memory_space<semaphore_mem>>)
        %dma_wait3A_224 = arith.constant 0 : i32
        %dma_wait3A_225 = tpu.memref_slice %arg5[%mul3A_49, %dma_wait3A_224] : memref<401408x16xf32, #tpu.memory_space<hbm>> -> memref<128x16xf32, #tpu.memory_space<hbm>>
        %dma_wait3A_226 = arith.constant 0 : i32
        %dma_wait3A_227 = tpu.memref_slice %arg5[%mul3A_49, %dma_wait3A_226] : memref<401408x16xf32, #tpu.memory_space<hbm>> -> memref<128x16xf32, #tpu.memory_space<hbm>>
        tpu.wait_dma2 semaphore(%run_scoped3A : memref<!tpu.dma_semaphore, #tpu.memory_space<semaphore_mem>>) src(%dma_wait3A_227 : memref<128x16xf32, #tpu.memory_space<hbm>>) dst(%arg13 : memref<128x16xf32, #tpu.memory_space<vmem>>)
        tpu.yield
      }) : () -> ()
      %scan3A_50 = arith.constant 0 : i32
      %scan3A_51 = arith.constant 0 : i32
      %scan3A_52 = arith.constant 4 : i32
      %scan3A_53 = arith.addi %scan3A_51, %scan3A_52 : i32
      %scan3A_54 = arith.constant 1 : i32
      scf.for %scan3A_220 = %scan3A_51 to %scan3A_53 step %scan3A_54  : i32 {
        %get3A_221 = arith.index_cast %scan3A_220 : i32 to index
        %get3A_222 = arith.constant 0 : index
        %get3A_223 = tpu.vector_load %arg11[%get3A_221, %get3A_222] {strides = array<i32>} : memref<4x128xi32, #tpu.memory_space<vmem>>, vector<1x16xi32>,
        %get3A_224 = vector.shape_cast %get3A_223 : vector<1x16xi32> to vector<16xi32>
        %mul3A_225 = arith.constant 2 : i32
        %mul3A_226 = vector.broadcast %mul3A_225 : i32 to vector<16xi32>
        %mul3A_227 = arith.muli %get3A_224, %mul3A_226 : vector<16xi32>
        %add3A_228 = vector.broadcast %arg0 : i32 to vector<16xi32>
        %add3A_229 = arith.addi %mul3A_227, %add3A_228 : vector<16xi32>
        %swap3A = arith.index_cast %scan3A_220 : i32 to index
        %swap3A_230 = arith.constant 0 : index
        %swap3A_231 = tpu.vector_load %arg11[%swap3A, %swap3A_230] {strides = array<i32>} : memref<4x128xi32, #tpu.memory_space<vmem>>, vector<1x16xi32>,
        %swap3A_232 = vector.shape_cast %swap3A_231 : vector<1x16xi32> to vector<16xi32>
        %swap3A_233 = vector.shape_cast %add3A_229 : vector<16xi32> to vector<1x16xi32>
        tpu.vector_store %arg11[%swap3A, %swap3A_230], %swap3A_233 {strides = array<i32>} : memref<4x128xi32, #tpu.memory_space<vmem>>, vector<1x16xi32>,
        %get3A_234 = arith.index_cast %scan3A_220 : i32 to index
        %get3A_235 = arith.constant 16 : index
        %get3A_236 = tpu.vector_load %arg11[%get3A_234, %get3A_235] {strides = array<i32>} : memref<4x128xi32, #tpu.memory_space<vmem>>, vector<1x16xi32>,
        %get3A_237 = vector.shape_cast %get3A_236 : vector<1x16xi32> to vector<16xi32>
        %mul3A_238 = arith.constant 2 : i32
        %mul3A_239 = vector.broadcast %mul3A_238 : i32 to vector<16xi32>
        %mul3A_240 = arith.muli %get3A_237, %mul3A_239 : vector<16xi32>
        %add3A_241 = vector.broadcast %arg0 : i32 to vector<16xi32>
        %add3A_242 = arith.addi %mul3A_240, %add3A_241 : vector<16xi32>
        %swap3A_243 = arith.index_cast %scan3A_220 : i32 to index
        %swap3A_244 = arith.constant 16 : index
        %swap3A_245 = tpu.vector_load %arg11[%swap3A_243, %swap3A_244] {strides = array<i32>} : memref<4x128xi32, #tpu.memory_space<vmem>>, vector<1x16xi32>,
        %swap3A_246 = vector.shape_cast %swap3A_245 : vector<1x16xi32> to vector<16xi32>
        %swap3A_247 = vector.shape_cast %add3A_242 : vector<16xi32> to vector<1x16xi32>
        tpu.vector_store %arg11[%swap3A_243, %swap3A_244], %swap3A_247 {strides = array<i32>} : memref<4x128xi32, #tpu.memory_space<vmem>>, vector<1x16xi32>,
        %get3A_248 = arith.index_cast %scan3A_220 : i32 to index
        %get3A_249 = arith.constant 32 : index
        %get3A_250 = tpu.vector_load %arg11[%get3A_248, %get3A_249] {strides = array<i32>} : memref<4x128xi32, #tpu.memory_space<vmem>>, vector<1x16xi32>,
        %get3A_251 = vector.shape_cast %get3A_250 : vector<1x16xi32> to vector<16xi32>
        %mul3A_252 = arith.constant 2 : i32
        %mul3A_253 = vector.broadcast %mul3A_252 : i32 to vector<16xi32>
        %mul3A_254 = arith.muli %get3A_251, %mul3A_253 : vector<16xi32>
        %add3A_255 = vector.broadcast %arg0 : i32 to vector<16xi32>
        %add3A_256 = arith.addi %mul3A_254, %add3A_255 : vector<16xi32>
        %swap3A_257 = arith.index_cast %scan3A_220 : i32 to index
        %swap3A_258 = arith.constant 32 : index
        %swap3A_259 = tpu.vector_load %arg11[%swap3A_257, %swap3A_258] {strides = array<i32>} : memref<4x128xi32, #tpu.memory_space<vmem>>, vector<1x16xi32>,
        %swap3A_260 = vector.shape_cast %swap3A_259 : vector<1x16xi32> to vector<16xi32>
        %swap3A_261 = vector.shape_cast %add3A_256 : vector<16xi32> to vector<1x16xi32>
        tpu.vector_store %arg11[%swap3A_257, %swap3A_258], %swap3A_261 {strides = array<i32>} : memref<4x128xi32, #tpu.memory_space<vmem>>, vector<1x16xi32>,
        %get3A_262 = arith.index_cast %scan3A_220 : i32 to index
        %get3A_263 = arith.constant 48 : index
        %get3A_264 = tpu.vector_load %arg11[%get3A_262, %get3A_263] {strides = array<i32>} : memref<4x128xi32, #tpu.memory_space<vmem>>, vector<1x16xi32>,
        %get3A_265 = vector.shape_cast %get3A_264 : vector<1x16xi32> to vector<16xi32>
        %mul3A_266 = arith.constant 2 : i32
        %mul3A_267 = vector.broadcast %mul3A_266 : i32 to vector<16xi32>
        %mul3A_268 = arith.muli %get3A_265, %mul3A_267 : vector<16xi32>
        %add3A_269 = vector.broadcast %arg0 : i32 to vector<16xi32>
        %add3A_270 = arith.addi %mul3A_268, %add3A_269 : vector<16xi32>
        %swap3A_271 = arith.index_cast %scan3A_220 : i32 to index
        %swap3A_272 = arith.constant 48 : index
        %swap3A_273 = tpu.vector_load %arg11[%swap3A_271, %swap3A_272] {strides = array<i32>} : memref<4x128xi32, #tpu.memory_space<vmem>>, vector<1x16xi32>,
        %swap3A_274 = vector.shape_cast %swap3A_273 : vector<1x16xi32> to vector<16xi32>
        %swap3A_275 = vector.shape_cast %add3A_270 : vector<16xi32> to vector<1x16xi32>
        tpu.vector_store %arg11[%swap3A_271, %swap3A_272], %swap3A_275 {strides = array<i32>} : memref<4x128xi32, #tpu.memory_space<vmem>>, vector<1x16xi32>,
        %get3A_276 = arith.index_cast %scan3A_220 : i32 to index
        %get3A_277 = arith.constant 64 : index
        %get3A_278 = tpu.vector_load %arg11[%get3A_276, %get3A_277] {strides = array<i32>} : memref<4x128xi32, #tpu.memory_space<vmem>>, vector<1x16xi32>,
        %get3A_279 = vector.shape_cast %get3A_278 : vector<1x16xi32> to vector<16xi32>
        %mul3A_280 = arith.constant 2 : i32
        %mul3A_281 = vector.broadcast %mul3A_280 : i32 to vector<16xi32>
        %mul3A_282 = arith.muli %get3A_279, %mul3A_281 : vector<16xi32>
        %add3A_283 = vector.broadcast %arg0 : i32 to vector<16xi32>
        %add3A_284 = arith.addi %mul3A_282, %add3A_283 : vector<16xi32>
        %swap3A_285 = arith.index_cast %scan3A_220 : i32 to index
        %swap3A_286 = arith.constant 64 : index
        %swap3A_287 = tpu.vector_load %arg11[%swap3A_285, %swap3A_286] {strides = array<i32>} : memref<4x128xi32, #tpu.memory_space<vmem>>, vector<1x16xi32>,
        %swap3A_288 = vector.shape_cast %swap3A_287 : vector<1x16xi32> to vector<16xi32>
        %swap3A_289 = vector.shape_cast %add3A_284 : vector<16xi32> to vector<1x16xi32>
        tpu.vector_store %arg11[%swap3A_285, %swap3A_286], %swap3A_289 {strides = array<i32>} : memref<4x128xi32, #tpu.memory_space<vmem>>, vector<1x16xi32>,
        %get3A_290 = arith.index_cast %scan3A_220 : i32 to index
        %get3A_291 = arith.constant 80 : index
        %get3A_292 = tpu.vector_load %arg11[%get3A_290, %get3A_291] {strides = array<i32>} : memref<4x128xi32, #tpu.memory_space<vmem>>, vector<1x16xi32>,
        %get3A_293 = vector.shape_cast %get3A_292 : vector<1x16xi32> to vector<16xi32>
        %mul3A_294 = arith.constant 2 : i32
        %mul3A_295 = vector.broadcast %mul3A_294 : i32 to vector<16xi32>
        %mul3A_296 = arith.muli %get3A_293, %mul3A_295 : vector<16xi32>
        %add3A_297 = vector.broadcast %arg0 : i32 to vector<16xi32>
        %add3A_298 = arith.addi %mul3A_296, %add3A_297 : vector<16xi32>
        %swap3A_299 = arith.index_cast %scan3A_220 : i32 to index
        %swap3A_300 = arith.constant 80 : index
        %swap3A_301 = tpu.vector_load %arg11[%swap3A_299, %swap3A_300] {strides = array<i32>} : memref<4x128xi32, #tpu.memory_space<vmem>>, vector<1x16xi32>,
        %swap3A_302 = vector.shape_cast %swap3A_301 : vector<1x16xi32> to vector<16xi32>
        %swap3A_303 = vector.shape_cast %add3A_298 : vector<16xi32> to vector<1x16xi32>
        tpu.vector_store %arg11[%swap3A_299, %swap3A_300], %swap3A_303 {strides = array<i32>} : memref<4x128xi32, #tpu.memory_space<vmem>>, vector<1x16xi32>,
        %get3A_304 = arith.index_cast %scan3A_220 : i32 to index
        %get3A_305 = arith.constant 96 : index
        %get3A_306 = tpu.vector_load %arg11[%get3A_304, %get3A_305] {strides = array<i32>} : memref<4x128xi32, #tpu.memory_space<vmem>>, vector<1x16xi32>,
        %get3A_307 = vector.shape_cast %get3A_306 : vector<1x16xi32> to vector<16xi32>
        %mul3A_308 = arith.constant 2 : i32
        %mul3A_309 = vector.broadcast %mul3A_308 : i32 to vector<16xi32>
        %mul3A_310 = arith.muli %get3A_307, %mul3A_309 : vector<16xi32>
        %add3A_311 = vector.broadcast %arg0 : i32 to vector<16xi32>
        %add3A_312 = arith.addi %mul3A_310, %add3A_311 : vector<16xi32>
        %swap3A_313 = arith.index_cast %scan3A_220 : i32 to index
        %swap3A_314 = arith.constant 96 : index
        %swap3A_315 = tpu.vector_load %arg11[%swap3A_313, %swap3A_314] {strides = array<i32>} : memref<4x128xi32, #tpu.memory_space<vmem>>, vector<1x16xi32>,
        %swap3A_316 = vector.shape_cast %swap3A_315 : vector<1x16xi32> to vector<16xi32>
        %swap3A_317 = vector.shape_cast %add3A_312 : vector<16xi32> to vector<1x16xi32>
        tpu.vector_store %arg11[%swap3A_313, %swap3A_314], %swap3A_317 {strides = array<i32>} : memref<4x128xi32, #tpu.memory_space<vmem>>, vector<1x16xi32>,
        %get3A_318 = arith.index_cast %scan3A_220 : i32 to index
        %get3A_319 = arith.constant 112 : index
        %get3A_320 = tpu.vector_load %arg11[%get3A_318, %get3A_319] {strides = array<i32>} : memref<4x128xi32, #tpu.memory_space<vmem>>, vector<1x16xi32>,
        %get3A_321 = vector.shape_cast %get3A_320 : vector<1x16xi32> to vector<16xi32>
        %mul3A_322 = arith.constant 2 : i32
        %mul3A_323 = vector.broadcast %mul3A_322 : i32 to vector<16xi32>
        %mul3A_324 = arith.muli %get3A_321, %mul3A_323 : vector<16xi32>
        %add3A_325 = vector.broadcast %arg0 : i32 to vector<16xi32>
        %add3A_326 = arith.addi %mul3A_324, %add3A_325 : vector<16xi32>
        %swap3A_327 = arith.index_cast %scan3A_220 : i32 to index
        %swap3A_328 = arith.constant 112 : index
        %swap3A_329 = tpu.vector_load %arg11[%swap3A_327, %swap3A_328] {strides = array<i32>} : memref<4x128xi32, #tpu.memory_space<vmem>>, vector<1x16xi32>,
        %swap3A_330 = vector.shape_cast %swap3A_329 : vector<1x16xi32> to vector<16xi32>
        %swap3A_331 = vector.shape_cast %add3A_326 : vector<16xi32> to vector<1x16xi32>
        tpu.vector_store %arg11[%swap3A_327, %swap3A_328], %swap3A_331 {strides = array<i32>} : memref<4x128xi32, #tpu.memory_space<vmem>>, vector<1x16xi32>,
      }
      %scan3A_55 = arith.constant 4 : i32
      %dma_start3A = arith.constant 0 : i32
      %dma_start3A_56 = arith.constant 0 : i32
      %dma_start3A_57 = arith.constant 0 : i32
      %dma_start3A_58 = tpu.memref_slice %arg14[%dma_start3A_56, %dma_start3A_57] : memref<512x16xf32, #tpu.memory_space<vmem>> -> memref<128x16xf32, #tpu.memory_space<vmem>>
      %dma_start3A_59 = arith.constant 0 : i32
      %dma_start3A_60 = tpu.memref_slice %arg11[%dma_start3A, %dma_start3A_59] : memref<4x128xi32, #tpu.memory_space<vmem>> -> memref<1x128xi32, #tpu.memory_space<vmem>>
      %dma_start3A_61 = tpu.memref_squeeze %dma_start3A_60 : memref<1x128xi32, #tpu.memory_space<vmem>> -> memref<128xi32, #tpu.memory_space<vmem>>
      %dma_start3A_62 = arith.constant 0 : i32
      %dma_start3A_63 = arith.constant 0 : i32
      %dma_start3A_64 = tpu.memref_slice %arg2[%dma_start3A_62, %dma_start3A_63] : memref<200000x16xf32, #tpu.memory_space<hbm>> -> memref<200000x16xf32, #tpu.memory_space<hbm>>
      tpu.enqueue_indirect_dma source(%dma_start3A_64 : memref<200000x16xf32, #tpu.memory_space<hbm>>) target(%dma_start3A_58 : memref<128x16xf32, #tpu.memory_space<vmem>>) offsets(%dma_start3A_61 : memref<128xi32, #tpu.memory_space<vmem>>) semaphore(%arg17 : memref<!tpu.dma_semaphore, #tpu.memory_space<semaphore_mem>>)
      %dma_start3A_65 = arith.constant 1 : i32
      %dma_start3A_66 = arith.constant 128 : i32
      %dma_start3A_67 = arith.constant 0 : i32
      %dma_start3A_68 = tpu.memref_slice %arg14[%dma_start3A_66, %dma_start3A_67] : memref<512x16xf32, #tpu.memory_space<vmem>> -> memref<128x16xf32, #tpu.memory_space<vmem>>
      %dma_start3A_69 = arith.constant 0 : i32
      %dma_start3A_70 = tpu.memref_slice %arg11[%dma_start3A_65, %dma_start3A_69] : memref<4x128xi32, #tpu.memory_space<vmem>> -> memref<1x128xi32, #tpu.memory_space<vmem>>
      %dma_start3A_71 = tpu.memref_squeeze %dma_start3A_70 : memref<1x128xi32, #tpu.memory_space<vmem>> -> memref<128xi32, #tpu.memory_space<vmem>>
      %dma_start3A_72 = arith.constant 0 : i32
      %dma_start3A_73 = arith.constant 0 : i32
      %dma_start3A_74 = tpu.memref_slice %arg2[%dma_start3A_72, %dma_start3A_73] : memref<200000x16xf32, #tpu.memory_space<hbm>> -> memref<200000x16xf32, #tpu.memory_space<hbm>>
      tpu.enqueue_indirect_dma source(%dma_start3A_74 : memref<200000x16xf32, #tpu.memory_space<hbm>>) target(%dma_start3A_68 : memref<128x16xf32, #tpu.memory_space<vmem>>) offsets(%dma_start3A_71 : memref<128xi32, #tpu.memory_space<vmem>>) semaphore(%arg17 : memref<!tpu.dma_semaphore, #tpu.memory_space<semaphore_mem>>)
      %dma_start3A_75 = arith.constant 2 : i32
      %dma_start3A_76 = arith.constant 256 : i32
      %dma_start3A_77 = arith.constant 0 : i32
      %dma_start3A_78 = tpu.memref_slice %arg14[%dma_start3A_76, %dma_start3A_77] : memref<512x16xf32, #tpu.memory_space<vmem>> -> memref<128x16xf32, #tpu.memory_space<vmem>>
      %dma_start3A_79 = arith.constant 0 : i32
      %dma_start3A_80 = tpu.memref_slice %arg11[%dma_start3A_75, %dma_start3A_79] : memref<4x128xi32, #tpu.memory_space<vmem>> -> memref<1x128xi32, #tpu.memory_space<vmem>>
      %dma_start3A_81 = tpu.memref_squeeze %dma_start3A_80 : memref<1x128xi32, #tpu.memory_space<vmem>> -> memref<128xi32, #tpu.memory_space<vmem>>
      %dma_start3A_82 = arith.constant 0 : i32
      %dma_start3A_83 = arith.constant 0 : i32
      %dma_start3A_84 = tpu.memref_slice %arg2[%dma_start3A_82, %dma_start3A_83] : memref<200000x16xf32, #tpu.memory_space<hbm>> -> memref<200000x16xf32, #tpu.memory_space<hbm>>
      tpu.enqueue_indirect_dma source(%dma_start3A_84 : memref<200000x16xf32, #tpu.memory_space<hbm>>) target(%dma_start3A_78 : memref<128x16xf32, #tpu.memory_space<vmem>>) offsets(%dma_start3A_81 : memref<128xi32, #tpu.memory_space<vmem>>) semaphore(%arg17 : memref<!tpu.dma_semaphore, #tpu.memory_space<semaphore_mem>>)
      %dma_start3A_85 = arith.constant 3 : i32
      %dma_start3A_86 = arith.constant 384 : i32
      %dma_start3A_87 = arith.constant 0 : i32
      %dma_start3A_88 = tpu.memref_slice %arg14[%dma_start3A_86, %dma_start3A_87] : memref<512x16xf32, #tpu.memory_space<vmem>> -> memref<128x16xf32, #tpu.memory_space<vmem>>
      %dma_start3A_89 = arith.constant 0 : i32
      %dma_start3A_90 = tpu.memref_slice %arg11[%dma_start3A_85, %dma_start3A_89] : memref<4x128xi32, #tpu.memory_space<vmem>> -> memref<1x128xi32, #tpu.memory_space<vmem>>
      %dma_start3A_91 = tpu.memref_squeeze %dma_start3A_90 : memref<1x128xi32, #tpu.memory_space<vmem>> -> memref<128xi32, #tpu.memory_space<vmem>>
      %dma_start3A_92 = arith.constant 0 : i32
      %dma_start3A_93 = arith.constant 0 : i32
      %dma_start3A_94 = tpu.memref_slice %arg2[%dma_start3A_92, %dma_start3A_93] : memref<200000x16xf32, #tpu.memory_space<hbm>> -> memref<200000x16xf32, #tpu.memory_space<hbm>>
      tpu.enqueue_indirect_dma source(%dma_start3A_94 : memref<200000x16xf32, #tpu.memory_space<hbm>>) target(%dma_start3A_88 : memref<128x16xf32, #tpu.memory_space<vmem>>) offsets(%dma_start3A_91 : memref<128xi32, #tpu.memory_space<vmem>>) semaphore(%arg17 : memref<!tpu.dma_semaphore, #tpu.memory_space<semaphore_mem>>)
      %dma_wait3A = arith.constant 0 : i32
      %dma_wait3A_95 = arith.constant 0 : i32
      %dma_wait3A_96 = arith.constant 0 : i32
      %dma_wait3A_97 = tpu.memref_slice %arg14[%dma_wait3A_95, %dma_wait3A_96] : memref<512x16xf32, #tpu.memory_space<vmem>> -> memref<128x16xf32, #tpu.memory_space<vmem>>
      %dma_wait3A_98 = arith.constant 0 : i32
      %dma_wait3A_99 = tpu.memref_slice %arg11[%dma_wait3A, %dma_wait3A_98] : memref<4x128xi32, #tpu.memory_space<vmem>> -> memref<1x128xi32, #tpu.memory_space<vmem>>
      %dma_wait3A_100 = tpu.memref_squeeze %dma_wait3A_99 : memref<1x128xi32, #tpu.memory_space<vmem>> -> memref<128xi32, #tpu.memory_space<vmem>>
      %dma_wait3A_101 = arith.constant 0 : i32
      %dma_wait3A_102 = arith.constant 0 : i32
      %dma_wait3A_103 = tpu.memref_slice %arg2[%dma_wait3A_101, %dma_wait3A_102] : memref<200000x16xf32, #tpu.memory_space<hbm>> -> memref<200000x16xf32, #tpu.memory_space<hbm>>
      tpu.wait_indirect_dma semaphore(%arg17 : memref<!tpu.dma_semaphore, #tpu.memory_space<semaphore_mem>>) src(%dma_wait3A_103 : memref<200000x16xf32, #tpu.memory_space<hbm>>) dst(%dma_wait3A_97 : memref<128x16xf32, #tpu.memory_space<vmem>>)
      %dma_wait3A_104 = arith.constant 1 : i32
      %dma_wait3A_105 = arith.constant 128 : i32
      %dma_wait3A_106 = arith.constant 0 : i32
      %dma_wait3A_107 = tpu.memref_slice %arg14[%dma_wait3A_105, %dma_wait3A_106] : memref<512x16xf32, #tpu.memory_space<vmem>> -> memref<128x16xf32, #tpu.memory_space<vmem>>
      %dma_wait3A_108 = arith.constant 0 : i32
      %dma_wait3A_109 = tpu.memref_slice %arg11[%dma_wait3A_104, %dma_wait3A_108] : memref<4x128xi32, #tpu.memory_space<vmem>> -> memref<1x128xi32, #tpu.memory_space<vmem>>
      %dma_wait3A_110 = tpu.memref_squeeze %dma_wait3A_109 : memref<1x128xi32, #tpu.memory_space<vmem>> -> memref<128xi32, #tpu.memory_space<vmem>>
      %dma_wait3A_111 = arith.constant 0 : i32
      %dma_wait3A_112 = arith.constant 0 : i32
      %dma_wait3A_113 = tpu.memref_slice %arg2[%dma_wait3A_111, %dma_wait3A_112] : memref<200000x16xf32, #tpu.memory_space<hbm>> -> memref<200000x16xf32, #tpu.memory_space<hbm>>
      tpu.wait_indirect_dma semaphore(%arg17 : memref<!tpu.dma_semaphore, #tpu.memory_space<semaphore_mem>>) src(%dma_wait3A_113 : memref<200000x16xf32, #tpu.memory_space<hbm>>) dst(%dma_wait3A_107 : memref<128x16xf32, #tpu.memory_space<vmem>>)
      %dma_wait3A_114 = arith.constant 2 : i32
      %dma_wait3A_115 = arith.constant 256 : i32
      %dma_wait3A_116 = arith.constant 0 : i32
      %dma_wait3A_117 = tpu.memref_slice %arg14[%dma_wait3A_115, %dma_wait3A_116] : memref<512x16xf32, #tpu.memory_space<vmem>> -> memref<128x16xf32, #tpu.memory_space<vmem>>
      %dma_wait3A_118 = arith.constant 0 : i32
      %dma_wait3A_119 = tpu.memref_slice %arg11[%dma_wait3A_114, %dma_wait3A_118] : memref<4x128xi32, #tpu.memory_space<vmem>> -> memref<1x128xi32, #tpu.memory_space<vmem>>
      %dma_wait3A_120 = tpu.memref_squeeze %dma_wait3A_119 : memref<1x128xi32, #tpu.memory_space<vmem>> -> memref<128xi32, #tpu.memory_space<vmem>>
      %dma_wait3A_121 = arith.constant 0 : i32
      %dma_wait3A_122 = arith.constant 0 : i32
      %dma_wait3A_123 = tpu.memref_slice %arg2[%dma_wait3A_121, %dma_wait3A_122] : memref<200000x16xf32, #tpu.memory_space<hbm>> -> memref<200000x16xf32, #tpu.memory_space<hbm>>
      tpu.wait_indirect_dma semaphore(%arg17 : memref<!tpu.dma_semaphore, #tpu.memory_space<semaphore_mem>>) src(%dma_wait3A_123 : memref<200000x16xf32, #tpu.memory_space<hbm>>) dst(%dma_wait3A_117 : memref<128x16xf32, #tpu.memory_space<vmem>>)
      %dma_wait3A_124 = arith.constant 3 : i32
      %dma_wait3A_125 = arith.constant 384 : i32
      %dma_wait3A_126 = arith.constant 0 : i32
      %dma_wait3A_127 = tpu.memref_slice %arg14[%dma_wait3A_125, %dma_wait3A_126] : memref<512x16xf32, #tpu.memory_space<vmem>> -> memref<128x16xf32, #tpu.memory_space<vmem>>
      %dma_wait3A_128 = arith.constant 0 : i32
      %dma_wait3A_129 = tpu.memref_slice %arg11[%dma_wait3A_124, %dma_wait3A_128] : memref<4x128xi32, #tpu.memory_space<vmem>> -> memref<1x128xi32, #tpu.memory_space<vmem>>
      %dma_wait3A_130 = tpu.memref_squeeze %dma_wait3A_129 : memref<1x128xi32, #tpu.memory_space<vmem>> -> memref<128xi32, #tpu.memory_space<vmem>>
      %dma_wait3A_131 = arith.constant 0 : i32
      %dma_wait3A_132 = arith.constant 0 : i32
      %dma_wait3A_133 = tpu.memref_slice %arg2[%dma_wait3A_131, %dma_wait3A_132] : memref<200000x16xf32, #tpu.memory_space<hbm>> -> memref<200000x16xf32, #tpu.memory_space<hbm>>
      tpu.wait_indirect_dma semaphore(%arg17 : memref<!tpu.dma_semaphore, #tpu.memory_space<semaphore_mem>>) src(%dma_wait3A_133 : memref<200000x16xf32, #tpu.memory_space<hbm>>) dst(%dma_wait3A_127 : memref<128x16xf32, #tpu.memory_space<vmem>>)
      %scan3A_134 = arith.constant 0 : i32
      %scan3A_135 = arith.constant 0 : i32
      %scan3A_136 = arith.constant 128 : i32
      %scan3A_137 = arith.addi %scan3A_135, %scan3A_136 : i32
      %scan3A_138 = arith.constant 4 : i32
      scf.for %scan3A_220 = %scan3A_135 to %scan3A_137 step %scan3A_138  : i32 {
        %get3A_221 = arith.index_cast %scan3A_220 : i32 to index
        %get3A_222 = arith.constant 0 : index
        %get3A_223 = tpu.vector_load %arg13[%get3A_221, %get3A_222] {strides = array<i32>} : memref<128x16xf32, #tpu.memory_space<vmem>>, vector<1x16xf32>,
        %get3A_224 = vector.shape_cast %get3A_223 : vector<1x16xf32> to vector<16xf32>
        %mul3A_225 = arith.constant 4 : i32
        %mul3A_226 = arith.muli %scan3A_220, %mul3A_225 : i32
        %add3A_227 = arith.constant 0 : i32
        %add3A_228 = arith.addi %mul3A_226, %add3A_227 : i32
        %slice3A = vector.extract_strided_slice %get3A_224 {offsets = [0], sizes = [1], strides = [1]} : vector<16xf32> to vector<1xf32>
        %squeeze3A = vector.extract %slice3A[0] : f32 from vector<1xf32>
        %mul3A_229 = vector.broadcast %squeeze3A : f32 to vector<16xf32>
        %mul3A_230 = arith.mulf %mul3A_229, %get3A_9 : vector<16xf32>
        %add3A_231 = arith.addf %get3A_27, %mul3A_230 : vector<16xf32>
        %slice3A_232 = vector.extract_strided_slice %get3A_224 {offsets = [1], sizes = [1], strides = [1]} : vector<16xf32> to vector<1xf32>
        %squeeze3A_233 = vector.extract %slice3A_232[0] : f32 from vector<1xf32>
        %mul3A_234 = vector.broadcast %squeeze3A_233 : f32 to vector<16xf32>
        %mul3A_235 = arith.mulf %mul3A_234, %get3A_14 : vector<16xf32>
        %add3A_236 = arith.addf %add3A_231, %mul3A_235 : vector<16xf32>
        %slice3A_237 = vector.extract_strided_slice %get3A_224 {offsets = [2], sizes = [1], strides = [1]} : vector<16xf32> to vector<1xf32>
        %squeeze3A_238 = vector.extract %slice3A_237[0] : f32 from vector<1xf32>
        %mul3A_239 = vector.broadcast %squeeze3A_238 : f32 to vector<16xf32>
        %mul3A_240 = arith.mulf %mul3A_239, %get3A_19 : vector<16xf32>
        %add3A_241 = arith.addf %add3A_236, %mul3A_240 : vector<16xf32>
        %slice3A_242 = vector.extract_strided_slice %get3A_224 {offsets = [3], sizes = [1], strides = [1]} : vector<16xf32> to vector<1xf32>
        %squeeze3A_243 = vector.extract %slice3A_242[0] : f32 from vector<1xf32>
        %mul3A_244 = vector.broadcast %squeeze3A_243 : f32 to vector<16xf32>
        %mul3A_245 = arith.mulf %mul3A_244, %get3A_24 : vector<16xf32>
        %add3A_246 = arith.addf %add3A_241, %mul3A_245 : vector<16xf32>
        %get3A_247 = arith.index_cast %add3A_228 : i32 to index
        %get3A_248 = arith.constant 0 : index
        %get3A_249 = tpu.vector_load %arg14[%get3A_247, %get3A_248] {strides = array<i32>} : memref<512x16xf32, #tpu.memory_space<vmem>>, vector<1x16xf32>,
        %get3A_250 = vector.shape_cast %get3A_249 : vector<1x16xf32> to vector<16xf32>
        %add3A_251 = arith.addf %get3A_250, %add3A_246 : vector<16xf32>
        %max3A = arith.constant 0.000000e+00 : f32
        %max3A_252 = vector.broadcast %max3A : f32 to vector<16xf32>
        %max3A_253 = arith.maximumf %add3A_251, %max3A_252 : vector<16xf32>
        %swap3A = arith.index_cast %add3A_228 : i32 to index
        %swap3A_254 = arith.constant 0 : index
        %swap3A_255 = tpu.vector_load %arg14[%swap3A, %swap3A_254] {strides = array<i32>} : memref<512x16xf32, #tpu.memory_space<vmem>>, vector<1x16xf32>,
        %swap3A_256 = vector.shape_cast %swap3A_255 : vector<1x16xf32> to vector<16xf32>
        %swap3A_257 = vector.shape_cast %max3A_253 : vector<16xf32> to vector<1x16xf32>
        tpu.vector_store %arg14[%swap3A, %swap3A_254], %swap3A_257 {strides = array<i32>} : memref<512x16xf32, #tpu.memory_space<vmem>>, vector<1x16xf32>,
        %mul3A_258 = arith.constant 4 : i32
        %mul3A_259 = arith.muli %scan3A_220, %mul3A_258 : i32
        %add3A_260 = arith.constant 1 : i32
        %add3A_261 = arith.addi %mul3A_259, %add3A_260 : i32
        %slice3A_262 = vector.extract_strided_slice %get3A_224 {offsets = [4], sizes = [1], strides = [1]} : vector<16xf32> to vector<1xf32>
        %squeeze3A_263 = vector.extract %slice3A_262[0] : f32 from vector<1xf32>
        %mul3A_264 = vector.broadcast %squeeze3A_263 : f32 to vector<16xf32>
        %mul3A_265 = arith.mulf %mul3A_264, %get3A_9 : vector<16xf32>
        %add3A_266 = arith.addf %get3A_27, %mul3A_265 : vector<16xf32>
        %slice3A_267 = vector.extract_strided_slice %get3A_224 {offsets = [5], sizes = [1], strides = [1]} : vector<16xf32> to vector<1xf32>
        %squeeze3A_268 = vector.extract %slice3A_267[0] : f32 from vector<1xf32>
        %mul3A_269 = vector.broadcast %squeeze3A_268 : f32 to vector<16xf32>
        %mul3A_270 = arith.mulf %mul3A_269, %get3A_14 : vector<16xf32>
        %add3A_271 = arith.addf %add3A_266, %mul3A_270 : vector<16xf32>
        %slice3A_272 = vector.extract_strided_slice %get3A_224 {offsets = [6], sizes = [1], strides = [1]} : vector<16xf32> to vector<1xf32>
        %squeeze3A_273 = vector.extract %slice3A_272[0] : f32 from vector<1xf32>
        %mul3A_274 = vector.broadcast %squeeze3A_273 : f32 to vector<16xf32>
        %mul3A_275 = arith.mulf %mul3A_274, %get3A_19 : vector<16xf32>
        %add3A_276 = arith.addf %add3A_271, %mul3A_275 : vector<16xf32>
        %slice3A_277 = vector.extract_strided_slice %get3A_224 {offsets = [7], sizes = [1], strides = [1]} : vector<16xf32> to vector<1xf32>
        %squeeze3A_278 = vector.extract %slice3A_277[0] : f32 from vector<1xf32>
        %mul3A_279 = vector.broadcast %squeeze3A_278 : f32 to vector<16xf32>
        %mul3A_280 = arith.mulf %mul3A_279, %get3A_24 : vector<16xf32>
        %add3A_281 = arith.addf %add3A_276, %mul3A_280 : vector<16xf32>
        %get3A_282 = arith.index_cast %add3A_261 : i32 to index
        %get3A_283 = arith.constant 0 : index
        %get3A_284 = tpu.vector_load %arg14[%get3A_282, %get3A_283] {strides = array<i32>} : memref<512x16xf32, #tpu.memory_space<vmem>>, vector<1x16xf32>,
        %get3A_285 = vector.shape_cast %get3A_284 : vector<1x16xf32> to vector<16xf32>
        %add3A_286 = arith.addf %get3A_285, %add3A_281 : vector<16xf32>
        %max3A_287 = arith.constant 0.000000e+00 : f32
        %max3A_288 = vector.broadcast %max3A_287 : f32 to vector<16xf32>
        %max3A_289 = arith.maximumf %add3A_286, %max3A_288 : vector<16xf32>
        %swap3A_290 = arith.index_cast %add3A_261 : i32 to index
        %swap3A_291 = arith.constant 0 : index
        %swap3A_292 = tpu.vector_load %arg14[%swap3A_290, %swap3A_291] {strides = array<i32>} : memref<512x16xf32, #tpu.memory_space<vmem>>, vector<1x16xf32>,
        %swap3A_293 = vector.shape_cast %swap3A_292 : vector<1x16xf32> to vector<16xf32>
        %swap3A_294 = vector.shape_cast %max3A_289 : vector<16xf32> to vector<1x16xf32>
        tpu.vector_store %arg14[%swap3A_290, %swap3A_291], %swap3A_294 {strides = array<i32>} : memref<512x16xf32, #tpu.memory_space<vmem>>, vector<1x16xf32>,
        %mul3A_295 = arith.constant 4 : i32
        %mul3A_296 = arith.muli %scan3A_220, %mul3A_295 : i32
        %add3A_297 = arith.constant 2 : i32
        %add3A_298 = arith.addi %mul3A_296, %add3A_297 : i32
        %slice3A_299 = vector.extract_strided_slice %get3A_224 {offsets = [8], sizes = [1], strides = [1]} : vector<16xf32> to vector<1xf32>
        %squeeze3A_300 = vector.extract %slice3A_299[0] : f32 from vector<1xf32>
        %mul3A_301 = vector.broadcast %squeeze3A_300 : f32 to vector<16xf32>
        %mul3A_302 = arith.mulf %mul3A_301, %get3A_9 : vector<16xf32>
        %add3A_303 = arith.addf %get3A_27, %mul3A_302 : vector<16xf32>
        %slice3A_304 = vector.extract_strided_slice %get3A_224 {offsets = [9], sizes = [1], strides = [1]} : vector<16xf32> to vector<1xf32>
        %squeeze3A_305 = vector.extract %slice3A_304[0] : f32 from vector<1xf32>
        %mul3A_306 = vector.broadcast %squeeze3A_305 : f32 to vector<16xf32>
        %mul3A_307 = arith.mulf %mul3A_306, %get3A_14 : vector<16xf32>
        %add3A_308 = arith.addf %add3A_303, %mul3A_307 : vector<16xf32>
        %slice3A_309 = vector.extract_strided_slice %get3A_224 {offsets = [10], sizes = [1], strides = [1]} : vector<16xf32> to vector<1xf32>
        %squeeze3A_310 = vector.extract %slice3A_309[0] : f32 from vector<1xf32>
        %mul3A_311 = vector.broadcast %squeeze3A_310 : f32 to vector<16xf32>
        %mul3A_312 = arith.mulf %mul3A_311, %get3A_19 : vector<16xf32>
        %add3A_313 = arith.addf %add3A_308, %mul3A_312 : vector<16xf32>
        %slice3A_314 = vector.extract_strided_slice %get3A_224 {offsets = [11], sizes = [1], strides = [1]} : vector<16xf32> to vector<1xf32>
        %squeeze3A_315 = vector.extract %slice3A_314[0] : f32 from vector<1xf32>
        %mul3A_316 = vector.broadcast %squeeze3A_315 : f32 to vector<16xf32>
        %mul3A_317 = arith.mulf %mul3A_316, %get3A_24 : vector<16xf32>
        %add3A_318 = arith.addf %add3A_313, %mul3A_317 : vector<16xf32>
        %get3A_319 = arith.index_cast %add3A_298 : i32 to index
        %get3A_320 = arith.constant 0 : index
        %get3A_321 = tpu.vector_load %arg14[%get3A_319, %get3A_320] {strides = array<i32>} : memref<512x16xf32, #tpu.memory_space<vmem>>, vector<1x16xf32>,
        %get3A_322 = vector.shape_cast %get3A_321 : vector<1x16xf32> to vector<16xf32>
        %add3A_323 = arith.addf %get3A_322, %add3A_318 : vector<16xf32>
        %max3A_324 = arith.constant 0.000000e+00 : f32
        %max3A_325 = vector.broadcast %max3A_324 : f32 to vector<16xf32>
        %max3A_326 = arith.maximumf %add3A_323, %max3A_325 : vector<16xf32>
        %swap3A_327 = arith.index_cast %add3A_298 : i32 to index
        %swap3A_328 = arith.constant 0 : index
        %swap3A_329 = tpu.vector_load %arg14[%swap3A_327, %swap3A_328] {strides = array<i32>} : memref<512x16xf32, #tpu.memory_space<vmem>>, vector<1x16xf32>,
        %swap3A_330 = vector.shape_cast %swap3A_329 : vector<1x16xf32> to vector<16xf32>
        %swap3A_331 = vector.shape_cast %max3A_326 : vector<16xf32> to vector<1x16xf32>
        tpu.vector_store %arg14[%swap3A_327, %swap3A_328], %swap3A_331 {strides = array<i32>} : memref<512x16xf32, #tpu.memory_space<vmem>>, vector<1x16xf32>,
        %mul3A_332 = arith.constant 4 : i32
        %mul3A_333 = arith.muli %scan3A_220, %mul3A_332 : i32
        %add3A_334 = arith.constant 3 : i32
        %add3A_335 = arith.addi %mul3A_333, %add3A_334 : i32
        %slice3A_336 = vector.extract_strided_slice %get3A_224 {offsets = [12], sizes = [1], strides = [1]} : vector<16xf32> to vector<1xf32>
        %squeeze3A_337 = vector.extract %slice3A_336[0] : f32 from vector<1xf32>
        %mul3A_338 = vector.broadcast %squeeze3A_337 : f32 to vector<16xf32>
        %mul3A_339 = arith.mulf %mul3A_338, %get3A_9 : vector<16xf32>
        %add3A_340 = arith.addf %get3A_27, %mul3A_339 : vector<16xf32>
        %slice3A_341 = vector.extract_strided_slice %get3A_224 {offsets = [13], sizes = [1], strides = [1]} : vector<16xf32> to vector<1xf32>
        %squeeze3A_342 = vector.extract %slice3A_341[0] : f32 from vector<1xf32>
        %mul3A_343 = vector.broadcast %squeeze3A_342 : f32 to vector<16xf32>
        %mul3A_344 = arith.mulf %mul3A_343, %get3A_14 : vector<16xf32>
        %add3A_345 = arith.addf %add3A_340, %mul3A_344 : vector<16xf32>
        %slice3A_346 = vector.extract_strided_slice %get3A_224 {offsets = [14], sizes = [1], strides = [1]} : vector<16xf32> to vector<1xf32>
        %squeeze3A_347 = vector.extract %slice3A_346[0] : f32 from vector<1xf32>
        %mul3A_348 = vector.broadcast %squeeze3A_347 : f32 to vector<16xf32>
        %mul3A_349 = arith.mulf %mul3A_348, %get3A_19 : vector<16xf32>
        %add3A_350 = arith.addf %add3A_345, %mul3A_349 : vector<16xf32>
        %slice3A_351 = vector.extract_strided_slice %get3A_224 {offsets = [15], sizes = [1], strides = [1]} : vector<16xf32> to vector<1xf32>
        %squeeze3A_352 = vector.extract %slice3A_351[0] : f32 from vector<1xf32>
        %mul3A_353 = vector.broadcast %squeeze3A_352 : f32 to vector<16xf32>
        %mul3A_354 = arith.mulf %mul3A_353, %get3A_24 : vector<16xf32>
        %add3A_355 = arith.addf %add3A_350, %mul3A_354 : vector<16xf32>
        %get3A_356 = arith.index_cast %add3A_335 : i32 to index
        %get3A_357 = arith.constant 0 : index
        %get3A_358 = tpu.vector_load %arg14[%get3A_356, %get3A_357] {strides = array<i32>} : memref<512x16xf32, #tpu.memory_space<vmem>>, vector<1x16xf32>,
        %get3A_359 = vector.shape_cast %get3A_358 : vector<1x16xf32> to vector<16xf32>
        %add3A_360 = arith.addf %get3A_359, %add3A_355 : vector<16xf32>
        %max3A_361 = arith.constant 0.000000e+00 : f32
        %max3A_362 = vector.broadcast %max3A_361 : f32 to vector<16xf32>
        %max3A_363 = arith.maximumf %add3A_360, %max3A_362 : vector<16xf32>
        %swap3A_364 = arith.index_cast %add3A_335 : i32 to index
        %swap3A_365 = arith.constant 0 : index
        %swap3A_366 = tpu.vector_load %arg14[%swap3A_364, %swap3A_365] {strides = array<i32>} : memref<512x16xf32, #tpu.memory_space<vmem>>, vector<1x16xf32>,
        %swap3A_367 = vector.shape_cast %swap3A_366 : vector<1x16xf32> to vector<16xf32>
        %swap3A_368 = vector.shape_cast %max3A_363 : vector<16xf32> to vector<1x16xf32>
        tpu.vector_store %arg14[%swap3A_364, %swap3A_365], %swap3A_368 {strides = array<i32>} : memref<512x16xf32, #tpu.memory_space<vmem>>, vector<1x16xf32>,
        %scan3A_369 = arith.constant 1 : i32
        %scan3A_370 = arith.addi %scan3A_220, %scan3A_369 : i32
        %get3A_371 = arith.index_cast %scan3A_370 : i32 to index
        %get3A_372 = arith.constant 0 : index
        %get3A_373 = tpu.vector_load %arg13[%get3A_371, %get3A_372] {strides = array<i32>} : memref<128x16xf32, #tpu.memory_space<vmem>>, vector<1x16xf32>,
        %get3A_374 = vector.shape_cast %get3A_373 : vector<1x16xf32> to vector<16xf32>
        %mul3A_375 = arith.constant 4 : i32
        %mul3A_376 = arith.muli %scan3A_370, %mul3A_375 : i32
        %add3A_377 = arith.constant 0 : i32
        %add3A_378 = arith.addi %mul3A_376, %add3A_377 : i32
        %slice3A_379 = vector.extract_strided_slice %get3A_374 {offsets = [0], sizes = [1], strides = [1]} : vector<16xf32> to vector<1xf32>
        %squeeze3A_380 = vector.extract %slice3A_379[0] : f32 from vector<1xf32>
        %mul3A_381 = vector.broadcast %squeeze3A_380 : f32 to vector<16xf32>
        %mul3A_382 = arith.mulf %mul3A_381, %get3A_9 : vector<16xf32>
        %add3A_383 = arith.addf %get3A_27, %mul3A_382 : vector<16xf32>
        %slice3A_384 = vector.extract_strided_slice %get3A_374 {offsets = [1], sizes = [1], strides = [1]} : vector<16xf32> to vector<1xf32>
        %squeeze3A_385 = vector.extract %slice3A_384[0] : f32 from vector<1xf32>
        %mul3A_386 = vector.broadcast %squeeze3A_385 : f32 to vector<16xf32>
        %mul3A_387 = arith.mulf %mul3A_386, %get3A_14 : vector<16xf32>
        %add3A_388 = arith.addf %add3A_383, %mul3A_387 : vector<16xf32>
        %slice3A_389 = vector.extract_strided_slice %get3A_374 {offsets = [2], sizes = [1], strides = [1]} : vector<16xf32> to vector<1xf32>
        %squeeze3A_390 = vector.extract %slice3A_389[0] : f32 from vector<1xf32>
        %mul3A_391 = vector.broadcast %squeeze3A_390 : f32 to vector<16xf32>
        %mul3A_392 = arith.mulf %mul3A_391, %get3A_19 : vector<16xf32>
        %add3A_393 = arith.addf %add3A_388, %mul3A_392 : vector<16xf32>
        %slice3A_394 = vector.extract_strided_slice %get3A_374 {offsets = [3], sizes = [1], strides = [1]} : vector<16xf32> to vector<1xf32>
        %squeeze3A_395 = vector.extract %slice3A_394[0] : f32 from vector<1xf32>
        %mul3A_396 = vector.broadcast %squeeze3A_395 : f32 to vector<16xf32>
        %mul3A_397 = arith.mulf %mul3A_396, %get3A_24 : vector<16xf32>
        %add3A_398 = arith.addf %add3A_393, %mul3A_397 : vector<16xf32>
        %get3A_399 = arith.index_cast %add3A_378 : i32 to index
        %get3A_400 = arith.constant 0 : index
        %get3A_401 = tpu.vector_load %arg14[%get3A_399, %get3A_400] {strides = array<i32>} : memref<512x16xf32, #tpu.memory_space<vmem>>, vector<1x16xf32>,
        %get3A_402 = vector.shape_cast %get3A_401 : vector<1x16xf32> to vector<16xf32>
        %add3A_403 = arith.addf %get3A_402, %add3A_398 : vector<16xf32>
        %max3A_404 = arith.constant 0.000000e+00 : f32
        %max3A_405 = vector.broadcast %max3A_404 : f32 to vector<16xf32>
        %max3A_406 = arith.maximumf %add3A_403, %max3A_405 : vector<16xf32>
        %swap3A_407 = arith.index_cast %add3A_378 : i32 to index
        %swap3A_408 = arith.constant 0 : index
        %swap3A_409 = tpu.vector_load %arg14[%swap3A_407, %swap3A_408] {strides = array<i32>} : memref<512x16xf32, #tpu.memory_space<vmem>>, vector<1x16xf32>,
        %swap3A_410 = vector.shape_cast %swap3A_409 : vector<1x16xf32> to vector<16xf32>
        %swap3A_411 = vector.shape_cast %max3A_406 : vector<16xf32> to vector<1x16xf32>
        tpu.vector_store %arg14[%swap3A_407, %swap3A_408], %swap3A_411 {strides = array<i32>} : memref<512x16xf32, #tpu.memory_space<vmem>>, vector<1x16xf32>,
        %mul3A_412 = arith.constant 4 : i32
        %mul3A_413 = arith.muli %scan3A_370, %mul3A_412 : i32
        %add3A_414 = arith.constant 1 : i32
        %add3A_415 = arith.addi %mul3A_413, %add3A_414 : i32
        %slice3A_416 = vector.extract_strided_slice %get3A_374 {offsets = [4], sizes = [1], strides = [1]} : vector<16xf32> to vector<1xf32>
        %squeeze3A_417 = vector.extract %slice3A_416[0] : f32 from vector<1xf32>
        %mul3A_418 = vector.broadcast %squeeze3A_417 : f32 to vector<16xf32>
        %mul3A_419 = arith.mulf %mul3A_418, %get3A_9 : vector<16xf32>
        %add3A_420 = arith.addf %get3A_27, %mul3A_419 : vector<16xf32>
        %slice3A_421 = vector.extract_strided_slice %get3A_374 {offsets = [5], sizes = [1], strides = [1]} : vector<16xf32> to vector<1xf32>
        %squeeze3A_422 = vector.extract %slice3A_421[0] : f32 from vector<1xf32>
        %mul3A_423 = vector.broadcast %squeeze3A_422 : f32 to vector<16xf32>
        %mul3A_424 = arith.mulf %mul3A_423, %get3A_14 : vector<16xf32>
        %add3A_425 = arith.addf %add3A_420, %mul3A_424 : vector<16xf32>
        %slice3A_426 = vector.extract_strided_slice %get3A_374 {offsets = [6], sizes = [1], strides = [1]} : vector<16xf32> to vector<1xf32>
        %squeeze3A_427 = vector.extract %slice3A_426[0] : f32 from vector<1xf32>
        %mul3A_428 = vector.broadcast %squeeze3A_427 : f32 to vector<16xf32>
        %mul3A_429 = arith.mulf %mul3A_428, %get3A_19 : vector<16xf32>
        %add3A_430 = arith.addf %add3A_425, %mul3A_429 : vector<16xf32>
        %slice3A_431 = vector.extract_strided_slice %get3A_374 {offsets = [7], sizes = [1], strides = [1]} : vector<16xf32> to vector<1xf32>
        %squeeze3A_432 = vector.extract %slice3A_431[0] : f32 from vector<1xf32>
        %mul3A_433 = vector.broadcast %squeeze3A_432 : f32 to vector<16xf32>
        %mul3A_434 = arith.mulf %mul3A_433, %get3A_24 : vector<16xf32>
        %add3A_435 = arith.addf %add3A_430, %mul3A_434 : vector<16xf32>
        %get3A_436 = arith.index_cast %add3A_415 : i32 to index
        %get3A_437 = arith.constant 0 : index
        %get3A_438 = tpu.vector_load %arg14[%get3A_436, %get3A_437] {strides = array<i32>} : memref<512x16xf32, #tpu.memory_space<vmem>>, vector<1x16xf32>,
        %get3A_439 = vector.shape_cast %get3A_438 : vector<1x16xf32> to vector<16xf32>
        %add3A_440 = arith.addf %get3A_439, %add3A_435 : vector<16xf32>
        %max3A_441 = arith.constant 0.000000e+00 : f32
        %max3A_442 = vector.broadcast %max3A_441 : f32 to vector<16xf32>
        %max3A_443 = arith.maximumf %add3A_440, %max3A_442 : vector<16xf32>
        %swap3A_444 = arith.index_cast %add3A_415 : i32 to index
        %swap3A_445 = arith.constant 0 : index
        %swap3A_446 = tpu.vector_load %arg14[%swap3A_444, %swap3A_445] {strides = array<i32>} : memref<512x16xf32, #tpu.memory_space<vmem>>, vector<1x16xf32>,
        %swap3A_447 = vector.shape_cast %swap3A_446 : vector<1x16xf32> to vector<16xf32>
        %swap3A_448 = vector.shape_cast %max3A_443 : vector<16xf32> to vector<1x16xf32>
        tpu.vector_store %arg14[%swap3A_444, %swap3A_445], %swap3A_448 {strides = array<i32>} : memref<512x16xf32, #tpu.memory_space<vmem>>, vector<1x16xf32>,
        %mul3A_449 = arith.constant 4 : i32
        %mul3A_450 = arith.muli %scan3A_370, %mul3A_449 : i32
        %add3A_451 = arith.constant 2 : i32
        %add3A_452 = arith.addi %mul3A_450, %add3A_451 : i32
        %slice3A_453 = vector.extract_strided_slice %get3A_374 {offsets = [8], sizes = [1], strides = [1]} : vector<16xf32> to vector<1xf32>
        %squeeze3A_454 = vector.extract %slice3A_453[0] : f32 from vector<1xf32>
        %mul3A_455 = vector.broadcast %squeeze3A_454 : f32 to vector<16xf32>
        %mul3A_456 = arith.mulf %mul3A_455, %get3A_9 : vector<16xf32>
        %add3A_457 = arith.addf %get3A_27, %mul3A_456 : vector<16xf32>
        %slice3A_458 = vector.extract_strided_slice %get3A_374 {offsets = [9], sizes = [1], strides = [1]} : vector<16xf32> to vector<1xf32>
        %squeeze3A_459 = vector.extract %slice3A_458[0] : f32 from vector<1xf32>
        %mul3A_460 = vector.broadcast %squeeze3A_459 : f32 to vector<16xf32>
        %mul3A_461 = arith.mulf %mul3A_460, %get3A_14 : vector<16xf32>
        %add3A_462 = arith.addf %add3A_457, %mul3A_461 : vector<16xf32>
        %slice3A_463 = vector.extract_strided_slice %get3A_374 {offsets = [10], sizes = [1], strides = [1]} : vector<16xf32> to vector<1xf32>
        %squeeze3A_464 = vector.extract %slice3A_463[0] : f32 from vector<1xf32>
        %mul3A_465 = vector.broadcast %squeeze3A_464 : f32 to vector<16xf32>
        %mul3A_466 = arith.mulf %mul3A_465, %get3A_19 : vector<16xf32>
        %add3A_467 = arith.addf %add3A_462, %mul3A_466 : vector<16xf32>
        %slice3A_468 = vector.extract_strided_slice %get3A_374 {offsets = [11], sizes = [1], strides = [1]} : vector<16xf32> to vector<1xf32>
        %squeeze3A_469 = vector.extract %slice3A_468[0] : f32 from vector<1xf32>
        %mul3A_470 = vector.broadcast %squeeze3A_469 : f32 to vector<16xf32>
        %mul3A_471 = arith.mulf %mul3A_470, %get3A_24 : vector<16xf32>
        %add3A_472 = arith.addf %add3A_467, %mul3A_471 : vector<16xf32>
        %get3A_473 = arith.index_cast %add3A_452 : i32 to index
        %get3A_474 = arith.constant 0 : index
        %get3A_475 = tpu.vector_load %arg14[%get3A_473, %get3A_474] {strides = array<i32>} : memref<512x16xf32, #tpu.memory_space<vmem>>, vector<1x16xf32>,
        %get3A_476 = vector.shape_cast %get3A_475 : vector<1x16xf32> to vector<16xf32>
        %add3A_477 = arith.addf %get3A_476, %add3A_472 : vector<16xf32>
        %max3A_478 = arith.constant 0.000000e+00 : f32
        %max3A_479 = vector.broadcast %max3A_478 : f32 to vector<16xf32>
        %max3A_480 = arith.maximumf %add3A_477, %max3A_479 : vector<16xf32>
        %swap3A_481 = arith.index_cast %add3A_452 : i32 to index
        %swap3A_482 = arith.constant 0 : index
        %swap3A_483 = tpu.vector_load %arg14[%swap3A_481, %swap3A_482] {strides = array<i32>} : memref<512x16xf32, #tpu.memory_space<vmem>>, vector<1x16xf32>,
        %swap3A_484 = vector.shape_cast %swap3A_483 : vector<1x16xf32> to vector<16xf32>
        %swap3A_485 = vector.shape_cast %max3A_480 : vector<16xf32> to vector<1x16xf32>
        tpu.vector_store %arg14[%swap3A_481, %swap3A_482], %swap3A_485 {strides = array<i32>} : memref<512x16xf32, #tpu.memory_space<vmem>>, vector<1x16xf32>,
        %mul3A_486 = arith.constant 4 : i32
        %mul3A_487 = arith.muli %scan3A_370, %mul3A_486 : i32
        %add3A_488 = arith.constant 3 : i32
        %add3A_489 = arith.addi %mul3A_487, %add3A_488 : i32
        %slice3A_490 = vector.extract_strided_slice %get3A_374 {offsets = [12], sizes = [1], strides = [1]} : vector<16xf32> to vector<1xf32>
        %squeeze3A_491 = vector.extract %slice3A_490[0] : f32 from vector<1xf32>
        %mul3A_492 = vector.broadcast %squeeze3A_491 : f32 to vector<16xf32>
        %mul3A_493 = arith.mulf %mul3A_492, %get3A_9 : vector<16xf32>
        %add3A_494 = arith.addf %get3A_27, %mul3A_493 : vector<16xf32>
        %slice3A_495 = vector.extract_strided_slice %get3A_374 {offsets = [13], sizes = [1], strides = [1]} : vector<16xf32> to vector<1xf32>
        %squeeze3A_496 = vector.extract %slice3A_495[0] : f32 from vector<1xf32>
        %mul3A_497 = vector.broadcast %squeeze3A_496 : f32 to vector<16xf32>
        %mul3A_498 = arith.mulf %mul3A_497, %get3A_14 : vector<16xf32>
        %add3A_499 = arith.addf %add3A_494, %mul3A_498 : vector<16xf32>
        %slice3A_500 = vector.extract_strided_slice %get3A_374 {offsets = [14], sizes = [1], strides = [1]} : vector<16xf32> to vector<1xf32>
        %squeeze3A_501 = vector.extract %slice3A_500[0] : f32 from vector<1xf32>
        %mul3A_502 = vector.broadcast %squeeze3A_501 : f32 to vector<16xf32>
        %mul3A_503 = arith.mulf %mul3A_502, %get3A_19 : vector<16xf32>
        %add3A_504 = arith.addf %add3A_499, %mul3A_503 : vector<16xf32>
        %slice3A_505 = vector.extract_strided_slice %get3A_374 {offsets = [15], sizes = [1], strides = [1]} : vector<16xf32> to vector<1xf32>
        %squeeze3A_506 = vector.extract %slice3A_505[0] : f32 from vector<1xf32>
        %mul3A_507 = vector.broadcast %squeeze3A_506 : f32 to vector<16xf32>
        %mul3A_508 = arith.mulf %mul3A_507, %get3A_24 : vector<16xf32>
        %add3A_509 = arith.addf %add3A_504, %mul3A_508 : vector<16xf32>
        %get3A_510 = arith.index_cast %add3A_489 : i32 to index
        %get3A_511 = arith.constant 0 : index
        %get3A_512 = tpu.vector_load %arg14[%get3A_510, %get3A_511] {strides = array<i32>} : memref<512x16xf32, #tpu.memory_space<vmem>>, vector<1x16xf32>,
        %get3A_513 = vector.shape_cast %get3A_512 : vector<1x16xf32> to vector<16xf32>
        %add3A_514 = arith.addf %get3A_513, %add3A_509 : vector<16xf32>
        %max3A_515 = arith.constant 0.000000e+00 : f32
        %max3A_516 = vector.broadcast %max3A_515 : f32 to vector<16xf32>
        %max3A_517 = arith.maximumf %add3A_514, %max3A_516 : vector<16xf32>
        %swap3A_518 = arith.index_cast %add3A_489 : i32 to index
        %swap3A_519 = arith.constant 0 : index
        %swap3A_520 = tpu.vector_load %arg14[%swap3A_518, %swap3A_519] {strides = array<i32>} : memref<512x16xf32, #tpu.memory_space<vmem>>, vector<1x16xf32>,
        %swap3A_521 = vector.shape_cast %swap3A_520 : vector<1x16xf32> to vector<16xf32>
        %swap3A_522 = vector.shape_cast %max3A_517 : vector<16xf32> to vector<1x16xf32>
        tpu.vector_store %arg14[%swap3A_518, %swap3A_519], %swap3A_522 {strides = array<i32>} : memref<512x16xf32, #tpu.memory_space<vmem>>, vector<1x16xf32>,
        %scan3A_523 = arith.constant 2 : i32
        %scan3A_524 = arith.addi %scan3A_220, %scan3A_523 : i32
        %get3A_525 = arith.index_cast %scan3A_524 : i32 to index
        %get3A_526 = arith.constant 0 : index
        %get3A_527 = tpu.vector_load %arg13[%get3A_525, %get3A_526] {strides = array<i32>} : memref<128x16xf32, #tpu.memory_space<vmem>>, vector<1x16xf32>,
        %get3A_528 = vector.shape_cast %get3A_527 : vector<1x16xf32> to vector<16xf32>
        %mul3A_529 = arith.constant 4 : i32
        %mul3A_530 = arith.muli %scan3A_524, %mul3A_529 : i32
        %add3A_531 = arith.constant 0 : i32
        %add3A_532 = arith.addi %mul3A_530, %add3A_531 : i32
        %slice3A_533 = vector.extract_strided_slice %get3A_528 {offsets = [0], sizes = [1], strides = [1]} : vector<16xf32> to vector<1xf32>
        %squeeze3A_534 = vector.extract %slice3A_533[0] : f32 from vector<1xf32>
        %mul3A_535 = vector.broadcast %squeeze3A_534 : f32 to vector<16xf32>
        %mul3A_536 = arith.mulf %mul3A_535, %get3A_9 : vector<16xf32>
        %add3A_537 = arith.addf %get3A_27, %mul3A_536 : vector<16xf32>
        %slice3A_538 = vector.extract_strided_slice %get3A_528 {offsets = [1], sizes = [1], strides = [1]} : vector<16xf32> to vector<1xf32>
        %squeeze3A_539 = vector.extract %slice3A_538[0] : f32 from vector<1xf32>
        %mul3A_540 = vector.broadcast %squeeze3A_539 : f32 to vector<16xf32>
        %mul3A_541 = arith.mulf %mul3A_540, %get3A_14 : vector<16xf32>
        %add3A_542 = arith.addf %add3A_537, %mul3A_541 : vector<16xf32>
        %slice3A_543 = vector.extract_strided_slice %get3A_528 {offsets = [2], sizes = [1], strides = [1]} : vector<16xf32> to vector<1xf32>
        %squeeze3A_544 = vector.extract %slice3A_543[0] : f32 from vector<1xf32>
        %mul3A_545 = vector.broadcast %squeeze3A_544 : f32 to vector<16xf32>
        %mul3A_546 = arith.mulf %mul3A_545, %get3A_19 : vector<16xf32>
        %add3A_547 = arith.addf %add3A_542, %mul3A_546 : vector<16xf32>
        %slice3A_548 = vector.extract_strided_slice %get3A_528 {offsets = [3], sizes = [1], strides = [1]} : vector<16xf32> to vector<1xf32>
        %squeeze3A_549 = vector.extract %slice3A_548[0] : f32 from vector<1xf32>
        %mul3A_550 = vector.broadcast %squeeze3A_549 : f32 to vector<16xf32>
        %mul3A_551 = arith.mulf %mul3A_550, %get3A_24 : vector<16xf32>
        %add3A_552 = arith.addf %add3A_547, %mul3A_551 : vector<16xf32>
        %get3A_553 = arith.index_cast %add3A_532 : i32 to index
        %get3A_554 = arith.constant 0 : index
        %get3A_555 = tpu.vector_load %arg14[%get3A_553, %get3A_554] {strides = array<i32>} : memref<512x16xf32, #tpu.memory_space<vmem>>, vector<1x16xf32>,
        %get3A_556 = vector.shape_cast %get3A_555 : vector<1x16xf32> to vector<16xf32>
        %add3A_557 = arith.addf %get3A_556, %add3A_552 : vector<16xf32>
        %max3A_558 = arith.constant 0.000000e+00 : f32
        %max3A_559 = vector.broadcast %max3A_558 : f32 to vector<16xf32>
        %max3A_560 = arith.maximumf %add3A_557, %max3A_559 : vector<16xf32>
        %swap3A_561 = arith.index_cast %add3A_532 : i32 to index
        %swap3A_562 = arith.constant 0 : index
        %swap3A_563 = tpu.vector_load %arg14[%swap3A_561, %swap3A_562] {strides = array<i32>} : memref<512x16xf32, #tpu.memory_space<vmem>>, vector<1x16xf32>,
        %swap3A_564 = vector.shape_cast %swap3A_563 : vector<1x16xf32> to vector<16xf32>
        %swap3A_565 = vector.shape_cast %max3A_560 : vector<16xf32> to vector<1x16xf32>
        tpu.vector_store %arg14[%swap3A_561, %swap3A_562], %swap3A_565 {strides = array<i32>} : memref<512x16xf32, #tpu.memory_space<vmem>>, vector<1x16xf32>,
        %mul3A_566 = arith.constant 4 : i32
        %mul3A_567 = arith.muli %scan3A_524, %mul3A_566 : i32
        %add3A_568 = arith.constant 1 : i32
        %add3A_569 = arith.addi %mul3A_567, %add3A_568 : i32
        %slice3A_570 = vector.extract_strided_slice %get3A_528 {offsets = [4], sizes = [1], strides = [1]} : vector<16xf32> to vector<1xf32>
        %squeeze3A_571 = vector.extract %slice3A_570[0] : f32 from vector<1xf32>
        %mul3A_572 = vector.broadcast %squeeze3A_571 : f32 to vector<16xf32>
        %mul3A_573 = arith.mulf %mul3A_572, %get3A_9 : vector<16xf32>
        %add3A_574 = arith.addf %get3A_27, %mul3A_573 : vector<16xf32>
        %slice3A_575 = vector.extract_strided_slice %get3A_528 {offsets = [5], sizes = [1], strides = [1]} : vector<16xf32> to vector<1xf32>
        %squeeze3A_576 = vector.extract %slice3A_575[0] : f32 from vector<1xf32>
        %mul3A_577 = vector.broadcast %squeeze3A_576 : f32 to vector<16xf32>
        %mul3A_578 = arith.mulf %mul3A_577, %get3A_14 : vector<16xf32>
        %add3A_579 = arith.addf %add3A_574, %mul3A_578 : vector<16xf32>
        %slice3A_580 = vector.extract_strided_slice %get3A_528 {offsets = [6], sizes = [1], strides = [1]} : vector<16xf32> to vector<1xf32>
        %squeeze3A_581 = vector.extract %slice3A_580[0] : f32 from vector<1xf32>
        %mul3A_582 = vector.broadcast %squeeze3A_581 : f32 to vector<16xf32>
        %mul3A_583 = arith.mulf %mul3A_582, %get3A_19 : vector<16xf32>
        %add3A_584 = arith.addf %add3A_579, %mul3A_583 : vector<16xf32>
        %slice3A_585 = vector.extract_strided_slice %get3A_528 {offsets = [7], sizes = [1], strides = [1]} : vector<16xf32> to vector<1xf32>
        %squeeze3A_586 = vector.extract %slice3A_585[0] : f32 from vector<1xf32>
        %mul3A_587 = vector.broadcast %squeeze3A_586 : f32 to vector<16xf32>
        %mul3A_588 = arith.mulf %mul3A_587, %get3A_24 : vector<16xf32>
        %add3A_589 = arith.addf %add3A_584, %mul3A_588 : vector<16xf32>
        %get3A_590 = arith.index_cast %add3A_569 : i32 to index
        %get3A_591 = arith.constant 0 : index
        %get3A_592 = tpu.vector_load %arg14[%get3A_590, %get3A_591] {strides = array<i32>} : memref<512x16xf32, #tpu.memory_space<vmem>>, vector<1x16xf32>,
        %get3A_593 = vector.shape_cast %get3A_592 : vector<1x16xf32> to vector<16xf32>
        %add3A_594 = arith.addf %get3A_593, %add3A_589 : vector<16xf32>
        %max3A_595 = arith.constant 0.000000e+00 : f32
        %max3A_596 = vector.broadcast %max3A_595 : f32 to vector<16xf32>
        %max3A_597 = arith.maximumf %add3A_594, %max3A_596 : vector<16xf32>
        %swap3A_598 = arith.index_cast %add3A_569 : i32 to index
        %swap3A_599 = arith.constant 0 : index
        %swap3A_600 = tpu.vector_load %arg14[%swap3A_598, %swap3A_599] {strides = array<i32>} : memref<512x16xf32, #tpu.memory_space<vmem>>, vector<1x16xf32>,
        %swap3A_601 = vector.shape_cast %swap3A_600 : vector<1x16xf32> to vector<16xf32>
        %swap3A_602 = vector.shape_cast %max3A_597 : vector<16xf32> to vector<1x16xf32>
        tpu.vector_store %arg14[%swap3A_598, %swap3A_599], %swap3A_602 {strides = array<i32>} : memref<512x16xf32, #tpu.memory_space<vmem>>, vector<1x16xf32>,
        %mul3A_603 = arith.constant 4 : i32
        %mul3A_604 = arith.muli %scan3A_524, %mul3A_603 : i32
        %add3A_605 = arith.constant 2 : i32
        %add3A_606 = arith.addi %mul3A_604, %add3A_605 : i32
        %slice3A_607 = vector.extract_strided_slice %get3A_528 {offsets = [8], sizes = [1], strides = [1]} : vector<16xf32> to vector<1xf32>
        %squeeze3A_608 = vector.extract %slice3A_607[0] : f32 from vector<1xf32>
        %mul3A_609 = vector.broadcast %squeeze3A_608 : f32 to vector<16xf32>
        %mul3A_610 = arith.mulf %mul3A_609, %get3A_9 : vector<16xf32>
        %add3A_611 = arith.addf %get3A_27, %mul3A_610 : vector<16xf32>
        %slice3A_612 = vector.extract_strided_slice %get3A_528 {offsets = [9], sizes = [1], strides = [1]} : vector<16xf32> to vector<1xf32>
        %squeeze3A_613 = vector.extract %slice3A_612[0] : f32 from vector<1xf32>
        %mul3A_614 = vector.broadcast %squeeze3A_613 : f32 to vector<16xf32>
        %mul3A_615 = arith.mulf %mul3A_614, %get3A_14 : vector<16xf32>
        %add3A_616 = arith.addf %add3A_611, %mul3A_615 : vector<16xf32>
        %slice3A_617 = vector.extract_strided_slice %get3A_528 {offsets = [10], sizes = [1], strides = [1]} : vector<16xf32> to vector<1xf32>
        %squeeze3A_618 = vector.extract %slice3A_617[0] : f32 from vector<1xf32>
        %mul3A_619 = vector.broadcast %squeeze3A_618 : f32 to vector<16xf32>
        %mul3A_620 = arith.mulf %mul3A_619, %get3A_19 : vector<16xf32>
        %add3A_621 = arith.addf %add3A_616, %mul3A_620 : vector<16xf32>
        %slice3A_622 = vector.extract_strided_slice %get3A_528 {offsets = [11], sizes = [1], strides = [1]} : vector<16xf32> to vector<1xf32>
        %squeeze3A_623 = vector.extract %slice3A_622[0] : f32 from vector<1xf32>
        %mul3A_624 = vector.broadcast %squeeze3A_623 : f32 to vector<16xf32>
        %mul3A_625 = arith.mulf %mul3A_624, %get3A_24 : vector<16xf32>
        %add3A_626 = arith.addf %add3A_621, %mul3A_625 : vector<16xf32>
        %get3A_627 = arith.index_cast %add3A_606 : i32 to index
        %get3A_628 = arith.constant 0 : index
        %get3A_629 = tpu.vector_load %arg14[%get3A_627, %get3A_628] {strides = array<i32>} : memref<512x16xf32, #tpu.memory_space<vmem>>, vector<1x16xf32>,
        %get3A_630 = vector.shape_cast %get3A_629 : vector<1x16xf32> to vector<16xf32>
        %add3A_631 = arith.addf %get3A_630, %add3A_626 : vector<16xf32>
        %max3A_632 = arith.constant 0.000000e+00 : f32
        %max3A_633 = vector.broadcast %max3A_632 : f32 to vector<16xf32>
        %max3A_634 = arith.maximumf %add3A_631, %max3A_633 : vector<16xf32>
        %swap3A_635 = arith.index_cast %add3A_606 : i32 to index
        %swap3A_636 = arith.constant 0 : index
        %swap3A_637 = tpu.vector_load %arg14[%swap3A_635, %swap3A_636] {strides = array<i32>} : memref<512x16xf32, #tpu.memory_space<vmem>>, vector<1x16xf32>,
        %swap3A_638 = vector.shape_cast %swap3A_637 : vector<1x16xf32> to vector<16xf32>
        %swap3A_639 = vector.shape_cast %max3A_634 : vector<16xf32> to vector<1x16xf32>
        tpu.vector_store %arg14[%swap3A_635, %swap3A_636], %swap3A_639 {strides = array<i32>} : memref<512x16xf32, #tpu.memory_space<vmem>>, vector<1x16xf32>,
        %mul3A_640 = arith.constant 4 : i32
        %mul3A_641 = arith.muli %scan3A_524, %mul3A_640 : i32
        %add3A_642 = arith.constant 3 : i32
        %add3A_643 = arith.addi %mul3A_641, %add3A_642 : i32
        %slice3A_644 = vector.extract_strided_slice %get3A_528 {offsets = [12], sizes = [1], strides = [1]} : vector<16xf32> to vector<1xf32>
        %squeeze3A_645 = vector.extract %slice3A_644[0] : f32 from vector<1xf32>
        %mul3A_646 = vector.broadcast %squeeze3A_645 : f32 to vector<16xf32>
        %mul3A_647 = arith.mulf %mul3A_646, %get3A_9 : vector<16xf32>
        %add3A_648 = arith.addf %get3A_27, %mul3A_647 : vector<16xf32>
        %slice3A_649 = vector.extract_strided_slice %get3A_528 {offsets = [13], sizes = [1], strides = [1]} : vector<16xf32> to vector<1xf32>
        %squeeze3A_650 = vector.extract %slice3A_649[0] : f32 from vector<1xf32>
        %mul3A_651 = vector.broadcast %squeeze3A_650 : f32 to vector<16xf32>
        %mul3A_652 = arith.mulf %mul3A_651, %get3A_14 : vector<16xf32>
        %add3A_653 = arith.addf %add3A_648, %mul3A_652 : vector<16xf32>
        %slice3A_654 = vector.extract_strided_slice %get3A_528 {offsets = [14], sizes = [1], strides = [1]} : vector<16xf32> to vector<1xf32>
        %squeeze3A_655 = vector.extract %slice3A_654[0] : f32 from vector<1xf32>
        %mul3A_656 = vector.broadcast %squeeze3A_655 : f32 to vector<16xf32>
        %mul3A_657 = arith.mulf %mul3A_656, %get3A_19 : vector<16xf32>
        %add3A_658 = arith.addf %add3A_653, %mul3A_657 : vector<16xf32>
        %slice3A_659 = vector.extract_strided_slice %get3A_528 {offsets = [15], sizes = [1], strides = [1]} : vector<16xf32> to vector<1xf32>
        %squeeze3A_660 = vector.extract %slice3A_659[0] : f32 from vector<1xf32>
        %mul3A_661 = vector.broadcast %squeeze3A_660 : f32 to vector<16xf32>
        %mul3A_662 = arith.mulf %mul3A_661, %get3A_24 : vector<16xf32>
        %add3A_663 = arith.addf %add3A_658, %mul3A_662 : vector<16xf32>
        %get3A_664 = arith.index_cast %add3A_643 : i32 to index
        %get3A_665 = arith.constant 0 : index
        %get3A_666 = tpu.vector_load %arg14[%get3A_664, %get3A_665] {strides = array<i32>} : memref<512x16xf32, #tpu.memory_space<vmem>>, vector<1x16xf32>,
        %get3A_667 = vector.shape_cast %get3A_666 : vector<1x16xf32> to vector<16xf32>
        %add3A_668 = arith.addf %get3A_667, %add3A_663 : vector<16xf32>
        %max3A_669 = arith.constant 0.000000e+00 : f32
        %max3A_670 = vector.broadcast %max3A_669 : f32 to vector<16xf32>
        %max3A_671 = arith.maximumf %add3A_668, %max3A_670 : vector<16xf32>
        %swap3A_672 = arith.index_cast %add3A_643 : i32 to index
        %swap3A_673 = arith.constant 0 : index
        %swap3A_674 = tpu.vector_load %arg14[%swap3A_672, %swap3A_673] {strides = array<i32>} : memref<512x16xf32, #tpu.memory_space<vmem>>, vector<1x16xf32>,
        %swap3A_675 = vector.shape_cast %swap3A_674 : vector<1x16xf32> to vector<16xf32>
        %swap3A_676 = vector.shape_cast %max3A_671 : vector<16xf32> to vector<1x16xf32>
        tpu.vector_store %arg14[%swap3A_672, %swap3A_673], %swap3A_676 {strides = array<i32>} : memref<512x16xf32, #tpu.memory_space<vmem>>, vector<1x16xf32>,
        %scan3A_677 = arith.constant 3 : i32
        %scan3A_678 = arith.addi %scan3A_220, %scan3A_677 : i32
        %get3A_679 = arith.index_cast %scan3A_678 : i32 to index
        %get3A_680 = arith.constant 0 : index
        %get3A_681 = tpu.vector_load %arg13[%get3A_679, %get3A_680] {strides = array<i32>} : memref<128x16xf32, #tpu.memory_space<vmem>>, vector<1x16xf32>,
        %get3A_682 = vector.shape_cast %get3A_681 : vector<1x16xf32> to vector<16xf32>
        %mul3A_683 = arith.constant 4 : i32
        %mul3A_684 = arith.muli %scan3A_678, %mul3A_683 : i32
        %add3A_685 = arith.constant 0 : i32
        %add3A_686 = arith.addi %mul3A_684, %add3A_685 : i32
        %slice3A_687 = vector.extract_strided_slice %get3A_682 {offsets = [0], sizes = [1], strides = [1]} : vector<16xf32> to vector<1xf32>
        %squeeze3A_688 = vector.extract %slice3A_687[0] : f32 from vector<1xf32>
        %mul3A_689 = vector.broadcast %squeeze3A_688 : f32 to vector<16xf32>
        %mul3A_690 = arith.mulf %mul3A_689, %get3A_9 : vector<16xf32>
        %add3A_691 = arith.addf %get3A_27, %mul3A_690 : vector<16xf32>
        %slice3A_692 = vector.extract_strided_slice %get3A_682 {offsets = [1], sizes = [1], strides = [1]} : vector<16xf32> to vector<1xf32>
        %squeeze3A_693 = vector.extract %slice3A_692[0] : f32 from vector<1xf32>
        %mul3A_694 = vector.broadcast %squeeze3A_693 : f32 to vector<16xf32>
        %mul3A_695 = arith.mulf %mul3A_694, %get3A_14 : vector<16xf32>
        %add3A_696 = arith.addf %add3A_691, %mul3A_695 : vector<16xf32>
        %slice3A_697 = vector.extract_strided_slice %get3A_682 {offsets = [2], sizes = [1], strides = [1]} : vector<16xf32> to vector<1xf32>
        %squeeze3A_698 = vector.extract %slice3A_697[0] : f32 from vector<1xf32>
        %mul3A_699 = vector.broadcast %squeeze3A_698 : f32 to vector<16xf32>
        %mul3A_700 = arith.mulf %mul3A_699, %get3A_19 : vector<16xf32>
        %add3A_701 = arith.addf %add3A_696, %mul3A_700 : vector<16xf32>
        %slice3A_702 = vector.extract_strided_slice %get3A_682 {offsets = [3], sizes = [1], strides = [1]} : vector<16xf32> to vector<1xf32>
        %squeeze3A_703 = vector.extract %slice3A_702[0] : f32 from vector<1xf32>
        %mul3A_704 = vector.broadcast %squeeze3A_703 : f32 to vector<16xf32>
        %mul3A_705 = arith.mulf %mul3A_704, %get3A_24 : vector<16xf32>
        %add3A_706 = arith.addf %add3A_701, %mul3A_705 : vector<16xf32>
        %get3A_707 = arith.index_cast %add3A_686 : i32 to index
        %get3A_708 = arith.constant 0 : index
        %get3A_709 = tpu.vector_load %arg14[%get3A_707, %get3A_708] {strides = array<i32>} : memref<512x16xf32, #tpu.memory_space<vmem>>, vector<1x16xf32>,
        %get3A_710 = vector.shape_cast %get3A_709 : vector<1x16xf32> to vector<16xf32>
        %add3A_711 = arith.addf %get3A_710, %add3A_706 : vector<16xf32>
        %max3A_712 = arith.constant 0.000000e+00 : f32
        %max3A_713 = vector.broadcast %max3A_712 : f32 to vector<16xf32>
        %max3A_714 = arith.maximumf %add3A_711, %max3A_713 : vector<16xf32>
        %swap3A_715 = arith.index_cast %add3A_686 : i32 to index
        %swap3A_716 = arith.constant 0 : index
        %swap3A_717 = tpu.vector_load %arg14[%swap3A_715, %swap3A_716] {strides = array<i32>} : memref<512x16xf32, #tpu.memory_space<vmem>>, vector<1x16xf32>,
        %swap3A_718 = vector.shape_cast %swap3A_717 : vector<1x16xf32> to vector<16xf32>
        %swap3A_719 = vector.shape_cast %max3A_714 : vector<16xf32> to vector<1x16xf32>
        tpu.vector_store %arg14[%swap3A_715, %swap3A_716], %swap3A_719 {strides = array<i32>} : memref<512x16xf32, #tpu.memory_space<vmem>>, vector<1x16xf32>,
        %mul3A_720 = arith.constant 4 : i32
        %mul3A_721 = arith.muli %scan3A_678, %mul3A_720 : i32
        %add3A_722 = arith.constant 1 : i32
        %add3A_723 = arith.addi %mul3A_721, %add3A_722 : i32
        %slice3A_724 = vector.extract_strided_slice %get3A_682 {offsets = [4], sizes = [1], strides = [1]} : vector<16xf32> to vector<1xf32>
        %squeeze3A_725 = vector.extract %slice3A_724[0] : f32 from vector<1xf32>
        %mul3A_726 = vector.broadcast %squeeze3A_725 : f32 to vector<16xf32>
        %mul3A_727 = arith.mulf %mul3A_726, %get3A_9 : vector<16xf32>
        %add3A_728 = arith.addf %get3A_27, %mul3A_727 : vector<16xf32>
        %slice3A_729 = vector.extract_strided_slice %get3A_682 {offsets = [5], sizes = [1], strides = [1]} : vector<16xf32> to vector<1xf32>
        %squeeze3A_730 = vector.extract %slice3A_729[0] : f32 from vector<1xf32>
        %mul3A_731 = vector.broadcast %squeeze3A_730 : f32 to vector<16xf32>
        %mul3A_732 = arith.mulf %mul3A_731, %get3A_14 : vector<16xf32>
        %add3A_733 = arith.addf %add3A_728, %mul3A_732 : vector<16xf32>
        %slice3A_734 = vector.extract_strided_slice %get3A_682 {offsets = [6], sizes = [1], strides = [1]} : vector<16xf32> to vector<1xf32>
        %squeeze3A_735 = vector.extract %slice3A_734[0] : f32 from vector<1xf32>
        %mul3A_736 = vector.broadcast %squeeze3A_735 : f32 to vector<16xf32>
        %mul3A_737 = arith.mulf %mul3A_736, %get3A_19 : vector<16xf32>
        %add3A_738 = arith.addf %add3A_733, %mul3A_737 : vector<16xf32>
        %slice3A_739 = vector.extract_strided_slice %get3A_682 {offsets = [7], sizes = [1], strides = [1]} : vector<16xf32> to vector<1xf32>
        %squeeze3A_740 = vector.extract %slice3A_739[0] : f32 from vector<1xf32>
        %mul3A_741 = vector.broadcast %squeeze3A_740 : f32 to vector<16xf32>
        %mul3A_742 = arith.mulf %mul3A_741, %get3A_24 : vector<16xf32>
        %add3A_743 = arith.addf %add3A_738, %mul3A_742 : vector<16xf32>
        %get3A_744 = arith.index_cast %add3A_723 : i32 to index
        %get3A_745 = arith.constant 0 : index
        %get3A_746 = tpu.vector_load %arg14[%get3A_744, %get3A_745] {strides = array<i32>} : memref<512x16xf32, #tpu.memory_space<vmem>>, vector<1x16xf32>,
        %get3A_747 = vector.shape_cast %get3A_746 : vector<1x16xf32> to vector<16xf32>
        %add3A_748 = arith.addf %get3A_747, %add3A_743 : vector<16xf32>
        %max3A_749 = arith.constant 0.000000e+00 : f32
        %max3A_750 = vector.broadcast %max3A_749 : f32 to vector<16xf32>
        %max3A_751 = arith.maximumf %add3A_748, %max3A_750 : vector<16xf32>
        %swap3A_752 = arith.index_cast %add3A_723 : i32 to index
        %swap3A_753 = arith.constant 0 : index
        %swap3A_754 = tpu.vector_load %arg14[%swap3A_752, %swap3A_753] {strides = array<i32>} : memref<512x16xf32, #tpu.memory_space<vmem>>, vector<1x16xf32>,
        %swap3A_755 = vector.shape_cast %swap3A_754 : vector<1x16xf32> to vector<16xf32>
        %swap3A_756 = vector.shape_cast %max3A_751 : vector<16xf32> to vector<1x16xf32>
        tpu.vector_store %arg14[%swap3A_752, %swap3A_753], %swap3A_756 {strides = array<i32>} : memref<512x16xf32, #tpu.memory_space<vmem>>, vector<1x16xf32>,
        %mul3A_757 = arith.constant 4 : i32
        %mul3A_758 = arith.muli %scan3A_678, %mul3A_757 : i32
        %add3A_759 = arith.constant 2 : i32
        %add3A_760 = arith.addi %mul3A_758, %add3A_759 : i32
        %slice3A_761 = vector.extract_strided_slice %get3A_682 {offsets = [8], sizes = [1], strides = [1]} : vector<16xf32> to vector<1xf32>
        %squeeze3A_762 = vector.extract %slice3A_761[0] : f32 from vector<1xf32>
        %mul3A_763 = vector.broadcast %squeeze3A_762 : f32 to vector<16xf32>
        %mul3A_764 = arith.mulf %mul3A_763, %get3A_9 : vector<16xf32>
        %add3A_765 = arith.addf %get3A_27, %mul3A_764 : vector<16xf32>
        %slice3A_766 = vector.extract_strided_slice %get3A_682 {offsets = [9], sizes = [1], strides = [1]} : vector<16xf32> to vector<1xf32>
        %squeeze3A_767 = vector.extract %slice3A_766[0] : f32 from vector<1xf32>
        %mul3A_768 = vector.broadcast %squeeze3A_767 : f32 to vector<16xf32>
        %mul3A_769 = arith.mulf %mul3A_768, %get3A_14 : vector<16xf32>
        %add3A_770 = arith.addf %add3A_765, %mul3A_769 : vector<16xf32>
        %slice3A_771 = vector.extract_strided_slice %get3A_682 {offsets = [10], sizes = [1], strides = [1]} : vector<16xf32> to vector<1xf32>
        %squeeze3A_772 = vector.extract %slice3A_771[0] : f32 from vector<1xf32>
        %mul3A_773 = vector.broadcast %squeeze3A_772 : f32 to vector<16xf32>
        %mul3A_774 = arith.mulf %mul3A_773, %get3A_19 : vector<16xf32>
        %add3A_775 = arith.addf %add3A_770, %mul3A_774 : vector<16xf32>
        %slice3A_776 = vector.extract_strided_slice %get3A_682 {offsets = [11], sizes = [1], strides = [1]} : vector<16xf32> to vector<1xf32>
        %squeeze3A_777 = vector.extract %slice3A_776[0] : f32 from vector<1xf32>
        %mul3A_778 = vector.broadcast %squeeze3A_777 : f32 to vector<16xf32>
        %mul3A_779 = arith.mulf %mul3A_778, %get3A_24 : vector<16xf32>
        %add3A_780 = arith.addf %add3A_775, %mul3A_779 : vector<16xf32>
        %get3A_781 = arith.index_cast %add3A_760 : i32 to index
        %get3A_782 = arith.constant 0 : index
        %get3A_783 = tpu.vector_load %arg14[%get3A_781, %get3A_782] {strides = array<i32>} : memref<512x16xf32, #tpu.memory_space<vmem>>, vector<1x16xf32>,
        %get3A_784 = vector.shape_cast %get3A_783 : vector<1x16xf32> to vector<16xf32>
        %add3A_785 = arith.addf %get3A_784, %add3A_780 : vector<16xf32>
        %max3A_786 = arith.constant 0.000000e+00 : f32
        %max3A_787 = vector.broadcast %max3A_786 : f32 to vector<16xf32>
        %max3A_788 = arith.maximumf %add3A_785, %max3A_787 : vector<16xf32>
        %swap3A_789 = arith.index_cast %add3A_760 : i32 to index
        %swap3A_790 = arith.constant 0 : index
        %swap3A_791 = tpu.vector_load %arg14[%swap3A_789, %swap3A_790] {strides = array<i32>} : memref<512x16xf32, #tpu.memory_space<vmem>>, vector<1x16xf32>,
        %swap3A_792 = vector.shape_cast %swap3A_791 : vector<1x16xf32> to vector<16xf32>
        %swap3A_793 = vector.shape_cast %max3A_788 : vector<16xf32> to vector<1x16xf32>
        tpu.vector_store %arg14[%swap3A_789, %swap3A_790], %swap3A_793 {strides = array<i32>} : memref<512x16xf32, #tpu.memory_space<vmem>>, vector<1x16xf32>,
        %mul3A_794 = arith.constant 4 : i32
        %mul3A_795 = arith.muli %scan3A_678, %mul3A_794 : i32
        %add3A_796 = arith.constant 3 : i32
        %add3A_797 = arith.addi %mul3A_795, %add3A_796 : i32
        %slice3A_798 = vector.extract_strided_slice %get3A_682 {offsets = [12], sizes = [1], strides = [1]} : vector<16xf32> to vector<1xf32>
        %squeeze3A_799 = vector.extract %slice3A_798[0] : f32 from vector<1xf32>
        %mul3A_800 = vector.broadcast %squeeze3A_799 : f32 to vector<16xf32>
        %mul3A_801 = arith.mulf %mul3A_800, %get3A_9 : vector<16xf32>
        %add3A_802 = arith.addf %get3A_27, %mul3A_801 : vector<16xf32>
        %slice3A_803 = vector.extract_strided_slice %get3A_682 {offsets = [13], sizes = [1], strides = [1]} : vector<16xf32> to vector<1xf32>
        %squeeze3A_804 = vector.extract %slice3A_803[0] : f32 from vector<1xf32>
        %mul3A_805 = vector.broadcast %squeeze3A_804 : f32 to vector<16xf32>
        %mul3A_806 = arith.mulf %mul3A_805, %get3A_14 : vector<16xf32>
        %add3A_807 = arith.addf %add3A_802, %mul3A_806 : vector<16xf32>
        %slice3A_808 = vector.extract_strided_slice %get3A_682 {offsets = [14], sizes = [1], strides = [1]} : vector<16xf32> to vector<1xf32>
        %squeeze3A_809 = vector.extract %slice3A_808[0] : f32 from vector<1xf32>
        %mul3A_810 = vector.broadcast %squeeze3A_809 : f32 to vector<16xf32>
        %mul3A_811 = arith.mulf %mul3A_810, %get3A_19 : vector<16xf32>
        %add3A_812 = arith.addf %add3A_807, %mul3A_811 : vector<16xf32>
        %slice3A_813 = vector.extract_strided_slice %get3A_682 {offsets = [15], sizes = [1], strides = [1]} : vector<16xf32> to vector<1xf32>
        %squeeze3A_814 = vector.extract %slice3A_813[0] : f32 from vector<1xf32>
        %mul3A_815 = vector.broadcast %squeeze3A_814 : f32 to vector<16xf32>
        %mul3A_816 = arith.mulf %mul3A_815, %get3A_24 : vector<16xf32>
        %add3A_817 = arith.addf %add3A_812, %mul3A_816 : vector<16xf32>
        %get3A_818 = arith.index_cast %add3A_797 : i32 to index
        %get3A_819 = arith.constant 0 : index
        %get3A_820 = tpu.vector_load %arg14[%get3A_818, %get3A_819] {strides = array<i32>} : memref<512x16xf32, #tpu.memory_space<vmem>>, vector<1x16xf32>,
        %get3A_821 = vector.shape_cast %get3A_820 : vector<1x16xf32> to vector<16xf32>
        %add3A_822 = arith.addf %get3A_821, %add3A_817 : vector<16xf32>
        %max3A_823 = arith.constant 0.000000e+00 : f32
        %max3A_824 = vector.broadcast %max3A_823 : f32 to vector<16xf32>
        %max3A_825 = arith.maximumf %add3A_822, %max3A_824 : vector<16xf32>
        %swap3A_826 = arith.index_cast %add3A_797 : i32 to index
        %swap3A_827 = arith.constant 0 : index
        %swap3A_828 = tpu.vector_load %arg14[%swap3A_826, %swap3A_827] {strides = array<i32>} : memref<512x16xf32, #tpu.memory_space<vmem>>, vector<1x16xf32>,
        %swap3A_829 = vector.shape_cast %swap3A_828 : vector<1x16xf32> to vector<16xf32>
        %swap3A_830 = vector.shape_cast %max3A_825 : vector<16xf32> to vector<1x16xf32>
        tpu.vector_store %arg14[%swap3A_826, %swap3A_827], %swap3A_830 {strides = array<i32>} : memref<512x16xf32, #tpu.memory_space<vmem>>, vector<1x16xf32>,
      }
      %scan3A_139 = arith.constant 128 : i32
      %dma_start3A_140 = arith.constant 0 : i32
      %dma_start3A_141 = arith.constant 0 : i32
      %dma_start3A_142 = arith.constant 0 : i32
      %dma_start3A_143 = tpu.memref_slice %arg14[%dma_start3A_141, %dma_start3A_142] : memref<512x16xf32, #tpu.memory_space<vmem>> -> memref<128x16xf32, #tpu.memory_space<vmem>>
      %dma_start3A_144 = arith.constant 0 : i32
      %dma_start3A_145 = tpu.memref_slice %arg12[%dma_start3A_140, %dma_start3A_144] : memref<4x128xi32, #tpu.memory_space<vmem>> -> memref<1x128xi32, #tpu.memory_space<vmem>>
      %dma_start3A_146 = tpu.memref_squeeze %dma_start3A_145 : memref<1x128xi32, #tpu.memory_space<vmem>> -> memref<128xi32, #tpu.memory_space<vmem>>
      %dma_start3A_147 = arith.constant 0 : i32
      %dma_start3A_148 = arith.constant 0 : i32
      %dma_start3A_149 = tpu.memref_slice %arg10[%dma_start3A_147, %dma_start3A_148] : memref<100008x16xf32, #tpu.memory_space<vmem_shared>> -> memref<100008x16xf32, #tpu.memory_space<vmem_shared>>
      tpu.enqueue_indirect_dma source(%dma_start3A_143 : memref<128x16xf32, #tpu.memory_space<vmem>>) target(%dma_start3A_149 : memref<100008x16xf32, #tpu.memory_space<vmem_shared>>) offsets(%dma_start3A_146 : memref<128xi32, #tpu.memory_space<vmem>>) semaphore(%arg18 : memref<!tpu.dma_semaphore, #tpu.memory_space<semaphore_mem>>) {add = true}
      %dma_start3A_150 = arith.constant 1 : i32
      %dma_start3A_151 = arith.constant 128 : i32
      %dma_start3A_152 = arith.constant 0 : i32
      %dma_start3A_153 = tpu.memref_slice %arg14[%dma_start3A_151, %dma_start3A_152] : memref<512x16xf32, #tpu.memory_space<vmem>> -> memref<128x16xf32, #tpu.memory_space<vmem>>
      %dma_start3A_154 = arith.constant 0 : i32
      %dma_start3A_155 = tpu.memref_slice %arg12[%dma_start3A_150, %dma_start3A_154] : memref<4x128xi32, #tpu.memory_space<vmem>> -> memref<1x128xi32, #tpu.memory_space<vmem>>
      %dma_start3A_156 = tpu.memref_squeeze %dma_start3A_155 : memref<1x128xi32, #tpu.memory_space<vmem>> -> memref<128xi32, #tpu.memory_space<vmem>>
      %dma_start3A_157 = arith.constant 0 : i32
      %dma_start3A_158 = arith.constant 0 : i32
      %dma_start3A_159 = tpu.memref_slice %arg10[%dma_start3A_157, %dma_start3A_158] : memref<100008x16xf32, #tpu.memory_space<vmem_shared>> -> memref<100008x16xf32, #tpu.memory_space<vmem_shared>>
      tpu.enqueue_indirect_dma source(%dma_start3A_153 : memref<128x16xf32, #tpu.memory_space<vmem>>) target(%dma_start3A_159 : memref<100008x16xf32, #tpu.memory_space<vmem_shared>>) offsets(%dma_start3A_156 : memref<128xi32, #tpu.memory_space<vmem>>) semaphore(%arg18 : memref<!tpu.dma_semaphore, #tpu.memory_space<semaphore_mem>>) {add = true}
      %dma_start3A_160 = arith.constant 2 : i32
      %dma_start3A_161 = arith.constant 256 : i32
      %dma_start3A_162 = arith.constant 0 : i32
      %dma_start3A_163 = tpu.memref_slice %arg14[%dma_start3A_161, %dma_start3A_162] : memref<512x16xf32, #tpu.memory_space<vmem>> -> memref<128x16xf32, #tpu.memory_space<vmem>>
      %dma_start3A_164 = arith.constant 0 : i32
      %dma_start3A_165 = tpu.memref_slice %arg12[%dma_start3A_160, %dma_start3A_164] : memref<4x128xi32, #tpu.memory_space<vmem>> -> memref<1x128xi32, #tpu.memory_space<vmem>>
      %dma_start3A_166 = tpu.memref_squeeze %dma_start3A_165 : memref<1x128xi32, #tpu.memory_space<vmem>> -> memref<128xi32, #tpu.memory_space<vmem>>
      %dma_start3A_167 = arith.constant 0 : i32
      %dma_start3A_168 = arith.constant 0 : i32
      %dma_start3A_169 = tpu.memref_slice %arg10[%dma_start3A_167, %dma_start3A_168] : memref<100008x16xf32, #tpu.memory_space<vmem_shared>> -> memref<100008x16xf32, #tpu.memory_space<vmem_shared>>
      tpu.enqueue_indirect_dma source(%dma_start3A_163 : memref<128x16xf32, #tpu.memory_space<vmem>>) target(%dma_start3A_169 : memref<100008x16xf32, #tpu.memory_space<vmem_shared>>) offsets(%dma_start3A_166 : memref<128xi32, #tpu.memory_space<vmem>>) semaphore(%arg18 : memref<!tpu.dma_semaphore, #tpu.memory_space<semaphore_mem>>) {add = true}
      %dma_start3A_170 = arith.constant 3 : i32
      %dma_start3A_171 = arith.constant 384 : i32
      %dma_start3A_172 = arith.constant 0 : i32
      %dma_start3A_173 = tpu.memref_slice %arg14[%dma_start3A_171, %dma_start3A_172] : memref<512x16xf32, #tpu.memory_space<vmem>> -> memref<128x16xf32, #tpu.memory_space<vmem>>
      %dma_start3A_174 = arith.constant 0 : i32
      %dma_start3A_175 = tpu.memref_slice %arg12[%dma_start3A_170, %dma_start3A_174] : memref<4x128xi32, #tpu.memory_space<vmem>> -> memref<1x128xi32, #tpu.memory_space<vmem>>
      %dma_start3A_176 = tpu.memref_squeeze %dma_start3A_175 : memref<1x128xi32, #tpu.memory_space<vmem>> -> memref<128xi32, #tpu.memory_space<vmem>>
      %dma_start3A_177 = arith.constant 0 : i32
      %dma_start3A_178 = arith.constant 0 : i32
      %dma_start3A_179 = tpu.memref_slice %arg10[%dma_start3A_177, %dma_start3A_178] : memref<100008x16xf32, #tpu.memory_space<vmem_shared>> -> memref<100008x16xf32, #tpu.memory_space<vmem_shared>>
      tpu.enqueue_indirect_dma source(%dma_start3A_173 : memref<128x16xf32, #tpu.memory_space<vmem>>) target(%dma_start3A_179 : memref<100008x16xf32, #tpu.memory_space<vmem_shared>>) offsets(%dma_start3A_176 : memref<128xi32, #tpu.memory_space<vmem>>) semaphore(%arg18 : memref<!tpu.dma_semaphore, #tpu.memory_space<semaphore_mem>>) {add = true}
      %dma_wait3A_180 = arith.constant 0 : i32
      %dma_wait3A_181 = arith.constant 0 : i32
      %dma_wait3A_182 = arith.constant 0 : i32
      %dma_wait3A_183 = tpu.memref_slice %arg14[%dma_wait3A_181, %dma_wait3A_182] : memref<512x16xf32, #tpu.memory_space<vmem>> -> memref<128x16xf32, #tpu.memory_space<vmem>>
      %dma_wait3A_184 = arith.constant 0 : i32
      %dma_wait3A_185 = tpu.memref_slice %arg12[%dma_wait3A_180, %dma_wait3A_184] : memref<4x128xi32, #tpu.memory_space<vmem>> -> memref<1x128xi32, #tpu.memory_space<vmem>>
      %dma_wait3A_186 = tpu.memref_squeeze %dma_wait3A_185 : memref<1x128xi32, #tpu.memory_space<vmem>> -> memref<128xi32, #tpu.memory_space<vmem>>
      %dma_wait3A_187 = arith.constant 0 : i32
      %dma_wait3A_188 = arith.constant 0 : i32
      %dma_wait3A_189 = tpu.memref_slice %arg10[%dma_wait3A_187, %dma_wait3A_188] : memref<100008x16xf32, #tpu.memory_space<vmem_shared>> -> memref<100008x16xf32, #tpu.memory_space<vmem_shared>>
      tpu.wait_indirect_dma semaphore(%arg18 : memref<!tpu.dma_semaphore, #tpu.memory_space<semaphore_mem>>) src(%dma_wait3A_183 : memref<128x16xf32, #tpu.memory_space<vmem>>) dst(%dma_wait3A_189 : memref<100008x16xf32, #tpu.memory_space<vmem_shared>>)
      %dma_wait3A_190 = arith.constant 1 : i32
      %dma_wait3A_191 = arith.constant 128 : i32
      %dma_wait3A_192 = arith.constant 0 : i32
      %dma_wait3A_193 = tpu.memref_slice %arg14[%dma_wait3A_191, %dma_wait3A_192] : memref<512x16xf32, #tpu.memory_space<vmem>> -> memref<128x16xf32, #tpu.memory_space<vmem>>
      %dma_wait3A_194 = arith.constant 0 : i32
      %dma_wait3A_195 = tpu.memref_slice %arg12[%dma_wait3A_190, %dma_wait3A_194] : memref<4x128xi32, #tpu.memory_space<vmem>> -> memref<1x128xi32, #tpu.memory_space<vmem>>
      %dma_wait3A_196 = tpu.memref_squeeze %dma_wait3A_195 : memref<1x128xi32, #tpu.memory_space<vmem>> -> memref<128xi32, #tpu.memory_space<vmem>>
      %dma_wait3A_197 = arith.constant 0 : i32
      %dma_wait3A_198 = arith.constant 0 : i32
      %dma_wait3A_199 = tpu.memref_slice %arg10[%dma_wait3A_197, %dma_wait3A_198] : memref<100008x16xf32, #tpu.memory_space<vmem_shared>> -> memref<100008x16xf32, #tpu.memory_space<vmem_shared>>
      tpu.wait_indirect_dma semaphore(%arg18 : memref<!tpu.dma_semaphore, #tpu.memory_space<semaphore_mem>>) src(%dma_wait3A_193 : memref<128x16xf32, #tpu.memory_space<vmem>>) dst(%dma_wait3A_199 : memref<100008x16xf32, #tpu.memory_space<vmem_shared>>)
      %dma_wait3A_200 = arith.constant 2 : i32
      %dma_wait3A_201 = arith.constant 256 : i32
      %dma_wait3A_202 = arith.constant 0 : i32
      %dma_wait3A_203 = tpu.memref_slice %arg14[%dma_wait3A_201, %dma_wait3A_202] : memref<512x16xf32, #tpu.memory_space<vmem>> -> memref<128x16xf32, #tpu.memory_space<vmem>>
      %dma_wait3A_204 = arith.constant 0 : i32
      %dma_wait3A_205 = tpu.memref_slice %arg12[%dma_wait3A_200, %dma_wait3A_204] : memref<4x128xi32, #tpu.memory_space<vmem>> -> memref<1x128xi32, #tpu.memory_space<vmem>>
      %dma_wait3A_206 = tpu.memref_squeeze %dma_wait3A_205 : memref<1x128xi32, #tpu.memory_space<vmem>> -> memref<128xi32, #tpu.memory_space<vmem>>
      %dma_wait3A_207 = arith.constant 0 : i32
      %dma_wait3A_208 = arith.constant 0 : i32
      %dma_wait3A_209 = tpu.memref_slice %arg10[%dma_wait3A_207, %dma_wait3A_208] : memref<100008x16xf32, #tpu.memory_space<vmem_shared>> -> memref<100008x16xf32, #tpu.memory_space<vmem_shared>>
      tpu.wait_indirect_dma semaphore(%arg18 : memref<!tpu.dma_semaphore, #tpu.memory_space<semaphore_mem>>) src(%dma_wait3A_203 : memref<128x16xf32, #tpu.memory_space<vmem>>) dst(%dma_wait3A_209 : memref<100008x16xf32, #tpu.memory_space<vmem_shared>>)
      %dma_wait3A_210 = arith.constant 3 : i32
      %dma_wait3A_211 = arith.constant 384 : i32
      %dma_wait3A_212 = arith.constant 0 : i32
      %dma_wait3A_213 = tpu.memref_slice %arg14[%dma_wait3A_211, %dma_wait3A_212] : memref<512x16xf32, #tpu.memory_space<vmem>> -> memref<128x16xf32, #tpu.memory_space<vmem>>
      %dma_wait3A_214 = arith.constant 0 : i32
      %dma_wait3A_215 = tpu.memref_slice %arg12[%dma_wait3A_210, %dma_wait3A_214] : memref<4x128xi32, #tpu.memory_space<vmem>> -> memref<1x128xi32, #tpu.memory_space<vmem>>
      %dma_wait3A_216 = tpu.memref_squeeze %dma_wait3A_215 : memref<1x128xi32, #tpu.memory_space<vmem>> -> memref<128xi32, #tpu.memory_space<vmem>>
      %dma_wait3A_217 = arith.constant 0 : i32
      %dma_wait3A_218 = arith.constant 0 : i32
      %dma_wait3A_219 = tpu.memref_slice %arg10[%dma_wait3A_217, %dma_wait3A_218] : memref<100008x16xf32, #tpu.memory_space<vmem_shared>> -> memref<100008x16xf32, #tpu.memory_space<vmem_shared>>
      tpu.wait_indirect_dma semaphore(%arg18 : memref<!tpu.dma_semaphore, #tpu.memory_space<semaphore_mem>>) src(%dma_wait3A_213 : memref<128x16xf32, #tpu.memory_space<vmem>>) dst(%dma_wait3A_219 : memref<100008x16xf32, #tpu.memory_space<vmem_shared>>)
    }
    %scan3A_33 = arith.constant 196 : i32
    %barrier3A_34 = arith.constant 0 : index
    tpu.barrier barrier_id(%barrier3A_34)
    %lt3A_35 = arith.constant 15 : i32
    %lt3A_36 = arith.cmpi slt, %arg1, %lt3A_35 : i32
    %convert_element_type3A_37 = arith.extui %lt3A_36 : i1 to i32
    %cond3A_38 = arith.constant 0 : i32
    %cond3A_39 = arith.cmpi ne, %convert_element_type3A_37, %cond3A_38 : i32
    scf.if %cond3A_39 {
      %mul3A_45 = arith.constant 6256 : i32
      %mul3A_46 = arith.muli %arg1, %mul3A_45 : i32
      %mul3A_47 = arith.constant 6256 : i32
      %mul3A_48 = arith.muli %arg1, %mul3A_47 : i32
      "tpu.region"() ({
        %run_scoped3A = tpu.sem_alloc : memref<!tpu.dma_semaphore, #tpu.memory_space<semaphore_mem>>
        %dma_start3A = arith.constant 0 : i32
        %dma_start3A_49 = tpu.memref_slice %arg9[%arg0, %mul3A_48, %dma_start3A] : memref<2x100000x16xf32, #tpu.memory_space<hbm>> -> memref<1x6256x16xf32, #tpu.memory_space<hbm>>
        %dma_start3A_50 = tpu.memref_squeeze %dma_start3A_49 : memref<1x6256x16xf32, #tpu.memory_space<hbm>> -> memref<6256x16xf32, #tpu.memory_space<hbm>>
        %dma_start3A_51 = arith.constant 0 : i32
        %dma_start3A_52 = tpu.memref_slice %arg10[%mul3A_46, %dma_start3A_51] : memref<100008x16xf32, #tpu.memory_space<vmem_shared>> -> memref<6256x16xf32, #tpu.memory_space<vmem_shared>>
        tpu.enqueue_dma source(%dma_start3A_52 : memref<6256x16xf32, #tpu.memory_space<vmem_shared>>) target(%dma_start3A_50 : memref<6256x16xf32, #tpu.memory_space<hbm>>) target_semaphore(%run_scoped3A : memref<!tpu.dma_semaphore, #tpu.memory_space<semaphore_mem>>)
        %dma_wait3A = arith.constant 0 : i32
        %dma_wait3A_53 = tpu.memref_slice %arg9[%arg0, %mul3A_48, %dma_wait3A] : memref<2x100000x16xf32, #tpu.memory_space<hbm>> -> memref<1x6256x16xf32, #tpu.memory_space<hbm>>
        %dma_wait3A_54 = tpu.memref_squeeze %dma_wait3A_53 : memref<1x6256x16xf32, #tpu.memory_space<hbm>> -> memref<6256x16xf32, #tpu.memory_space<hbm>>
        %dma_wait3A_55 = arith.constant 0 : i32
        %dma_wait3A_56 = tpu.memref_slice %arg10[%mul3A_46, %dma_wait3A_55] : memref<100008x16xf32, #tpu.memory_space<vmem_shared>> -> memref<6256x16xf32, #tpu.memory_space<vmem_shared>>
        tpu.wait_dma2 semaphore(%run_scoped3A : memref<!tpu.dma_semaphore, #tpu.memory_space<semaphore_mem>>) src(%dma_wait3A_56 : memref<6256x16xf32, #tpu.memory_space<vmem_shared>>) dst(%dma_wait3A_54 : memref<6256x16xf32, #tpu.memory_space<hbm>>)
        tpu.yield
      }) : () -> ()
    } else {
    }
    %eq3A_40 = arith.constant 15 : i32
    %eq3A_41 = arith.cmpi eq, %arg1, %eq3A_40 : i32
    %convert_element_type3A_42 = arith.extui %eq3A_41 : i1 to i32
    %cond3A_43 = arith.constant 0 : i32
    %cond3A_44 = arith.cmpi ne, %convert_element_type3A_42, %cond3A_43 : i32
    scf.if %cond3A_44 {
      "tpu.region"() ({
        %run_scoped3A = tpu.sem_alloc : memref<!tpu.dma_semaphore, #tpu.memory_space<semaphore_mem>>
        %dma_start3A = arith.constant 93840 : i32
        %dma_start3A_45 = arith.constant 0 : i32
        %dma_start3A_46 = tpu.memref_slice %arg9[%arg0, %dma_start3A, %dma_start3A_45] : memref<2x100000x16xf32, #tpu.memory_space<hbm>> -> memref<1x6160x16xf32, #tpu.memory_space<hbm>>
        %dma_start3A_47 = tpu.memref_squeeze %dma_start3A_46 : memref<1x6160x16xf32, #tpu.memory_space<hbm>> -> memref<6160x16xf32, #tpu.memory_space<hbm>>
        %dma_start3A_48 = arith.constant 93840 : i32
        %dma_start3A_49 = arith.constant 0 : i32
        %dma_start3A_50 = tpu.memref_slice %arg10[%dma_start3A_48, %dma_start3A_49] : memref<100008x16xf32, #tpu.memory_space<vmem_shared>> -> memref<6160x16xf32, #tpu.memory_space<vmem_shared>>
        tpu.enqueue_dma source(%dma_start3A_50 : memref<6160x16xf32, #tpu.memory_space<vmem_shared>>) target(%dma_start3A_47 : memref<6160x16xf32, #tpu.memory_space<hbm>>) target_semaphore(%run_scoped3A : memref<!tpu.dma_semaphore, #tpu.memory_space<semaphore_mem>>)
        %dma_wait3A = arith.constant 93840 : i32
        %dma_wait3A_51 = arith.constant 0 : i32
        %dma_wait3A_52 = tpu.memref_slice %arg9[%arg0, %dma_wait3A, %dma_wait3A_51] : memref<2x100000x16xf32, #tpu.memory_space<hbm>> -> memref<1x6160x16xf32, #tpu.memory_space<hbm>>
        %dma_wait3A_53 = tpu.memref_squeeze %dma_wait3A_52 : memref<1x6160x16xf32, #tpu.memory_space<hbm>> -> memref<6160x16xf32, #tpu.memory_space<hbm>>
        %dma_wait3A_54 = arith.constant 93840 : i32
        %dma_wait3A_55 = arith.constant 0 : i32
        %dma_wait3A_56 = tpu.memref_slice %arg10[%dma_wait3A_54, %dma_wait3A_55] : memref<100008x16xf32, #tpu.memory_space<vmem_shared>> -> memref<6160x16xf32, #tpu.memory_space<vmem_shared>>
        tpu.wait_dma2 semaphore(%run_scoped3A : memref<!tpu.dma_semaphore, #tpu.memory_space<semaphore_mem>>) src(%dma_wait3A_56 : memref<6160x16xf32, #tpu.memory_space<vmem_shared>>) dst(%dma_wait3A_53 : memref<6160x16xf32, #tpu.memory_space<hbm>>)
        tpu.yield
      }) : () -> ()
    } else {
    }
    return
  }
}

#map = affine_map<(d0, d1) -> (0, 0)>
#map1 = affine_map<(d0, d1) -> (0, 0, 0)>
module attributes {stable_mosaic.version = 14 : i64} {
  func.func @_edge_body(%arg0: i32, %arg1: i32, %arg2: memref<200000x16xf32, #tpu.memory_space<hbm>>, %arg3: memref<12544x128xi32, #tpu.memory_space<hbm>>, %arg4: memref<12544x128xi32, #tpu.memory_space<hbm>>, %arg5: memref<401408x16xf32, #tpu.memory_space<hbm>>, %arg6: memref<2x4x16xf32, #tpu.memory_space<hbm>>, %arg7: memref<2x16xf32, #tpu.memory_space<hbm>>, %arg8: memref<6256x16xf32, #tpu.memory_space<hbm>>, %arg9: memref<2x100000x16xf32, #tpu.memory_space<hbm>>, %arg10: memref<100008x16xf32, #tpu.memory_space<vmem_shared>>, %arg11: memref<4x128xi32, #tpu.memory_space<vmem>>, %arg12: memref<4x128xi32, #tpu.memory_space<vmem>>, %arg13: memref<128x16xf32, #tpu.memory_space<vmem>>, %arg14: memref<512x16xf32, #tpu.memory_space<vmem>>, %arg15: memref<4x16xf32, #tpu.memory_space<vmem>>, %arg16: memref<16xf32, #tpu.memory_space<vmem>>, %arg17: memref<!tpu.dma_semaphore, #tpu.memory_space<semaphore_mem>>, %arg18: memref<!tpu.dma_semaphore, #tpu.memory_space<semaphore_mem>>) attributes {dimension_semantics = [#tpu.dimension_semantics<core_parallel>, #tpu.dimension_semantics<subcore_parallel>], iteration_bounds = array<i64: 2, 16>, scalar_prefetch = 0 : i64, scratch_operands = 9 : i64, tpu.core_type = #tpu.core_type<sc_vector_subcore>, window_params = [{transform_indices = #map}, {transform_indices = #map}, {transform_indices = #map}, {transform_indices = #map}, {transform_indices = #map1}, {transform_indices = #map}, {transform_indices = #map}, {transform_indices = #map1}]} {
    %lt3A = arith.constant 15 : i32
    %lt3A_0 = arith.cmpi slt, %arg1, %lt3A : i32
    %convert_element_type3A = arith.extui %lt3A_0 : i1 to i32
    %cond3A = arith.constant 0 : i32
    %cond3A_1 = arith.cmpi ne, %convert_element_type3A, %cond3A : i32
    scf.if %cond3A_1 {
      %mul3A_45 = arith.constant 6256 : i32
      %mul3A_46 = arith.muli %arg1, %mul3A_45 : i32
      "tpu.region"() ({
        %run_scoped3A = tpu.sem_alloc : memref<!tpu.dma_semaphore, #tpu.memory_space<semaphore_mem>>
        %dma_start3A = arith.constant 0 : i32
        %dma_start3A_47 = tpu.memref_slice %arg10[%mul3A_46, %dma_start3A] : memref<100008x16xf32, #tpu.memory_space<vmem_shared>> -> memref<6256x16xf32, #tpu.memory_space<vmem_shared>>
        tpu.enqueue_dma source(%arg8 : memref<6256x16xf32, #tpu.memory_space<hbm>>) target(%dma_start3A_47 : memref<6256x16xf32, #tpu.memory_space<vmem_shared>>) target_semaphore(%run_scoped3A : memref<!tpu.dma_semaphore, #tpu.memory_space<semaphore_mem>>)
        %dma_wait3A = arith.constant 0 : i32
        %dma_wait3A_48 = tpu.memref_slice %arg10[%mul3A_46, %dma_wait3A] : memref<100008x16xf32, #tpu.memory_space<vmem_shared>> -> memref<6256x16xf32, #tpu.memory_space<vmem_shared>>
        tpu.wait_dma2 semaphore(%run_scoped3A : memref<!tpu.dma_semaphore, #tpu.memory_space<semaphore_mem>>) src(%arg8 : memref<6256x16xf32, #tpu.memory_space<hbm>>) dst(%dma_wait3A_48 : memref<6256x16xf32, #tpu.memory_space<vmem_shared>>)
        tpu.yield
      }) : () -> ()
    } else {
    }
    %eq3A = arith.constant 15 : i32
    %eq3A_2 = arith.cmpi eq, %arg1, %eq3A : i32
    %convert_element_type3A_3 = arith.extui %eq3A_2 : i1 to i32
    %cond3A_4 = arith.constant 0 : i32
    %cond3A_5 = arith.cmpi ne, %convert_element_type3A_3, %cond3A_4 : i32
    scf.if %cond3A_5 {
      "tpu.region"() ({
        %run_scoped3A = tpu.sem_alloc : memref<!tpu.dma_semaphore, #tpu.memory_space<semaphore_mem>>
        %dma_start3A = arith.constant 93840 : i32
        %dma_start3A_45 = arith.constant 0 : i32
        %dma_start3A_46 = tpu.memref_slice %arg10[%dma_start3A, %dma_start3A_45] : memref<100008x16xf32, #tpu.memory_space<vmem_shared>> -> memref<6168x16xf32, #tpu.memory_space<vmem_shared>>
        %dma_start3A_47 = arith.constant 0 : i32
        %dma_start3A_48 = arith.constant 0 : i32
        %dma_start3A_49 = tpu.memref_slice %arg8[%dma_start3A_47, %dma_start3A_48] : memref<6256x16xf32, #tpu.memory_space<hbm>> -> memref<6168x16xf32, #tpu.memory_space<hbm>>
        tpu.enqueue_dma source(%dma_start3A_49 : memref<6168x16xf32, #tpu.memory_space<hbm>>) target(%dma_start3A_46 : memref<6168x16xf32, #tpu.memory_space<vmem_shared>>) target_semaphore(%run_scoped3A : memref<!tpu.dma_semaphore, #tpu.memory_space<semaphore_mem>>)
        %dma_wait3A = arith.constant 93840 : i32
        %dma_wait3A_50 = arith.constant 0 : i32
        %dma_wait3A_51 = tpu.memref_slice %arg10[%dma_wait3A, %dma_wait3A_50] : memref<100008x16xf32, #tpu.memory_space<vmem_shared>> -> memref<6168x16xf32, #tpu.memory_space<vmem_shared>>
        %dma_wait3A_52 = arith.constant 0 : i32
        %dma_wait3A_53 = arith.constant 0 : i32
        %dma_wait3A_54 = tpu.memref_slice %arg8[%dma_wait3A_52, %dma_wait3A_53] : memref<6256x16xf32, #tpu.memory_space<hbm>> -> memref<6168x16xf32, #tpu.memory_space<hbm>>
        tpu.wait_dma2 semaphore(%run_scoped3A : memref<!tpu.dma_semaphore, #tpu.memory_space<semaphore_mem>>) src(%dma_wait3A_54 : memref<6168x16xf32, #tpu.memory_space<hbm>>) dst(%dma_wait3A_51 : memref<6168x16xf32, #tpu.memory_space<vmem_shared>>)
        tpu.yield
      }) : () -> ()
    } else {
    }
    "tpu.region"() ({
      %run_scoped3A = tpu.sem_alloc : memref<!tpu.dma_semaphore, #tpu.memory_space<semaphore_mem>>
      %dma_start3A = arith.constant 0 : i32
      %dma_start3A_45 = arith.constant 0 : i32
      %dma_start3A_46 = tpu.memref_slice %arg6[%arg0, %dma_start3A, %dma_start3A_45] : memref<2x4x16xf32, #tpu.memory_space<hbm>> -> memref<1x4x16xf32, #tpu.memory_space<hbm>>
      %dma_start3A_47 = tpu.memref_squeeze %dma_start3A_46 : memref<1x4x16xf32, #tpu.memory_space<hbm>> -> memref<4x16xf32, #tpu.memory_space<hbm>>
      %dma_start3A_48 = arith.constant 0 : i32
      %dma_start3A_49 = arith.constant 0 : i32
      %dma_start3A_50 = tpu.memref_slice %arg6[%arg0, %dma_start3A_48, %dma_start3A_49] : memref<2x4x16xf32, #tpu.memory_space<hbm>> -> memref<1x4x16xf32, #tpu.memory_space<hbm>>
      %dma_start3A_51 = tpu.memref_squeeze %dma_start3A_50 : memref<1x4x16xf32, #tpu.memory_space<hbm>> -> memref<4x16xf32, #tpu.memory_space<hbm>>
      tpu.enqueue_dma source(%dma_start3A_51 : memref<4x16xf32, #tpu.memory_space<hbm>>) target(%arg15 : memref<4x16xf32, #tpu.memory_space<vmem>>) target_semaphore(%run_scoped3A : memref<!tpu.dma_semaphore, #tpu.memory_space<semaphore_mem>>)
      %dma_wait3A = arith.constant 0 : i32
      %dma_wait3A_52 = arith.constant 0 : i32
      %dma_wait3A_53 = tpu.memref_slice %arg6[%arg0, %dma_wait3A, %dma_wait3A_52] : memref<2x4x16xf32, #tpu.memory_space<hbm>> -> memref<1x4x16xf32, #tpu.memory_space<hbm>>
      %dma_wait3A_54 = tpu.memref_squeeze %dma_wait3A_53 : memref<1x4x16xf32, #tpu.memory_space<hbm>> -> memref<4x16xf32, #tpu.memory_space<hbm>>
      %dma_wait3A_55 = arith.constant 0 : i32
      %dma_wait3A_56 = arith.constant 0 : i32
      %dma_wait3A_57 = tpu.memref_slice %arg6[%arg0, %dma_wait3A_55, %dma_wait3A_56] : memref<2x4x16xf32, #tpu.memory_space<hbm>> -> memref<1x4x16xf32, #tpu.memory_space<hbm>>
      %dma_wait3A_58 = tpu.memref_squeeze %dma_wait3A_57 : memref<1x4x16xf32, #tpu.memory_space<hbm>> -> memref<4x16xf32, #tpu.memory_space<hbm>>
      tpu.wait_dma2 semaphore(%run_scoped3A : memref<!tpu.dma_semaphore, #tpu.memory_space<semaphore_mem>>) src(%dma_wait3A_58 : memref<4x16xf32, #tpu.memory_space<hbm>>) dst(%arg15 : memref<4x16xf32, #tpu.memory_space<vmem>>)
      tpu.yield
    }) : () -> ()
    "tpu.region"() ({
      %run_scoped3A = tpu.sem_alloc : memref<!tpu.dma_semaphore, #tpu.memory_space<semaphore_mem>>
      %dma_start3A = arith.constant 0 : i32
      %dma_start3A_45 = tpu.memref_slice %arg7[%arg0, %dma_start3A] : memref<2x16xf32, #tpu.memory_space<hbm>> -> memref<1x16xf32, #tpu.memory_space<hbm>>
      %dma_start3A_46 = tpu.memref_squeeze %dma_start3A_45 : memref<1x16xf32, #tpu.memory_space<hbm>> -> memref<16xf32, #tpu.memory_space<hbm>>
      %dma_start3A_47 = arith.constant 0 : i32
      %dma_start3A_48 = tpu.memref_slice %arg7[%arg0, %dma_start3A_47] : memref<2x16xf32, #tpu.memory_space<hbm>> -> memref<1x16xf32, #tpu.memory_space<hbm>>
      %dma_start3A_49 = tpu.memref_squeeze %dma_start3A_48 : memref<1x16xf32, #tpu.memory_space<hbm>> -> memref<16xf32, #tpu.memory_space<hbm>>
      tpu.enqueue_dma source(%dma_start3A_49 : memref<16xf32, #tpu.memory_space<hbm>>) target(%arg16 : memref<16xf32, #tpu.memory_space<vmem>>) target_semaphore(%run_scoped3A : memref<!tpu.dma_semaphore, #tpu.memory_space<semaphore_mem>>)
      %dma_wait3A = arith.constant 0 : i32
      %dma_wait3A_50 = tpu.memref_slice %arg7[%arg0, %dma_wait3A] : memref<2x16xf32, #tpu.memory_space<hbm>> -> memref<1x16xf32, #tpu.memory_space<hbm>>
      %dma_wait3A_51 = tpu.memref_squeeze %dma_wait3A_50 : memref<1x16xf32, #tpu.memory_space<hbm>> -> memref<16xf32, #tpu.memory_space<hbm>>
      %dma_wait3A_52 = arith.constant 0 : i32
      %dma_wait3A_53 = tpu.memref_slice %arg7[%arg0, %dma_wait3A_52] : memref<2x16xf32, #tpu.memory_space<hbm>> -> memref<1x16xf32, #tpu.memory_space<hbm>>
      %dma_wait3A_54 = tpu.memref_squeeze %dma_wait3A_53 : memref<1x16xf32, #tpu.memory_space<hbm>> -> memref<16xf32, #tpu.memory_space<hbm>>
      tpu.wait_dma2 semaphore(%run_scoped3A : memref<!tpu.dma_semaphore, #tpu.memory_space<semaphore_mem>>) src(%dma_wait3A_54 : memref<16xf32, #tpu.memory_space<hbm>>) dst(%arg16 : memref<16xf32, #tpu.memory_space<vmem>>)
      tpu.yield
    }) : () -> ()
    %barrier3A = arith.constant 0 : index
    tpu.barrier barrier_id(%barrier3A)
    %get3A = arith.constant 0 : i32
    %get3A_6 = arith.index_cast %get3A : i32 to index
    %get3A_7 = arith.constant 0 : index
    %get3A_8 = tpu.vector_load %arg15[%get3A_6, %get3A_7] {strides = array<i32>} : memref<4x16xf32, #tpu.memory_space<vmem>>, vector<1x16xf32>,
    %get3A_9 = vector.shape_cast %get3A_8 : vector<1x16xf32> to vector<16xf32>
    %get3A_10 = arith.constant 1 : i32
    %get3A_11 = arith.index_cast %get3A_10 : i32 to index
    %get3A_12 = arith.constant 0 : index
    %get3A_13 = tpu.vector_load %arg15[%get3A_11, %get3A_12] {strides = array<i32>} : memref<4x16xf32, #tpu.memory_space<vmem>>, vector<1x16xf32>,
    %get3A_14 = vector.shape_cast %get3A_13 : vector<1x16xf32> to vector<16xf32>
    %get3A_15 = arith.constant 2 : i32
    %get3A_16 = arith.index_cast %get3A_15 : i32 to index
    %get3A_17 = arith.constant 0 : index
    %get3A_18 = tpu.vector_load %arg15[%get3A_16, %get3A_17] {strides = array<i32>} : memref<4x16xf32, #tpu.memory_space<vmem>>, vector<1x16xf32>,
    %get3A_19 = vector.shape_cast %get3A_18 : vector<1x16xf32> to vector<16xf32>
    %get3A_20 = arith.constant 3 : i32
    %get3A_21 = arith.index_cast %get3A_20 : i32 to index
    %get3A_22 = arith.constant 0 : index
    %get3A_23 = tpu.vector_load %arg15[%get3A_21, %get3A_22] {strides = array<i32>} : memref<4x16xf32, #tpu.memory_space<vmem>>, vector<1x16xf32>,
    %get3A_24 = vector.shape_cast %get3A_23 : vector<1x16xf32> to vector<16xf32>
    %get3A_25 = arith.constant 0 : index
    %get3A_26 = tpu.vector_load %arg16[%get3A_25] {strides = array<i32>} : memref<16xf32, #tpu.memory_space<vmem>>, vector<16xf32>,
    %get3A_27 = vector.shape_cast %get3A_26 : vector<16xf32> to vector<16xf32>
    %mul3A = arith.constant 784 : i32
    %mul3A_28 = arith.muli %arg1, %mul3A : i32
    %scan3A = arith.constant 0 : i32
    %scan3A_29 = arith.constant 0 : i32
    %scan3A_30 = arith.constant 196 : i32
    %scan3A_31 = arith.addi %scan3A_29, %scan3A_30 : i32
    %scan3A_32 = arith.constant 1 : i32
    scf.for %scan3A_45 = %scan3A_29 to %scan3A_31 step %scan3A_32  : i32 {
      %mul3A_46 = arith.constant 4 : i32
      %mul3A_47 = arith.muli %scan3A_45, %mul3A_46 : i32
      %add3A = arith.addi %mul3A_28, %mul3A_47 : i32
      "tpu.region"() ({
        %run_scoped3A = tpu.sem_alloc : memref<!tpu.dma_semaphore, #tpu.memory_space<semaphore_mem>>
        %dma_start3A_220 = arith.constant 0 : i32
        %dma_start3A_221 = tpu.memref_slice %arg3[%add3A, %dma_start3A_220] : memref<12544x128xi32, #tpu.memory_space<hbm>> -> memref<4x128xi32, #tpu.memory_space<hbm>>
        %dma_start3A_222 = arith.constant 0 : i32
        %dma_start3A_223 = tpu.memref_slice %arg3[%add3A, %dma_start3A_222] : memref<12544x128xi32, #tpu.memory_space<hbm>> -> memref<4x128xi32, #tpu.memory_space<hbm>>
        tpu.enqueue_dma source(%dma_start3A_223 : memref<4x128xi32, #tpu.memory_space<hbm>>) target(%arg11 : memref<4x128xi32, #tpu.memory_space<vmem>>) target_semaphore(%run_scoped3A : memref<!tpu.dma_semaphore, #tpu.memory_space<semaphore_mem>>)
        %dma_wait3A_224 = arith.constant 0 : i32
        %dma_wait3A_225 = tpu.memref_slice %arg3[%add3A, %dma_wait3A_224] : memref<12544x128xi32, #tpu.memory_space<hbm>> -> memref<4x128xi32, #tpu.memory_space<hbm>>
        %dma_wait3A_226 = arith.constant 0 : i32
        %dma_wait3A_227 = tpu.memref_slice %arg3[%add3A, %dma_wait3A_226] : memref<12544x128xi32, #tpu.memory_space<hbm>> -> memref<4x128xi32, #tpu.memory_space<hbm>>
        tpu.wait_dma2 semaphore(%run_scoped3A : memref<!tpu.dma_semaphore, #tpu.memory_space<semaphore_mem>>) src(%dma_wait3A_227 : memref<4x128xi32, #tpu.memory_space<hbm>>) dst(%arg11 : memref<4x128xi32, #tpu.memory_space<vmem>>)
        tpu.yield
      }) : () -> ()
      "tpu.region"() ({
        %run_scoped3A = tpu.sem_alloc : memref<!tpu.dma_semaphore, #tpu.memory_space<semaphore_mem>>
        %dma_start3A_220 = arith.constant 0 : i32
        %dma_start3A_221 = tpu.memref_slice %arg4[%add3A, %dma_start3A_220] : memref<12544x128xi32, #tpu.memory_space<hbm>> -> memref<4x128xi32, #tpu.memory_space<hbm>>
        %dma_start3A_222 = arith.constant 0 : i32
        %dma_start3A_223 = tpu.memref_slice %arg4[%add3A, %dma_start3A_222] : memref<12544x128xi32, #tpu.memory_space<hbm>> -> memref<4x128xi32, #tpu.memory_space<hbm>>
        tpu.enqueue_dma source(%dma_start3A_223 : memref<4x128xi32, #tpu.memory_space<hbm>>) target(%arg12 : memref<4x128xi32, #tpu.memory_space<vmem>>) target_semaphore(%run_scoped3A : memref<!tpu.dma_semaphore, #tpu.memory_space<semaphore_mem>>)
        %dma_wait3A_224 = arith.constant 0 : i32
        %dma_wait3A_225 = tpu.memref_slice %arg4[%add3A, %dma_wait3A_224] : memref<12544x128xi32, #tpu.memory_space<hbm>> -> memref<4x128xi32, #tpu.memory_space<hbm>>
        %dma_wait3A_226 = arith.constant 0 : i32
        %dma_wait3A_227 = tpu.memref_slice %arg4[%add3A, %dma_wait3A_226] : memref<12544x128xi32, #tpu.memory_space<hbm>> -> memref<4x128xi32, #tpu.memory_space<hbm>>
        tpu.wait_dma2 semaphore(%run_scoped3A : memref<!tpu.dma_semaphore, #tpu.memory_space<semaphore_mem>>) src(%dma_wait3A_227 : memref<4x128xi32, #tpu.memory_space<hbm>>) dst(%arg12 : memref<4x128xi32, #tpu.memory_space<vmem>>)
        tpu.yield
      }) : () -> ()
      %mul3A_48 = arith.constant 32 : i32
      %mul3A_49 = arith.muli %add3A, %mul3A_48 : i32
      "tpu.region"() ({
        %run_scoped3A = tpu.sem_alloc : memref<!tpu.dma_semaphore, #tpu.memory_space<semaphore_mem>>
        %dma_start3A_220 = arith.constant 0 : i32
        %dma_start3A_221 = tpu.memref_slice %arg5[%mul3A_49, %dma_start3A_220] : memref<401408x16xf32, #tpu.memory_space<hbm>> -> memref<128x16xf32, #tpu.memory_space<hbm>>
        %dma_start3A_222 = arith.constant 0 : i32
        %dma_start3A_223 = tpu.memref_slice %arg5[%mul3A_49, %dma_start3A_222] : memref<401408x16xf32, #tpu.memory_space<hbm>> -> memref<128x16xf32, #tpu.memory_space<hbm>>
        tpu.enqueue_dma source(%dma_start3A_223 : memref<128x16xf32, #tpu.memory_space<hbm>>) target(%arg13 : memref<128x16xf32, #tpu.memory_space<vmem>>) target_semaphore(%run_scoped3A : memref<!tpu.dma_semaphore, #tpu.memory_space<semaphore_mem>>)
        %dma_wait3A_224 = arith.constant 0 : i32
        %dma_wait3A_225 = tpu.memref_slice %arg5[%mul3A_49, %dma_wait3A_224] : memref<401408x16xf32, #tpu.memory_space<hbm>> -> memref<128x16xf32, #tpu.memory_space<hbm>>
        %dma_wait3A_226 = arith.constant 0 : i32
        %dma_wait3A_227 = tpu.memref_slice %arg5[%mul3A_49, %dma_wait3A_226] : memref<401408x16xf32, #tpu.memory_space<hbm>> -> memref<128x16xf32, #tpu.memory_space<hbm>>
        tpu.wait_dma2 semaphore(%run_scoped3A : memref<!tpu.dma_semaphore, #tpu.memory_space<semaphore_mem>>) src(%dma_wait3A_227 : memref<128x16xf32, #tpu.memory_space<hbm>>) dst(%arg13 : memref<128x16xf32, #tpu.memory_space<vmem>>)
        tpu.yield
      }) : () -> ()
      %scan3A_50 = arith.constant 0 : i32
      %scan3A_51 = arith.constant 0 : i32
      %scan3A_52 = arith.constant 4 : i32
      %scan3A_53 = arith.addi %scan3A_51, %scan3A_52 : i32
      %scan3A_54 = arith.constant 1 : i32
      scf.for %scan3A_220 = %scan3A_51 to %scan3A_53 step %scan3A_54  : i32 {
        %get3A_221 = arith.index_cast %scan3A_220 : i32 to index
        %get3A_222 = arith.constant 0 : index
        %get3A_223 = tpu.vector_load %arg11[%get3A_221, %get3A_222] {strides = array<i32>} : memref<4x128xi32, #tpu.memory_space<vmem>>, vector<1x16xi32>,
        %get3A_224 = vector.shape_cast %get3A_223 : vector<1x16xi32> to vector<16xi32>
        %mul3A_225 = arith.constant 2 : i32
        %mul3A_226 = vector.broadcast %mul3A_225 : i32 to vector<16xi32>
        %mul3A_227 = arith.muli %get3A_224, %mul3A_226 : vector<16xi32>
        %add3A_228 = vector.broadcast %arg0 : i32 to vector<16xi32>
        %add3A_229 = arith.addi %mul3A_227, %add3A_228 : vector<16xi32>
        %swap3A = arith.index_cast %scan3A_220 : i32 to index
        %swap3A_230 = arith.constant 0 : index
        %swap3A_231 = tpu.vector_load %arg11[%swap3A, %swap3A_230] {strides = array<i32>} : memref<4x128xi32, #tpu.memory_space<vmem>>, vector<1x16xi32>,
        %swap3A_232 = vector.shape_cast %swap3A_231 : vector<1x16xi32> to vector<16xi32>
        %swap3A_233 = vector.shape_cast %add3A_229 : vector<16xi32> to vector<1x16xi32>
        tpu.vector_store %arg11[%swap3A, %swap3A_230], %swap3A_233 {strides = array<i32>} : memref<4x128xi32, #tpu.memory_space<vmem>>, vector<1x16xi32>,
        %get3A_234 = arith.index_cast %scan3A_220 : i32 to index
        %get3A_235 = arith.constant 16 : index
        %get3A_236 = tpu.vector_load %arg11[%get3A_234, %get3A_235] {strides = array<i32>} : memref<4x128xi32, #tpu.memory_space<vmem>>, vector<1x16xi32>,
        %get3A_237 = vector.shape_cast %get3A_236 : vector<1x16xi32> to vector<16xi32>
        %mul3A_238 = arith.constant 2 : i32
        %mul3A_239 = vector.broadcast %mul3A_238 : i32 to vector<16xi32>
        %mul3A_240 = arith.muli %get3A_237, %mul3A_239 : vector<16xi32>
        %add3A_241 = vector.broadcast %arg0 : i32 to vector<16xi32>
        %add3A_242 = arith.addi %mul3A_240, %add3A_241 : vector<16xi32>
        %swap3A_243 = arith.index_cast %scan3A_220 : i32 to index
        %swap3A_244 = arith.constant 16 : index
        %swap3A_245 = tpu.vector_load %arg11[%swap3A_243, %swap3A_244] {strides = array<i32>} : memref<4x128xi32, #tpu.memory_space<vmem>>, vector<1x16xi32>,
        %swap3A_246 = vector.shape_cast %swap3A_245 : vector<1x16xi32> to vector<16xi32>
        %swap3A_247 = vector.shape_cast %add3A_242 : vector<16xi32> to vector<1x16xi32>
        tpu.vector_store %arg11[%swap3A_243, %swap3A_244], %swap3A_247 {strides = array<i32>} : memref<4x128xi32, #tpu.memory_space<vmem>>, vector<1x16xi32>,
        %get3A_248 = arith.index_cast %scan3A_220 : i32 to index
        %get3A_249 = arith.constant 32 : index
        %get3A_250 = tpu.vector_load %arg11[%get3A_248, %get3A_249] {strides = array<i32>} : memref<4x128xi32, #tpu.memory_space<vmem>>, vector<1x16xi32>,
        %get3A_251 = vector.shape_cast %get3A_250 : vector<1x16xi32> to vector<16xi32>
        %mul3A_252 = arith.constant 2 : i32
        %mul3A_253 = vector.broadcast %mul3A_252 : i32 to vector<16xi32>
        %mul3A_254 = arith.muli %get3A_251, %mul3A_253 : vector<16xi32>
        %add3A_255 = vector.broadcast %arg0 : i32 to vector<16xi32>
        %add3A_256 = arith.addi %mul3A_254, %add3A_255 : vector<16xi32>
        %swap3A_257 = arith.index_cast %scan3A_220 : i32 to index
        %swap3A_258 = arith.constant 32 : index
        %swap3A_259 = tpu.vector_load %arg11[%swap3A_257, %swap3A_258] {strides = array<i32>} : memref<4x128xi32, #tpu.memory_space<vmem>>, vector<1x16xi32>,
        %swap3A_260 = vector.shape_cast %swap3A_259 : vector<1x16xi32> to vector<16xi32>
        %swap3A_261 = vector.shape_cast %add3A_256 : vector<16xi32> to vector<1x16xi32>
        tpu.vector_store %arg11[%swap3A_257, %swap3A_258], %swap3A_261 {strides = array<i32>} : memref<4x128xi32, #tpu.memory_space<vmem>>, vector<1x16xi32>,
        %get3A_262 = arith.index_cast %scan3A_220 : i32 to index
        %get3A_263 = arith.constant 48 : index
        %get3A_264 = tpu.vector_load %arg11[%get3A_262, %get3A_263] {strides = array<i32>} : memref<4x128xi32, #tpu.memory_space<vmem>>, vector<1x16xi32>,
        %get3A_265 = vector.shape_cast %get3A_264 : vector<1x16xi32> to vector<16xi32>
        %mul3A_266 = arith.constant 2 : i32
        %mul3A_267 = vector.broadcast %mul3A_266 : i32 to vector<16xi32>
        %mul3A_268 = arith.muli %get3A_265, %mul3A_267 : vector<16xi32>
        %add3A_269 = vector.broadcast %arg0 : i32 to vector<16xi32>
        %add3A_270 = arith.addi %mul3A_268, %add3A_269 : vector<16xi32>
        %swap3A_271 = arith.index_cast %scan3A_220 : i32 to index
        %swap3A_272 = arith.constant 48 : index
        %swap3A_273 = tpu.vector_load %arg11[%swap3A_271, %swap3A_272] {strides = array<i32>} : memref<4x128xi32, #tpu.memory_space<vmem>>, vector<1x16xi32>,
        %swap3A_274 = vector.shape_cast %swap3A_273 : vector<1x16xi32> to vector<16xi32>
        %swap3A_275 = vector.shape_cast %add3A_270 : vector<16xi32> to vector<1x16xi32>
        tpu.vector_store %arg11[%swap3A_271, %swap3A_272], %swap3A_275 {strides = array<i32>} : memref<4x128xi32, #tpu.memory_space<vmem>>, vector<1x16xi32>,
        %get3A_276 = arith.index_cast %scan3A_220 : i32 to index
        %get3A_277 = arith.constant 64 : index
        %get3A_278 = tpu.vector_load %arg11[%get3A_276, %get3A_277] {strides = array<i32>} : memref<4x128xi32, #tpu.memory_space<vmem>>, vector<1x16xi32>,
        %get3A_279 = vector.shape_cast %get3A_278 : vector<1x16xi32> to vector<16xi32>
        %mul3A_280 = arith.constant 2 : i32
        %mul3A_281 = vector.broadcast %mul3A_280 : i32 to vector<16xi32>
        %mul3A_282 = arith.muli %get3A_279, %mul3A_281 : vector<16xi32>
        %add3A_283 = vector.broadcast %arg0 : i32 to vector<16xi32>
        %add3A_284 = arith.addi %mul3A_282, %add3A_283 : vector<16xi32>
        %swap3A_285 = arith.index_cast %scan3A_220 : i32 to index
        %swap3A_286 = arith.constant 64 : index
        %swap3A_287 = tpu.vector_load %arg11[%swap3A_285, %swap3A_286] {strides = array<i32>} : memref<4x128xi32, #tpu.memory_space<vmem>>, vector<1x16xi32>,
        %swap3A_288 = vector.shape_cast %swap3A_287 : vector<1x16xi32> to vector<16xi32>
        %swap3A_289 = vector.shape_cast %add3A_284 : vector<16xi32> to vector<1x16xi32>
        tpu.vector_store %arg11[%swap3A_285, %swap3A_286], %swap3A_289 {strides = array<i32>} : memref<4x128xi32, #tpu.memory_space<vmem>>, vector<1x16xi32>,
        %get3A_290 = arith.index_cast %scan3A_220 : i32 to index
        %get3A_291 = arith.constant 80 : index
        %get3A_292 = tpu.vector_load %arg11[%get3A_290, %get3A_291] {strides = array<i32>} : memref<4x128xi32, #tpu.memory_space<vmem>>, vector<1x16xi32>,
        %get3A_293 = vector.shape_cast %get3A_292 : vector<1x16xi32> to vector<16xi32>
        %mul3A_294 = arith.constant 2 : i32
        %mul3A_295 = vector.broadcast %mul3A_294 : i32 to vector<16xi32>
        %mul3A_296 = arith.muli %get3A_293, %mul3A_295 : vector<16xi32>
        %add3A_297 = vector.broadcast %arg0 : i32 to vector<16xi32>
        %add3A_298 = arith.addi %mul3A_296, %add3A_297 : vector<16xi32>
        %swap3A_299 = arith.index_cast %scan3A_220 : i32 to index
        %swap3A_300 = arith.constant 80 : index
        %swap3A_301 = tpu.vector_load %arg11[%swap3A_299, %swap3A_300] {strides = array<i32>} : memref<4x128xi32, #tpu.memory_space<vmem>>, vector<1x16xi32>,
        %swap3A_302 = vector.shape_cast %swap3A_301 : vector<1x16xi32> to vector<16xi32>
        %swap3A_303 = vector.shape_cast %add3A_298 : vector<16xi32> to vector<1x16xi32>
        tpu.vector_store %arg11[%swap3A_299, %swap3A_300], %swap3A_303 {strides = array<i32>} : memref<4x128xi32, #tpu.memory_space<vmem>>, vector<1x16xi32>,
        %get3A_304 = arith.index_cast %scan3A_220 : i32 to index
        %get3A_305 = arith.constant 96 : index
        %get3A_306 = tpu.vector_load %arg11[%get3A_304, %get3A_305] {strides = array<i32>} : memref<4x128xi32, #tpu.memory_space<vmem>>, vector<1x16xi32>,
        %get3A_307 = vector.shape_cast %get3A_306 : vector<1x16xi32> to vector<16xi32>
        %mul3A_308 = arith.constant 2 : i32
        %mul3A_309 = vector.broadcast %mul3A_308 : i32 to vector<16xi32>
        %mul3A_310 = arith.muli %get3A_307, %mul3A_309 : vector<16xi32>
        %add3A_311 = vector.broadcast %arg0 : i32 to vector<16xi32>
        %add3A_312 = arith.addi %mul3A_310, %add3A_311 : vector<16xi32>
        %swap3A_313 = arith.index_cast %scan3A_220 : i32 to index
        %swap3A_314 = arith.constant 96 : index
        %swap3A_315 = tpu.vector_load %arg11[%swap3A_313, %swap3A_314] {strides = array<i32>} : memref<4x128xi32, #tpu.memory_space<vmem>>, vector<1x16xi32>,
        %swap3A_316 = vector.shape_cast %swap3A_315 : vector<1x16xi32> to vector<16xi32>
        %swap3A_317 = vector.shape_cast %add3A_312 : vector<16xi32> to vector<1x16xi32>
        tpu.vector_store %arg11[%swap3A_313, %swap3A_314], %swap3A_317 {strides = array<i32>} : memref<4x128xi32, #tpu.memory_space<vmem>>, vector<1x16xi32>,
        %get3A_318 = arith.index_cast %scan3A_220 : i32 to index
        %get3A_319 = arith.constant 112 : index
        %get3A_320 = tpu.vector_load %arg11[%get3A_318, %get3A_319] {strides = array<i32>} : memref<4x128xi32, #tpu.memory_space<vmem>>, vector<1x16xi32>,
        %get3A_321 = vector.shape_cast %get3A_320 : vector<1x16xi32> to vector<16xi32>
        %mul3A_322 = arith.constant 2 : i32
        %mul3A_323 = vector.broadcast %mul3A_322 : i32 to vector<16xi32>
        %mul3A_324 = arith.muli %get3A_321, %mul3A_323 : vector<16xi32>
        %add3A_325 = vector.broadcast %arg0 : i32 to vector<16xi32>
        %add3A_326 = arith.addi %mul3A_324, %add3A_325 : vector<16xi32>
        %swap3A_327 = arith.index_cast %scan3A_220 : i32 to index
        %swap3A_328 = arith.constant 112 : index
        %swap3A_329 = tpu.vector_load %arg11[%swap3A_327, %swap3A_328] {strides = array<i32>} : memref<4x128xi32, #tpu.memory_space<vmem>>, vector<1x16xi32>,
        %swap3A_330 = vector.shape_cast %swap3A_329 : vector<1x16xi32> to vector<16xi32>
        %swap3A_331 = vector.shape_cast %add3A_326 : vector<16xi32> to vector<1x16xi32>
        tpu.vector_store %arg11[%swap3A_327, %swap3A_328], %swap3A_331 {strides = array<i32>} : memref<4x128xi32, #tpu.memory_space<vmem>>, vector<1x16xi32>,
      }
      %scan3A_55 = arith.constant 4 : i32
      %dma_start3A = arith.constant 0 : i32
      %dma_start3A_56 = arith.constant 0 : i32
      %dma_start3A_57 = arith.constant 0 : i32
      %dma_start3A_58 = tpu.memref_slice %arg14[%dma_start3A_56, %dma_start3A_57] : memref<512x16xf32, #tpu.memory_space<vmem>> -> memref<128x16xf32, #tpu.memory_space<vmem>>
      %dma_start3A_59 = arith.constant 0 : i32
      %dma_start3A_60 = tpu.memref_slice %arg11[%dma_start3A, %dma_start3A_59] : memref<4x128xi32, #tpu.memory_space<vmem>> -> memref<1x128xi32, #tpu.memory_space<vmem>>
      %dma_start3A_61 = tpu.memref_squeeze %dma_start3A_60 : memref<1x128xi32, #tpu.memory_space<vmem>> -> memref<128xi32, #tpu.memory_space<vmem>>
      %dma_start3A_62 = arith.constant 0 : i32
      %dma_start3A_63 = arith.constant 0 : i32
      %dma_start3A_64 = tpu.memref_slice %arg2[%dma_start3A_62, %dma_start3A_63] : memref<200000x16xf32, #tpu.memory_space<hbm>> -> memref<200000x16xf32, #tpu.memory_space<hbm>>
      tpu.enqueue_indirect_dma source(%dma_start3A_64 : memref<200000x16xf32, #tpu.memory_space<hbm>>) target(%dma_start3A_58 : memref<128x16xf32, #tpu.memory_space<vmem>>) offsets(%dma_start3A_61 : memref<128xi32, #tpu.memory_space<vmem>>) semaphore(%arg17 : memref<!tpu.dma_semaphore, #tpu.memory_space<semaphore_mem>>)
      %dma_start3A_65 = arith.constant 1 : i32
      %dma_start3A_66 = arith.constant 128 : i32
      %dma_start3A_67 = arith.constant 0 : i32
      %dma_start3A_68 = tpu.memref_slice %arg14[%dma_start3A_66, %dma_start3A_67] : memref<512x16xf32, #tpu.memory_space<vmem>> -> memref<128x16xf32, #tpu.memory_space<vmem>>
      %dma_start3A_69 = arith.constant 0 : i32
      %dma_start3A_70 = tpu.memref_slice %arg11[%dma_start3A_65, %dma_start3A_69] : memref<4x128xi32, #tpu.memory_space<vmem>> -> memref<1x128xi32, #tpu.memory_space<vmem>>
      %dma_start3A_71 = tpu.memref_squeeze %dma_start3A_70 : memref<1x128xi32, #tpu.memory_space<vmem>> -> memref<128xi32, #tpu.memory_space<vmem>>
      %dma_start3A_72 = arith.constant 0 : i32
      %dma_start3A_73 = arith.constant 0 : i32
      %dma_start3A_74 = tpu.memref_slice %arg2[%dma_start3A_72, %dma_start3A_73] : memref<200000x16xf32, #tpu.memory_space<hbm>> -> memref<200000x16xf32, #tpu.memory_space<hbm>>
      tpu.enqueue_indirect_dma source(%dma_start3A_74 : memref<200000x16xf32, #tpu.memory_space<hbm>>) target(%dma_start3A_68 : memref<128x16xf32, #tpu.memory_space<vmem>>) offsets(%dma_start3A_71 : memref<128xi32, #tpu.memory_space<vmem>>) semaphore(%arg17 : memref<!tpu.dma_semaphore, #tpu.memory_space<semaphore_mem>>)
      %dma_start3A_75 = arith.constant 2 : i32
      %dma_start3A_76 = arith.constant 256 : i32
      %dma_start3A_77 = arith.constant 0 : i32
      %dma_start3A_78 = tpu.memref_slice %arg14[%dma_start3A_76, %dma_start3A_77] : memref<512x16xf32, #tpu.memory_space<vmem>> -> memref<128x16xf32, #tpu.memory_space<vmem>>
      %dma_start3A_79 = arith.constant 0 : i32
      %dma_start3A_80 = tpu.memref_slice %arg11[%dma_start3A_75, %dma_start3A_79] : memref<4x128xi32, #tpu.memory_space<vmem>> -> memref<1x128xi32, #tpu.memory_space<vmem>>
      %dma_start3A_81 = tpu.memref_squeeze %dma_start3A_80 : memref<1x128xi32, #tpu.memory_space<vmem>> -> memref<128xi32, #tpu.memory_space<vmem>>
      %dma_start3A_82 = arith.constant 0 : i32
      %dma_start3A_83 = arith.constant 0 : i32
      %dma_start3A_84 = tpu.memref_slice %arg2[%dma_start3A_82, %dma_start3A_83] : memref<200000x16xf32, #tpu.memory_space<hbm>> -> memref<200000x16xf32, #tpu.memory_space<hbm>>
      tpu.enqueue_indirect_dma source(%dma_start3A_84 : memref<200000x16xf32, #tpu.memory_space<hbm>>) target(%dma_start3A_78 : memref<128x16xf32, #tpu.memory_space<vmem>>) offsets(%dma_start3A_81 : memref<128xi32, #tpu.memory_space<vmem>>) semaphore(%arg17 : memref<!tpu.dma_semaphore, #tpu.memory_space<semaphore_mem>>)
      %dma_start3A_85 = arith.constant 3 : i32
      %dma_start3A_86 = arith.constant 384 : i32
      %dma_start3A_87 = arith.constant 0 : i32
      %dma_start3A_88 = tpu.memref_slice %arg14[%dma_start3A_86, %dma_start3A_87] : memref<512x16xf32, #tpu.memory_space<vmem>> -> memref<128x16xf32, #tpu.memory_space<vmem>>
      %dma_start3A_89 = arith.constant 0 : i32
      %dma_start3A_90 = tpu.memref_slice %arg11[%dma_start3A_85, %dma_start3A_89] : memref<4x128xi32, #tpu.memory_space<vmem>> -> memref<1x128xi32, #tpu.memory_space<vmem>>
      %dma_start3A_91 = tpu.memref_squeeze %dma_start3A_90 : memref<1x128xi32, #tpu.memory_space<vmem>> -> memref<128xi32, #tpu.memory_space<vmem>>
      %dma_start3A_92 = arith.constant 0 : i32
      %dma_start3A_93 = arith.constant 0 : i32
      %dma_start3A_94 = tpu.memref_slice %arg2[%dma_start3A_92, %dma_start3A_93] : memref<200000x16xf32, #tpu.memory_space<hbm>> -> memref<200000x16xf32, #tpu.memory_space<hbm>>
      tpu.enqueue_indirect_dma source(%dma_start3A_94 : memref<200000x16xf32, #tpu.memory_space<hbm>>) target(%dma_start3A_88 : memref<128x16xf32, #tpu.memory_space<vmem>>) offsets(%dma_start3A_91 : memref<128xi32, #tpu.memory_space<vmem>>) semaphore(%arg17 : memref<!tpu.dma_semaphore, #tpu.memory_space<semaphore_mem>>)
      %dma_wait3A = arith.constant 0 : i32
      %dma_wait3A_95 = arith.constant 0 : i32
      %dma_wait3A_96 = arith.constant 0 : i32
      %dma_wait3A_97 = tpu.memref_slice %arg14[%dma_wait3A_95, %dma_wait3A_96] : memref<512x16xf32, #tpu.memory_space<vmem>> -> memref<128x16xf32, #tpu.memory_space<vmem>>
      %dma_wait3A_98 = arith.constant 0 : i32
      %dma_wait3A_99 = tpu.memref_slice %arg11[%dma_wait3A, %dma_wait3A_98] : memref<4x128xi32, #tpu.memory_space<vmem>> -> memref<1x128xi32, #tpu.memory_space<vmem>>
      %dma_wait3A_100 = tpu.memref_squeeze %dma_wait3A_99 : memref<1x128xi32, #tpu.memory_space<vmem>> -> memref<128xi32, #tpu.memory_space<vmem>>
      %dma_wait3A_101 = arith.constant 0 : i32
      %dma_wait3A_102 = arith.constant 0 : i32
      %dma_wait3A_103 = tpu.memref_slice %arg2[%dma_wait3A_101, %dma_wait3A_102] : memref<200000x16xf32, #tpu.memory_space<hbm>> -> memref<200000x16xf32, #tpu.memory_space<hbm>>
      tpu.wait_indirect_dma semaphore(%arg17 : memref<!tpu.dma_semaphore, #tpu.memory_space<semaphore_mem>>) src(%dma_wait3A_103 : memref<200000x16xf32, #tpu.memory_space<hbm>>) dst(%dma_wait3A_97 : memref<128x16xf32, #tpu.memory_space<vmem>>)
      %dma_wait3A_104 = arith.constant 1 : i32
      %dma_wait3A_105 = arith.constant 128 : i32
      %dma_wait3A_106 = arith.constant 0 : i32
      %dma_wait3A_107 = tpu.memref_slice %arg14[%dma_wait3A_105, %dma_wait3A_106] : memref<512x16xf32, #tpu.memory_space<vmem>> -> memref<128x16xf32, #tpu.memory_space<vmem>>
      %dma_wait3A_108 = arith.constant 0 : i32
      %dma_wait3A_109 = tpu.memref_slice %arg11[%dma_wait3A_104, %dma_wait3A_108] : memref<4x128xi32, #tpu.memory_space<vmem>> -> memref<1x128xi32, #tpu.memory_space<vmem>>
      %dma_wait3A_110 = tpu.memref_squeeze %dma_wait3A_109 : memref<1x128xi32, #tpu.memory_space<vmem>> -> memref<128xi32, #tpu.memory_space<vmem>>
      %dma_wait3A_111 = arith.constant 0 : i32
      %dma_wait3A_112 = arith.constant 0 : i32
      %dma_wait3A_113 = tpu.memref_slice %arg2[%dma_wait3A_111, %dma_wait3A_112] : memref<200000x16xf32, #tpu.memory_space<hbm>> -> memref<200000x16xf32, #tpu.memory_space<hbm>>
      tpu.wait_indirect_dma semaphore(%arg17 : memref<!tpu.dma_semaphore, #tpu.memory_space<semaphore_mem>>) src(%dma_wait3A_113 : memref<200000x16xf32, #tpu.memory_space<hbm>>) dst(%dma_wait3A_107 : memref<128x16xf32, #tpu.memory_space<vmem>>)
      %dma_wait3A_114 = arith.constant 2 : i32
      %dma_wait3A_115 = arith.constant 256 : i32
      %dma_wait3A_116 = arith.constant 0 : i32
      %dma_wait3A_117 = tpu.memref_slice %arg14[%dma_wait3A_115, %dma_wait3A_116] : memref<512x16xf32, #tpu.memory_space<vmem>> -> memref<128x16xf32, #tpu.memory_space<vmem>>
      %dma_wait3A_118 = arith.constant 0 : i32
      %dma_wait3A_119 = tpu.memref_slice %arg11[%dma_wait3A_114, %dma_wait3A_118] : memref<4x128xi32, #tpu.memory_space<vmem>> -> memref<1x128xi32, #tpu.memory_space<vmem>>
      %dma_wait3A_120 = tpu.memref_squeeze %dma_wait3A_119 : memref<1x128xi32, #tpu.memory_space<vmem>> -> memref<128xi32, #tpu.memory_space<vmem>>
      %dma_wait3A_121 = arith.constant 0 : i32
      %dma_wait3A_122 = arith.constant 0 : i32
      %dma_wait3A_123 = tpu.memref_slice %arg2[%dma_wait3A_121, %dma_wait3A_122] : memref<200000x16xf32, #tpu.memory_space<hbm>> -> memref<200000x16xf32, #tpu.memory_space<hbm>>
      tpu.wait_indirect_dma semaphore(%arg17 : memref<!tpu.dma_semaphore, #tpu.memory_space<semaphore_mem>>) src(%dma_wait3A_123 : memref<200000x16xf32, #tpu.memory_space<hbm>>) dst(%dma_wait3A_117 : memref<128x16xf32, #tpu.memory_space<vmem>>)
      %dma_wait3A_124 = arith.constant 3 : i32
      %dma_wait3A_125 = arith.constant 384 : i32
      %dma_wait3A_126 = arith.constant 0 : i32
      %dma_wait3A_127 = tpu.memref_slice %arg14[%dma_wait3A_125, %dma_wait3A_126] : memref<512x16xf32, #tpu.memory_space<vmem>> -> memref<128x16xf32, #tpu.memory_space<vmem>>
      %dma_wait3A_128 = arith.constant 0 : i32
      %dma_wait3A_129 = tpu.memref_slice %arg11[%dma_wait3A_124, %dma_wait3A_128] : memref<4x128xi32, #tpu.memory_space<vmem>> -> memref<1x128xi32, #tpu.memory_space<vmem>>
      %dma_wait3A_130 = tpu.memref_squeeze %dma_wait3A_129 : memref<1x128xi32, #tpu.memory_space<vmem>> -> memref<128xi32, #tpu.memory_space<vmem>>
      %dma_wait3A_131 = arith.constant 0 : i32
      %dma_wait3A_132 = arith.constant 0 : i32
      %dma_wait3A_133 = tpu.memref_slice %arg2[%dma_wait3A_131, %dma_wait3A_132] : memref<200000x16xf32, #tpu.memory_space<hbm>> -> memref<200000x16xf32, #tpu.memory_space<hbm>>
      tpu.wait_indirect_dma semaphore(%arg17 : memref<!tpu.dma_semaphore, #tpu.memory_space<semaphore_mem>>) src(%dma_wait3A_133 : memref<200000x16xf32, #tpu.memory_space<hbm>>) dst(%dma_wait3A_127 : memref<128x16xf32, #tpu.memory_space<vmem>>)
      %scan3A_134 = arith.constant 0 : i32
      %scan3A_135 = arith.constant 0 : i32
      %scan3A_136 = arith.constant 128 : i32
      %scan3A_137 = arith.addi %scan3A_135, %scan3A_136 : i32
      %scan3A_138 = arith.constant 4 : i32
      scf.for %scan3A_220 = %scan3A_135 to %scan3A_137 step %scan3A_138  : i32 {
        %get3A_221 = arith.index_cast %scan3A_220 : i32 to index
        %get3A_222 = arith.constant 0 : index
        %get3A_223 = tpu.vector_load %arg13[%get3A_221, %get3A_222] {strides = array<i32>} : memref<128x16xf32, #tpu.memory_space<vmem>>, vector<1x16xf32>,
        %get3A_224 = vector.shape_cast %get3A_223 : vector<1x16xf32> to vector<16xf32>
        %mul3A_225 = arith.constant 4 : i32
        %mul3A_226 = arith.muli %scan3A_220, %mul3A_225 : i32
        %add3A_227 = arith.constant 0 : i32
        %add3A_228 = arith.addi %mul3A_226, %add3A_227 : i32
        %slice3A = vector.extract_strided_slice %get3A_224 {offsets = [0], sizes = [1], strides = [1]} : vector<16xf32> to vector<1xf32>
        %squeeze3A = vector.extract %slice3A[0] : f32 from vector<1xf32>
        %mul3A_229 = vector.broadcast %squeeze3A : f32 to vector<16xf32>
        %mul3A_230 = arith.mulf %mul3A_229, %get3A_9 : vector<16xf32>
        %add3A_231 = arith.addf %get3A_27, %mul3A_230 : vector<16xf32>
        %slice3A_232 = vector.extract_strided_slice %get3A_224 {offsets = [1], sizes = [1], strides = [1]} : vector<16xf32> to vector<1xf32>
        %squeeze3A_233 = vector.extract %slice3A_232[0] : f32 from vector<1xf32>
        %mul3A_234 = vector.broadcast %squeeze3A_233 : f32 to vector<16xf32>
        %mul3A_235 = arith.mulf %mul3A_234, %get3A_14 : vector<16xf32>
        %add3A_236 = arith.addf %add3A_231, %mul3A_235 : vector<16xf32>
        %slice3A_237 = vector.extract_strided_slice %get3A_224 {offsets = [2], sizes = [1], strides = [1]} : vector<16xf32> to vector<1xf32>
        %squeeze3A_238 = vector.extract %slice3A_237[0] : f32 from vector<1xf32>
        %mul3A_239 = vector.broadcast %squeeze3A_238 : f32 to vector<16xf32>
        %mul3A_240 = arith.mulf %mul3A_239, %get3A_19 : vector<16xf32>
        %add3A_241 = arith.addf %add3A_236, %mul3A_240 : vector<16xf32>
        %slice3A_242 = vector.extract_strided_slice %get3A_224 {offsets = [3], sizes = [1], strides = [1]} : vector<16xf32> to vector<1xf32>
        %squeeze3A_243 = vector.extract %slice3A_242[0] : f32 from vector<1xf32>
        %mul3A_244 = vector.broadcast %squeeze3A_243 : f32 to vector<16xf32>
        %mul3A_245 = arith.mulf %mul3A_244, %get3A_24 : vector<16xf32>
        %add3A_246 = arith.addf %add3A_241, %mul3A_245 : vector<16xf32>
        %get3A_247 = arith.index_cast %add3A_228 : i32 to index
        %get3A_248 = arith.constant 0 : index
        %get3A_249 = tpu.vector_load %arg14[%get3A_247, %get3A_248] {strides = array<i32>} : memref<512x16xf32, #tpu.memory_space<vmem>>, vector<1x16xf32>,
        %get3A_250 = vector.shape_cast %get3A_249 : vector<1x16xf32> to vector<16xf32>
        %add3A_251 = arith.addf %get3A_250, %add3A_246 : vector<16xf32>
        %max3A = arith.constant 0.000000e+00 : f32
        %max3A_252 = vector.broadcast %max3A : f32 to vector<16xf32>
        %max3A_253 = arith.maximumf %add3A_251, %max3A_252 : vector<16xf32>
        %swap3A = arith.index_cast %add3A_228 : i32 to index
        %swap3A_254 = arith.constant 0 : index
        %swap3A_255 = tpu.vector_load %arg14[%swap3A, %swap3A_254] {strides = array<i32>} : memref<512x16xf32, #tpu.memory_space<vmem>>, vector<1x16xf32>,
        %swap3A_256 = vector.shape_cast %swap3A_255 : vector<1x16xf32> to vector<16xf32>
        %swap3A_257 = vector.shape_cast %max3A_253 : vector<16xf32> to vector<1x16xf32>
        tpu.vector_store %arg14[%swap3A, %swap3A_254], %swap3A_257 {strides = array<i32>} : memref<512x16xf32, #tpu.memory_space<vmem>>, vector<1x16xf32>,
        %mul3A_258 = arith.constant 4 : i32
        %mul3A_259 = arith.muli %scan3A_220, %mul3A_258 : i32
        %add3A_260 = arith.constant 1 : i32
        %add3A_261 = arith.addi %mul3A_259, %add3A_260 : i32
        %slice3A_262 = vector.extract_strided_slice %get3A_224 {offsets = [4], sizes = [1], strides = [1]} : vector<16xf32> to vector<1xf32>
        %squeeze3A_263 = vector.extract %slice3A_262[0] : f32 from vector<1xf32>
        %mul3A_264 = vector.broadcast %squeeze3A_263 : f32 to vector<16xf32>
        %mul3A_265 = arith.mulf %mul3A_264, %get3A_9 : vector<16xf32>
        %add3A_266 = arith.addf %get3A_27, %mul3A_265 : vector<16xf32>
        %slice3A_267 = vector.extract_strided_slice %get3A_224 {offsets = [5], sizes = [1], strides = [1]} : vector<16xf32> to vector<1xf32>
        %squeeze3A_268 = vector.extract %slice3A_267[0] : f32 from vector<1xf32>
        %mul3A_269 = vector.broadcast %squeeze3A_268 : f32 to vector<16xf32>
        %mul3A_270 = arith.mulf %mul3A_269, %get3A_14 : vector<16xf32>
        %add3A_271 = arith.addf %add3A_266, %mul3A_270 : vector<16xf32>
        %slice3A_272 = vector.extract_strided_slice %get3A_224 {offsets = [6], sizes = [1], strides = [1]} : vector<16xf32> to vector<1xf32>
        %squeeze3A_273 = vector.extract %slice3A_272[0] : f32 from vector<1xf32>
        %mul3A_274 = vector.broadcast %squeeze3A_273 : f32 to vector<16xf32>
        %mul3A_275 = arith.mulf %mul3A_274, %get3A_19 : vector<16xf32>
        %add3A_276 = arith.addf %add3A_271, %mul3A_275 : vector<16xf32>
        %slice3A_277 = vector.extract_strided_slice %get3A_224 {offsets = [7], sizes = [1], strides = [1]} : vector<16xf32> to vector<1xf32>
        %squeeze3A_278 = vector.extract %slice3A_277[0] : f32 from vector<1xf32>
        %mul3A_279 = vector.broadcast %squeeze3A_278 : f32 to vector<16xf32>
        %mul3A_280 = arith.mulf %mul3A_279, %get3A_24 : vector<16xf32>
        %add3A_281 = arith.addf %add3A_276, %mul3A_280 : vector<16xf32>
        %get3A_282 = arith.index_cast %add3A_261 : i32 to index
        %get3A_283 = arith.constant 0 : index
        %get3A_284 = tpu.vector_load %arg14[%get3A_282, %get3A_283] {strides = array<i32>} : memref<512x16xf32, #tpu.memory_space<vmem>>, vector<1x16xf32>,
        %get3A_285 = vector.shape_cast %get3A_284 : vector<1x16xf32> to vector<16xf32>
        %add3A_286 = arith.addf %get3A_285, %add3A_281 : vector<16xf32>
        %max3A_287 = arith.constant 0.000000e+00 : f32
        %max3A_288 = vector.broadcast %max3A_287 : f32 to vector<16xf32>
        %max3A_289 = arith.maximumf %add3A_286, %max3A_288 : vector<16xf32>
        %swap3A_290 = arith.index_cast %add3A_261 : i32 to index
        %swap3A_291 = arith.constant 0 : index
        %swap3A_292 = tpu.vector_load %arg14[%swap3A_290, %swap3A_291] {strides = array<i32>} : memref<512x16xf32, #tpu.memory_space<vmem>>, vector<1x16xf32>,
        %swap3A_293 = vector.shape_cast %swap3A_292 : vector<1x16xf32> to vector<16xf32>
        %swap3A_294 = vector.shape_cast %max3A_289 : vector<16xf32> to vector<1x16xf32>
        tpu.vector_store %arg14[%swap3A_290, %swap3A_291], %swap3A_294 {strides = array<i32>} : memref<512x16xf32, #tpu.memory_space<vmem>>, vector<1x16xf32>,
        %mul3A_295 = arith.constant 4 : i32
        %mul3A_296 = arith.muli %scan3A_220, %mul3A_295 : i32
        %add3A_297 = arith.constant 2 : i32
        %add3A_298 = arith.addi %mul3A_296, %add3A_297 : i32
        %slice3A_299 = vector.extract_strided_slice %get3A_224 {offsets = [8], sizes = [1], strides = [1]} : vector<16xf32> to vector<1xf32>
        %squeeze3A_300 = vector.extract %slice3A_299[0] : f32 from vector<1xf32>
        %mul3A_301 = vector.broadcast %squeeze3A_300 : f32 to vector<16xf32>
        %mul3A_302 = arith.mulf %mul3A_301, %get3A_9 : vector<16xf32>
        %add3A_303 = arith.addf %get3A_27, %mul3A_302 : vector<16xf32>
        %slice3A_304 = vector.extract_strided_slice %get3A_224 {offsets = [9], sizes = [1], strides = [1]} : vector<16xf32> to vector<1xf32>
        %squeeze3A_305 = vector.extract %slice3A_304[0] : f32 from vector<1xf32>
        %mul3A_306 = vector.broadcast %squeeze3A_305 : f32 to vector<16xf32>
        %mul3A_307 = arith.mulf %mul3A_306, %get3A_14 : vector<16xf32>
        %add3A_308 = arith.addf %add3A_303, %mul3A_307 : vector<16xf32>
        %slice3A_309 = vector.extract_strided_slice %get3A_224 {offsets = [10], sizes = [1], strides = [1]} : vector<16xf32> to vector<1xf32>
        %squeeze3A_310 = vector.extract %slice3A_309[0] : f32 from vector<1xf32>
        %mul3A_311 = vector.broadcast %squeeze3A_310 : f32 to vector<16xf32>
        %mul3A_312 = arith.mulf %mul3A_311, %get3A_19 : vector<16xf32>
        %add3A_313 = arith.addf %add3A_308, %mul3A_312 : vector<16xf32>
        %slice3A_314 = vector.extract_strided_slice %get3A_224 {offsets = [11], sizes = [1], strides = [1]} : vector<16xf32> to vector<1xf32>
        %squeeze3A_315 = vector.extract %slice3A_314[0] : f32 from vector<1xf32>
        %mul3A_316 = vector.broadcast %squeeze3A_315 : f32 to vector<16xf32>
        %mul3A_317 = arith.mulf %mul3A_316, %get3A_24 : vector<16xf32>
        %add3A_318 = arith.addf %add3A_313, %mul3A_317 : vector<16xf32>
        %get3A_319 = arith.index_cast %add3A_298 : i32 to index
        %get3A_320 = arith.constant 0 : index
        %get3A_321 = tpu.vector_load %arg14[%get3A_319, %get3A_320] {strides = array<i32>} : memref<512x16xf32, #tpu.memory_space<vmem>>, vector<1x16xf32>,
        %get3A_322 = vector.shape_cast %get3A_321 : vector<1x16xf32> to vector<16xf32>
        %add3A_323 = arith.addf %get3A_322, %add3A_318 : vector<16xf32>
        %max3A_324 = arith.constant 0.000000e+00 : f32
        %max3A_325 = vector.broadcast %max3A_324 : f32 to vector<16xf32>
        %max3A_326 = arith.maximumf %add3A_323, %max3A_325 : vector<16xf32>
        %swap3A_327 = arith.index_cast %add3A_298 : i32 to index
        %swap3A_328 = arith.constant 0 : index
        %swap3A_329 = tpu.vector_load %arg14[%swap3A_327, %swap3A_328] {strides = array<i32>} : memref<512x16xf32, #tpu.memory_space<vmem>>, vector<1x16xf32>,
        %swap3A_330 = vector.shape_cast %swap3A_329 : vector<1x16xf32> to vector<16xf32>
        %swap3A_331 = vector.shape_cast %max3A_326 : vector<16xf32> to vector<1x16xf32>
        tpu.vector_store %arg14[%swap3A_327, %swap3A_328], %swap3A_331 {strides = array<i32>} : memref<512x16xf32, #tpu.memory_space<vmem>>, vector<1x16xf32>,
        %mul3A_332 = arith.constant 4 : i32
        %mul3A_333 = arith.muli %scan3A_220, %mul3A_332 : i32
        %add3A_334 = arith.constant 3 : i32
        %add3A_335 = arith.addi %mul3A_333, %add3A_334 : i32
        %slice3A_336 = vector.extract_strided_slice %get3A_224 {offsets = [12], sizes = [1], strides = [1]} : vector<16xf32> to vector<1xf32>
        %squeeze3A_337 = vector.extract %slice3A_336[0] : f32 from vector<1xf32>
        %mul3A_338 = vector.broadcast %squeeze3A_337 : f32 to vector<16xf32>
        %mul3A_339 = arith.mulf %mul3A_338, %get3A_9 : vector<16xf32>
        %add3A_340 = arith.addf %get3A_27, %mul3A_339 : vector<16xf32>
        %slice3A_341 = vector.extract_strided_slice %get3A_224 {offsets = [13], sizes = [1], strides = [1]} : vector<16xf32> to vector<1xf32>
        %squeeze3A_342 = vector.extract %slice3A_341[0] : f32 from vector<1xf32>
        %mul3A_343 = vector.broadcast %squeeze3A_342 : f32 to vector<16xf32>
        %mul3A_344 = arith.mulf %mul3A_343, %get3A_14 : vector<16xf32>
        %add3A_345 = arith.addf %add3A_340, %mul3A_344 : vector<16xf32>
        %slice3A_346 = vector.extract_strided_slice %get3A_224 {offsets = [14], sizes = [1], strides = [1]} : vector<16xf32> to vector<1xf32>
        %squeeze3A_347 = vector.extract %slice3A_346[0] : f32 from vector<1xf32>
        %mul3A_348 = vector.broadcast %squeeze3A_347 : f32 to vector<16xf32>
        %mul3A_349 = arith.mulf %mul3A_348, %get3A_19 : vector<16xf32>
        %add3A_350 = arith.addf %add3A_345, %mul3A_349 : vector<16xf32>
        %slice3A_351 = vector.extract_strided_slice %get3A_224 {offsets = [15], sizes = [1], strides = [1]} : vector<16xf32> to vector<1xf32>
        %squeeze3A_352 = vector.extract %slice3A_351[0] : f32 from vector<1xf32>
        %mul3A_353 = vector.broadcast %squeeze3A_352 : f32 to vector<16xf32>
        %mul3A_354 = arith.mulf %mul3A_353, %get3A_24 : vector<16xf32>
        %add3A_355 = arith.addf %add3A_350, %mul3A_354 : vector<16xf32>
        %get3A_356 = arith.index_cast %add3A_335 : i32 to index
        %get3A_357 = arith.constant 0 : index
        %get3A_358 = tpu.vector_load %arg14[%get3A_356, %get3A_357] {strides = array<i32>} : memref<512x16xf32, #tpu.memory_space<vmem>>, vector<1x16xf32>,
        %get3A_359 = vector.shape_cast %get3A_358 : vector<1x16xf32> to vector<16xf32>
        %add3A_360 = arith.addf %get3A_359, %add3A_355 : vector<16xf32>
        %max3A_361 = arith.constant 0.000000e+00 : f32
        %max3A_362 = vector.broadcast %max3A_361 : f32 to vector<16xf32>
        %max3A_363 = arith.maximumf %add3A_360, %max3A_362 : vector<16xf32>
        %swap3A_364 = arith.index_cast %add3A_335 : i32 to index
        %swap3A_365 = arith.constant 0 : index
        %swap3A_366 = tpu.vector_load %arg14[%swap3A_364, %swap3A_365] {strides = array<i32>} : memref<512x16xf32, #tpu.memory_space<vmem>>, vector<1x16xf32>,
        %swap3A_367 = vector.shape_cast %swap3A_366 : vector<1x16xf32> to vector<16xf32>
        %swap3A_368 = vector.shape_cast %max3A_363 : vector<16xf32> to vector<1x16xf32>
        tpu.vector_store %arg14[%swap3A_364, %swap3A_365], %swap3A_368 {strides = array<i32>} : memref<512x16xf32, #tpu.memory_space<vmem>>, vector<1x16xf32>,
        %scan3A_369 = arith.constant 1 : i32
        %scan3A_370 = arith.addi %scan3A_220, %scan3A_369 : i32
        %get3A_371 = arith.index_cast %scan3A_370 : i32 to index
        %get3A_372 = arith.constant 0 : index
        %get3A_373 = tpu.vector_load %arg13[%get3A_371, %get3A_372] {strides = array<i32>} : memref<128x16xf32, #tpu.memory_space<vmem>>, vector<1x16xf32>,
        %get3A_374 = vector.shape_cast %get3A_373 : vector<1x16xf32> to vector<16xf32>
        %mul3A_375 = arith.constant 4 : i32
        %mul3A_376 = arith.muli %scan3A_370, %mul3A_375 : i32
        %add3A_377 = arith.constant 0 : i32
        %add3A_378 = arith.addi %mul3A_376, %add3A_377 : i32
        %slice3A_379 = vector.extract_strided_slice %get3A_374 {offsets = [0], sizes = [1], strides = [1]} : vector<16xf32> to vector<1xf32>
        %squeeze3A_380 = vector.extract %slice3A_379[0] : f32 from vector<1xf32>
        %mul3A_381 = vector.broadcast %squeeze3A_380 : f32 to vector<16xf32>
        %mul3A_382 = arith.mulf %mul3A_381, %get3A_9 : vector<16xf32>
        %add3A_383 = arith.addf %get3A_27, %mul3A_382 : vector<16xf32>
        %slice3A_384 = vector.extract_strided_slice %get3A_374 {offsets = [1], sizes = [1], strides = [1]} : vector<16xf32> to vector<1xf32>
        %squeeze3A_385 = vector.extract %slice3A_384[0] : f32 from vector<1xf32>
        %mul3A_386 = vector.broadcast %squeeze3A_385 : f32 to vector<16xf32>
        %mul3A_387 = arith.mulf %mul3A_386, %get3A_14 : vector<16xf32>
        %add3A_388 = arith.addf %add3A_383, %mul3A_387 : vector<16xf32>
        %slice3A_389 = vector.extract_strided_slice %get3A_374 {offsets = [2], sizes = [1], strides = [1]} : vector<16xf32> to vector<1xf32>
        %squeeze3A_390 = vector.extract %slice3A_389[0] : f32 from vector<1xf32>
        %mul3A_391 = vector.broadcast %squeeze3A_390 : f32 to vector<16xf32>
        %mul3A_392 = arith.mulf %mul3A_391, %get3A_19 : vector<16xf32>
        %add3A_393 = arith.addf %add3A_388, %mul3A_392 : vector<16xf32>
        %slice3A_394 = vector.extract_strided_slice %get3A_374 {offsets = [3], sizes = [1], strides = [1]} : vector<16xf32> to vector<1xf32>
        %squeeze3A_395 = vector.extract %slice3A_394[0] : f32 from vector<1xf32>
        %mul3A_396 = vector.broadcast %squeeze3A_395 : f32 to vector<16xf32>
        %mul3A_397 = arith.mulf %mul3A_396, %get3A_24 : vector<16xf32>
        %add3A_398 = arith.addf %add3A_393, %mul3A_397 : vector<16xf32>
        %get3A_399 = arith.index_cast %add3A_378 : i32 to index
        %get3A_400 = arith.constant 0 : index
        %get3A_401 = tpu.vector_load %arg14[%get3A_399, %get3A_400] {strides = array<i32>} : memref<512x16xf32, #tpu.memory_space<vmem>>, vector<1x16xf32>,
        %get3A_402 = vector.shape_cast %get3A_401 : vector<1x16xf32> to vector<16xf32>
        %add3A_403 = arith.addf %get3A_402, %add3A_398 : vector<16xf32>
        %max3A_404 = arith.constant 0.000000e+00 : f32
        %max3A_405 = vector.broadcast %max3A_404 : f32 to vector<16xf32>
        %max3A_406 = arith.maximumf %add3A_403, %max3A_405 : vector<16xf32>
        %swap3A_407 = arith.index_cast %add3A_378 : i32 to index
        %swap3A_408 = arith.constant 0 : index
        %swap3A_409 = tpu.vector_load %arg14[%swap3A_407, %swap3A_408] {strides = array<i32>} : memref<512x16xf32, #tpu.memory_space<vmem>>, vector<1x16xf32>,
        %swap3A_410 = vector.shape_cast %swap3A_409 : vector<1x16xf32> to vector<16xf32>
        %swap3A_411 = vector.shape_cast %max3A_406 : vector<16xf32> to vector<1x16xf32>
        tpu.vector_store %arg14[%swap3A_407, %swap3A_408], %swap3A_411 {strides = array<i32>} : memref<512x16xf32, #tpu.memory_space<vmem>>, vector<1x16xf32>,
        %mul3A_412 = arith.constant 4 : i32
        %mul3A_413 = arith.muli %scan3A_370, %mul3A_412 : i32
        %add3A_414 = arith.constant 1 : i32
        %add3A_415 = arith.addi %mul3A_413, %add3A_414 : i32
        %slice3A_416 = vector.extract_strided_slice %get3A_374 {offsets = [4], sizes = [1], strides = [1]} : vector<16xf32> to vector<1xf32>
        %squeeze3A_417 = vector.extract %slice3A_416[0] : f32 from vector<1xf32>
        %mul3A_418 = vector.broadcast %squeeze3A_417 : f32 to vector<16xf32>
        %mul3A_419 = arith.mulf %mul3A_418, %get3A_9 : vector<16xf32>
        %add3A_420 = arith.addf %get3A_27, %mul3A_419 : vector<16xf32>
        %slice3A_421 = vector.extract_strided_slice %get3A_374 {offsets = [5], sizes = [1], strides = [1]} : vector<16xf32> to vector<1xf32>
        %squeeze3A_422 = vector.extract %slice3A_421[0] : f32 from vector<1xf32>
        %mul3A_423 = vector.broadcast %squeeze3A_422 : f32 to vector<16xf32>
        %mul3A_424 = arith.mulf %mul3A_423, %get3A_14 : vector<16xf32>
        %add3A_425 = arith.addf %add3A_420, %mul3A_424 : vector<16xf32>
        %slice3A_426 = vector.extract_strided_slice %get3A_374 {offsets = [6], sizes = [1], strides = [1]} : vector<16xf32> to vector<1xf32>
        %squeeze3A_427 = vector.extract %slice3A_426[0] : f32 from vector<1xf32>
        %mul3A_428 = vector.broadcast %squeeze3A_427 : f32 to vector<16xf32>
        %mul3A_429 = arith.mulf %mul3A_428, %get3A_19 : vector<16xf32>
        %add3A_430 = arith.addf %add3A_425, %mul3A_429 : vector<16xf32>
        %slice3A_431 = vector.extract_strided_slice %get3A_374 {offsets = [7], sizes = [1], strides = [1]} : vector<16xf32> to vector<1xf32>
        %squeeze3A_432 = vector.extract %slice3A_431[0] : f32 from vector<1xf32>
        %mul3A_433 = vector.broadcast %squeeze3A_432 : f32 to vector<16xf32>
        %mul3A_434 = arith.mulf %mul3A_433, %get3A_24 : vector<16xf32>
        %add3A_435 = arith.addf %add3A_430, %mul3A_434 : vector<16xf32>
        %get3A_436 = arith.index_cast %add3A_415 : i32 to index
        %get3A_437 = arith.constant 0 : index
        %get3A_438 = tpu.vector_load %arg14[%get3A_436, %get3A_437] {strides = array<i32>} : memref<512x16xf32, #tpu.memory_space<vmem>>, vector<1x16xf32>,
        %get3A_439 = vector.shape_cast %get3A_438 : vector<1x16xf32> to vector<16xf32>
        %add3A_440 = arith.addf %get3A_439, %add3A_435 : vector<16xf32>
        %max3A_441 = arith.constant 0.000000e+00 : f32
        %max3A_442 = vector.broadcast %max3A_441 : f32 to vector<16xf32>
        %max3A_443 = arith.maximumf %add3A_440, %max3A_442 : vector<16xf32>
        %swap3A_444 = arith.index_cast %add3A_415 : i32 to index
        %swap3A_445 = arith.constant 0 : index
        %swap3A_446 = tpu.vector_load %arg14[%swap3A_444, %swap3A_445] {strides = array<i32>} : memref<512x16xf32, #tpu.memory_space<vmem>>, vector<1x16xf32>,
        %swap3A_447 = vector.shape_cast %swap3A_446 : vector<1x16xf32> to vector<16xf32>
        %swap3A_448 = vector.shape_cast %max3A_443 : vector<16xf32> to vector<1x16xf32>
        tpu.vector_store %arg14[%swap3A_444, %swap3A_445], %swap3A_448 {strides = array<i32>} : memref<512x16xf32, #tpu.memory_space<vmem>>, vector<1x16xf32>,
        %mul3A_449 = arith.constant 4 : i32
        %mul3A_450 = arith.muli %scan3A_370, %mul3A_449 : i32
        %add3A_451 = arith.constant 2 : i32
        %add3A_452 = arith.addi %mul3A_450, %add3A_451 : i32
        %slice3A_453 = vector.extract_strided_slice %get3A_374 {offsets = [8], sizes = [1], strides = [1]} : vector<16xf32> to vector<1xf32>
        %squeeze3A_454 = vector.extract %slice3A_453[0] : f32 from vector<1xf32>
        %mul3A_455 = vector.broadcast %squeeze3A_454 : f32 to vector<16xf32>
        %mul3A_456 = arith.mulf %mul3A_455, %get3A_9 : vector<16xf32>
        %add3A_457 = arith.addf %get3A_27, %mul3A_456 : vector<16xf32>
        %slice3A_458 = vector.extract_strided_slice %get3A_374 {offsets = [9], sizes = [1], strides = [1]} : vector<16xf32> to vector<1xf32>
        %squeeze3A_459 = vector.extract %slice3A_458[0] : f32 from vector<1xf32>
        %mul3A_460 = vector.broadcast %squeeze3A_459 : f32 to vector<16xf32>
        %mul3A_461 = arith.mulf %mul3A_460, %get3A_14 : vector<16xf32>
        %add3A_462 = arith.addf %add3A_457, %mul3A_461 : vector<16xf32>
        %slice3A_463 = vector.extract_strided_slice %get3A_374 {offsets = [10], sizes = [1], strides = [1]} : vector<16xf32> to vector<1xf32>
        %squeeze3A_464 = vector.extract %slice3A_463[0] : f32 from vector<1xf32>
        %mul3A_465 = vector.broadcast %squeeze3A_464 : f32 to vector<16xf32>
        %mul3A_466 = arith.mulf %mul3A_465, %get3A_19 : vector<16xf32>
        %add3A_467 = arith.addf %add3A_462, %mul3A_466 : vector<16xf32>
        %slice3A_468 = vector.extract_strided_slice %get3A_374 {offsets = [11], sizes = [1], strides = [1]} : vector<16xf32> to vector<1xf32>
        %squeeze3A_469 = vector.extract %slice3A_468[0] : f32 from vector<1xf32>
        %mul3A_470 = vector.broadcast %squeeze3A_469 : f32 to vector<16xf32>
        %mul3A_471 = arith.mulf %mul3A_470, %get3A_24 : vector<16xf32>
        %add3A_472 = arith.addf %add3A_467, %mul3A_471 : vector<16xf32>
        %get3A_473 = arith.index_cast %add3A_452 : i32 to index
        %get3A_474 = arith.constant 0 : index
        %get3A_475 = tpu.vector_load %arg14[%get3A_473, %get3A_474] {strides = array<i32>} : memref<512x16xf32, #tpu.memory_space<vmem>>, vector<1x16xf32>,
        %get3A_476 = vector.shape_cast %get3A_475 : vector<1x16xf32> to vector<16xf32>
        %add3A_477 = arith.addf %get3A_476, %add3A_472 : vector<16xf32>
        %max3A_478 = arith.constant 0.000000e+00 : f32
        %max3A_479 = vector.broadcast %max3A_478 : f32 to vector<16xf32>
        %max3A_480 = arith.maximumf %add3A_477, %max3A_479 : vector<16xf32>
        %swap3A_481 = arith.index_cast %add3A_452 : i32 to index
        %swap3A_482 = arith.constant 0 : index
        %swap3A_483 = tpu.vector_load %arg14[%swap3A_481, %swap3A_482] {strides = array<i32>} : memref<512x16xf32, #tpu.memory_space<vmem>>, vector<1x16xf32>,
        %swap3A_484 = vector.shape_cast %swap3A_483 : vector<1x16xf32> to vector<16xf32>
        %swap3A_485 = vector.shape_cast %max3A_480 : vector<16xf32> to vector<1x16xf32>
        tpu.vector_store %arg14[%swap3A_481, %swap3A_482], %swap3A_485 {strides = array<i32>} : memref<512x16xf32, #tpu.memory_space<vmem>>, vector<1x16xf32>,
        %mul3A_486 = arith.constant 4 : i32
        %mul3A_487 = arith.muli %scan3A_370, %mul3A_486 : i32
        %add3A_488 = arith.constant 3 : i32
        %add3A_489 = arith.addi %mul3A_487, %add3A_488 : i32
        %slice3A_490 = vector.extract_strided_slice %get3A_374 {offsets = [12], sizes = [1], strides = [1]} : vector<16xf32> to vector<1xf32>
        %squeeze3A_491 = vector.extract %slice3A_490[0] : f32 from vector<1xf32>
        %mul3A_492 = vector.broadcast %squeeze3A_491 : f32 to vector<16xf32>
        %mul3A_493 = arith.mulf %mul3A_492, %get3A_9 : vector<16xf32>
        %add3A_494 = arith.addf %get3A_27, %mul3A_493 : vector<16xf32>
        %slice3A_495 = vector.extract_strided_slice %get3A_374 {offsets = [13], sizes = [1], strides = [1]} : vector<16xf32> to vector<1xf32>
        %squeeze3A_496 = vector.extract %slice3A_495[0] : f32 from vector<1xf32>
        %mul3A_497 = vector.broadcast %squeeze3A_496 : f32 to vector<16xf32>
        %mul3A_498 = arith.mulf %mul3A_497, %get3A_14 : vector<16xf32>
        %add3A_499 = arith.addf %add3A_494, %mul3A_498 : vector<16xf32>
        %slice3A_500 = vector.extract_strided_slice %get3A_374 {offsets = [14], sizes = [1], strides = [1]} : vector<16xf32> to vector<1xf32>
        %squeeze3A_501 = vector.extract %slice3A_500[0] : f32 from vector<1xf32>
        %mul3A_502 = vector.broadcast %squeeze3A_501 : f32 to vector<16xf32>
        %mul3A_503 = arith.mulf %mul3A_502, %get3A_19 : vector<16xf32>
        %add3A_504 = arith.addf %add3A_499, %mul3A_503 : vector<16xf32>
        %slice3A_505 = vector.extract_strided_slice %get3A_374 {offsets = [15], sizes = [1], strides = [1]} : vector<16xf32> to vector<1xf32>
        %squeeze3A_506 = vector.extract %slice3A_505[0] : f32 from vector<1xf32>
        %mul3A_507 = vector.broadcast %squeeze3A_506 : f32 to vector<16xf32>
        %mul3A_508 = arith.mulf %mul3A_507, %get3A_24 : vector<16xf32>
        %add3A_509 = arith.addf %add3A_504, %mul3A_508 : vector<16xf32>
        %get3A_510 = arith.index_cast %add3A_489 : i32 to index
        %get3A_511 = arith.constant 0 : index
        %get3A_512 = tpu.vector_load %arg14[%get3A_510, %get3A_511] {strides = array<i32>} : memref<512x16xf32, #tpu.memory_space<vmem>>, vector<1x16xf32>,
        %get3A_513 = vector.shape_cast %get3A_512 : vector<1x16xf32> to vector<16xf32>
        %add3A_514 = arith.addf %get3A_513, %add3A_509 : vector<16xf32>
        %max3A_515 = arith.constant 0.000000e+00 : f32
        %max3A_516 = vector.broadcast %max3A_515 : f32 to vector<16xf32>
        %max3A_517 = arith.maximumf %add3A_514, %max3A_516 : vector<16xf32>
        %swap3A_518 = arith.index_cast %add3A_489 : i32 to index
        %swap3A_519 = arith.constant 0 : index
        %swap3A_520 = tpu.vector_load %arg14[%swap3A_518, %swap3A_519] {strides = array<i32>} : memref<512x16xf32, #tpu.memory_space<vmem>>, vector<1x16xf32>,
        %swap3A_521 = vector.shape_cast %swap3A_520 : vector<1x16xf32> to vector<16xf32>
        %swap3A_522 = vector.shape_cast %max3A_517 : vector<16xf32> to vector<1x16xf32>
        tpu.vector_store %arg14[%swap3A_518, %swap3A_519], %swap3A_522 {strides = array<i32>} : memref<512x16xf32, #tpu.memory_space<vmem>>, vector<1x16xf32>,
        %scan3A_523 = arith.constant 2 : i32
        %scan3A_524 = arith.addi %scan3A_220, %scan3A_523 : i32
        %get3A_525 = arith.index_cast %scan3A_524 : i32 to index
        %get3A_526 = arith.constant 0 : index
        %get3A_527 = tpu.vector_load %arg13[%get3A_525, %get3A_526] {strides = array<i32>} : memref<128x16xf32, #tpu.memory_space<vmem>>, vector<1x16xf32>,
        %get3A_528 = vector.shape_cast %get3A_527 : vector<1x16xf32> to vector<16xf32>
        %mul3A_529 = arith.constant 4 : i32
        %mul3A_530 = arith.muli %scan3A_524, %mul3A_529 : i32
        %add3A_531 = arith.constant 0 : i32
        %add3A_532 = arith.addi %mul3A_530, %add3A_531 : i32
        %slice3A_533 = vector.extract_strided_slice %get3A_528 {offsets = [0], sizes = [1], strides = [1]} : vector<16xf32> to vector<1xf32>
        %squeeze3A_534 = vector.extract %slice3A_533[0] : f32 from vector<1xf32>
        %mul3A_535 = vector.broadcast %squeeze3A_534 : f32 to vector<16xf32>
        %mul3A_536 = arith.mulf %mul3A_535, %get3A_9 : vector<16xf32>
        %add3A_537 = arith.addf %get3A_27, %mul3A_536 : vector<16xf32>
        %slice3A_538 = vector.extract_strided_slice %get3A_528 {offsets = [1], sizes = [1], strides = [1]} : vector<16xf32> to vector<1xf32>
        %squeeze3A_539 = vector.extract %slice3A_538[0] : f32 from vector<1xf32>
        %mul3A_540 = vector.broadcast %squeeze3A_539 : f32 to vector<16xf32>
        %mul3A_541 = arith.mulf %mul3A_540, %get3A_14 : vector<16xf32>
        %add3A_542 = arith.addf %add3A_537, %mul3A_541 : vector<16xf32>
        %slice3A_543 = vector.extract_strided_slice %get3A_528 {offsets = [2], sizes = [1], strides = [1]} : vector<16xf32> to vector<1xf32>
        %squeeze3A_544 = vector.extract %slice3A_543[0] : f32 from vector<1xf32>
        %mul3A_545 = vector.broadcast %squeeze3A_544 : f32 to vector<16xf32>
        %mul3A_546 = arith.mulf %mul3A_545, %get3A_19 : vector<16xf32>
        %add3A_547 = arith.addf %add3A_542, %mul3A_546 : vector<16xf32>
        %slice3A_548 = vector.extract_strided_slice %get3A_528 {offsets = [3], sizes = [1], strides = [1]} : vector<16xf32> to vector<1xf32>
        %squeeze3A_549 = vector.extract %slice3A_548[0] : f32 from vector<1xf32>
        %mul3A_550 = vector.broadcast %squeeze3A_549 : f32 to vector<16xf32>
        %mul3A_551 = arith.mulf %mul3A_550, %get3A_24 : vector<16xf32>
        %add3A_552 = arith.addf %add3A_547, %mul3A_551 : vector<16xf32>
        %get3A_553 = arith.index_cast %add3A_532 : i32 to index
        %get3A_554 = arith.constant 0 : index
        %get3A_555 = tpu.vector_load %arg14[%get3A_553, %get3A_554] {strides = array<i32>} : memref<512x16xf32, #tpu.memory_space<vmem>>, vector<1x16xf32>,
        %get3A_556 = vector.shape_cast %get3A_555 : vector<1x16xf32> to vector<16xf32>
        %add3A_557 = arith.addf %get3A_556, %add3A_552 : vector<16xf32>
        %max3A_558 = arith.constant 0.000000e+00 : f32
        %max3A_559 = vector.broadcast %max3A_558 : f32 to vector<16xf32>
        %max3A_560 = arith.maximumf %add3A_557, %max3A_559 : vector<16xf32>
        %swap3A_561 = arith.index_cast %add3A_532 : i32 to index
        %swap3A_562 = arith.constant 0 : index
        %swap3A_563 = tpu.vector_load %arg14[%swap3A_561, %swap3A_562] {strides = array<i32>} : memref<512x16xf32, #tpu.memory_space<vmem>>, vector<1x16xf32>,
        %swap3A_564 = vector.shape_cast %swap3A_563 : vector<1x16xf32> to vector<16xf32>
        %swap3A_565 = vector.shape_cast %max3A_560 : vector<16xf32> to vector<1x16xf32>
        tpu.vector_store %arg14[%swap3A_561, %swap3A_562], %swap3A_565 {strides = array<i32>} : memref<512x16xf32, #tpu.memory_space<vmem>>, vector<1x16xf32>,
        %mul3A_566 = arith.constant 4 : i32
        %mul3A_567 = arith.muli %scan3A_524, %mul3A_566 : i32
        %add3A_568 = arith.constant 1 : i32
        %add3A_569 = arith.addi %mul3A_567, %add3A_568 : i32
        %slice3A_570 = vector.extract_strided_slice %get3A_528 {offsets = [4], sizes = [1], strides = [1]} : vector<16xf32> to vector<1xf32>
        %squeeze3A_571 = vector.extract %slice3A_570[0] : f32 from vector<1xf32>
        %mul3A_572 = vector.broadcast %squeeze3A_571 : f32 to vector<16xf32>
        %mul3A_573 = arith.mulf %mul3A_572, %get3A_9 : vector<16xf32>
        %add3A_574 = arith.addf %get3A_27, %mul3A_573 : vector<16xf32>
        %slice3A_575 = vector.extract_strided_slice %get3A_528 {offsets = [5], sizes = [1], strides = [1]} : vector<16xf32> to vector<1xf32>
        %squeeze3A_576 = vector.extract %slice3A_575[0] : f32 from vector<1xf32>
        %mul3A_577 = vector.broadcast %squeeze3A_576 : f32 to vector<16xf32>
        %mul3A_578 = arith.mulf %mul3A_577, %get3A_14 : vector<16xf32>
        %add3A_579 = arith.addf %add3A_574, %mul3A_578 : vector<16xf32>
        %slice3A_580 = vector.extract_strided_slice %get3A_528 {offsets = [6], sizes = [1], strides = [1]} : vector<16xf32> to vector<1xf32>
        %squeeze3A_581 = vector.extract %slice3A_580[0] : f32 from vector<1xf32>
        %mul3A_582 = vector.broadcast %squeeze3A_581 : f32 to vector<16xf32>
        %mul3A_583 = arith.mulf %mul3A_582, %get3A_19 : vector<16xf32>
        %add3A_584 = arith.addf %add3A_579, %mul3A_583 : vector<16xf32>
        %slice3A_585 = vector.extract_strided_slice %get3A_528 {offsets = [7], sizes = [1], strides = [1]} : vector<16xf32> to vector<1xf32>
        %squeeze3A_586 = vector.extract %slice3A_585[0] : f32 from vector<1xf32>
        %mul3A_587 = vector.broadcast %squeeze3A_586 : f32 to vector<16xf32>
        %mul3A_588 = arith.mulf %mul3A_587, %get3A_24 : vector<16xf32>
        %add3A_589 = arith.addf %add3A_584, %mul3A_588 : vector<16xf32>
        %get3A_590 = arith.index_cast %add3A_569 : i32 to index
        %get3A_591 = arith.constant 0 : index
        %get3A_592 = tpu.vector_load %arg14[%get3A_590, %get3A_591] {strides = array<i32>} : memref<512x16xf32, #tpu.memory_space<vmem>>, vector<1x16xf32>,
        %get3A_593 = vector.shape_cast %get3A_592 : vector<1x16xf32> to vector<16xf32>
        %add3A_594 = arith.addf %get3A_593, %add3A_589 : vector<16xf32>
        %max3A_595 = arith.constant 0.000000e+00 : f32
        %max3A_596 = vector.broadcast %max3A_595 : f32 to vector<16xf32>
        %max3A_597 = arith.maximumf %add3A_594, %max3A_596 : vector<16xf32>
        %swap3A_598 = arith.index_cast %add3A_569 : i32 to index
        %swap3A_599 = arith.constant 0 : index
        %swap3A_600 = tpu.vector_load %arg14[%swap3A_598, %swap3A_599] {strides = array<i32>} : memref<512x16xf32, #tpu.memory_space<vmem>>, vector<1x16xf32>,
        %swap3A_601 = vector.shape_cast %swap3A_600 : vector<1x16xf32> to vector<16xf32>
        %swap3A_602 = vector.shape_cast %max3A_597 : vector<16xf32> to vector<1x16xf32>
        tpu.vector_store %arg14[%swap3A_598, %swap3A_599], %swap3A_602 {strides = array<i32>} : memref<512x16xf32, #tpu.memory_space<vmem>>, vector<1x16xf32>,
        %mul3A_603 = arith.constant 4 : i32
        %mul3A_604 = arith.muli %scan3A_524, %mul3A_603 : i32
        %add3A_605 = arith.constant 2 : i32
        %add3A_606 = arith.addi %mul3A_604, %add3A_605 : i32
        %slice3A_607 = vector.extract_strided_slice %get3A_528 {offsets = [8], sizes = [1], strides = [1]} : vector<16xf32> to vector<1xf32>
        %squeeze3A_608 = vector.extract %slice3A_607[0] : f32 from vector<1xf32>
        %mul3A_609 = vector.broadcast %squeeze3A_608 : f32 to vector<16xf32>
        %mul3A_610 = arith.mulf %mul3A_609, %get3A_9 : vector<16xf32>
        %add3A_611 = arith.addf %get3A_27, %mul3A_610 : vector<16xf32>
        %slice3A_612 = vector.extract_strided_slice %get3A_528 {offsets = [9], sizes = [1], strides = [1]} : vector<16xf32> to vector<1xf32>
        %squeeze3A_613 = vector.extract %slice3A_612[0] : f32 from vector<1xf32>
        %mul3A_614 = vector.broadcast %squeeze3A_613 : f32 to vector<16xf32>
        %mul3A_615 = arith.mulf %mul3A_614, %get3A_14 : vector<16xf32>
        %add3A_616 = arith.addf %add3A_611, %mul3A_615 : vector<16xf32>
        %slice3A_617 = vector.extract_strided_slice %get3A_528 {offsets = [10], sizes = [1], strides = [1]} : vector<16xf32> to vector<1xf32>
        %squeeze3A_618 = vector.extract %slice3A_617[0] : f32 from vector<1xf32>
        %mul3A_619 = vector.broadcast %squeeze3A_618 : f32 to vector<16xf32>
        %mul3A_620 = arith.mulf %mul3A_619, %get3A_19 : vector<16xf32>
        %add3A_621 = arith.addf %add3A_616, %mul3A_620 : vector<16xf32>
        %slice3A_622 = vector.extract_strided_slice %get3A_528 {offsets = [11], sizes = [1], strides = [1]} : vector<16xf32> to vector<1xf32>
        %squeeze3A_623 = vector.extract %slice3A_622[0] : f32 from vector<1xf32>
        %mul3A_624 = vector.broadcast %squeeze3A_623 : f32 to vector<16xf32>
        %mul3A_625 = arith.mulf %mul3A_624, %get3A_24 : vector<16xf32>
        %add3A_626 = arith.addf %add3A_621, %mul3A_625 : vector<16xf32>
        %get3A_627 = arith.index_cast %add3A_606 : i32 to index
        %get3A_628 = arith.constant 0 : index
        %get3A_629 = tpu.vector_load %arg14[%get3A_627, %get3A_628] {strides = array<i32>} : memref<512x16xf32, #tpu.memory_space<vmem>>, vector<1x16xf32>,
        %get3A_630 = vector.shape_cast %get3A_629 : vector<1x16xf32> to vector<16xf32>
        %add3A_631 = arith.addf %get3A_630, %add3A_626 : vector<16xf32>
        %max3A_632 = arith.constant 0.000000e+00 : f32
        %max3A_633 = vector.broadcast %max3A_632 : f32 to vector<16xf32>
        %max3A_634 = arith.maximumf %add3A_631, %max3A_633 : vector<16xf32>
        %swap3A_635 = arith.index_cast %add3A_606 : i32 to index
        %swap3A_636 = arith.constant 0 : index
        %swap3A_637 = tpu.vector_load %arg14[%swap3A_635, %swap3A_636] {strides = array<i32>} : memref<512x16xf32, #tpu.memory_space<vmem>>, vector<1x16xf32>,
        %swap3A_638 = vector.shape_cast %swap3A_637 : vector<1x16xf32> to vector<16xf32>
        %swap3A_639 = vector.shape_cast %max3A_634 : vector<16xf32> to vector<1x16xf32>
        tpu.vector_store %arg14[%swap3A_635, %swap3A_636], %swap3A_639 {strides = array<i32>} : memref<512x16xf32, #tpu.memory_space<vmem>>, vector<1x16xf32>,
        %mul3A_640 = arith.constant 4 : i32
        %mul3A_641 = arith.muli %scan3A_524, %mul3A_640 : i32
        %add3A_642 = arith.constant 3 : i32
        %add3A_643 = arith.addi %mul3A_641, %add3A_642 : i32
        %slice3A_644 = vector.extract_strided_slice %get3A_528 {offsets = [12], sizes = [1], strides = [1]} : vector<16xf32> to vector<1xf32>
        %squeeze3A_645 = vector.extract %slice3A_644[0] : f32 from vector<1xf32>
        %mul3A_646 = vector.broadcast %squeeze3A_645 : f32 to vector<16xf32>
        %mul3A_647 = arith.mulf %mul3A_646, %get3A_9 : vector<16xf32>
        %add3A_648 = arith.addf %get3A_27, %mul3A_647 : vector<16xf32>
        %slice3A_649 = vector.extract_strided_slice %get3A_528 {offsets = [13], sizes = [1], strides = [1]} : vector<16xf32> to vector<1xf32>
        %squeeze3A_650 = vector.extract %slice3A_649[0] : f32 from vector<1xf32>
        %mul3A_651 = vector.broadcast %squeeze3A_650 : f32 to vector<16xf32>
        %mul3A_652 = arith.mulf %mul3A_651, %get3A_14 : vector<16xf32>
        %add3A_653 = arith.addf %add3A_648, %mul3A_652 : vector<16xf32>
        %slice3A_654 = vector.extract_strided_slice %get3A_528 {offsets = [14], sizes = [1], strides = [1]} : vector<16xf32> to vector<1xf32>
        %squeeze3A_655 = vector.extract %slice3A_654[0] : f32 from vector<1xf32>
        %mul3A_656 = vector.broadcast %squeeze3A_655 : f32 to vector<16xf32>
        %mul3A_657 = arith.mulf %mul3A_656, %get3A_19 : vector<16xf32>
        %add3A_658 = arith.addf %add3A_653, %mul3A_657 : vector<16xf32>
        %slice3A_659 = vector.extract_strided_slice %get3A_528 {offsets = [15], sizes = [1], strides = [1]} : vector<16xf32> to vector<1xf32>
        %squeeze3A_660 = vector.extract %slice3A_659[0] : f32 from vector<1xf32>
        %mul3A_661 = vector.broadcast %squeeze3A_660 : f32 to vector<16xf32>
        %mul3A_662 = arith.mulf %mul3A_661, %get3A_24 : vector<16xf32>
        %add3A_663 = arith.addf %add3A_658, %mul3A_662 : vector<16xf32>
        %get3A_664 = arith.index_cast %add3A_643 : i32 to index
        %get3A_665 = arith.constant 0 : index
        %get3A_666 = tpu.vector_load %arg14[%get3A_664, %get3A_665] {strides = array<i32>} : memref<512x16xf32, #tpu.memory_space<vmem>>, vector<1x16xf32>,
        %get3A_667 = vector.shape_cast %get3A_666 : vector<1x16xf32> to vector<16xf32>
        %add3A_668 = arith.addf %get3A_667, %add3A_663 : vector<16xf32>
        %max3A_669 = arith.constant 0.000000e+00 : f32
        %max3A_670 = vector.broadcast %max3A_669 : f32 to vector<16xf32>
        %max3A_671 = arith.maximumf %add3A_668, %max3A_670 : vector<16xf32>
        %swap3A_672 = arith.index_cast %add3A_643 : i32 to index
        %swap3A_673 = arith.constant 0 : index
        %swap3A_674 = tpu.vector_load %arg14[%swap3A_672, %swap3A_673] {strides = array<i32>} : memref<512x16xf32, #tpu.memory_space<vmem>>, vector<1x16xf32>,
        %swap3A_675 = vector.shape_cast %swap3A_674 : vector<1x16xf32> to vector<16xf32>
        %swap3A_676 = vector.shape_cast %max3A_671 : vector<16xf32> to vector<1x16xf32>
        tpu.vector_store %arg14[%swap3A_672, %swap3A_673], %swap3A_676 {strides = array<i32>} : memref<512x16xf32, #tpu.memory_space<vmem>>, vector<1x16xf32>,
        %scan3A_677 = arith.constant 3 : i32
        %scan3A_678 = arith.addi %scan3A_220, %scan3A_677 : i32
        %get3A_679 = arith.index_cast %scan3A_678 : i32 to index
        %get3A_680 = arith.constant 0 : index
        %get3A_681 = tpu.vector_load %arg13[%get3A_679, %get3A_680] {strides = array<i32>} : memref<128x16xf32, #tpu.memory_space<vmem>>, vector<1x16xf32>,
        %get3A_682 = vector.shape_cast %get3A_681 : vector<1x16xf32> to vector<16xf32>
        %mul3A_683 = arith.constant 4 : i32
        %mul3A_684 = arith.muli %scan3A_678, %mul3A_683 : i32
        %add3A_685 = arith.constant 0 : i32
        %add3A_686 = arith.addi %mul3A_684, %add3A_685 : i32
        %slice3A_687 = vector.extract_strided_slice %get3A_682 {offsets = [0], sizes = [1], strides = [1]} : vector<16xf32> to vector<1xf32>
        %squeeze3A_688 = vector.extract %slice3A_687[0] : f32 from vector<1xf32>
        %mul3A_689 = vector.broadcast %squeeze3A_688 : f32 to vector<16xf32>
        %mul3A_690 = arith.mulf %mul3A_689, %get3A_9 : vector<16xf32>
        %add3A_691 = arith.addf %get3A_27, %mul3A_690 : vector<16xf32>
        %slice3A_692 = vector.extract_strided_slice %get3A_682 {offsets = [1], sizes = [1], strides = [1]} : vector<16xf32> to vector<1xf32>
        %squeeze3A_693 = vector.extract %slice3A_692[0] : f32 from vector<1xf32>
        %mul3A_694 = vector.broadcast %squeeze3A_693 : f32 to vector<16xf32>
        %mul3A_695 = arith.mulf %mul3A_694, %get3A_14 : vector<16xf32>
        %add3A_696 = arith.addf %add3A_691, %mul3A_695 : vector<16xf32>
        %slice3A_697 = vector.extract_strided_slice %get3A_682 {offsets = [2], sizes = [1], strides = [1]} : vector<16xf32> to vector<1xf32>
        %squeeze3A_698 = vector.extract %slice3A_697[0] : f32 from vector<1xf32>
        %mul3A_699 = vector.broadcast %squeeze3A_698 : f32 to vector<16xf32>
        %mul3A_700 = arith.mulf %mul3A_699, %get3A_19 : vector<16xf32>
        %add3A_701 = arith.addf %add3A_696, %mul3A_700 : vector<16xf32>
        %slice3A_702 = vector.extract_strided_slice %get3A_682 {offsets = [3], sizes = [1], strides = [1]} : vector<16xf32> to vector<1xf32>
        %squeeze3A_703 = vector.extract %slice3A_702[0] : f32 from vector<1xf32>
        %mul3A_704 = vector.broadcast %squeeze3A_703 : f32 to vector<16xf32>
        %mul3A_705 = arith.mulf %mul3A_704, %get3A_24 : vector<16xf32>
        %add3A_706 = arith.addf %add3A_701, %mul3A_705 : vector<16xf32>
        %get3A_707 = arith.index_cast %add3A_686 : i32 to index
        %get3A_708 = arith.constant 0 : index
        %get3A_709 = tpu.vector_load %arg14[%get3A_707, %get3A_708] {strides = array<i32>} : memref<512x16xf32, #tpu.memory_space<vmem>>, vector<1x16xf32>,
        %get3A_710 = vector.shape_cast %get3A_709 : vector<1x16xf32> to vector<16xf32>
        %add3A_711 = arith.addf %get3A_710, %add3A_706 : vector<16xf32>
        %max3A_712 = arith.constant 0.000000e+00 : f32
        %max3A_713 = vector.broadcast %max3A_712 : f32 to vector<16xf32>
        %max3A_714 = arith.maximumf %add3A_711, %max3A_713 : vector<16xf32>
        %swap3A_715 = arith.index_cast %add3A_686 : i32 to index
        %swap3A_716 = arith.constant 0 : index
        %swap3A_717 = tpu.vector_load %arg14[%swap3A_715, %swap3A_716] {strides = array<i32>} : memref<512x16xf32, #tpu.memory_space<vmem>>, vector<1x16xf32>,
        %swap3A_718 = vector.shape_cast %swap3A_717 : vector<1x16xf32> to vector<16xf32>
        %swap3A_719 = vector.shape_cast %max3A_714 : vector<16xf32> to vector<1x16xf32>
        tpu.vector_store %arg14[%swap3A_715, %swap3A_716], %swap3A_719 {strides = array<i32>} : memref<512x16xf32, #tpu.memory_space<vmem>>, vector<1x16xf32>,
        %mul3A_720 = arith.constant 4 : i32
        %mul3A_721 = arith.muli %scan3A_678, %mul3A_720 : i32
        %add3A_722 = arith.constant 1 : i32
        %add3A_723 = arith.addi %mul3A_721, %add3A_722 : i32
        %slice3A_724 = vector.extract_strided_slice %get3A_682 {offsets = [4], sizes = [1], strides = [1]} : vector<16xf32> to vector<1xf32>
        %squeeze3A_725 = vector.extract %slice3A_724[0] : f32 from vector<1xf32>
        %mul3A_726 = vector.broadcast %squeeze3A_725 : f32 to vector<16xf32>
        %mul3A_727 = arith.mulf %mul3A_726, %get3A_9 : vector<16xf32>
        %add3A_728 = arith.addf %get3A_27, %mul3A_727 : vector<16xf32>
        %slice3A_729 = vector.extract_strided_slice %get3A_682 {offsets = [5], sizes = [1], strides = [1]} : vector<16xf32> to vector<1xf32>
        %squeeze3A_730 = vector.extract %slice3A_729[0] : f32 from vector<1xf32>
        %mul3A_731 = vector.broadcast %squeeze3A_730 : f32 to vector<16xf32>
        %mul3A_732 = arith.mulf %mul3A_731, %get3A_14 : vector<16xf32>
        %add3A_733 = arith.addf %add3A_728, %mul3A_732 : vector<16xf32>
        %slice3A_734 = vector.extract_strided_slice %get3A_682 {offsets = [6], sizes = [1], strides = [1]} : vector<16xf32> to vector<1xf32>
        %squeeze3A_735 = vector.extract %slice3A_734[0] : f32 from vector<1xf32>
        %mul3A_736 = vector.broadcast %squeeze3A_735 : f32 to vector<16xf32>
        %mul3A_737 = arith.mulf %mul3A_736, %get3A_19 : vector<16xf32>
        %add3A_738 = arith.addf %add3A_733, %mul3A_737 : vector<16xf32>
        %slice3A_739 = vector.extract_strided_slice %get3A_682 {offsets = [7], sizes = [1], strides = [1]} : vector<16xf32> to vector<1xf32>
        %squeeze3A_740 = vector.extract %slice3A_739[0] : f32 from vector<1xf32>
        %mul3A_741 = vector.broadcast %squeeze3A_740 : f32 to vector<16xf32>
        %mul3A_742 = arith.mulf %mul3A_741, %get3A_24 : vector<16xf32>
        %add3A_743 = arith.addf %add3A_738, %mul3A_742 : vector<16xf32>
        %get3A_744 = arith.index_cast %add3A_723 : i32 to index
        %get3A_745 = arith.constant 0 : index
        %get3A_746 = tpu.vector_load %arg14[%get3A_744, %get3A_745] {strides = array<i32>} : memref<512x16xf32, #tpu.memory_space<vmem>>, vector<1x16xf32>,
        %get3A_747 = vector.shape_cast %get3A_746 : vector<1x16xf32> to vector<16xf32>
        %add3A_748 = arith.addf %get3A_747, %add3A_743 : vector<16xf32>
        %max3A_749 = arith.constant 0.000000e+00 : f32
        %max3A_750 = vector.broadcast %max3A_749 : f32 to vector<16xf32>
        %max3A_751 = arith.maximumf %add3A_748, %max3A_750 : vector<16xf32>
        %swap3A_752 = arith.index_cast %add3A_723 : i32 to index
        %swap3A_753 = arith.constant 0 : index
        %swap3A_754 = tpu.vector_load %arg14[%swap3A_752, %swap3A_753] {strides = array<i32>} : memref<512x16xf32, #tpu.memory_space<vmem>>, vector<1x16xf32>,
        %swap3A_755 = vector.shape_cast %swap3A_754 : vector<1x16xf32> to vector<16xf32>
        %swap3A_756 = vector.shape_cast %max3A_751 : vector<16xf32> to vector<1x16xf32>
        tpu.vector_store %arg14[%swap3A_752, %swap3A_753], %swap3A_756 {strides = array<i32>} : memref<512x16xf32, #tpu.memory_space<vmem>>, vector<1x16xf32>,
        %mul3A_757 = arith.constant 4 : i32
        %mul3A_758 = arith.muli %scan3A_678, %mul3A_757 : i32
        %add3A_759 = arith.constant 2 : i32
        %add3A_760 = arith.addi %mul3A_758, %add3A_759 : i32
        %slice3A_761 = vector.extract_strided_slice %get3A_682 {offsets = [8], sizes = [1], strides = [1]} : vector<16xf32> to vector<1xf32>
        %squeeze3A_762 = vector.extract %slice3A_761[0] : f32 from vector<1xf32>
        %mul3A_763 = vector.broadcast %squeeze3A_762 : f32 to vector<16xf32>
        %mul3A_764 = arith.mulf %mul3A_763, %get3A_9 : vector<16xf32>
        %add3A_765 = arith.addf %get3A_27, %mul3A_764 : vector<16xf32>
        %slice3A_766 = vector.extract_strided_slice %get3A_682 {offsets = [9], sizes = [1], strides = [1]} : vector<16xf32> to vector<1xf32>
        %squeeze3A_767 = vector.extract %slice3A_766[0] : f32 from vector<1xf32>
        %mul3A_768 = vector.broadcast %squeeze3A_767 : f32 to vector<16xf32>
        %mul3A_769 = arith.mulf %mul3A_768, %get3A_14 : vector<16xf32>
        %add3A_770 = arith.addf %add3A_765, %mul3A_769 : vector<16xf32>
        %slice3A_771 = vector.extract_strided_slice %get3A_682 {offsets = [10], sizes = [1], strides = [1]} : vector<16xf32> to vector<1xf32>
        %squeeze3A_772 = vector.extract %slice3A_771[0] : f32 from vector<1xf32>
        %mul3A_773 = vector.broadcast %squeeze3A_772 : f32 to vector<16xf32>
        %mul3A_774 = arith.mulf %mul3A_773, %get3A_19 : vector<16xf32>
        %add3A_775 = arith.addf %add3A_770, %mul3A_774 : vector<16xf32>
        %slice3A_776 = vector.extract_strided_slice %get3A_682 {offsets = [11], sizes = [1], strides = [1]} : vector<16xf32> to vector<1xf32>
        %squeeze3A_777 = vector.extract %slice3A_776[0] : f32 from vector<1xf32>
        %mul3A_778 = vector.broadcast %squeeze3A_777 : f32 to vector<16xf32>
        %mul3A_779 = arith.mulf %mul3A_778, %get3A_24 : vector<16xf32>
        %add3A_780 = arith.addf %add3A_775, %mul3A_779 : vector<16xf32>
        %get3A_781 = arith.index_cast %add3A_760 : i32 to index
        %get3A_782 = arith.constant 0 : index
        %get3A_783 = tpu.vector_load %arg14[%get3A_781, %get3A_782] {strides = array<i32>} : memref<512x16xf32, #tpu.memory_space<vmem>>, vector<1x16xf32>,
        %get3A_784 = vector.shape_cast %get3A_783 : vector<1x16xf32> to vector<16xf32>
        %add3A_785 = arith.addf %get3A_784, %add3A_780 : vector<16xf32>
        %max3A_786 = arith.constant 0.000000e+00 : f32
        %max3A_787 = vector.broadcast %max3A_786 : f32 to vector<16xf32>
        %max3A_788 = arith.maximumf %add3A_785, %max3A_787 : vector<16xf32>
        %swap3A_789 = arith.index_cast %add3A_760 : i32 to index
        %swap3A_790 = arith.constant 0 : index
        %swap3A_791 = tpu.vector_load %arg14[%swap3A_789, %swap3A_790] {strides = array<i32>} : memref<512x16xf32, #tpu.memory_space<vmem>>, vector<1x16xf32>,
        %swap3A_792 = vector.shape_cast %swap3A_791 : vector<1x16xf32> to vector<16xf32>
        %swap3A_793 = vector.shape_cast %max3A_788 : vector<16xf32> to vector<1x16xf32>
        tpu.vector_store %arg14[%swap3A_789, %swap3A_790], %swap3A_793 {strides = array<i32>} : memref<512x16xf32, #tpu.memory_space<vmem>>, vector<1x16xf32>,
        %mul3A_794 = arith.constant 4 : i32
        %mul3A_795 = arith.muli %scan3A_678, %mul3A_794 : i32
        %add3A_796 = arith.constant 3 : i32
        %add3A_797 = arith.addi %mul3A_795, %add3A_796 : i32
        %slice3A_798 = vector.extract_strided_slice %get3A_682 {offsets = [12], sizes = [1], strides = [1]} : vector<16xf32> to vector<1xf32>
        %squeeze3A_799 = vector.extract %slice3A_798[0] : f32 from vector<1xf32>
        %mul3A_800 = vector.broadcast %squeeze3A_799 : f32 to vector<16xf32>
        %mul3A_801 = arith.mulf %mul3A_800, %get3A_9 : vector<16xf32>
        %add3A_802 = arith.addf %get3A_27, %mul3A_801 : vector<16xf32>
        %slice3A_803 = vector.extract_strided_slice %get3A_682 {offsets = [13], sizes = [1], strides = [1]} : vector<16xf32> to vector<1xf32>
        %squeeze3A_804 = vector.extract %slice3A_803[0] : f32 from vector<1xf32>
        %mul3A_805 = vector.broadcast %squeeze3A_804 : f32 to vector<16xf32>
        %mul3A_806 = arith.mulf %mul3A_805, %get3A_14 : vector<16xf32>
        %add3A_807 = arith.addf %add3A_802, %mul3A_806 : vector<16xf32>
        %slice3A_808 = vector.extract_strided_slice %get3A_682 {offsets = [14], sizes = [1], strides = [1]} : vector<16xf32> to vector<1xf32>
        %squeeze3A_809 = vector.extract %slice3A_808[0] : f32 from vector<1xf32>
        %mul3A_810 = vector.broadcast %squeeze3A_809 : f32 to vector<16xf32>
        %mul3A_811 = arith.mulf %mul3A_810, %get3A_19 : vector<16xf32>
        %add3A_812 = arith.addf %add3A_807, %mul3A_811 : vector<16xf32>
        %slice3A_813 = vector.extract_strided_slice %get3A_682 {offsets = [15], sizes = [1], strides = [1]} : vector<16xf32> to vector<1xf32>
        %squeeze3A_814 = vector.extract %slice3A_813[0] : f32 from vector<1xf32>
        %mul3A_815 = vector.broadcast %squeeze3A_814 : f32 to vector<16xf32>
        %mul3A_816 = arith.mulf %mul3A_815, %get3A_24 : vector<16xf32>
        %add3A_817 = arith.addf %add3A_812, %mul3A_816 : vector<16xf32>
        %get3A_818 = arith.index_cast %add3A_797 : i32 to index
        %get3A_819 = arith.constant 0 : index
        %get3A_820 = tpu.vector_load %arg14[%get3A_818, %get3A_819] {strides = array<i32>} : memref<512x16xf32, #tpu.memory_space<vmem>>, vector<1x16xf32>,
        %get3A_821 = vector.shape_cast %get3A_820 : vector<1x16xf32> to vector<16xf32>
        %add3A_822 = arith.addf %get3A_821, %add3A_817 : vector<16xf32>
        %max3A_823 = arith.constant 0.000000e+00 : f32
        %max3A_824 = vector.broadcast %max3A_823 : f32 to vector<16xf32>
        %max3A_825 = arith.maximumf %add3A_822, %max3A_824 : vector<16xf32>
        %swap3A_826 = arith.index_cast %add3A_797 : i32 to index
        %swap3A_827 = arith.constant 0 : index
        %swap3A_828 = tpu.vector_load %arg14[%swap3A_826, %swap3A_827] {strides = array<i32>} : memref<512x16xf32, #tpu.memory_space<vmem>>, vector<1x16xf32>,
        %swap3A_829 = vector.shape_cast %swap3A_828 : vector<1x16xf32> to vector<16xf32>
        %swap3A_830 = vector.shape_cast %max3A_825 : vector<16xf32> to vector<1x16xf32>
        tpu.vector_store %arg14[%swap3A_826, %swap3A_827], %swap3A_830 {strides = array<i32>} : memref<512x16xf32, #tpu.memory_space<vmem>>, vector<1x16xf32>,
      }
      %scan3A_139 = arith.constant 128 : i32
      %dma_start3A_140 = arith.constant 0 : i32
      %dma_start3A_141 = arith.constant 0 : i32
      %dma_start3A_142 = arith.constant 0 : i32
      %dma_start3A_143 = tpu.memref_slice %arg14[%dma_start3A_141, %dma_start3A_142] : memref<512x16xf32, #tpu.memory_space<vmem>> -> memref<128x16xf32, #tpu.memory_space<vmem>>
      %dma_start3A_144 = arith.constant 0 : i32
      %dma_start3A_145 = tpu.memref_slice %arg12[%dma_start3A_140, %dma_start3A_144] : memref<4x128xi32, #tpu.memory_space<vmem>> -> memref<1x128xi32, #tpu.memory_space<vmem>>
      %dma_start3A_146 = tpu.memref_squeeze %dma_start3A_145 : memref<1x128xi32, #tpu.memory_space<vmem>> -> memref<128xi32, #tpu.memory_space<vmem>>
      %dma_start3A_147 = arith.constant 0 : i32
      %dma_start3A_148 = arith.constant 0 : i32
      %dma_start3A_149 = tpu.memref_slice %arg10[%dma_start3A_147, %dma_start3A_148] : memref<100008x16xf32, #tpu.memory_space<vmem_shared>> -> memref<100008x16xf32, #tpu.memory_space<vmem_shared>>
      tpu.enqueue_indirect_dma source(%dma_start3A_143 : memref<128x16xf32, #tpu.memory_space<vmem>>) target(%dma_start3A_149 : memref<100008x16xf32, #tpu.memory_space<vmem_shared>>) offsets(%dma_start3A_146 : memref<128xi32, #tpu.memory_space<vmem>>) semaphore(%arg18 : memref<!tpu.dma_semaphore, #tpu.memory_space<semaphore_mem>>) {add = true}
      %dma_start3A_150 = arith.constant 1 : i32
      %dma_start3A_151 = arith.constant 128 : i32
      %dma_start3A_152 = arith.constant 0 : i32
      %dma_start3A_153 = tpu.memref_slice %arg14[%dma_start3A_151, %dma_start3A_152] : memref<512x16xf32, #tpu.memory_space<vmem>> -> memref<128x16xf32, #tpu.memory_space<vmem>>
      %dma_start3A_154 = arith.constant 0 : i32
      %dma_start3A_155 = tpu.memref_slice %arg12[%dma_start3A_150, %dma_start3A_154] : memref<4x128xi32, #tpu.memory_space<vmem>> -> memref<1x128xi32, #tpu.memory_space<vmem>>
      %dma_start3A_156 = tpu.memref_squeeze %dma_start3A_155 : memref<1x128xi32, #tpu.memory_space<vmem>> -> memref<128xi32, #tpu.memory_space<vmem>>
      %dma_start3A_157 = arith.constant 0 : i32
      %dma_start3A_158 = arith.constant 0 : i32
      %dma_start3A_159 = tpu.memref_slice %arg10[%dma_start3A_157, %dma_start3A_158] : memref<100008x16xf32, #tpu.memory_space<vmem_shared>> -> memref<100008x16xf32, #tpu.memory_space<vmem_shared>>
      tpu.enqueue_indirect_dma source(%dma_start3A_153 : memref<128x16xf32, #tpu.memory_space<vmem>>) target(%dma_start3A_159 : memref<100008x16xf32, #tpu.memory_space<vmem_shared>>) offsets(%dma_start3A_156 : memref<128xi32, #tpu.memory_space<vmem>>) semaphore(%arg18 : memref<!tpu.dma_semaphore, #tpu.memory_space<semaphore_mem>>) {add = true}
      %dma_start3A_160 = arith.constant 2 : i32
      %dma_start3A_161 = arith.constant 256 : i32
      %dma_start3A_162 = arith.constant 0 : i32
      %dma_start3A_163 = tpu.memref_slice %arg14[%dma_start3A_161, %dma_start3A_162] : memref<512x16xf32, #tpu.memory_space<vmem>> -> memref<128x16xf32, #tpu.memory_space<vmem>>
      %dma_start3A_164 = arith.constant 0 : i32
      %dma_start3A_165 = tpu.memref_slice %arg12[%dma_start3A_160, %dma_start3A_164] : memref<4x128xi32, #tpu.memory_space<vmem>> -> memref<1x128xi32, #tpu.memory_space<vmem>>
      %dma_start3A_166 = tpu.memref_squeeze %dma_start3A_165 : memref<1x128xi32, #tpu.memory_space<vmem>> -> memref<128xi32, #tpu.memory_space<vmem>>
      %dma_start3A_167 = arith.constant 0 : i32
      %dma_start3A_168 = arith.constant 0 : i32
      %dma_start3A_169 = tpu.memref_slice %arg10[%dma_start3A_167, %dma_start3A_168] : memref<100008x16xf32, #tpu.memory_space<vmem_shared>> -> memref<100008x16xf32, #tpu.memory_space<vmem_shared>>
      tpu.enqueue_indirect_dma source(%dma_start3A_163 : memref<128x16xf32, #tpu.memory_space<vmem>>) target(%dma_start3A_169 : memref<100008x16xf32, #tpu.memory_space<vmem_shared>>) offsets(%dma_start3A_166 : memref<128xi32, #tpu.memory_space<vmem>>) semaphore(%arg18 : memref<!tpu.dma_semaphore, #tpu.memory_space<semaphore_mem>>) {add = true}
      %dma_start3A_170 = arith.constant 3 : i32
      %dma_start3A_171 = arith.constant 384 : i32
      %dma_start3A_172 = arith.constant 0 : i32
      %dma_start3A_173 = tpu.memref_slice %arg14[%dma_start3A_171, %dma_start3A_172] : memref<512x16xf32, #tpu.memory_space<vmem>> -> memref<128x16xf32, #tpu.memory_space<vmem>>
      %dma_start3A_174 = arith.constant 0 : i32
      %dma_start3A_175 = tpu.memref_slice %arg12[%dma_start3A_170, %dma_start3A_174] : memref<4x128xi32, #tpu.memory_space<vmem>> -> memref<1x128xi32, #tpu.memory_space<vmem>>
      %dma_start3A_176 = tpu.memref_squeeze %dma_start3A_175 : memref<1x128xi32, #tpu.memory_space<vmem>> -> memref<128xi32, #tpu.memory_space<vmem>>
      %dma_start3A_177 = arith.constant 0 : i32
      %dma_start3A_178 = arith.constant 0 : i32
      %dma_start3A_179 = tpu.memref_slice %arg10[%dma_start3A_177, %dma_start3A_178] : memref<100008x16xf32, #tpu.memory_space<vmem_shared>> -> memref<100008x16xf32, #tpu.memory_space<vmem_shared>>
      tpu.enqueue_indirect_dma source(%dma_start3A_173 : memref<128x16xf32, #tpu.memory_space<vmem>>) target(%dma_start3A_179 : memref<100008x16xf32, #tpu.memory_space<vmem_shared>>) offsets(%dma_start3A_176 : memref<128xi32, #tpu.memory_space<vmem>>) semaphore(%arg18 : memref<!tpu.dma_semaphore, #tpu.memory_space<semaphore_mem>>) {add = true}
      %dma_wait3A_180 = arith.constant 0 : i32
      %dma_wait3A_181 = arith.constant 0 : i32
      %dma_wait3A_182 = arith.constant 0 : i32
      %dma_wait3A_183 = tpu.memref_slice %arg14[%dma_wait3A_181, %dma_wait3A_182] : memref<512x16xf32, #tpu.memory_space<vmem>> -> memref<128x16xf32, #tpu.memory_space<vmem>>
      %dma_wait3A_184 = arith.constant 0 : i32
      %dma_wait3A_185 = tpu.memref_slice %arg12[%dma_wait3A_180, %dma_wait3A_184] : memref<4x128xi32, #tpu.memory_space<vmem>> -> memref<1x128xi32, #tpu.memory_space<vmem>>
      %dma_wait3A_186 = tpu.memref_squeeze %dma_wait3A_185 : memref<1x128xi32, #tpu.memory_space<vmem>> -> memref<128xi32, #tpu.memory_space<vmem>>
      %dma_wait3A_187 = arith.constant 0 : i32
      %dma_wait3A_188 = arith.constant 0 : i32
      %dma_wait3A_189 = tpu.memref_slice %arg10[%dma_wait3A_187, %dma_wait3A_188] : memref<100008x16xf32, #tpu.memory_space<vmem_shared>> -> memref<100008x16xf32, #tpu.memory_space<vmem_shared>>
      tpu.wait_indirect_dma semaphore(%arg18 : memref<!tpu.dma_semaphore, #tpu.memory_space<semaphore_mem>>) src(%dma_wait3A_183 : memref<128x16xf32, #tpu.memory_space<vmem>>) dst(%dma_wait3A_189 : memref<100008x16xf32, #tpu.memory_space<vmem_shared>>)
      %dma_wait3A_190 = arith.constant 1 : i32
      %dma_wait3A_191 = arith.constant 128 : i32
      %dma_wait3A_192 = arith.constant 0 : i32
      %dma_wait3A_193 = tpu.memref_slice %arg14[%dma_wait3A_191, %dma_wait3A_192] : memref<512x16xf32, #tpu.memory_space<vmem>> -> memref<128x16xf32, #tpu.memory_space<vmem>>
      %dma_wait3A_194 = arith.constant 0 : i32
      %dma_wait3A_195 = tpu.memref_slice %arg12[%dma_wait3A_190, %dma_wait3A_194] : memref<4x128xi32, #tpu.memory_space<vmem>> -> memref<1x128xi32, #tpu.memory_space<vmem>>
      %dma_wait3A_196 = tpu.memref_squeeze %dma_wait3A_195 : memref<1x128xi32, #tpu.memory_space<vmem>> -> memref<128xi32, #tpu.memory_space<vmem>>
      %dma_wait3A_197 = arith.constant 0 : i32
      %dma_wait3A_198 = arith.constant 0 : i32
      %dma_wait3A_199 = tpu.memref_slice %arg10[%dma_wait3A_197, %dma_wait3A_198] : memref<100008x16xf32, #tpu.memory_space<vmem_shared>> -> memref<100008x16xf32, #tpu.memory_space<vmem_shared>>
      tpu.wait_indirect_dma semaphore(%arg18 : memref<!tpu.dma_semaphore, #tpu.memory_space<semaphore_mem>>) src(%dma_wait3A_193 : memref<128x16xf32, #tpu.memory_space<vmem>>) dst(%dma_wait3A_199 : memref<100008x16xf32, #tpu.memory_space<vmem_shared>>)
      %dma_wait3A_200 = arith.constant 2 : i32
      %dma_wait3A_201 = arith.constant 256 : i32
      %dma_wait3A_202 = arith.constant 0 : i32
      %dma_wait3A_203 = tpu.memref_slice %arg14[%dma_wait3A_201, %dma_wait3A_202] : memref<512x16xf32, #tpu.memory_space<vmem>> -> memref<128x16xf32, #tpu.memory_space<vmem>>
      %dma_wait3A_204 = arith.constant 0 : i32
      %dma_wait3A_205 = tpu.memref_slice %arg12[%dma_wait3A_200, %dma_wait3A_204] : memref<4x128xi32, #tpu.memory_space<vmem>> -> memref<1x128xi32, #tpu.memory_space<vmem>>
      %dma_wait3A_206 = tpu.memref_squeeze %dma_wait3A_205 : memref<1x128xi32, #tpu.memory_space<vmem>> -> memref<128xi32, #tpu.memory_space<vmem>>
      %dma_wait3A_207 = arith.constant 0 : i32
      %dma_wait3A_208 = arith.constant 0 : i32
      %dma_wait3A_209 = tpu.memref_slice %arg10[%dma_wait3A_207, %dma_wait3A_208] : memref<100008x16xf32, #tpu.memory_space<vmem_shared>> -> memref<100008x16xf32, #tpu.memory_space<vmem_shared>>
      tpu.wait_indirect_dma semaphore(%arg18 : memref<!tpu.dma_semaphore, #tpu.memory_space<semaphore_mem>>) src(%dma_wait3A_203 : memref<128x16xf32, #tpu.memory_space<vmem>>) dst(%dma_wait3A_209 : memref<100008x16xf32, #tpu.memory_space<vmem_shared>>)
      %dma_wait3A_210 = arith.constant 3 : i32
      %dma_wait3A_211 = arith.constant 384 : i32
      %dma_wait3A_212 = arith.constant 0 : i32
      %dma_wait3A_213 = tpu.memref_slice %arg14[%dma_wait3A_211, %dma_wait3A_212] : memref<512x16xf32, #tpu.memory_space<vmem>> -> memref<128x16xf32, #tpu.memory_space<vmem>>
      %dma_wait3A_214 = arith.constant 0 : i32
      %dma_wait3A_215 = tpu.memref_slice %arg12[%dma_wait3A_210, %dma_wait3A_214] : memref<4x128xi32, #tpu.memory_space<vmem>> -> memref<1x128xi32, #tpu.memory_space<vmem>>
      %dma_wait3A_216 = tpu.memref_squeeze %dma_wait3A_215 : memref<1x128xi32, #tpu.memory_space<vmem>> -> memref<128xi32, #tpu.memory_space<vmem>>
      %dma_wait3A_217 = arith.constant 0 : i32
      %dma_wait3A_218 = arith.constant 0 : i32
      %dma_wait3A_219 = tpu.memref_slice %arg10[%dma_wait3A_217, %dma_wait3A_218] : memref<100008x16xf32, #tpu.memory_space<vmem_shared>> -> memref<100008x16xf32, #tpu.memory_space<vmem_shared>>
      tpu.wait_indirect_dma semaphore(%arg18 : memref<!tpu.dma_semaphore, #tpu.memory_space<semaphore_mem>>) src(%dma_wait3A_213 : memref<128x16xf32, #tpu.memory_space<vmem>>) dst(%dma_wait3A_219 : memref<100008x16xf32, #tpu.memory_space<vmem_shared>>)
    }
    %scan3A_33 = arith.constant 196 : i32
    %barrier3A_34 = arith.constant 0 : index
    tpu.barrier barrier_id(%barrier3A_34)
    %lt3A_35 = arith.constant 15 : i32
    %lt3A_36 = arith.cmpi slt, %arg1, %lt3A_35 : i32
    %convert_element_type3A_37 = arith.extui %lt3A_36 : i1 to i32
    %cond3A_38 = arith.constant 0 : i32
    %cond3A_39 = arith.cmpi ne, %convert_element_type3A_37, %cond3A_38 : i32
    scf.if %cond3A_39 {
      %mul3A_45 = arith.constant 6256 : i32
      %mul3A_46 = arith.muli %arg1, %mul3A_45 : i32
      %mul3A_47 = arith.constant 6256 : i32
      %mul3A_48 = arith.muli %arg1, %mul3A_47 : i32
      "tpu.region"() ({
        %run_scoped3A = tpu.sem_alloc : memref<!tpu.dma_semaphore, #tpu.memory_space<semaphore_mem>>
        %dma_start3A = arith.constant 0 : i32
        %dma_start3A_49 = tpu.memref_slice %arg9[%arg0, %mul3A_48, %dma_start3A] : memref<2x100000x16xf32, #tpu.memory_space<hbm>> -> memref<1x6256x16xf32, #tpu.memory_space<hbm>>
        %dma_start3A_50 = tpu.memref_squeeze %dma_start3A_49 : memref<1x6256x16xf32, #tpu.memory_space<hbm>> -> memref<6256x16xf32, #tpu.memory_space<hbm>>
        %dma_start3A_51 = arith.constant 0 : i32
        %dma_start3A_52 = tpu.memref_slice %arg10[%mul3A_46, %dma_start3A_51] : memref<100008x16xf32, #tpu.memory_space<vmem_shared>> -> memref<6256x16xf32, #tpu.memory_space<vmem_shared>>
        tpu.enqueue_dma source(%dma_start3A_52 : memref<6256x16xf32, #tpu.memory_space<vmem_shared>>) target(%dma_start3A_50 : memref<6256x16xf32, #tpu.memory_space<hbm>>) target_semaphore(%run_scoped3A : memref<!tpu.dma_semaphore, #tpu.memory_space<semaphore_mem>>)
        %dma_wait3A = arith.constant 0 : i32
        %dma_wait3A_53 = tpu.memref_slice %arg9[%arg0, %mul3A_48, %dma_wait3A] : memref<2x100000x16xf32, #tpu.memory_space<hbm>> -> memref<1x6256x16xf32, #tpu.memory_space<hbm>>
        %dma_wait3A_54 = tpu.memref_squeeze %dma_wait3A_53 : memref<1x6256x16xf32, #tpu.memory_space<hbm>> -> memref<6256x16xf32, #tpu.memory_space<hbm>>
        %dma_wait3A_55 = arith.constant 0 : i32
        %dma_wait3A_56 = tpu.memref_slice %arg10[%mul3A_46, %dma_wait3A_55] : memref<100008x16xf32, #tpu.memory_space<vmem_shared>> -> memref<6256x16xf32, #tpu.memory_space<vmem_shared>>
        tpu.wait_dma2 semaphore(%run_scoped3A : memref<!tpu.dma_semaphore, #tpu.memory_space<semaphore_mem>>) src(%dma_wait3A_56 : memref<6256x16xf32, #tpu.memory_space<vmem_shared>>) dst(%dma_wait3A_54 : memref<6256x16xf32, #tpu.memory_space<hbm>>)
        tpu.yield
      }) : () -> ()
    } else {
    }
    %eq3A_40 = arith.constant 15 : i32
    %eq3A_41 = arith.cmpi eq, %arg1, %eq3A_40 : i32
    %convert_element_type3A_42 = arith.extui %eq3A_41 : i1 to i32
    %cond3A_43 = arith.constant 0 : i32
    %cond3A_44 = arith.cmpi ne, %convert_element_type3A_42, %cond3A_43 : i32
    scf.if %cond3A_44 {
      "tpu.region"() ({
        %run_scoped3A = tpu.sem_alloc : memref<!tpu.dma_semaphore, #tpu.memory_space<semaphore_mem>>
        %dma_start3A = arith.constant 93840 : i32
        %dma_start3A_45 = arith.constant 0 : i32
        %dma_start3A_46 = tpu.memref_slice %arg9[%arg0, %dma_start3A, %dma_start3A_45] : memref<2x100000x16xf32, #tpu.memory_space<hbm>> -> memref<1x6160x16xf32, #tpu.memory_space<hbm>>
        %dma_start3A_47 = tpu.memref_squeeze %dma_start3A_46 : memref<1x6160x16xf32, #tpu.memory_space<hbm>> -> memref<6160x16xf32, #tpu.memory_space<hbm>>
        %dma_start3A_48 = arith.constant 93840 : i32
        %dma_start3A_49 = arith.constant 0 : i32
        %dma_start3A_50 = tpu.memref_slice %arg10[%dma_start3A_48, %dma_start3A_49] : memref<100008x16xf32, #tpu.memory_space<vmem_shared>> -> memref<6160x16xf32, #tpu.memory_space<vmem_shared>>
        tpu.enqueue_dma source(%dma_start3A_50 : memref<6160x16xf32, #tpu.memory_space<vmem_shared>>) target(%dma_start3A_47 : memref<6160x16xf32, #tpu.memory_space<hbm>>) target_semaphore(%run_scoped3A : memref<!tpu.dma_semaphore, #tpu.memory_space<semaphore_mem>>)
        %dma_wait3A = arith.constant 93840 : i32
        %dma_wait3A_51 = arith.constant 0 : i32
        %dma_wait3A_52 = tpu.memref_slice %arg9[%arg0, %dma_wait3A, %dma_wait3A_51] : memref<2x100000x16xf32, #tpu.memory_space<hbm>> -> memref<1x6160x16xf32, #tpu.memory_space<hbm>>
        %dma_wait3A_53 = tpu.memref_squeeze %dma_wait3A_52 : memref<1x6160x16xf32, #tpu.memory_space<hbm>> -> memref<6160x16xf32, #tpu.memory_space<hbm>>
        %dma_wait3A_54 = arith.constant 93840 : i32
        %dma_wait3A_55 = arith.constant 0 : i32
        %dma_wait3A_56 = tpu.memref_slice %arg10[%dma_wait3A_54, %dma_wait3A_55] : memref<100008x16xf32, #tpu.memory_space<vmem_shared>> -> memref<6160x16xf32, #tpu.memory_space<vmem_shared>>
        tpu.wait_dma2 semaphore(%run_scoped3A : memref<!tpu.dma_semaphore, #tpu.memory_space<semaphore_mem>>) src(%dma_wait3A_56 : memref<6160x16xf32, #tpu.memory_space<vmem_shared>>) dst(%dma_wait3A_53 : memref<6160x16xf32, #tpu.memory_space<hbm>>)
        tpu.yield
      }) : () -> ()
    } else {
    }
    return
  }
}

module attributes {stable_mosaic.version = 14 : i64} {
  func.func @_k0_body(%arg0: i32, %arg1: memref<5000x2xf32, #tpu.memory_space<vmem>>, %arg2: memref<2x32xf32, #tpu.memory_space<vmem>>, %arg3: memref<1x32xf32, #tpu.memory_space<vmem>>, %arg4: memref<34x32xf32, #tpu.memory_space<vmem>>, %arg5: memref<34x32xf32, #tpu.memory_space<vmem>>, %arg6: memref<1x32xf32, #tpu.memory_space<vmem>>, %arg7: memref<5000x34xf32, #tpu.memory_space<vmem>>, %arg8: memref<5000x32xf32, #tpu.memory_space<vmem>>, %arg9: memref<5000x32xf32, #tpu.memory_space<vmem>>) attributes {dimension_semantics = [#tpu.dimension_semantics<arbitrary>], iteration_bounds = array<i64: 20>, scalar_prefetch = 0 : i64, scratch_operands = 0 : i64, tpu.core_type = #tpu.core_type<tc>, window_params = [{transform_indices = @transform_0, window_bounds = array<i64: 5000, 2>}, {pipeline_mode = #tpu.pipeline_mode<synchronous>, transform_indices = @transform_1, window_bounds = array<i64: 2, 32>}, {pipeline_mode = #tpu.pipeline_mode<synchronous>, transform_indices = @transform_2, window_bounds = array<i64: 1, 32>}, {pipeline_mode = #tpu.pipeline_mode<synchronous>, transform_indices = @transform_3, window_bounds = array<i64: 34, 32>}, {pipeline_mode = #tpu.pipeline_mode<synchronous>, transform_indices = @transform_4, window_bounds = array<i64: 34, 32>}, {pipeline_mode = #tpu.pipeline_mode<synchronous>, transform_indices = @transform_5, window_bounds = array<i64: 1, 32>}, {transform_indices = @transform_6, window_bounds = array<i64: 5000, 34>}, {transform_indices = @transform_7, window_bounds = array<i64: 5000, 32>}, {transform_indices = @transform_8, window_bounds = array<i64: 5000, 32>}]} {
    %get3A = arith.constant 0 : index
    %get3A_0 = arith.constant 0 : index
    %get3A_1 = vector.load %arg1[%get3A, %get3A_0] : memref<5000x2xf32, #tpu.memory_space<vmem>>, vector<5000x2xf32>
    %get3A_2 = arith.constant 0 : index
    %get3A_3 = arith.constant 0 : index
    %get3A_4 = vector.load %arg2[%get3A_2, %get3A_3] : memref<2x32xf32, #tpu.memory_space<vmem>>, vector<2x32xf32>
    %dot_general3A = arith.constant dense<0.000000e+00> : vector<5000x32xf32>
    %dot_general3A_5 = tpu.matmul %get3A_1, %get3A_4, %dot_general3A {dimension_numbers = #tpu.dot_dimension_numbers<[1], [0], [0], [1], [0, 0, 1, 1], [], []>, transpose_lhs_hint = false} : vector<5000x2xf32>, vector<2x32xf32>, vector<5000x32xf32> -> vector<5000x32xf32>
    %get3A_6 = arith.constant 0 : index
    %get3A_7 = arith.constant 0 : index
    %get3A_8 = vector.load %arg3[%get3A_6, %get3A_7] : memref<1x32xf32, #tpu.memory_space<vmem>>, vector<1x32xf32>
    %add3A = vector.broadcast %get3A_8 : vector<1x32xf32> to vector<5000x32xf32>
    %add3A_9 = arith.addf %dot_general3A_5, %add3A : vector<5000x32xf32>
    %get3A_10 = arith.constant 0 : index
    %get3A_11 = arith.constant 0 : index
    %get3A_12 = vector.load %arg4[%get3A_10, %get3A_11] : memref<34x32xf32, #tpu.memory_space<vmem>>, vector<34x32xf32>
    %slice3A = vector.extract_strided_slice %get3A_12 {offsets = [2, 0], sizes = [32, 32], strides = [1, 1]} : vector<34x32xf32> to vector<32x32xf32>
    %dot_general3A_13 = arith.constant dense<0.000000e+00> : vector<5000x32xf32>
    %dot_general3A_14 = tpu.matmul %add3A_9, %slice3A, %dot_general3A_13 {dimension_numbers = #tpu.dot_dimension_numbers<[1], [0], [0], [1], [0, 0, 1, 1], [], []>, transpose_lhs_hint = false} : vector<5000x32xf32>, vector<32x32xf32>, vector<5000x32xf32> -> vector<5000x32xf32>
    %get3A_15 = arith.constant 0 : index
    %get3A_16 = arith.constant 0 : index
    %get3A_17 = vector.load %arg4[%get3A_15, %get3A_16] : memref<34x32xf32, #tpu.memory_space<vmem>>, vector<34x32xf32>
    %slice3A_18 = vector.extract_strided_slice %get3A_17 {offsets = [0, 0], sizes = [1, 32], strides = [1, 1]} : vector<34x32xf32> to vector<1x32xf32>
    %add3A_19 = vector.broadcast %slice3A_18 : vector<1x32xf32> to vector<5000x32xf32>
    %add3A_20 = arith.addf %dot_general3A_14, %add3A_19 : vector<5000x32xf32>
    %swap3A = arith.constant 0 : index
    %swap3A_21 = arith.constant 0 : index
    %swap3A_22 = vector.load %arg8[%swap3A, %swap3A_21] : memref<5000x32xf32, #tpu.memory_space<vmem>>, vector<5000x32xf32>
    tpu.vector_store %arg8[%swap3A, %swap3A_21], %add3A_20 {strides = array<i32>} : memref<5000x32xf32, #tpu.memory_space<vmem>>, vector<5000x32xf32>,
    %get3A_23 = arith.constant 0 : index
    %get3A_24 = arith.constant 0 : index
    %get3A_25 = vector.load %arg5[%get3A_23, %get3A_24] : memref<34x32xf32, #tpu.memory_space<vmem>>, vector<34x32xf32>
    %slice3A_26 = vector.extract_strided_slice %get3A_25 {offsets = [2, 0], sizes = [32, 32], strides = [1, 1]} : vector<34x32xf32> to vector<32x32xf32>
    %dot_general3A_27 = arith.constant dense<0.000000e+00> : vector<5000x32xf32>
    %dot_general3A_28 = tpu.matmul %add3A_9, %slice3A_26, %dot_general3A_27 {dimension_numbers = #tpu.dot_dimension_numbers<[1], [0], [0], [1], [0, 0, 1, 1], [], []>, transpose_lhs_hint = false} : vector<5000x32xf32>, vector<32x32xf32>, vector<5000x32xf32> -> vector<5000x32xf32>
    %get3A_29 = arith.constant 0 : index
    %get3A_30 = arith.constant 0 : index
    %get3A_31 = vector.load %arg5[%get3A_29, %get3A_30] : memref<34x32xf32, #tpu.memory_space<vmem>>, vector<34x32xf32>
    %slice3A_32 = vector.extract_strided_slice %get3A_31 {offsets = [0, 0], sizes = [1, 32], strides = [1, 1]} : vector<34x32xf32> to vector<1x32xf32>
    %add3A_33 = vector.broadcast %slice3A_32 : vector<1x32xf32> to vector<5000x32xf32>
    %add3A_34 = arith.addf %dot_general3A_28, %add3A_33 : vector<5000x32xf32>
    %get3A_35 = arith.constant 0 : index
    %get3A_36 = arith.constant 0 : index
    %get3A_37 = vector.load %arg6[%get3A_35, %get3A_36] : memref<1x32xf32, #tpu.memory_space<vmem>>, vector<1x32xf32>
    %add3A_38 = vector.broadcast %get3A_37 : vector<1x32xf32> to vector<5000x32xf32>
    %add3A_39 = arith.addf %add3A_34, %add3A_38 : vector<5000x32xf32>
    %swap3A_40 = arith.constant 0 : index
    %swap3A_41 = arith.constant 0 : index
    %swap3A_42 = vector.load %arg9[%swap3A_40, %swap3A_41] : memref<5000x32xf32, #tpu.memory_space<vmem>>, vector<5000x32xf32>
    tpu.vector_store %arg9[%swap3A_40, %swap3A_41], %add3A_39 {strides = array<i32>} : memref<5000x32xf32, #tpu.memory_space<vmem>>, vector<5000x32xf32>,
    %broadcast_in_dim3A = arith.constant 1.000000e+00 : f32
    %broadcast_in_dim3A_43 = vector.broadcast %broadcast_in_dim3A : f32 to vector<5000x1xf32>
    %broadcast_in_dim3A_44 = arith.constant 0.000000e+00 : f32
    %broadcast_in_dim3A_45 = vector.broadcast %broadcast_in_dim3A_44 : f32 to vector<5000x1xf32>
    %concatenate3A = tpu.concatenate %broadcast_in_dim3A_43, %broadcast_in_dim3A_45 in 1 : vector<5000x1xf32>, vector<5000x1xf32> -> vector<5000x2xf32>
    %concatenate3A_46 = tpu.concatenate %concatenate3A, %add3A_9 in 1 : vector<5000x2xf32>, vector<5000x32xf32> -> vector<5000x34xf32>
    %swap3A_47 = arith.constant 0 : index
    %swap3A_48 = arith.constant 0 : index
    %swap3A_49 = vector.load %arg7[%swap3A_47, %swap3A_48] : memref<5000x34xf32, #tpu.memory_space<vmem>>, vector<5000x34xf32>
    tpu.vector_store %arg7[%swap3A_47, %swap3A_48], %concatenate3A_46 {strides = array<i32>} : memref<5000x34xf32, #tpu.memory_space<vmem>>, vector<5000x34xf32>,
    return
  }
  func.func @transform_0(%arg0: i32) -> (i32, i32) {
    %c0_i32 = arith.constant 0 : i32
    %c0_i32_0 = arith.constant 0 : i32
    return %arg0, %c0_i32 : i32, i32
  }
  func.func @transform_1(%arg0: i32) -> (i32, i32) {
    %c0_i32 = arith.constant 0 : i32
    %c0_i32_0 = arith.constant 0 : i32
    %c0_i32_1 = arith.constant 0 : i32
    return %c0_i32, %c0_i32_0 : i32, i32
  }
  func.func @transform_2(%arg0: i32) -> (i32, i32) {
    %c0_i32 = arith.constant 0 : i32
    %c0_i32_0 = arith.constant 0 : i32
    %c0_i32_1 = arith.constant 0 : i32
    return %c0_i32, %c0_i32_0 : i32, i32
  }
  func.func @transform_3(%arg0: i32) -> (i32, i32) {
    %c0_i32 = arith.constant 0 : i32
    %c0_i32_0 = arith.constant 0 : i32
    %c0_i32_1 = arith.constant 0 : i32
    return %c0_i32, %c0_i32_0 : i32, i32
  }
  func.func @transform_4(%arg0: i32) -> (i32, i32) {
    %c0_i32 = arith.constant 0 : i32
    %c0_i32_0 = arith.constant 0 : i32
    %c0_i32_1 = arith.constant 0 : i32
    return %c0_i32, %c0_i32_0 : i32, i32
  }
  func.func @transform_5(%arg0: i32) -> (i32, i32) {
    %c0_i32 = arith.constant 0 : i32
    %c0_i32_0 = arith.constant 0 : i32
    %c0_i32_1 = arith.constant 0 : i32
    return %c0_i32, %c0_i32_0 : i32, i32
  }
  func.func @transform_6(%arg0: i32) -> (i32, i32) {
    %c0_i32 = arith.constant 0 : i32
    %c0_i32_0 = arith.constant 0 : i32
    return %arg0, %c0_i32 : i32, i32
  }
  func.func @transform_7(%arg0: i32) -> (i32, i32) {
    %c0_i32 = arith.constant 0 : i32
    %c0_i32_0 = arith.constant 0 : i32
    return %arg0, %c0_i32 : i32, i32
  }
  func.func @transform_8(%arg0: i32) -> (i32, i32) {
    %c0_i32 = arith.constant 0 : i32
    %c0_i32_0 = arith.constant 0 : i32
    return %arg0, %c0_i32 : i32, i32
  }
}

module attributes {stable_mosaic.version = 14 : i64} {
  func.func @_kb_body(%arg0: i32, %arg1: memref<2x5000x16xf32, #tpu.memory_space<vmem>>, %arg2: memref<5000x32xf32, #tpu.memory_space<vmem>>, %arg3: memref<32x32xf32, #tpu.memory_space<vmem>>, %arg4: memref<8x32xf32, #tpu.memory_space<vmem>>, %arg5: memref<64x32xf32, #tpu.memory_space<vmem>>, %arg6: memref<1x32xf32, #tpu.memory_space<vmem>>, %arg7: memref<5000x32xf32, #tpu.memory_space<vmem>>, %arg8: memref<8x32xf32, #tpu.memory_space<vmem>>) attributes {dimension_semantics = [#tpu.dimension_semantics<arbitrary>], iteration_bounds = array<i64: 20>, scalar_prefetch = 0 : i64, scratch_operands = 0 : i64, tpu.core_type = #tpu.core_type<tc>, window_params = [{transform_indices = @transform_0, window_bounds = array<i64: 2, 5000, 16>}, {transform_indices = @transform_1, window_bounds = array<i64: 5000, 32>}, {pipeline_mode = #tpu.pipeline_mode<synchronous>, transform_indices = @transform_2, window_bounds = array<i64: 32, 32>}, {pipeline_mode = #tpu.pipeline_mode<synchronous>, transform_indices = @transform_3, window_bounds = array<i64: 8, 32>}, {pipeline_mode = #tpu.pipeline_mode<synchronous>, transform_indices = @transform_4, window_bounds = array<i64: 64, 32>}, {pipeline_mode = #tpu.pipeline_mode<synchronous>, transform_indices = @transform_5, window_bounds = array<i64: 1, 32>}, {transform_indices = @transform_6, window_bounds = array<i64: 5000, 32>}, {pipeline_mode = #tpu.pipeline_mode<synchronous>, transform_indices = @transform_7, window_bounds = array<i64: 8, 32>}]} {
    %get3A = arith.constant 0 : index
    %get3A_0 = arith.constant 0 : index
    %get3A_1 = arith.constant 0 : index
    %get3A_2 = vector.load %arg1[%get3A, %get3A_0, %get3A_1] : memref<2x5000x16xf32, #tpu.memory_space<vmem>>, vector<1x5000x16xf32>
    %get3A_3 = vector.shape_cast %get3A_2 : vector<1x5000x16xf32> to vector<5000x16xf32>
    %get3A_4 = arith.constant 1 : index
    %get3A_5 = arith.constant 0 : index
    %get3A_6 = arith.constant 0 : index
    %get3A_7 = vector.load %arg1[%get3A_4, %get3A_5, %get3A_6] : memref<2x5000x16xf32, #tpu.memory_space<vmem>>, vector<1x5000x16xf32>
    %get3A_8 = vector.shape_cast %get3A_7 : vector<1x5000x16xf32> to vector<5000x16xf32>
    %concatenate3A = tpu.concatenate %get3A_3, %get3A_8 in 1 : vector<5000x16xf32>, vector<5000x16xf32> -> vector<5000x32xf32>
    %get3A_9 = arith.constant 0 : index
    %get3A_10 = arith.constant 0 : index
    %get3A_11 = vector.load %arg2[%get3A_9, %get3A_10] : memref<5000x32xf32, #tpu.memory_space<vmem>>, vector<5000x32xf32>
    %get3A_12 = arith.constant 0 : index
    %get3A_13 = arith.constant 0 : index
    %get3A_14 = vector.load %arg3[%get3A_12, %get3A_13] : memref<32x32xf32, #tpu.memory_space<vmem>>, vector<32x32xf32>
    %dot_general3A = arith.constant dense<0.000000e+00> : vector<5000x32xf32>
    %dot_general3A_15 = tpu.matmul %concatenate3A, %get3A_14, %dot_general3A {dimension_numbers = #tpu.dot_dimension_numbers<[1], [0], [0], [1], [0, 0, 1, 1], [], []>, transpose_lhs_hint = false} : vector<5000x32xf32>, vector<32x32xf32>, vector<5000x32xf32> -> vector<5000x32xf32>
    %add3A = arith.addf %get3A_11, %dot_general3A_15 : vector<5000x32xf32>
    %max3A = arith.constant 0.000000e+00 : f32
    %max3A_16 = vector.broadcast %max3A : f32 to vector<5000x32xf32>
    %max3A_17 = arith.maximumf %add3A, %max3A_16 : vector<5000x32xf32>
    %swap3A = arith.constant 0 : index
    %swap3A_18 = arith.constant 0 : index
    %swap3A_19 = vector.load %arg7[%swap3A, %swap3A_18] : memref<5000x32xf32, #tpu.memory_space<vmem>>, vector<5000x32xf32>
    tpu.vector_store %arg7[%swap3A, %swap3A_18], %max3A_17 {strides = array<i32>} : memref<5000x32xf32, #tpu.memory_space<vmem>>, vector<5000x32xf32>,
    %reduce_sum3A = arith.constant dense<0.000000e+00> : vector<32xf32>
    %reduce_sum3A_20 = vector.multi_reduction <add>, %max3A_17, %reduce_sum3A [0] : vector<5000x32xf32> to vector<32xf32>
    %broadcast_in_dim3A = vector.shape_cast %reduce_sum3A_20 : vector<32xf32> to vector<1x32xf32>
    %broadcast_in_dim3A_21 = arith.constant 0.000000e+00 : f32
    %broadcast_in_dim3A_22 = vector.broadcast %broadcast_in_dim3A_21 : f32 to vector<7x32xf32>
    %concatenate3A_23 = tpu.concatenate %broadcast_in_dim3A, %broadcast_in_dim3A_22 in 0 : vector<1x32xf32>, vector<7x32xf32> -> vector<8x32xf32>
    %eq3A = arith.constant 0 : i32
    %eq3A_24 = arith.cmpi eq, %arg0, %eq3A : i32
    %convert_element_type3A = arith.extui %eq3A_24 : i1 to i32
    %cond3A = arith.constant 0 : i32
    %cond3A_25 = arith.cmpi ne, %convert_element_type3A, %cond3A : i32
    scf.if %cond3A_25 {
      %broadcast_in_dim3A_39 = arith.constant 0.000000e+00 : f32
      %broadcast_in_dim3A_40 = vector.broadcast %broadcast_in_dim3A_39 : f32 to vector<8x32xf32>
      %swap3A_41 = arith.constant 0 : index
      %swap3A_42 = arith.constant 0 : index
      %swap3A_43 = vector.load %arg8[%swap3A_41, %swap3A_42] : memref<8x32xf32, #tpu.memory_space<vmem>>, vector<8x32xf32>
      tpu.vector_store %arg8[%swap3A_41, %swap3A_42], %broadcast_in_dim3A_40 {strides = array<i32>} : memref<8x32xf32, #tpu.memory_space<vmem>>, vector<8x32xf32>,
    } else {
    }
    %get3A_26 = arith.constant 0 : index
    %get3A_27 = arith.constant 0 : index
    %get3A_28 = vector.load %arg8[%get3A_26, %get3A_27] : memref<8x32xf32, #tpu.memory_space<vmem>>, vector<8x32xf32>
    %add3A_29 = arith.addf %get3A_28, %concatenate3A_23 : vector<8x32xf32>
    %lt3A = arith.constant 19 : i32
    %lt3A_30 = arith.cmpi slt, %arg0, %lt3A : i32
    %convert_element_type3A_31 = arith.extui %lt3A_30 : i1 to i32
    %cond3A_32 = arith.constant 0 : i32
    %cond3A_33 = arith.cmpi ne, %convert_element_type3A_31, %cond3A_32 : i32
    scf.if %cond3A_33 {
      %swap3A_39 = arith.constant 0 : index
      %swap3A_40 = arith.constant 0 : index
      %swap3A_41 = vector.load %arg8[%swap3A_39, %swap3A_40] : memref<8x32xf32, #tpu.memory_space<vmem>>, vector<8x32xf32>
      tpu.vector_store %arg8[%swap3A_39, %swap3A_40], %add3A_29 {strides = array<i32>} : memref<8x32xf32, #tpu.memory_space<vmem>>, vector<8x32xf32>,
    } else {
    }
    %eq3A_34 = arith.constant 19 : i32
    %eq3A_35 = arith.cmpi eq, %arg0, %eq3A_34 : i32
    %convert_element_type3A_36 = arith.extui %eq3A_35 : i1 to i32
    %cond3A_37 = arith.constant 0 : i32
    %cond3A_38 = arith.cmpi ne, %convert_element_type3A_36, %cond3A_37 : i32
    scf.if %cond3A_38 {
      %slice3A = vector.extract_strided_slice %add3A_29 {offsets = [0, 0], sizes = [1, 32], strides = [1, 1]} : vector<8x32xf32> to vector<1x32xf32>
      %div3A = arith.constant 1.000000e+05 : f32
      %div3A_39 = vector.broadcast %div3A : f32 to vector<1x32xf32>
      %div3A_40 = arith.divf %slice3A, %div3A_39 : vector<1x32xf32>
      %get3A_41 = arith.constant 0 : index
      %get3A_42 = arith.constant 0 : index
      %get3A_43 = vector.load %arg4[%get3A_41, %get3A_42] : memref<8x32xf32, #tpu.memory_space<vmem>>, vector<8x32xf32>
      %slice3A_44 = vector.extract_strided_slice %get3A_43 {offsets = [0, 0], sizes = [1, 32], strides = [1, 1]} : vector<8x32xf32> to vector<1x32xf32>
      %concatenate3A_45 = tpu.concatenate %div3A_40, %slice3A_44 in 1 : vector<1x32xf32>, vector<1x32xf32> -> vector<1x64xf32>
      %get3A_46 = arith.constant 0 : index
      %get3A_47 = arith.constant 0 : index
      %get3A_48 = vector.load %arg5[%get3A_46, %get3A_47] : memref<64x32xf32, #tpu.memory_space<vmem>>, vector<64x32xf32>
      %dot_general3A_49 = arith.constant dense<0.000000e+00> : vector<1x32xf32>
      %dot_general3A_50 = tpu.matmul %concatenate3A_45, %get3A_48, %dot_general3A_49 {dimension_numbers = #tpu.dot_dimension_numbers<[1], [0], [0], [1], [0, 0, 1, 1], [], []>, transpose_lhs_hint = false} : vector<1x64xf32>, vector<64x32xf32>, vector<1x32xf32> -> vector<1x32xf32>
      %get3A_51 = arith.constant 0 : index
      %get3A_52 = arith.constant 0 : index
      %get3A_53 = vector.load %arg6[%get3A_51, %get3A_52] : memref<1x32xf32, #tpu.memory_space<vmem>>, vector<1x32xf32>
      %add3A_54 = arith.addf %dot_general3A_50, %get3A_53 : vector<1x32xf32>
      %max3A_55 = arith.constant 0.000000e+00 : f32
      %max3A_56 = vector.broadcast %max3A_55 : f32 to vector<1x32xf32>
      %max3A_57 = arith.maximumf %add3A_54, %max3A_56 : vector<1x32xf32>
      %broadcast_in_dim3A_58 = arith.constant 0.000000e+00 : f32
      %broadcast_in_dim3A_59 = vector.broadcast %broadcast_in_dim3A_58 : f32 to vector<7x32xf32>
      %concatenate3A_60 = tpu.concatenate %max3A_57, %broadcast_in_dim3A_59 in 0 : vector<1x32xf32>, vector<7x32xf32> -> vector<8x32xf32>
      %swap3A_61 = arith.constant 0 : index
      %swap3A_62 = arith.constant 0 : index
      %swap3A_63 = vector.load %arg8[%swap3A_61, %swap3A_62] : memref<8x32xf32, #tpu.memory_space<vmem>>, vector<8x32xf32>
      tpu.vector_store %arg8[%swap3A_61, %swap3A_62], %concatenate3A_60 {strides = array<i32>} : memref<8x32xf32, #tpu.memory_space<vmem>>, vector<8x32xf32>,
    } else {
    }
    return
  }
  func.func @transform_0(%arg0: i32) -> (i32, i32, i32) {
    %c0_i32 = arith.constant 0 : i32
    %c0_i32_0 = arith.constant 0 : i32
    %c0_i32_1 = arith.constant 0 : i32
    return %c0_i32, %arg0, %c0_i32_0 : i32, i32, i32
  }
  func.func @transform_1(%arg0: i32) -> (i32, i32) {
    %c0_i32 = arith.constant 0 : i32
    %c0_i32_0 = arith.constant 0 : i32
    return %arg0, %c0_i32 : i32, i32
  }
  func.func @transform_2(%arg0: i32) -> (i32, i32) {
    %c0_i32 = arith.constant 0 : i32
    %c0_i32_0 = arith.constant 0 : i32
    %c0_i32_1 = arith.constant 0 : i32
    return %c0_i32, %c0_i32_0 : i32, i32
  }
  func.func @transform_3(%arg0: i32) -> (i32, i32) {
    %c0_i32 = arith.constant 0 : i32
    %c0_i32_0 = arith.constant 0 : i32
    %c0_i32_1 = arith.constant 0 : i32
    return %c0_i32, %c0_i32_0 : i32, i32
  }
  func.func @transform_4(%arg0: i32) -> (i32, i32) {
    %c0_i32 = arith.constant 0 : i32
    %c0_i32_0 = arith.constant 0 : i32
    %c0_i32_1 = arith.constant 0 : i32
    return %c0_i32, %c0_i32_0 : i32, i32
  }
  func.func @transform_5(%arg0: i32) -> (i32, i32) {
    %c0_i32 = arith.constant 0 : i32
    %c0_i32_0 = arith.constant 0 : i32
    %c0_i32_1 = arith.constant 0 : i32
    return %c0_i32, %c0_i32_0 : i32, i32
  }
  func.func @transform_6(%arg0: i32) -> (i32, i32) {
    %c0_i32 = arith.constant 0 : i32
    %c0_i32_0 = arith.constant 0 : i32
    return %arg0, %c0_i32 : i32, i32
  }
  func.func @transform_7(%arg0: i32) -> (i32, i32) {
    %c0_i32 = arith.constant 0 : i32
    %c0_i32_0 = arith.constant 0 : i32
    %c0_i32_1 = arith.constant 0 : i32
    return %c0_i32, %c0_i32_0 : i32, i32
  }
}

module attributes {stable_mosaic.version = 14 : i64} {
  func.func @_kc_body_mid(%arg0: i32, %arg1: memref<5000x32xf32, #tpu.memory_space<vmem>>, %arg2: memref<8x32xf32, #tpu.memory_space<vmem>>, %arg3: memref<5000x34xf32, #tpu.memory_space<vmem>>, %arg4: memref<32x32xf32, #tpu.memory_space<vmem>>, %arg5: memref<32x32xf32, #tpu.memory_space<vmem>>, %arg6: memref<1x32xf32, #tpu.memory_space<vmem>>, %arg7: memref<32x2xf32, #tpu.memory_space<vmem>>, %arg8: memref<1x2xf32, #tpu.memory_space<vmem>>, %arg9: memref<34x32xf32, #tpu.memory_space<vmem>>, %arg10: memref<34x32xf32, #tpu.memory_space<vmem>>, %arg11: memref<1x32xf32, #tpu.memory_space<vmem>>, %arg12: memref<5000x34xf32, #tpu.memory_space<vmem>>, %arg13: memref<5000x32xf32, #tpu.memory_space<vmem>>, %arg14: memref<5000x32xf32, #tpu.memory_space<vmem>>) attributes {dimension_semantics = [#tpu.dimension_semantics<arbitrary>], iteration_bounds = array<i64: 20>, scalar_prefetch = 0 : i64, scratch_operands = 0 : i64, tpu.core_type = #tpu.core_type<tc>, window_params = [{transform_indices = @transform_0, window_bounds = array<i64: 5000, 32>}, {pipeline_mode = #tpu.pipeline_mode<synchronous>, transform_indices = @transform_1, window_bounds = array<i64: 8, 32>}, {transform_indices = @transform_2, window_bounds = array<i64: 5000, 34>}, {pipeline_mode = #tpu.pipeline_mode<synchronous>, transform_indices = @transform_3, window_bounds = array<i64: 32, 32>}, {pipeline_mode = #tpu.pipeline_mode<synchronous>, transform_indices = @transform_4, window_bounds = array<i64: 32, 32>}, {pipeline_mode = #tpu.pipeline_mode<synchronous>, transform_indices = @transform_5, window_bounds = array<i64: 1, 32>}, {pipeline_mode = #tpu.pipeline_mode<synchronous>, transform_indices = @transform_6, window_bounds = array<i64: 32, 2>}, {pipeline_mode = #tpu.pipeline_mode<synchronous>, transform_indices = @transform_7, window_bounds = array<i64: 1, 2>}, {pipeline_mode = #tpu.pipeline_mode<synchronous>, transform_indices = @transform_8, window_bounds = array<i64: 34, 32>}, {pipeline_mode = #tpu.pipeline_mode<synchronous>, transform_indices = @transform_9, window_bounds = array<i64: 34, 32>}, {pipeline_mode = #tpu.pipeline_mode<synchronous>, transform_indices = @transform_10, window_bounds = array<i64: 1, 32>}, {transform_indices = @transform_11, window_bounds = array<i64: 5000, 34>}, {transform_indices = @transform_12, window_bounds = array<i64: 5000, 32>}, {transform_indices = @transform_13, window_bounds = array<i64: 5000, 32>}]} {
    %get3A = arith.constant 0 : index
    %get3A_0 = arith.constant 0 : index
    %get3A_1 = vector.load %arg2[%get3A, %get3A_0] : memref<8x32xf32, #tpu.memory_space<vmem>>, vector<8x32xf32>
    %slice3A = vector.extract_strided_slice %get3A_1 {offsets = [0, 0], sizes = [1, 32], strides = [1, 1]} : vector<8x32xf32> to vector<1x32xf32>
    %get3A_2 = arith.constant 0 : index
    %get3A_3 = arith.constant 0 : index
    %get3A_4 = vector.load %arg5[%get3A_2, %get3A_3] : memref<32x32xf32, #tpu.memory_space<vmem>>, vector<32x32xf32>
    %dot_general3A = arith.constant dense<0.000000e+00> : vector<1x32xf32>
    %dot_general3A_5 = tpu.matmul %slice3A, %get3A_4, %dot_general3A {dimension_numbers = #tpu.dot_dimension_numbers<[1], [0], [0], [1], [0, 0, 1, 1], [], []>, transpose_lhs_hint = false} : vector<1x32xf32>, vector<32x32xf32>, vector<1x32xf32> -> vector<1x32xf32>
    %get3A_6 = arith.constant 0 : index
    %get3A_7 = arith.constant 0 : index
    %get3A_8 = vector.load %arg6[%get3A_6, %get3A_7] : memref<1x32xf32, #tpu.memory_space<vmem>>, vector<1x32xf32>
    %add3A = arith.addf %dot_general3A_5, %get3A_8 : vector<1x32xf32>
    %get3A_9 = arith.constant 0 : index
    %get3A_10 = arith.constant 0 : index
    %get3A_11 = vector.load %arg1[%get3A_9, %get3A_10] : memref<5000x32xf32, #tpu.memory_space<vmem>>, vector<5000x32xf32>
    %get3A_12 = arith.constant 0 : index
    %get3A_13 = arith.constant 0 : index
    %get3A_14 = vector.load %arg4[%get3A_12, %get3A_13] : memref<32x32xf32, #tpu.memory_space<vmem>>, vector<32x32xf32>
    %dot_general3A_15 = arith.constant dense<0.000000e+00> : vector<5000x32xf32>
    %dot_general3A_16 = tpu.matmul %get3A_11, %get3A_14, %dot_general3A_15 {dimension_numbers = #tpu.dot_dimension_numbers<[1], [0], [0], [1], [0, 0, 1, 1], [], []>, transpose_lhs_hint = false} : vector<5000x32xf32>, vector<32x32xf32>, vector<5000x32xf32> -> vector<5000x32xf32>
    %add3A_17 = vector.broadcast %add3A : vector<1x32xf32> to vector<5000x32xf32>
    %add3A_18 = arith.addf %dot_general3A_16, %add3A_17 : vector<5000x32xf32>
    %max3A = arith.constant 0.000000e+00 : f32
    %max3A_19 = vector.broadcast %max3A : f32 to vector<5000x32xf32>
    %max3A_20 = arith.maximumf %add3A_18, %max3A_19 : vector<5000x32xf32>
    %get3A_21 = arith.constant 0 : index
    %get3A_22 = arith.constant 0 : index
    %get3A_23 = vector.load %arg7[%get3A_21, %get3A_22] : memref<32x2xf32, #tpu.memory_space<vmem>>, vector<32x2xf32>
    %dot_general3A_24 = arith.constant dense<0.000000e+00> : vector<5000x2xf32>
    %dot_general3A_25 = tpu.matmul %max3A_20, %get3A_23, %dot_general3A_24 {dimension_numbers = #tpu.dot_dimension_numbers<[1], [0], [0], [1], [0, 0, 1, 1], [], []>, transpose_lhs_hint = false} : vector<5000x32xf32>, vector<32x2xf32>, vector<5000x2xf32> -> vector<5000x2xf32>
    %get3A_26 = arith.constant 0 : index
    %get3A_27 = arith.constant 0 : index
    %get3A_28 = vector.load %arg8[%get3A_26, %get3A_27] : memref<1x2xf32, #tpu.memory_space<vmem>>, vector<1x2xf32>
    %add3A_29 = vector.broadcast %get3A_28 : vector<1x2xf32> to vector<5000x2xf32>
    %add3A_30 = arith.addf %dot_general3A_25, %add3A_29 : vector<5000x2xf32>
    %get3A_31 = arith.constant 0 : index
    %get3A_32 = arith.constant 0 : index
    %get3A_33 = vector.load %arg3[%get3A_31, %get3A_32] : memref<5000x34xf32, #tpu.memory_space<vmem>>, vector<5000x34xf32>
    %slice3A_34 = vector.extract_strided_slice %get3A_33 {offsets = [0, 0], sizes = [5000, 2], strides = [1, 1]} : vector<5000x34xf32> to vector<5000x2xf32>
    %add3A_35 = arith.addf %slice3A_34, %add3A_30 : vector<5000x2xf32>
    %concatenate3A = tpu.concatenate %add3A_35, %max3A_20 in 1 : vector<5000x2xf32>, vector<5000x32xf32> -> vector<5000x34xf32>
    %swap3A = arith.constant 0 : index
    %swap3A_36 = arith.constant 0 : index
    %swap3A_37 = vector.load %arg12[%swap3A, %swap3A_36] : memref<5000x34xf32, #tpu.memory_space<vmem>>, vector<5000x34xf32>
    tpu.vector_store %arg12[%swap3A, %swap3A_36], %concatenate3A {strides = array<i32>} : memref<5000x34xf32, #tpu.memory_space<vmem>>, vector<5000x34xf32>,
    %get3A_38 = arith.constant 0 : index
    %get3A_39 = arith.constant 0 : index
    %get3A_40 = vector.load %arg9[%get3A_38, %get3A_39] : memref<34x32xf32, #tpu.memory_space<vmem>>, vector<34x32xf32>
    %dot_general3A_41 = arith.constant dense<0.000000e+00> : vector<5000x32xf32>
    %dot_general3A_42 = tpu.matmul %concatenate3A, %get3A_40, %dot_general3A_41 {dimension_numbers = #tpu.dot_dimension_numbers<[1], [0], [0], [1], [0, 0, 1, 1], [], []>, transpose_lhs_hint = false} : vector<5000x34xf32>, vector<34x32xf32>, vector<5000x32xf32> -> vector<5000x32xf32>
    %swap3A_43 = arith.constant 0 : index
    %swap3A_44 = arith.constant 0 : index
    %swap3A_45 = vector.load %arg13[%swap3A_43, %swap3A_44] : memref<5000x32xf32, #tpu.memory_space<vmem>>, vector<5000x32xf32>
    tpu.vector_store %arg13[%swap3A_43, %swap3A_44], %dot_general3A_42 {strides = array<i32>} : memref<5000x32xf32, #tpu.memory_space<vmem>>, vector<5000x32xf32>,
    %get3A_46 = arith.constant 0 : index
    %get3A_47 = arith.constant 0 : index
    %get3A_48 = vector.load %arg10[%get3A_46, %get3A_47] : memref<34x32xf32, #tpu.memory_space<vmem>>, vector<34x32xf32>
    %dot_general3A_49 = arith.constant dense<0.000000e+00> : vector<5000x32xf32>
    %dot_general3A_50 = tpu.matmul %concatenate3A, %get3A_48, %dot_general3A_49 {dimension_numbers = #tpu.dot_dimension_numbers<[1], [0], [0], [1], [0, 0, 1, 1], [], []>, transpose_lhs_hint = false} : vector<5000x34xf32>, vector<34x32xf32>, vector<5000x32xf32> -> vector<5000x32xf32>
    %get3A_51 = arith.constant 0 : index
    %get3A_52 = arith.constant 0 : index
    %get3A_53 = vector.load %arg11[%get3A_51, %get3A_52] : memref<1x32xf32, #tpu.memory_space<vmem>>, vector<1x32xf32>
    %add3A_54 = vector.broadcast %get3A_53 : vector<1x32xf32> to vector<5000x32xf32>
    %add3A_55 = arith.addf %dot_general3A_50, %add3A_54 : vector<5000x32xf32>
    %swap3A_56 = arith.constant 0 : index
    %swap3A_57 = arith.constant 0 : index
    %swap3A_58 = vector.load %arg14[%swap3A_56, %swap3A_57] : memref<5000x32xf32, #tpu.memory_space<vmem>>, vector<5000x32xf32>
    tpu.vector_store %arg14[%swap3A_56, %swap3A_57], %add3A_55 {strides = array<i32>} : memref<5000x32xf32, #tpu.memory_space<vmem>>, vector<5000x32xf32>,
    return
  }
  func.func @transform_0(%arg0: i32) -> (i32, i32) {
    %c0_i32 = arith.constant 0 : i32
    %c0_i32_0 = arith.constant 0 : i32
    return %arg0, %c0_i32 : i32, i32
  }
  func.func @transform_1(%arg0: i32) -> (i32, i32) {
    %c0_i32 = arith.constant 0 : i32
    %c0_i32_0 = arith.constant 0 : i32
    %c0_i32_1 = arith.constant 0 : i32
    return %c0_i32, %c0_i32_0 : i32, i32
  }
  func.func @transform_2(%arg0: i32) -> (i32, i32) {
    %c0_i32 = arith.constant 0 : i32
    %c0_i32_0 = arith.constant 0 : i32
    return %arg0, %c0_i32 : i32, i32
  }
  func.func @transform_3(%arg0: i32) -> (i32, i32) {
    %c0_i32 = arith.constant 0 : i32
    %c0_i32_0 = arith.constant 0 : i32
    %c0_i32_1 = arith.constant 0 : i32
    return %c0_i32, %c0_i32_0 : i32, i32
  }
  func.func @transform_4(%arg0: i32) -> (i32, i32) {
    %c0_i32 = arith.constant 0 : i32
    %c0_i32_0 = arith.constant 0 : i32
    %c0_i32_1 = arith.constant 0 : i32
    return %c0_i32, %c0_i32_0 : i32, i32
  }
  func.func @transform_5(%arg0: i32) -> (i32, i32) {
    %c0_i32 = arith.constant 0 : i32
    %c0_i32_0 = arith.constant 0 : i32
    %c0_i32_1 = arith.constant 0 : i32
    return %c0_i32, %c0_i32_0 : i32, i32
  }
  func.func @transform_6(%arg0: i32) -> (i32, i32) {
    %c0_i32 = arith.constant 0 : i32
    %c0_i32_0 = arith.constant 0 : i32
    %c0_i32_1 = arith.constant 0 : i32
    return %c0_i32, %c0_i32_0 : i32, i32
  }
  func.func @transform_7(%arg0: i32) -> (i32, i32) {
    %c0_i32 = arith.constant 0 : i32
    %c0_i32_0 = arith.constant 0 : i32
    %c0_i32_1 = arith.constant 0 : i32
    return %c0_i32, %c0_i32_0 : i32, i32
  }
  func.func @transform_8(%arg0: i32) -> (i32, i32) {
    %c0_i32 = arith.constant 0 : i32
    %c0_i32_0 = arith.constant 0 : i32
    %c0_i32_1 = arith.constant 0 : i32
    return %c0_i32, %c0_i32_0 : i32, i32
  }
  func.func @transform_9(%arg0: i32) -> (i32, i32) {
    %c0_i32 = arith.constant 0 : i32
    %c0_i32_0 = arith.constant 0 : i32
    %c0_i32_1 = arith.constant 0 : i32
    return %c0_i32, %c0_i32_0 : i32, i32
  }
  func.func @transform_10(%arg0: i32) -> (i32, i32) {
    %c0_i32 = arith.constant 0 : i32
    %c0_i32_0 = arith.constant 0 : i32
    %c0_i32_1 = arith.constant 0 : i32
    return %c0_i32, %c0_i32_0 : i32, i32
  }
  func.func @transform_11(%arg0: i32) -> (i32, i32) {
    %c0_i32 = arith.constant 0 : i32
    %c0_i32_0 = arith.constant 0 : i32
    return %arg0, %c0_i32 : i32, i32
  }
  func.func @transform_12(%arg0: i32) -> (i32, i32) {
    %c0_i32 = arith.constant 0 : i32
    %c0_i32_0 = arith.constant 0 : i32
    return %arg0, %c0_i32 : i32, i32
  }
  func.func @transform_13(%arg0: i32) -> (i32, i32) {
    %c0_i32 = arith.constant 0 : i32
    %c0_i32_0 = arith.constant 0 : i32
    return %arg0, %c0_i32 : i32, i32
  }
}

module attributes {stable_mosaic.version = 14 : i64} {
  func.func @_kc_body_last(%arg0: i32, %arg1: memref<5000x32xf32, #tpu.memory_space<vmem>>, %arg2: memref<8x32xf32, #tpu.memory_space<vmem>>, %arg3: memref<5000x34xf32, #tpu.memory_space<vmem>>, %arg4: memref<32x32xf32, #tpu.memory_space<vmem>>, %arg5: memref<32x32xf32, #tpu.memory_space<vmem>>, %arg6: memref<1x32xf32, #tpu.memory_space<vmem>>, %arg7: memref<32x2xf32, #tpu.memory_space<vmem>>, %arg8: memref<1x2xf32, #tpu.memory_space<vmem>>, %arg9: memref<5000x2xf32, #tpu.memory_space<vmem>>) attributes {dimension_semantics = [#tpu.dimension_semantics<arbitrary>], iteration_bounds = array<i64: 20>, scalar_prefetch = 0 : i64, scratch_operands = 0 : i64, tpu.core_type = #tpu.core_type<tc>, window_params = [{transform_indices = @transform_0, window_bounds = array<i64: 5000, 32>}, {pipeline_mode = #tpu.pipeline_mode<synchronous>, transform_indices = @transform_1, window_bounds = array<i64: 8, 32>}, {transform_indices = @transform_2, window_bounds = array<i64: 5000, 34>}, {pipeline_mode = #tpu.pipeline_mode<synchronous>, transform_indices = @transform_3, window_bounds = array<i64: 32, 32>}, {pipeline_mode = #tpu.pipeline_mode<synchronous>, transform_indices = @transform_4, window_bounds = array<i64: 32, 32>}, {pipeline_mode = #tpu.pipeline_mode<synchronous>, transform_indices = @transform_5, window_bounds = array<i64: 1, 32>}, {pipeline_mode = #tpu.pipeline_mode<synchronous>, transform_indices = @transform_6, window_bounds = array<i64: 32, 2>}, {pipeline_mode = #tpu.pipeline_mode<synchronous>, transform_indices = @transform_7, window_bounds = array<i64: 1, 2>}, {transform_indices = @transform_8, window_bounds = array<i64: 5000, 2>}]} {
    %get3A = arith.constant 0 : index
    %get3A_0 = arith.constant 0 : index
    %get3A_1 = vector.load %arg2[%get3A, %get3A_0] : memref<8x32xf32, #tpu.memory_space<vmem>>, vector<8x32xf32>
    %slice3A = vector.extract_strided_slice %get3A_1 {offsets = [0, 0], sizes = [1, 32], strides = [1, 1]} : vector<8x32xf32> to vector<1x32xf32>
    %get3A_2 = arith.constant 0 : index
    %get3A_3 = arith.constant 0 : index
    %get3A_4 = vector.load %arg5[%get3A_2, %get3A_3] : memref<32x32xf32, #tpu.memory_space<vmem>>, vector<32x32xf32>
    %dot_general3A = arith.constant dense<0.000000e+00> : vector<1x32xf32>
    %dot_general3A_5 = tpu.matmul %slice3A, %get3A_4, %dot_general3A {dimension_numbers = #tpu.dot_dimension_numbers<[1], [0], [0], [1], [0, 0, 1, 1], [], []>, transpose_lhs_hint = false} : vector<1x32xf32>, vector<32x32xf32>, vector<1x32xf32> -> vector<1x32xf32>
    %get3A_6 = arith.constant 0 : index
    %get3A_7 = arith.constant 0 : index
    %get3A_8 = vector.load %arg6[%get3A_6, %get3A_7] : memref<1x32xf32, #tpu.memory_space<vmem>>, vector<1x32xf32>
    %add3A = arith.addf %dot_general3A_5, %get3A_8 : vector<1x32xf32>
    %get3A_9 = arith.constant 0 : index
    %get3A_10 = arith.constant 0 : index
    %get3A_11 = vector.load %arg1[%get3A_9, %get3A_10] : memref<5000x32xf32, #tpu.memory_space<vmem>>, vector<5000x32xf32>
    %get3A_12 = arith.constant 0 : index
    %get3A_13 = arith.constant 0 : index
    %get3A_14 = vector.load %arg4[%get3A_12, %get3A_13] : memref<32x32xf32, #tpu.memory_space<vmem>>, vector<32x32xf32>
    %dot_general3A_15 = arith.constant dense<0.000000e+00> : vector<5000x32xf32>
    %dot_general3A_16 = tpu.matmul %get3A_11, %get3A_14, %dot_general3A_15 {dimension_numbers = #tpu.dot_dimension_numbers<[1], [0], [0], [1], [0, 0, 1, 1], [], []>, transpose_lhs_hint = false} : vector<5000x32xf32>, vector<32x32xf32>, vector<5000x32xf32> -> vector<5000x32xf32>
    %add3A_17 = vector.broadcast %add3A : vector<1x32xf32> to vector<5000x32xf32>
    %add3A_18 = arith.addf %dot_general3A_16, %add3A_17 : vector<5000x32xf32>
    %max3A = arith.constant 0.000000e+00 : f32
    %max3A_19 = vector.broadcast %max3A : f32 to vector<5000x32xf32>
    %max3A_20 = arith.maximumf %add3A_18, %max3A_19 : vector<5000x32xf32>
    %get3A_21 = arith.constant 0 : index
    %get3A_22 = arith.constant 0 : index
    %get3A_23 = vector.load %arg7[%get3A_21, %get3A_22] : memref<32x2xf32, #tpu.memory_space<vmem>>, vector<32x2xf32>
    %dot_general3A_24 = arith.constant dense<0.000000e+00> : vector<5000x2xf32>
    %dot_general3A_25 = tpu.matmul %max3A_20, %get3A_23, %dot_general3A_24 {dimension_numbers = #tpu.dot_dimension_numbers<[1], [0], [0], [1], [0, 0, 1, 1], [], []>, transpose_lhs_hint = false} : vector<5000x32xf32>, vector<32x2xf32>, vector<5000x2xf32> -> vector<5000x2xf32>
    %get3A_26 = arith.constant 0 : index
    %get3A_27 = arith.constant 0 : index
    %get3A_28 = vector.load %arg8[%get3A_26, %get3A_27] : memref<1x2xf32, #tpu.memory_space<vmem>>, vector<1x2xf32>
    %add3A_29 = vector.broadcast %get3A_28 : vector<1x2xf32> to vector<5000x2xf32>
    %add3A_30 = arith.addf %dot_general3A_25, %add3A_29 : vector<5000x2xf32>
    %get3A_31 = arith.constant 0 : index
    %get3A_32 = arith.constant 0 : index
    %get3A_33 = vector.load %arg3[%get3A_31, %get3A_32] : memref<5000x34xf32, #tpu.memory_space<vmem>>, vector<5000x34xf32>
    %slice3A_34 = vector.extract_strided_slice %get3A_33 {offsets = [0, 0], sizes = [5000, 2], strides = [1, 1]} : vector<5000x34xf32> to vector<5000x2xf32>
    %add3A_35 = arith.addf %slice3A_34, %add3A_30 : vector<5000x2xf32>
    %swap3A = arith.constant 0 : index
    %swap3A_36 = arith.constant 0 : index
    %swap3A_37 = vector.load %arg9[%swap3A, %swap3A_36] : memref<5000x2xf32, #tpu.memory_space<vmem>>, vector<5000x2xf32>
    tpu.vector_store %arg9[%swap3A, %swap3A_36], %add3A_35 {strides = array<i32>} : memref<5000x2xf32, #tpu.memory_space<vmem>>, vector<5000x2xf32>,
    return
  }
  func.func @transform_0(%arg0: i32) -> (i32, i32) {
    %c0_i32 = arith.constant 0 : i32
    %c0_i32_0 = arith.constant 0 : i32
    return %arg0, %c0_i32 : i32, i32
  }
  func.func @transform_1(%arg0: i32) -> (i32, i32) {
    %c0_i32 = arith.constant 0 : i32
    %c0_i32_0 = arith.constant 0 : i32
    %c0_i32_1 = arith.constant 0 : i32
    return %c0_i32, %c0_i32_0 : i32, i32
  }
  func.func @transform_2(%arg0: i32) -> (i32, i32) {
    %c0_i32 = arith.constant 0 : i32
    %c0_i32_0 = arith.constant 0 : i32
    return %arg0, %c0_i32 : i32, i32
  }
  func.func @transform_3(%arg0: i32) -> (i32, i32) {
    %c0_i32 = arith.constant 0 : i32
    %c0_i32_0 = arith.constant 0 : i32
    %c0_i32_1 = arith.constant 0 : i32
    return %c0_i32, %c0_i32_0 : i32, i32
  }
  func.func @transform_4(%arg0: i32) -> (i32, i32) {
    %c0_i32 = arith.constant 0 : i32
    %c0_i32_0 = arith.constant 0 : i32
    %c0_i32_1 = arith.constant 0 : i32
    return %c0_i32, %c0_i32_0 : i32, i32
  }
  func.func @transform_5(%arg0: i32) -> (i32, i32) {
    %c0_i32 = arith.constant 0 : i32
    %c0_i32_0 = arith.constant 0 : i32
    %c0_i32_1 = arith.constant 0 : i32
    return %c0_i32, %c0_i32_0 : i32, i32
  }
  func.func @transform_6(%arg0: i32) -> (i32, i32) {
    %c0_i32 = arith.constant 0 : i32
    %c0_i32_0 = arith.constant 0 : i32
    %c0_i32_1 = arith.constant 0 : i32
    return %c0_i32, %c0_i32_0 : i32, i32
  }
  func.func @transform_7(%arg0: i32) -> (i32, i32) {
    %c0_i32 = arith.constant 0 : i32
    %c0_i32_0 = arith.constant 0 : i32
    %c0_i32_1 = arith.constant 0 : i32
    return %c0_i32, %c0_i32_0 : i32, i32
  }
  func.func @transform_8(%arg0: i32) -> (i32, i32) {
    %c0_i32 = arith.constant 0 : i32
    %c0_i32_0 = arith.constant 0 : i32
    return %arg0, %c0_i32 : i32, i32
  }
}

</mosaic_0001>

<sc_bundles>
// kernel: kernel.12.cloned.1.call-start
scs
__scs_entry_jumppad:
0x0: {  	(pc) =	sbr.rel $0x88, $3  }
0x1: {  	(tag) =	ssettag $0x0;
	lr =	simm.s32 $0x1  }
0x2: {  	[smem:$0x3F91] =	sst lr;
	_ =	strace $0xD0000000  }
0x3: {  	_ = 	snop  }
0x4: {  	_ = 	snop  }
0x5: {  	_ = 	snop  }
0x6: {  	_ = 	snop  }
0x7: {  	_ = 	snop  }
__scs_overlays_trampoline_lowered:
0x8: {  	[smem:$0x3FA0] =	sst s0  }
0x9: {  	[smem:$0x3FA1] =	sst s1  }
0xa: {  	[smem:$0x3FA2] =	sst s2  }
0xb: {  	[smem:$0x3FA3] =	sst s3  }
0xc: {  	[smem:$0x3FA4] =	sst s4  }
0xd: {  	[smem:$0x3FA5] =	sst s5  }
0xe: {  	[smem:$0x3FA6] =	sst s6  }
0xf: {  	[smem:$0x3FA7] =	sst s7  }
0x10: {  	[smem:$0x3FA8] =	sst s8  }
0x11: {  	[smem:$0x3FA9] =	sst s9;
	s0 =	simm.s32 @!p0 $0x0  }
0x12: {  	s1 =	sld [smem:$0x3F8F];
	s0 =	simm.s32 @p0 $0x1  }
0x13: {  	[smem:$0x3FAA] =	sst s0;
	s0 =	simm.s32 @!p1 $0x0  }
0x14: {  	s2 =	sld [smem:$0x3F8E];
	s0 =	simm.s32 @p1 $0x1  }
0x15: {  	[smem:$0x3FAB] =	sst s0;
	s0 =	simm.s32 @!p2 $0x0  }
0x16: {  	s3 =	sld [smem:$0x3FDB];
	s0 =	simm.s32 @p2 $0x1  }
0x17: {  	s4 =	simm.s32 $0x1BF5;
	[smem:$0x3FAD] =	sst s0  }
0x18: {  	s0 =	sld [smem:$0x3F90];
	_ =	swait.ge [sflag:s4], $0x0  }
0x19: {  	s7 =	sld [smem:$0x3F91]  }
0x1a: {  	s8 =	sadd.s32 $0xFFFFE003, lr  }
0x1b: {  	s9 =	sadd.s32 $0xFFFFFEF7, lr;
	s5 =	simm.s32 $0xFFFFFFFF;
	p2 =	slt.u32 s8, $0xFFFFF086  }
0x1c: {  	p1 =	slt.u32 s9, $0xF7A;
	s5 =	simm.s32 @!p2 $0x0  }
0x1d: {  	s5 =	simm.s32 @p1 $0x1;
	p0 =	seq.s32 s7, s2  }
0x1e: {  	s7 =	smul.u32 @!p0 $0xF7A, s2;
	p2 =	seq.s32 @!p0 s5, $0x0  }
0x1f: {  	s9 =	smul.u32 $0xF7A, s1;
	s8 =	simm.s32 @!p0 $0x1BF5;
	p2 =	por !p2, p0  }
0x20: {  	[sflag:s8] =	ssyncset.s32 @!p0 $0xFFFFF086;
	s6 =	sadd.s32 @!p0 s3, s7;
	s7 =	simm.s32 @!p0 $0x108  }
0x21: {  	s3 =	sadd.s32 s3, s9;
	s6 =	sadd.s32 @!p0 $0x88, s6;
	s7 =	simm.s32 @p2 $0x1082  }
0x22: {  	[simem:s7], [sflag:s8] =	dma.local @!p0 [hbm:s6], $0xF7A  }
0x23: {  	s9 =	sor.u32 $0xD0000000, s2;
	s6 =	simm.s32 $0x108;
	_ =	swait.ge @!p0 [sflag:s8], $0x0  }
0x24: {  	s3 =	sadd.s32 $0x88, s3;
	s6 =	simm.s32 @!p1 $0x1082;
	[sflag:s4] =	ssyncset.s32 $0xFFFFF086  }
0x25: {  	[simem:s6], [sflag:s4] =	dma.local [hbm:s3], $0xF7A  }
0x26: {  	[smem:$0x3F91] =	sst s1;
	(tag) =	ssettag s2;
	_ =	strace s9  }
0x27: {  	s1 =	sld [smem:$0x3FA1]  }
0x28: {  	s2 =	sld [smem:$0x3FA2]  }
0x29: {  	s4 =	sld [smem:$0x3FA4]  }
0x2a: {  	p0 =	seq.s32 s5, $0x0;
	s5 =	sld [smem:$0x3FA5]  }
0x2b: {  	s6 =	sld [smem:$0x3FA6]  }
0x2c: {  	s7 =	sld [smem:$0x3FA7]  }
0x2d: {  	s3 =	simm.s32 $0x108;
	s8 =	sld [smem:$0x3FA8]  }
0x2e: {  	s3 =	simm.s32 @!p0 $0x1082;
	s9 =	sld [smem:$0x3FA9]  }
0x2f: {  	lr =	sadd.s32 s0, s3;
	s0 =	sld [smem:$0x3FA0]  }
0x30: {  	s3 =	sld [smem:$0x3FA3]  }
0x31: {  	[smem:$0x3FAC] =	sst s10  }
0x32: {  	s10 =	sld [smem:$0x3FAA];
	_ =	sdelay $0x3  }
0x33: {  	p0 =	seq.s32 s10, $0x1;
	s10 =	sld [smem:$0x3FAC];
	_ =	sdelay $0x3  }
0x34: {  	[smem:$0x3FAC] =	sst s10  }
0x35: {  	s10 =	sld [smem:$0x3FAB];
	_ =	sdelay $0x3  }
0x36: {  	p1 =	seq.s32 s10, $0x1;
	s10 =	sld [smem:$0x3FAC];
	_ =	sdelay $0x3  }
0x37: {  	[smem:$0x3FAC] =	sst s10  }
0x38: {  	s10 =	sld [smem:$0x3FAD]  }
0x39: {  	_ = 	snop;
	(pc) =	sbr.ind lr, $3  }
0x3a: {  	_ = 	snop  }
0x3b: {  	_ = 	snop  }
0x3c: {  	p2 =	seq.s32 s10, $0x1;
	s10 =	sld [smem:$0x3FAC]  }
0x3d: {  	_ =	shalt  }
0x3e: {  	_ =	shalt  }
0x3f: {  	_ =	shalt  }
0x40: {  	_ =	shalt  }
0x41: {  	_ =	shalt  }
0x42: {  	_ =	shalt  }
0x43: {  	_ =	shalt  }
0x44: {  	_ =	shalt  }
0x45: {  	_ =	shalt  }
0x46: {  	_ =	shalt  }
0x47: {  	_ =	shalt  }
0x48: {  	_ =	shalt  }
0x49: {  	_ =	shalt  }
0x4a: {  	_ =	shalt  }
0x4b: {  	_ =	shalt  }
0x4c: {  	_ =	shalt  }
0x4d: {  	_ =	shalt  }
0x4e: {  	_ =	shalt  }
0x4f: {  	_ =	shalt  }
0x50: {  	_ =	shalt  }
0x51: {  	_ =	shalt  }
0x52: {  	_ =	shalt  }
0x53: {  	_ =	shalt  }
0x54: {  	_ =	shalt  }
0x55: {  	_ =	shalt  }
0x56: {  	_ =	shalt  }
0x57: {  	_ =	shalt  }
0x58: {  	_ =	shalt  }
0x59: {  	_ =	shalt  }
0x5a: {  	_ =	shalt  }
0x5b: {  	_ =	shalt  }
0x5c: {  	_ =	shalt  }
0x5d: {  	_ =	shalt  }
0x5e: {  	_ =	shalt  }
0x5f: {  	_ =	shalt  }
0x60: {  	_ =	shalt  }
0x61: {  	_ =	shalt  }
0x62: {  	_ =	shalt  }
0x63: {  	_ =	shalt  }
0x64: {  	_ =	shalt  }
0x65: {  	_ =	shalt  }
0x66: {  	_ =	shalt  }
0x67: {  	_ =	shalt  }
0x68: {  	_ =	shalt  }
0x69: {  	_ =	shalt  }
0x6a: {  	_ =	shalt  }
0x6b: {  	_ =	shalt  }
0x6c: {  	_ =	shalt  }
0x6d: {  	_ =	shalt  }
0x6e: {  	_ =	shalt  }
0x6f: {  	_ =	shalt  }
0x70: {  	_ =	shalt  }
0x71: {  	_ =	shalt  }
0x72: {  	_ =	shalt  }
0x73: {  	_ =	shalt  }
0x74: {  	_ =	shalt  }
0x75: {  	_ =	shalt  }
0x76: {  	_ =	shalt  }
0x77: {  	_ =	shalt  }
0x78: {  	_ =	shalt  }
0x79: {  	_ =	shalt  }
0x7a: {  	_ =	shalt  }
0x7b: {  	_ =	shalt  }
0x7c: {  	_ =	shalt  }
0x7d: {  	_ =	shalt  }
0x7e: {  	_ =	shalt  }
0x7f: {  	_ =	shalt  }
0x80: {  	_ =	shalt  }
0x81: {  	_ =	shalt  }
0x82: {  	_ =	shalt  }
0x83: {  	_ =	shalt  }
0x84: {  	_ =	shalt  }
0x85: {  	_ =	shalt  }
0x86: {  	_ =	shalt  }
0x87: {  	_ =	shalt  }
.Lfunc_end0:
.L_simem_size_0:
called_computation_lowered:
.L_overlay_start_0:
0x88: {  	s2 =	sld [smem:$0x3FD9]  }
0x89: {  	s3 =	sld [smem:$0x3FFE];
	_ =	sdelay $0x1  }
0x8a: {  	s1 =	srdreg.scid  }
0x8b: {  	s0 =	sand.u32 $0x1, s1  }
0x8c: {  	s17 =	sshll.u32 s0, $0xA;
	s2 =	sadd.s32 s3, s2  }
0x8d: {  	s2 =	sadd.s32 s2, s17  }
0x8e: {  	[smem:$0x3FB8] =	sst s2  }
0x8f: {  	_ = 	snop  }
0x90: {  	s2 =	sld [smem:$0x3FD0];
	(tm) =	ssettm $0x1  }
0x91: {  	s18 =	sld [smem:$0x3FFB];
	_ =	sdelay $0x3  }
0x92: {  	_ =	strace s18  }
0x93: {  	s3 =	sld [smem:$0x3FFC];
	_ =	sdelay $0x3  }
0x94: {  	_ =	strace s3  }
0x95: {  	s3 =	sld [smem:$0x3FFD];
	_ =	sdelay $0x3  }
0x96: {  	_ =	strace s3  }
0x97: {  	_ =	strace $0x8FFFFFFF  }
0x98: {  	s19 =	sld [smem:$0x3FDB];
	_ =	sdelay $0x1  }
0x99: {  	s4 =	simm.s32 $_scs_section_size  }
0x9a: {  	s5 =	simm.s32 $_size__tile_overlayer_lowered;
	s6 =	simm.s32 $_tile_overlayer_lowered  }
0x9b: {  	s22 =	simm.s32 $0x1BFF;
	s21 =	sshll.u32 s6, $0x1;
	s3 =	sadd.s32 s4, s19  }
0x9c: {  	s7 =	simm.s32 $0x0;
	s20 =	sshll.u32 s5, $0x1;
	s5 =	sadd.s32 s21, s3  }
0x9d: {  	[timem:s7], [sflag:s22] =	dma.local [hbm:s5], s20  }
0x9e: {  	_ =	swait.ge [sflag:s22], s20  }
0x9f: {  	s4 =	ssub.s32 $0x0, s20;
	[sflag:s22] =	ssyncset.done $0x0  }
0xa0: {  	[sflag:s22] =	ssyncadd.s32 s4;
	_ =	sdelay $0x1  }
0xa1: {  	s23 =	simm.s32 $0x1B8B  }
0xa2: {  	_ =	swait.ge [sflag:s23], $0x1  }
0xa3: {  	[sflag:s23] =	ssyncset.done $0x0  }
0xa4: {  	s25 =	simm.s32 $0x1B8E;
	s24 =	sld [smem:$0x3FFE];
	[sflag:s23] =	ssyncadd.s32 $0xFFFFFFFF  }
0xa5: {  	s26 =	simm.s32 $execute0_lowered;
	[smem:$0x3FD2] =	sst s25  }
0xa6: {  	s5 =	sshll.u32 s26, $0x1;
	_ =	strace $0x80000046;
	[dreg:$0x1] =	wrdreg $0xFFFFFFFF  }
0xa7: {  	s28 =	simm.s32 $_size_execute0_lowered;
	s3 =	sadd.s32 s3, s5;
	[dreg:$0x0] =	wrdreg $0x0  }
0xa8: {  	s5 =	sshll.u32 s28, $0x1;
	[dreg:$0x2] =	wrdreg s3  }
0xa9: {  	[dreg:$0x3] =	wrdreg s5  }
0xaa: {  	[dreg:$0x4] =	wrdreg $0xC0  }
0xab: {  	_ =	task [dreg:s7], $0x5FFFF  }
0xac: {  	[dreg:$0x1] =	wrdreg $0xFFFFFFFF  }
0xad: {  	[dreg:$0x0] =	wrdreg $0x60  }
0xae: {  	[dreg:$0x2] =	wrdreg s24  }
0xaf: {  	[dreg:$0x3] =	wrdreg s2  }
0xb0: {  	[dreg:$0x4] =	wrdreg $0x0  }
0xb1: {  	[dreg:$0x5] =	wrdreg $0x9  }
0xb2: {  	_ =	task.clear_ibuf [dreg:s7], $0x6FFFF;
	_ =	strace $0x90000046  }
0xb3: {  	s29 =	simm.s32 $0x9;
	_ =	strace $0x80000048  }
0xb4: {  	_ =	swait.ge [sflag:s29], $0x1  }
0xb5: {  	[sflag:s29] =	ssyncadd.s32 $0xFFFFFFFF  }
0xb6: {  	_ =	strace $0x90000048  }
0xb7: {  	_ =	sfence  }
0xb8: {  	s30 =	sld [smem:$0x0];
	_ =	sdelay $0x2  }
0xb9: {  	s31 =	sshll.u32 s1, $0xD;
	s1 =	sshrl.u32 s1, $0x2  }
0xba: {  	s3 =	sand.u32 $0x4000, s31;
	s1 =	sadd.s32 s1, s30  }
0xbb: {  	s0 =	sor.u32 s3, s0;
	s1 =	sshll.u32 s1, $0x11  }
0xbc: {  	s0 =	sor.u32 s1, s0  }
0xbd: {  	s0 =	sadd.s32 $0x8F2B, s0  }
0xbe: {  	[sflag:s0] =	ssyncadd.remote.s32 $0x1  }
0xbf: {  	_ =	sfence.sel $0xFFFF  }
0xc0: {  	[dreg:$0x0] =	wrdreg $0xFFFFFFFF;
	(pc) =	sbr.abs _section_cstart, $3  }
0xc1: {  	[dreg:$0x1] =	wrdreg $0xFFFFFFFF  }
0xc2: {  	_ =	task.clear_ibuf [dreg:s7], $0x2FFFF;
	_ =	strace $0x9FFFFFFF  }
0xc3: {  	(tm) =	ssettm $0x7FFFFFFF  }
tec
execute0_lowered:
.L_overlay_start_1:
0x0: {  	(tag) =	ssettag $0x1  }
0x1: {  	s0 =	rddreg [dreg:$0x0]  }
0x2: {  	s2 =	rddreg [dreg:$0x2]  }
0x3: {  	s3 =	simm.s32 $0x0;
	s1 =	srdreg.scid;
	s16 =	stileid.u32  }
0x4: {  	s19 =	simm.s32 $0x3;
	s21 =	simm.s32 $0x186A8;
	s28 =	simm.s32 $0x18728  }
0x5: {  	s29 =	simm.s32 $0x19AA8;
	s30 =	simm.s32 $0x187A8;
	s31 =	simm.s32 $0x1A2A8  }
0x6: {  	s18 =	simm.s32 $0x1;
	s20 =	simm.s32 $0x18928;
	[smem:$0x7FF] =	sst s3  }
0x7: {  	s4 =	sadd.s32 $0xAC00, s0;
	s6 =	sadd.s32 $0x192000, s0;
	s9 =	sand.u32 $0x1, s1  }
0x8: {  	s7 =	sadd.s32 $0x131000, s0;
	s8 =	sadd.s32 $0x6CA00, s0;
	s5 =	smul.u32 $0x61C00, s16  }
0x9: {  	s14 =	smul.u32 $0x18700, s16;
	s15 =	sadd.s32 $0x16E900, s2;
	p0 =	seq.s32 s16, $0xF  }
0xa: {  	_ =	strace $0x80000047;
	s1 =	sshll.u32 s9, $0x3;
	s10 =	sshll.u32 s9, $0x1  }
0xb: {  	s11 =	ssub.s32 $0x2, s9;
	s12 =	smul.u32 $0x186A00, s9;
	s15 =	sshrl.u32 @p0 s15, $0x3  }
0xc: {  	v0 =	vmov s9;
	s9 =	simm.s32 $0x18A28;
	s1 =	sadd.s32 s1, s0;
	s10 =	sadd.s32 s10, s0  }
0xd: {  	s13 =	sshrl.u32 s11, $0x1;
	s0 =	sadd.s32 $0x1C3000, s0;
	s5 =	sshrl.u32 s5, $0x2  }
0xe: {  	s13 =	ssub.s32 s11, s13;
	s5 =	sadd.s32 s5, s2;
	s22 =	sadd.s32 s14, s12  }
0xf: {  	s1 =	sadd.s32 $0x6C800, s1;
	s23 =	sadd.s32 $0x130A00, s10;
	s11 =	smul.u32 $0x310, s16  }
0x10: {  	s25 =	sshrl.u32 s12, $0x3;
	s10 =	sadd.s32 s14, s2;
	[dreg:$0x4] =	wrdreg s1  }
0x11: {  	s12 =	simm.s32 $0x0;
	[dreg:$0x5] =	wrdreg s23;
	s24 =	sshrl.u32 s22, $0x3  }
0x12: {  	s26 =	smax.u32 s13, $0x1;
	s22 =	simm.s32 $0x188A8;
	s23 =	simm.s32 $0x18AA8  }
0x13: {  	s1 =	sadd.s32 s0, s24;
	s0 =	sadd.s32 s0, s25;
	[dreg:$0x8] =	wrdreg s26  }
0x14: {  	s25 =	simm.s32 $0x80;
	[dreg:$0x6] =	wrdreg s1;
	s0 =	sadd.s32 $0x2DD20, s0  }
0x15: {  	s26 =	simm.s32 $0x192A8;
	[dreg:$0x7] =	wrdreg s0;
	s0 =	sshll.u32 @!p0 s16, $0x6  }
0x16: {  	s1 =	simm.s32 $0x189A8;
	s16 =	sor.u32 @!p0 $0x1C03, s0;
	s0 =	sshrl.u32 @!p0 s5, $0x3  }
0x17: {  	s5 =	simm.s32 $0x1AAA8;
	[dreg:$0x9] =	wrdreg s0;
	s0 =	sshrl.u32 @!p0 s10, $0x3  }
0x18: {  	s10 =	simm.s32 $0x2;
	[dreg:$0xa] =	wrdreg s0;
	s0 =	simm.s32 $0x18828  }
.LBB2_1:
0x19: {  	s13 =	simm.s32 @p0 $0x1FC3;
	s14 =	rddreg [dreg:$0x1]  }
0x1a: {  	[spmem:s15], [sflag:s13] =	dma.local @p0 [hbm:s14], $0x3030  }
0x1b: {  	s13 =	simm.s32 @p0 $0x3  }
0x1c: {  	_ =	swait.ge @p0 [sflag:s13], $0x3030  }
0x1d: {  	[sflag:s13] =	ssyncset.done @p0 $0x0  }
0x1e: {  	[sflag:s13] =	ssyncadd.s32 @p0 $0xFFFFCFD0;
	s13 =	rddreg [dreg:$0x9]  }
0x1f: {  	[spmem:s13], [sflag:s16] =	dma.local @!p0 [hbm:s14], $0x30E0  }
0x20: {  	s13 =	simm.s32 @!p0 $0x3  }
0x21: {  	_ =	swait.ge @!p0 [sflag:s13], $0x30E0  }
0x22: {  	[sflag:s13] =	ssyncset.done @!p0 $0x0  }
0x23: {  	s24 =	simm.s32 $0x1B2A8;
	s17 =	rddreg [dreg:$0x4];
	[sflag:s13] =	ssyncadd.s32 @!p0 $0xFFFFCF20  }
0x24: {  	[tilespmem:s24], [sflag:$0x3] =	stream.linear.gather [hbm4b:s17+s3], $0x40, $0x38;
	[tilespmem:$0x1B2F8] =	vst v63  }
0x25: {  	_ =	swait.ge [sflag:s19], $0x40  }
0x26: {  	[sflag:s19] =	ssyncset.done $0x0  }
0x27: {  	s24 =	simm.s32 $0x1B2E8;
	s17 =	rddreg [dreg:$0x5];
	[sflag:s19] =	ssyncadd.s32 $0xFFFFFFC0  }
0x28: {  	[tilespmem:s24], [sflag:$0x3] =	stream.linear.gather [hbm4b:s17+s3], $0x10, $0x38;
	[tilespmem:$0x1B2F8] =	vst v63  }
0x29: {  	_ =	swait.ge [sflag:s19], $0x10  }
0x2a: {  	[sflag:s19] =	ssyncset.done $0x0  }
0x2b: {  	[sflag:s19] =	ssyncadd.s32 $0xFFFFFFF0  }
0x2c: {  	[bflag:$0x0] =	sbarrier.arrive $0xFFFF  }
0x2d: {  	v1 =	vld [tilespmem:$0x1B2A8]  }
0x2e: {  	v2 =	vld [tilespmem:$0x1B2B8]  }
0x2f: {  	v3 =	vld [tilespmem:$0x1B2C8]  }
0x30: {  	v4 =	vld [tilespmem:$0x1B2D8]  }
0x31: {  	s13 =	simm.s32 $0x0;
	v5 =	vld [tilespmem:$0x1B2E8]  }
.LBB2_2:
0x32: {  	s14 =	sshll.u32 s13, $0x2  }
0x33: {  	s14 =	sadd.s32 s11, s14  }
0x34: {  	s17 =	sshll.u32 s14, $0x4  }
0x35: {  	s24 =	sadd.s32 s6, s17  }
0x36: {  	[tilespmem:s21], [sflag:$0x3] =	stream.linear.gather [hbm4b:s24+s3], $0x200, $0x38;
	[tilespmem:$0x1B2F8] =	vst v63  }
0x37: {  	_ =	swait.ge [sflag:s19], $0x200  }
0x38: {  	[sflag:s19] =	ssyncset.done $0x0  }
0x39: {  	s17 =	sadd.s32 s7, s17;
	[sflag:s19] =	ssyncadd.s32 $0xFFFFFE00  }
0x3a: {  	[tilespmem:s22], [sflag:$0x3] =	stream.linear.gather [hbm4b:s17+s3], $0x200, $0x38;
	[tilespmem:$0x1B2F8] =	vst v63  }
0x3b: {  	_ =	swait.ge [sflag:s19], $0x200  }
0x3c: {  	s14 =	sshll.u32 s14, $0x6;
	[sflag:s19] =	ssyncset.done $0x0  }
0x3d: {  	s14 =	sadd.s32 s8, s14;
	[sflag:s19] =	ssyncadd.s32 $0xFFFFFE00  }
0x3e: {  	[tilespmem:s23], [sflag:$0x3] =	stream.linear.gather [hbm4b:s14+s3], $0x800, $0x38;
	[tilespmem:$0x1B2F8] =	vst v63  }
0x3f: {  	_ =	swait.ge [sflag:s19], $0x800  }
0x40: {  	[sflag:s19] =	ssyncset.done $0x0  }
0x41: {  	[sflag:s19] =	ssyncadd.s32 $0xFFFFF800  }
0x42: {  	v6 =	vld [tilespmem:$0x186A8]  }
0x43: {  	v7 =	vld [tilespmem:$0x186B8]  }
0x44: {  	v8 =	vld [tilespmem:$0x186C8]  }
0x45: {  	v9 =	vld [tilespmem:$0x186D8]  }
0x46: {  	v10 =	vld [tilespmem:$0x186E8]  }
0x47: {  	v11 =	vld [tilespmem:$0x186F8];
	v6 =	vshll.u32 v6, $0x1  }
0x48: {  	v12 =	vld [tilespmem:$0x18708];
	v7 =	vshll.u32 v7, $0x1;
	v6 =	vor.u32 v0, v6  }
0x49: {  	v39 =	vld [tilespmem:$0x18718];
	[tilespmem:$0x186A8] =	vst v6;
	v6 =	vor.u32 v0, v7;
	v7 =	vshll.u32 v8, $0x1  }
0x4a: {  	v40 =	vld [tilespmem:$0x18728];
	[tilespmem:$0x186B8] =	vst v6;
	v6 =	vor.u32 v0, v7;
	v7 =	vshll.u32 v9, $0x1  }
0x4b: {  	v41 =	vld [tilespmem:$0x18738];
	[tilespmem:$0x186C8] =	vst v6;
	v6 =	vor.u32 v0, v7;
	v7 =	vshll.u32 v10, $0x1  }
0x4c: {  	v42 =	vld [tilespmem:$0x18748];
	[tilespmem:$0x186D8] =	vst v6;
	v6 =	vor.u32 v0, v7;
	v7 =	vshll.u32 v11, $0x1  }
0x4d: {  	v43 =	vld [tilespmem:$0x18758];
	[tilespmem:$0x186E8] =	vst v6;
	v6 =	vor.u32 v0, v7;
	v7 =	vshll.u32 v12, $0x1  }
0x4e: {  	v44 =	vld [tilespmem:$0x18768];
	[tilespmem:$0x186F8] =	vst v6;
	v6 =	vor.u32 v0, v7;
	v7 =	vshll.u32 v39, $0x1  }
0x4f: {  	v45 =	vld [tilespmem:$0x18778];
	[tilespmem:$0x18708] =	vst v6;
	v6 =	vor.u32 v0, v7;
	v7 =	vshll.u32 v40, $0x1  }
0x50: {  	v46 =	vld [tilespmem:$0x18788];
	[tilespmem:$0x18718] =	vst v6;
	v6 =	vor.u32 v0, v7;
	v7 =	vshll.u32 v41, $0x1  }
0x51: {  	v47 =	vld [tilespmem:$0x18798];
	[tilespmem:$0x18728] =	vst v6;
	v6 =	vor.u32 v0, v7;
	v7 =	vshll.u32 v42, $0x1  }
0x52: {  	v48 =	vld [tilespmem:$0x187A8];
	[tilespmem:$0x18738] =	vst v6;
	v6 =	vor.u32 v0, v7;
	v7 =	vshll.u32 v43, $0x1  }
0x53: {  	v49 =	vld [tilespmem:$0x187B8];
	[tilespmem:$0x18748] =	vst v6;
	v6 =	vor.u32 v0, v7;
	v7 =	vshll.u32 v44, $0x1  }
0x54: {  	v50 =	vld [tilespmem:$0x187C8];
	[tilespmem:$0x18758] =	vst v6;
	v6 =	vor.u32 v0, v7;
	v7 =	vshll.u32 v45, $0x1  }
0x55: {  	v51 =	vld [tilespmem:$0x187D8];
	[tilespmem:$0x18768] =	vst v6;
	v6 =	vor.u32 v0, v7;
	v7 =	vshll.u32 v46, $0x1  }
0x56: {  	v52 =	vld [tilespmem:$0x187E8];
	[tilespmem:$0x18778] =	vst v6;
	v6 =	vor.u32 v0, v7;
	v7 =	vshll.u32 v47, $0x1  }
0x57: {  	v53 =	vld [tilespmem:$0x187F8];
	[tilespmem:$0x18788] =	vst v6;
	v6 =	vor.u32 v0, v7;
	v7 =	vshll.u32 v48, $0x1  }
0x58: {  	v54 =	vld [tilespmem:$0x18808];
	[tilespmem:$0x18798] =	vst v6;
	v6 =	vor.u32 v0, v7;
	v7 =	vshll.u32 v49, $0x1  }
0x59: {  	v55 =	vld [tilespmem:$0x18818];
	[tilespmem:$0x187A8] =	vst v6;
	v6 =	vor.u32 v0, v7;
	v7 =	vshll.u32 v50, $0x1  }
0x5a: {  	v56 =	vld [tilespmem:$0x18828];
	[tilespmem:$0x187B8] =	vst v6;
	v6 =	vor.u32 v0, v7;
	v7 =	vshll.u32 v51, $0x1  }
0x5b: {  	v57 =	vld [tilespmem:$0x18838];
	[tilespmem:$0x187C8] =	vst v6;
	v6 =	vor.u32 v0, v7;
	v7 =	vshll.u32 v52, $0x1  }
0x5c: {  	v58 =	vld [tilespmem:$0x18848];
	[tilespmem:$0x187D8] =	vst v6;
	v6 =	vor.u32 v0, v7;
	v7 =	vshll.u32 v53, $0x1  }
0x5d: {  	v59 =	vld [tilespmem:$0x18858];
	[tilespmem:$0x187E8] =	vst v6;
	v6 =	vor.u32 v0, v7;
	v7 =	vshll.u32 v54, $0x1  }
0x5e: {  	v60 =	vld [tilespmem:$0x18868];
	[tilespmem:$0x187F8] =	vst v6;
	v6 =	vor.u32 v0, v7;
	v7 =	vshll.u32 v55, $0x1  }
0x5f: {  	v61 =	vld [tilespmem:$0x18878];
	[tilespmem:$0x18808] =	vst v6;
	v6 =	vor.u32 v0, v7;
	v7 =	vshll.u32 v56, $0x1  }
0x60: {  	v62 =	vld [tilespmem:$0x18888];
	[tilespmem:$0x18818] =	vst v6;
	v6 =	vor.u32 v0, v7;
	v7 =	vshll.u32 v57, $0x1  }
0x61: {  	v63 =	vld [tilespmem:$0x18898];
	[tilespmem:$0x18828] =	vst v6;
	v6 =	vor.u32 v0, v7;
	v7 =	vshll.u32 v58, $0x1  }
0x62: {  	[tilespmem:$0x18838] =	vst v6;
	v6 =	vor.u32 v0, v7;
	v7 =	vshll.u32 v59, $0x1  }
0x63: {  	[tilespmem:$0x18848] =	vst v6;
	v6 =	vor.u32 v0, v7;
	v7 =	vshll.u32 v60, $0x1  }
0x64: {  	[tilespmem:$0x18858] =	vst v6;
	v6 =	vor.u32 v0, v7;
	v7 =	vshll.u32 v61, $0x1  }
0x65: {  	[tilespmem:$0x18868] =	vst v6;
	v6 =	vor.u32 v0, v7;
	v7 =	vshll.u32 v62, $0x1  }
0x66: {  	[tilespmem:$0x18878] =	vst v6;
	v6 =	vor.u32 v0, v7;
	v7 =	vshll.u32 v63, $0x1  }
0x67: {  	[tilespmem:$0x18888] =	vst v6;
	v6 =	vor.u32 v0, v7  }
0x68: {  	[tilespmem:$0x18898] =	vst v6  }
0x69: {  	[tilespmem:s26], [sflag:$0x1] =	stream.indirect.gather [hbm4b:s4+s25], $0x10, s21, s25, $0xb8;
	[tilespmem:$0x1B2F8] =	vst v63  }
0x6a: {  	_ = 	snop  }
0x6b: {  	[tilespmem:s29], [sflag:$0x1] =	stream.indirect.gather [hbm4b:s4+s25], $0x10, s28, s25, $0xb8;
	[tilespmem:$0x1B2F8] =	vst v63  }
0x6c: {  	_ = 	snop  }
0x6d: {  	[tilespmem:s31], [sflag:$0x1] =	stream.indirect.gather [hbm4b:s4+s25], $0x10, s30, s25, $0xb8;
	[tilespmem:$0x1B2F8] =	vst v63  }
0x6e: {  	_ = 	snop  }
0x6f: {  	[tilespmem:s5], [sflag:$0x1] =	stream.indirect.gather [hbm4b:s4+s25], $0x10, s0, s25, $0xb8;
	[tilespmem:$0x1B2F8] =	vst v63  }
0x70: {  	_ =	swait.ge [sflag:s18], $0x800  }
0x71: {  	[sflag:s18] =	ssyncset.done $0x0  }
0x72: {  	[sflag:s18] =	ssyncadd.s32 $0xFFFFF800  }
0x73: {  	_ =	swait.ge [sflag:s18], $0x800  }
0x74: {  	[sflag:s18] =	ssyncset.done $0x0  }
0x75: {  	[sflag:s18] =	ssyncadd.s32 $0xFFFFF800  }
0x76: {  	_ =	swait.ge [sflag:s18], $0x800  }
0x77: {  	[sflag:s18] =	ssyncset.done $0x0  }
0x78: {  	[sflag:s18] =	ssyncadd.s32 $0xFFFFF800  }
0x79: {  	_ =	swait.ge [sflag:s18], $0x800  }
0x7a: {  	s24 =	simm.s32 $0x18AC8;
	[sflag:s18] =	ssyncset.done $0x0  }
0x7b: {  	s17 =	simm.s32 $0x19328;
	s14 =	simm.s32 $0xFFFFFFFC;
	[sflag:s18] =	ssyncadd.s32 $0xFFFFF800  }
.LBB2_3:
0x7c: {  	v6 =	vld [tilespmem:s24+$0xFFFFFFE0];
	_ =	sdelay $0x4  }
0x7d: {  	v7 =	vbroadcast v6, $0x0;
	_ =	sdelay $0x1  }
0x7e: {  	v8 =	vbroadcast v6, $0x1;
	v7 =	vmul.f32 v7, v1;
	_ =	sdelay $0x1  }
0x7f: {  	v9 =	vbroadcast v6, $0x2;
	v8 =	vmul.f32 v8, v2;
	v7 =	vadd.f32 v7, v5;
	_ =	sdelay $0x1  }
0x80: {  	v60 =	vbroadcast v6, $0x3;
	v59 =	vmul.f32 v9, v3;
	v7 =	vadd.f32 v7, v8  }
0x81: {  	v10 =	vld [tilespmem:s17+$0xFFFFFF80]  }
0x82: {  	v61 =	vmul.f32 v60, v4;
	v7 =	vadd.f32 v7, v59  }
0x83: {  	v62 =	vbroadcast v6, $0x4  }
0x84: {  	v7 =	vadd.f32 v7, v61  }
0x85: {  	v12 =	vbroadcast v6, $0x5;
	v63 =	vmul.f32 v62, v1  }
0x86: {  	v7 =	vadd.f32 v7, v10  }
0x87: {  	v13 =	vbroadcast v6, $0x6;
	v9 =	vmul.f32 v12, v2;
	v8 =	vadd.f32 v63, v5  }
0x88: {  	v7 =	vmax.f32 v7, $0.0e+00  }
0x89: {  	v15 =	vbroadcast v6, $0x7;
	v14 =	vmul.f32 v13, v3;
	[tilespmem:s17+$0xFFFFFF80] =	vst v7;
	v7 =	vadd.f32 v8, v9  }
0x8a: {  	v16 =	vld [tilespmem:s17+$0xFFFFFF90]  }
0x8b: {  	v17 =	vmul.f32 v15, v4;
	v7 =	vadd.f32 v7, v14  }
0x8c: {  	v18 =	vbroadcast v6, $0x8  }
0x8d: {  	v7 =	vadd.f32 v7, v17  }
0x8e: {  	v20 =	vbroadcast v6, $0x9;
	v19 =	vmul.f32 v18, v1  }
0x8f: {  	v7 =	vadd.f32 v7, v16  }
0x90: {  	v21 =	vbroadcast v6, $0xA;
	v8 =	vadd.f32 v19, v5;
	v9 =	vmul.f32 v20, v2  }
0x91: {  	v7 =	vmax.f32 v7, $0.0e+00  }
0x92: {  	v23 =	vbroadcast v6, $0xB;
	v22 =	vmul.f32 v21, v3;
	[tilespmem:s17+$0xFFFFFF90] =	vst v7;
	v7 =	vadd.f32 v8, v9  }
0x93: {  	v24 =	vld [tilespmem:s17+$0xFFFFFFA0]  }
0x94: {  	v25 =	vmul.f32 v23, v4;
	v7 =	vadd.f32 v7, v22  }
0x95: {  	v26 =	vbroadcast v6, $0xC  }
0x96: {  	v7 =	vadd.f32 v7, v25  }
0x97: {  	v28 =	vbroadcast v6, $0xD;
	v27 =	vmul.f32 v26, v1  }
0x98: {  	v7 =	vadd.f32 v7, v24  }
0x99: {  	v29 =	vbroadcast v6, $0xE;
	v8 =	vadd.f32 v27, v5;
	v9 =	vmul.f32 v28, v2  }
0x9a: {  	v7 =	vmax.f32 v7, $0.0e+00  }
0x9b: {  	v6 =	vbroadcast v6, $0xF;
	v30 =	vmul.f32 v29, v3;
	[tilespmem:s17+$0xFFFFFFA0] =	vst v7;
	v7 =	vadd.f32 v8, v9  }
0x9c: {  	v31 =	vld [tilespmem:s17+$0xFFFFFFB0]  }
0x9d: {  	v6 =	vmul.f32 v6, v4;
	v7 =	vadd.f32 v7, v30;
	_ =	sdelay $0x1  }
0x9e: {  	v6 =	vadd.f32 v7, v6;
	_ =	sdelay $0x1  }
0x9f: {  	v6 =	vadd.f32 v31, v6;
	_ =	sdelay $0x1  }
0xa0: {  	v6 =	vmax.f32 v6, $0.0e+00  }
0xa1: {  	[tilespmem:s17+$0xFFFFFFB0] =	vst v6  }
0xa2: {  	v6 =	vld [tilespmem:s24+$0xFFFFFFF0];
	_ =	sdelay $0x4  }
0xa3: {  	v7 =	vbroadcast v6, $0x0;
	_ =	sdelay $0x1  }
0xa4: {  	v32 =	vbroadcast v6, $0x1;
	v7 =	vmul.f32 v7, v1;
	_ =	sdelay $0x1  }
0xa5: {  	v33 =	vbroadcast v6, $0x2;
	v8 =	vmul.f32 v32, v2;
	v7 =	vadd.f32 v7, v5;
	_ =	sdelay $0x1  }
0xa6: {  	v35 =	vbroadcast v6, $0x3;
	v34 =	vmul.f32 v33, v3;
	v7 =	vadd.f32 v7, v8  }
0xa7: {  	v36 =	vld [tilespmem:s17+$0xFFFFFFC0]  }
0xa8: {  	v37 =	vmul.f32 v35, v4;
	v7 =	vadd.f32 v7, v34  }
0xa9: {  	v38 =	vbroadcast v6, $0x4  }
0xaa: {  	v7 =	vadd.f32 v7, v37  }
0xab: {  	v40 =	vbroadcast v6, $0x5;
	v39 =	vmul.f32 v38, v1  }
0xac: {  	v7 =	vadd.f32 v7, v36  }
0xad: {  	v41 =	vbroadcast v6, $0x6;
	v9 =	vmul.f32 v40, v2;
	v8 =	vadd.f32 v39, v5  }
0xae: {  	v7 =	vmax.f32 v7, $0.0e+00  }
0xaf: {  	v43 =	vbroadcast v6, $0x7;
	v42 =	vmul.f32 v41, v3;
	[tilespmem:s17+$0xFFFFFFC0] =	vst v7;
	v7 =	vadd.f32 v8, v9  }
0xb0: {  	v44 =	vld [tilespmem:s17+$0xFFFFFFD0]  }
0xb1: {  	v45 =	vmul.f32 v43, v4;
	v7 =	vadd.f32 v7, v42  }
0xb2: {  	v46 =	vbroadcast v6, $0x8  }
0xb3: {  	v7 =	vadd.f32 v7, v45  }
0xb4: {  	v48 =	vbroadcast v6, $0x9;
	v47 =	vmul.f32 v46, v1  }
0xb5: {  	v7 =	vadd.f32 v7, v44  }
0xb6: {  	v49 =	vbroadcast v6, $0xA;
	v8 =	vadd.f32 v47, v5;
	v9 =	vmul.f32 v48, v2  }
0xb7: {  	v7 =	vmax.f32 v7, $0.0e+00  }
0xb8: {  	v51 =	vbroadcast v6, $0xB;
	v50 =	vmul.f32 v49, v3;
	[tilespmem:s17+$0xFFFFFFD0] =	vst v7;
	v7 =	vadd.f32 v8, v9  }
0xb9: {  	v52 =	vld [tilespmem:s17+$0xFFFFFFE0]  }
0xba: {  	v53 =	vmul.f32 v51, v4;
	v7 =	vadd.f32 v7, v50  }
0xbb: {  	v54 =	vbroadcast v6, $0xC  }
0xbc: {  	v7 =	vadd.f32 v7, v53  }
0xbd: {  	v56 =	vbroadcast v6, $0xD;
	v55 =	vmul.f32 v54, v1  }
0xbe: {  	v7 =	vadd.f32 v7, v52  }
0xbf: {  	v57 =	vbroadcast v6, $0xE;
	v8 =	vadd.f32 v55, v5;
	v9 =	vmul.f32 v56, v2  }
0xc0: {  	v7 =	vmax.f32 v7, $0.0e+00  }
0xc1: {  	v6 =	vbroadcast v6, $0xF;
	v58 =	vmul.f32 v57, v3;
	[tilespmem:s17+$0xFFFFFFE0] =	vst v7;
	v7 =	vadd.f32 v8, v9  }
0xc2: {  	v59 =	vld [tilespmem:s17+$0xFFFFFFF0]  }
0xc3: {  	v6 =	vmul.f32 v6, v4;
	v7 =	vadd.f32 v7, v58;
	_ =	sdelay $0x1  }
0xc4: {  	v6 =	vadd.f32 v7, v6;
	_ =	sdelay $0x1  }
0xc5: {  	v6 =	vadd.f32 v59, v6;
	_ =	sdelay $0x1  }
0xc6: {  	v6 =	vmax.f32 v6, $0.0e+00  }
0xc7: {  	[tilespmem:s17+$0xFFFFFFF0] =	vst v6  }
0xc8: {  	v6 =	vld [tilespmem:s24+$0x0];
	_ =	sdelay $0x4  }
0xc9: {  	v7 =	vbroadcast v6, $0x0;
	_ =	sdelay $0x1  }
0xca: {  	v60 =	vbroadcast v6, $0x1;
	v7 =	vmul.f32 v7, v1;
	_ =	sdelay $0x1  }
0xcb: {  	v61 =	vbroadcast v6, $0x2;
	v8 =	vmul.f32 v60, v2;
	v7 =	vadd.f32 v7, v5;
	_ =	sdelay $0x1  }
0xcc: {  	v63 =	vbroadcast v6, $0x3;
	v62 =	vmul.f32 v61, v3;
	v7 =	vadd.f32 v7, v8  }
0xcd: {  	v12 =	vld [tilespmem:s17+$0x0]  }
0xce: {  	v13 =	vmul.f32 v63, v4;
	v7 =	vadd.f32 v7, v62  }
0xcf: {  	v14 =	vbroadcast v6, $0x4  }
0xd0: {  	v7 =	vadd.f32 v7, v13  }
0xd1: {  	v16 =	vbroadcast v6, $0x5;
	v15 =	vmul.f32 v14, v1  }
0xd2: {  	v7 =	vadd.f32 v7, v12  }
0xd3: {  	v17 =	vbroadcast v6, $0x6;
	v9 =	vmul.f32 v16, v2;
	v8 =	vadd.f32 v15, v5  }
0xd4: {  	v7 =	vmax.f32 v7, $0.0e+00  }
0xd5: {  	v19 =	vbroadcast v6, $0x7;
	v18 =	vmul.f32 v17, v3;
	[tilespmem:s17+$0x0] =	vst v7;
	v7 =	vadd.f32 v8, v9  }
0xd6: {  	v20 =	vld [tilespmem:s17+$0x10]  }
0xd7: {  	v21 =	vmul.f32 v19, v4;
	v7 =	vadd.f32 v7, v18  }
0xd8: {  	v22 =	vbroadcast v6, $0x8  }
0xd9: {  	v7 =	vadd.f32 v7, v21  }
0xda: {  	v24 =	vbroadcast v6, $0x9;
	v23 =	vmul.f32 v22, v1  }
0xdb: {  	v7 =	vadd.f32 v7, v20  }
0xdc: {  	v25 =	vbroadcast v6, $0xA;
	v8 =	vadd.f32 v23, v5;
	v9 =	vmul.f32 v24, v2  }
0xdd: {  	v7 =	vmax.f32 v7, $0.0e+00  }
0xde: {  	v27 =	vbroadcast v6, $0xB;
	v26 =	vmul.f32 v25, v3;
	[tilespmem:s17+$0x10] =	vst v7;
	v7 =	vadd.f32 v8, v9  }
0xdf: {  	v28 =	vld [tilespmem:s17+$0x20]  }
0xe0: {  	v29 =	vmul.f32 v27, v4;
	v7 =	vadd.f32 v7, v26  }
0xe1: {  	v30 =	vbroadcast v6, $0xC  }
0xe2: {  	v7 =	vadd.f32 v7, v29  }
0xe3: {  	v32 =	vbroadcast v6, $0xD;
	v31 =	vmul.f32 v30, v1  }
0xe4: {  	v7 =	vadd.f32 v7, v28  }
0xe5: {  	v33 =	vbroadcast v6, $0xE;
	v8 =	vadd.f32 v31, v5;
	v9 =	vmul.f32 v32, v2  }
0xe6: {  	v7 =	vmax.f32 v7, $0.0e+00  }
0xe7: {  	v6 =	vbroadcast v6, $0xF;
	v34 =	vmul.f32 v33, v3;
	[tilespmem:s17+$0x20] =	vst v7;
	v7 =	vadd.f32 v8, v9  }
0xe8: {  	v35 =	vld [tilespmem:s17+$0x30]  }
0xe9: {  	v6 =	vmul.f32 v6, v4;
	v7 =	vadd.f32 v7, v34;
	_ =	sdelay $0x1  }
0xea: {  	v6 =	vadd.f32 v7, v6;
	_ =	sdelay $0x1  }
0xeb: {  	v6 =	vadd.f32 v35, v6;
	_ =	sdelay $0x1  }
0xec: {  	v6 =	vmax.f32 v6, $0.0e+00  }
0xed: {  	[tilespmem:s17+$0x30] =	vst v6  }
0xee: {  	v6 =	vld [tilespmem:s24+$0x10];
	_ =	sdelay $0x4  }
0xef: {  	v7 =	vbroadcast v6, $0x0;
	_ =	sdelay $0x1  }
0xf0: {  	v36 =	vbroadcast v6, $0x1;
	v7 =	vmul.f32 v7, v1;
	_ =	sdelay $0x1  }
0xf1: {  	v37 =	vbroadcast v6, $0x2;
	v8 =	vmul.f32 v36, v2;
	v7 =	vadd.f32 v7, v5;
	_ =	sdelay $0x1  }
0xf2: {  	v39 =	vbroadcast v6, $0x3;
	v38 =	vmul.f32 v37, v3;
	v7 =	vadd.f32 v7, v8  }
0xf3: {  	v40 =	vld [tilespmem:s17+$0x40]  }
0xf4: {  	v41 =	vmul.f32 v39, v4;
	v7 =	vadd.f32 v7, v38  }
0xf5: {  	v42 =	vbroadcast v6, $0x4  }
0xf6: {  	v7 =	vadd.f32 v7, v41  }
0xf7: {  	v44 =	vbroadcast v6, $0x5;
	v43 =	vmul.f32 v42, v1  }
0xf8: {  	v7 =	vadd.f32 v7, v40  }
0xf9: {  	v45 =	vbroadcast v6, $0x6;
	v9 =	vmul.f32 v44, v2;
	v8 =	vadd.f32 v43, v5  }
0xfa: {  	v7 =	vmax.f32 v7, $0.0e+00  }
0xfb: {  	v47 =	vbroadcast v6, $0x7;
	v46 =	vmul.f32 v45, v3;
	[tilespmem:s17+$0x40] =	vst v7;
	v7 =	vadd.f32 v8, v9  }
0xfc: {  	v48 =	vld [tilespmem:s17+$0x50]  }
0xfd: {  	v49 =	vmul.f32 v47, v4;
	v7 =	vadd.f32 v7, v46  }
0xfe: {  	v50 =	vbroadcast v6, $0x8  }
0xff: {  	v7 =	vadd.f32 v7, v49  }
0x100: {  	v52 =	vbroadcast v6, $0x9;
	v51 =	vmul.f32 v50, v1  }
0x101: {  	v7 =	vadd.f32 v7, v48  }
0x102: {  	v53 =	vbroadcast v6, $0xA;
	v8 =	vadd.f32 v51, v5;
	v9 =	vmul.f32 v52, v2  }
0x103: {  	v7 =	vmax.f32 v7, $0.0e+00  }
0x104: {  	v55 =	vbroadcast v6, $0xB;
	v54 =	vmul.f32 v53, v3;
	[tilespmem:s17+$0x50] =	vst v7;
	v7 =	vadd.f32 v8, v9  }
0x105: {  	v56 =	vld [tilespmem:s17+$0x60]  }
0x106: {  	v57 =	vmul.f32 v55, v4;
	v7 =	vadd.f32 v7, v54  }
0x107: {  	v58 =	vbroadcast v6, $0xC  }
0x108: {  	v7 =	vadd.f32 v7, v57  }
0x109: {  	v60 =	vbroadcast v6, $0xD;
	v59 =	vmul.f32 v58, v1  }
0x10a: {  	v7 =	vadd.f32 v7, v56  }
0x10b: {  	v61 =	vbroadcast v6, $0xE;
	v8 =	vadd.f32 v59, v5;
	v9 =	vmul.f32 v60, v2  }
0x10c: {  	v7 =	vmax.f32 v7, $0.0e+00  }
0x10d: {  	v6 =	vbroadcast v6, $0xF;
	v62 =	vmul.f32 v61, v3;
	[tilespmem:s17+$0x60] =	vst v7;
	v7 =	vadd.f32 v8, v9  }
0x10e: {  	v63 =	vld [tilespmem:s17+$0x70]  }
0x10f: {  	v6 =	vmul.f32 v6, v4;
	v7 =	vadd.f32 v7, v62  }
0x110: {  	s14 =	sadd.s32 $0x4, s14  }
0x111: {  	p1 =	slt.u32 s14, $0x7C;
	v6 =	vadd.f32 v7, v6  }
.Ltmp0:
0x112: {  	_ = 	snop;
	(pc) =	sbr.rel @p1 .LBB2_3-.Ltmp0, $3  }
0x113: {  	v6 =	vadd.f32 v63, v6;
	_ =	sdelay $0x1  }
0x114: {  	v6 =	vmax.f32 v6, $0.0e+00  }
0x115: {  	s24 =	sadd.s32 $0x40, s24;
	[tilespmem:s17+$0x70] =	vst v6;
	s17 =	sadd.s32 $0x100, s17  }
0x116: {  	[spmem:s2] =	stream.indirect.scatter.add.f32 [tilespmem:s26], [sflag:$0x2], $0x10, s22, s25, $0xb8;
	[tilespmem:$0x1B2F8] =	vst v63  }
0x117: {  	_ = 	snop  }
0x118: {  	[spmem:s2] =	stream.indirect.scatter.add.f32 [tilespmem:s29], [sflag:$0x2], $0x10, s20, s25, $0xb8;
	[tilespmem:$0x1B2F8] =	vst v63  }
0x119: {  	_ = 	snop  }
0x11a: {  	[spmem:s2] =	stream.indirect.scatter.add.f32 [tilespmem:s31], [sflag:$0x2], $0x10, s1, s25, $0xb8;
	[tilespmem:$0x1B2F8] =	vst v63  }
0x11b: {  	_ = 	snop  }
0x11c: {  	[spmem:s2] =	stream.indirect.scatter.add.f32 [tilespmem:s5], [sflag:$0x2], $0x10, s9, s25, $0xb8;
	[tilespmem:$0x1B2F8] =	vst v63  }
0x11d: {  	_ =	swait.ge [sflag:s10], $0x800  }
0x11e: {  	[sflag:s10] =	ssyncset.done $0x0  }
0x11f: {  	[sflag:s10] =	ssyncadd.s32 $0xFFFFF800  }
0x120: {  	_ =	swait.ge [sflag:s10], $0x800  }
0x121: {  	[sflag:s10] =	ssyncset.done $0x0  }
0x122: {  	s13 =	sadd.s32 $0x1, s13;
	[sflag:s10] =	ssyncadd.s32 $0xFFFFF800  }
0x123: {  	p1 =	sne.s32 s13, $0xC4;
	_ =	swait.ge [sflag:s10], $0x800  }
.Ltmp1:
0x124: {  	[sflag:s10] =	ssyncset.done $0x0;
	(pc) =	sbr.rel @p1 .LBB2_2-.Ltmp1, $4  }
0x125: {  	[sflag:s10] =	ssyncadd.s32 $0xFFFFF800  }
0x126: {  	_ =	swait.ge [sflag:s10], $0x800  }
0x127: {  	[sflag:s10] =	ssyncset.done $0x0  }
0x128: {  	[sflag:s10] =	ssyncadd.s32 $0xFFFFF800  }
0x129: {  	[bflag:$0x0] =	sbarrier.arrive $0xFFFF  }
0x12a: {  	s13 =	simm.s32 @p0 $0x1FC3;
	s14 =	rddreg [dreg:$0x7]  }
0x12b: {  	[hbm:s14], [sflag:s13] =	dma.local @p0 [spmem:s15], $0x3020  }
0x12c: {  	s13 =	simm.s32 @p0 $0x3  }
0x12d: {  	_ =	swait.ge @p0 [sflag:s13], $0x3020  }
0x12e: {  	[sflag:s13] =	ssyncset.done @p0 $0x0;
	s14 =	rddreg [dreg:$0xa]  }
0x12f: {  	[sflag:s13] =	ssyncadd.s32 @p0 $0xFFFFCFE0;
	s13 =	rddreg [dreg:$0x6]  }
0x130: {  	[hbm:s13], [sflag:s16] =	dma.local @!p0 [spmem:s14], $0x30E0  }
0x131: {  	s13 =	simm.s32 @!p0 $0x3  }
0x132: {  	_ =	swait.ge @!p0 [sflag:s13], $0x30E0  }
0x133: {  	s12 =	sadd.s32 $0x1, s12;
	s24 =	rddreg [dreg:$0x8]  }
0x134: {  	p1 =	sne.s32 s12, s24  }
.Ltmp2:
0x135: {  	_ = 	snop;
	(pc) =	sbr.rel @p1 .LBB2_1-.Ltmp2, $3  }
0x136: {  	_ =	sdelay $0x1  }
0x137: {  	[sflag:s13] =	ssyncset.done @!p0 $0x0  }
0x138: {  	[sflag:s13] =	ssyncadd.s32 @!p0 $0xFFFFCF20  }
0x139: {  	_ =	sfence.sel $0x180000  }
0x13a: {  	[bflag:$0x0] =	sbarrier.arrive $0xFFFF  }
0x13b: {  	_ =	strace $0x90000047  }
0x13c: {  	s0 =	stileid.u32;
	[bflag:$0x2] =	sbarrier.arrive $0xFFFF  }
0x13d: {  	p0 =	sne.s32 s0, $0x0;
	s0 =	rddreg [dreg:$0x3]  }
0x13e: {  	s0 =	sadd.s32 @!p0 $0x100000, s0  }
0x13f: {  	[sflag:s0] =	ssyncadd.tile.s32 @!p0 $0x1;
	_ =	shalt  }
.Lfunc_end2:
_tile_overlayer_lowered:
.L_overlay_start_2:
0x140: {  	(tag) =	ssettag $0x2  }
0x141: {  	s0 =	rddreg [dreg:$0x0];
	s2 =	stileid.u32  }
0x142: {  	s1 =	rddreg [dreg:$0x1];
	p0 =	sne.s32 s2, $0x0  }
0x143: {  	s3 =	rddreg [dreg:$0x2];
	[bflag:$0x3] =	sbarrier.arrive $0xFFFF;
	s2 =	simm.s32 @!p0 $0x1C03  }
0x144: {  	[timem:s3], [sflag:s2] =	dma.local @!p0 [hbm:s0], s1  }
0x145: {  	s0 =	simm.s32 @!p0 $0x3  }
0x146: {  	_ =	swait.ge @!p0 [sflag:s0], s1  }
0x147: {  	s1 =	ssub.s32 @!p0 $0x0, s1;
	[sflag:s0] =	ssyncset.done @!p0 $0x0  }
0x148: {  	[sflag:s0] =	ssyncadd.s32 @!p0 s1  }
0x149: {  	[bflag:$0x3] =	sbarrier.arrive $0xFFFF  }
0x14a: {  	_ =	shalt  }

// kernel: kernel.15.cloned.1.call-start
scs
__scs_entry_jumppad:
0x0: {  	(pc) =	sbr.rel $0x88, $3  }
0x1: {  	(tag) =	ssettag $0x0;
	lr =	simm.s32 $0x1  }
0x2: {  	[smem:$0x3F91] =	sst lr;
	_ =	strace $0xD0000000  }
0x3: {  	_ = 	snop  }
0x4: {  	_ = 	snop  }
0x5: {  	_ = 	snop  }
0x6: {  	_ = 	snop  }
0x7: {  	_ = 	snop  }
__scs_overlays_trampoline_lowered:
0x8: {  	[smem:$0x3FA0] =	sst s0  }
0x9: {  	[smem:$0x3FA1] =	sst s1  }
0xa: {  	[smem:$0x3FA2] =	sst s2  }
0xb: {  	[smem:$0x3FA3] =	sst s3  }
0xc: {  	[smem:$0x3FA4] =	sst s4  }
0xd: {  	[smem:$0x3FA5] =	sst s5  }
0xe: {  	[smem:$0x3FA6] =	sst s6  }
0xf: {  	[smem:$0x3FA7] =	sst s7  }
0x10: {  	[smem:$0x3FA8] =	sst s8  }
0x11: {  	[smem:$0x3FA9] =	sst s9;
	s0 =	simm.s32 @!p0 $0x0  }
0x12: {  	s1 =	sld [smem:$0x3F8F];
	s0 =	simm.s32 @p0 $0x1  }
0x13: {  	[smem:$0x3FAA] =	sst s0;
	s0 =	simm.s32 @!p1 $0x0  }
0x14: {  	s2 =	sld [smem:$0x3F8E];
	s0 =	simm.s32 @p1 $0x1  }
0x15: {  	[smem:$0x3FAB] =	sst s0;
	s0 =	simm.s32 @!p2 $0x0  }
0x16: {  	s3 =	sld [smem:$0x3FDB];
	s0 =	simm.s32 @p2 $0x1  }
0x17: {  	s4 =	simm.s32 $0x1BF5;
	[smem:$0x3FAD] =	sst s0  }
0x18: {  	s0 =	sld [smem:$0x3F90];
	_ =	swait.ge [sflag:s4], $0x0  }
0x19: {  	s7 =	sld [smem:$0x3F91]  }
0x1a: {  	s8 =	sadd.s32 $0xFFFFE003, lr  }
0x1b: {  	s9 =	sadd.s32 $0xFFFFFEF7, lr;
	s5 =	simm.s32 $0xFFFFFFFF;
	p2 =	slt.u32 s8, $0xFFFFF086  }
0x1c: {  	p1 =	slt.u32 s9, $0xF7A;
	s5 =	simm.s32 @!p2 $0x0  }
0x1d: {  	s5 =	simm.s32 @p1 $0x1;
	p0 =	seq.s32 s7, s2  }
0x1e: {  	s7 =	smul.u32 @!p0 $0xF7A, s2;
	p2 =	seq.s32 @!p0 s5, $0x0  }
0x1f: {  	s9 =	smul.u32 $0xF7A, s1;
	s8 =	simm.s32 @!p0 $0x1BF5;
	p2 =	por !p2, p0  }
0x20: {  	[sflag:s8] =	ssyncset.s32 @!p0 $0xFFFFF086;
	s6 =	sadd.s32 @!p0 s3, s7;
	s7 =	simm.s32 @!p0 $0x108  }
0x21: {  	s3 =	sadd.s32 s3, s9;
	s6 =	sadd.s32 @!p0 $0x88, s6;
	s7 =	simm.s32 @p2 $0x1082  }
0x22: {  	[simem:s7], [sflag:s8] =	dma.local @!p0 [hbm:s6], $0xF7A  }
0x23: {  	s9 =	sor.u32 $0xD0000000, s2;
	s6 =	simm.s32 $0x108;
	_ =	swait.ge @!p0 [sflag:s8], $0x0  }
0x24: {  	s3 =	sadd.s32 $0x88, s3;
	s6 =	simm.s32 @!p1 $0x1082;
	[sflag:s4] =	ssyncset.s32 $0xFFFFF086  }
0x25: {  	[simem:s6], [sflag:s4] =	dma.local [hbm:s3], $0xF7A  }
0x26: {  	[smem:$0x3F91] =	sst s1;
	(tag) =	ssettag s2;
	_ =	strace s9  }
0x27: {  	s1 =	sld [smem:$0x3FA1]  }
0x28: {  	s2 =	sld [smem:$0x3FA2]  }
0x29: {  	s4 =	sld [smem:$0x3FA4]  }
0x2a: {  	p0 =	seq.s32 s5, $0x0;
	s5 =	sld [smem:$0x3FA5]  }
0x2b: {  	s6 =	sld [smem:$0x3FA6]  }
0x2c: {  	s7 =	sld [smem:$0x3FA7]  }
0x2d: {  	s3 =	simm.s32 $0x108;
	s8 =	sld [smem:$0x3FA8]  }
0x2e: {  	s3 =	simm.s32 @!p0 $0x1082;
	s9 =	sld [smem:$0x3FA9]  }
0x2f: {  	lr =	sadd.s32 s0, s3;
	s0 =	sld [smem:$0x3FA0]  }
0x30: {  	s3 =	sld [smem:$0x3FA3]  }
0x31: {  	[smem:$0x3FAC] =	sst s10  }
0x32: {  	s10 =	sld [smem:$0x3FAA];
	_ =	sdelay $0x3  }
0x33: {  	p0 =	seq.s32 s10, $0x1;
	s10 =	sld [smem:$0x3FAC];
	_ =	sdelay $0x3  }
0x34: {  	[smem:$0x3FAC] =	sst s10  }
0x35: {  	s10 =	sld [smem:$0x3FAB];
	_ =	sdelay $0x3  }
0x36: {  	p1 =	seq.s32 s10, $0x1;
	s10 =	sld [smem:$0x3FAC];
	_ =	sdelay $0x3  }
0x37: {  	[smem:$0x3FAC] =	sst s10  }
0x38: {  	s10 =	sld [smem:$0x3FAD]  }
0x39: {  	_ = 	snop;
	(pc) =	sbr.ind lr, $3  }
0x3a: {  	_ = 	snop  }
0x3b: {  	_ = 	snop  }
0x3c: {  	p2 =	seq.s32 s10, $0x1;
	s10 =	sld [smem:$0x3FAC]  }
0x3d: {  	_ =	shalt  }
0x3e: {  	_ =	shalt  }
0x3f: {  	_ =	shalt  }
0x40: {  	_ =	shalt  }
0x41: {  	_ =	shalt  }
0x42: {  	_ =	shalt  }
0x43: {  	_ =	shalt  }
0x44: {  	_ =	shalt  }
0x45: {  	_ =	shalt  }
0x46: {  	_ =	shalt  }
0x47: {  	_ =	shalt  }
0x48: {  	_ =	shalt  }
0x49: {  	_ =	shalt  }
0x4a: {  	_ =	shalt  }
0x4b: {  	_ =	shalt  }
0x4c: {  	_ =	shalt  }
0x4d: {  	_ =	shalt  }
0x4e: {  	_ =	shalt  }
0x4f: {  	_ =	shalt  }
0x50: {  	_ =	shalt  }
0x51: {  	_ =	shalt  }
0x52: {  	_ =	shalt  }
0x53: {  	_ =	shalt  }
0x54: {  	_ =	shalt  }
0x55: {  	_ =	shalt  }
0x56: {  	_ =	shalt  }
0x57: {  	_ =	shalt  }
0x58: {  	_ =	shalt  }
0x59: {  	_ =	shalt  }
0x5a: {  	_ =	shalt  }
0x5b: {  	_ =	shalt  }
0x5c: {  	_ =	shalt  }
0x5d: {  	_ =	shalt  }
0x5e: {  	_ =	shalt  }
0x5f: {  	_ =	shalt  }
0x60: {  	_ =	shalt  }
0x61: {  	_ =	shalt  }
0x62: {  	_ =	shalt  }
0x63: {  	_ =	shalt  }
0x64: {  	_ =	shalt  }
0x65: {  	_ =	shalt  }
0x66: {  	_ =	shalt  }
0x67: {  	_ =	shalt  }
0x68: {  	_ =	shalt  }
0x69: {  	_ =	shalt  }
0x6a: {  	_ =	shalt  }
0x6b: {  	_ =	shalt  }
0x6c: {  	_ =	shalt  }
0x6d: {  	_ =	shalt  }
0x6e: {  	_ =	shalt  }
0x6f: {  	_ =	shalt  }
0x70: {  	_ =	shalt  }
0x71: {  	_ =	shalt  }
0x72: {  	_ =	shalt  }
0x73: {  	_ =	shalt  }
0x74: {  	_ =	shalt  }
0x75: {  	_ =	shalt  }
0x76: {  	_ =	shalt  }
0x77: {  	_ =	shalt  }
0x78: {  	_ =	shalt  }
0x79: {  	_ =	shalt  }
0x7a: {  	_ =	shalt  }
0x7b: {  	_ =	shalt  }
0x7c: {  	_ =	shalt  }
0x7d: {  	_ =	shalt  }
0x7e: {  	_ =	shalt  }
0x7f: {  	_ =	shalt  }
0x80: {  	_ =	shalt  }
0x81: {  	_ =	shalt  }
0x82: {  	_ =	shalt  }
0x83: {  	_ =	shalt  }
0x84: {  	_ =	shalt  }
0x85: {  	_ =	shalt  }
0x86: {  	_ =	shalt  }
0x87: {  	_ =	shalt  }
.Lfunc_end0:
.L_simem_size_0:
called_computation.1_lowered:
.L_overlay_start_0:
0x88: {  	s2 =	sld [smem:$0x3FD9]  }
0x89: {  	s3 =	sld [smem:$0x3FFE];
	_ =	sdelay $0x1  }
0x8a: {  	s1 =	srdreg.scid  }
0x8b: {  	s0 =	sand.u32 $0x1, s1  }
0x8c: {  	s17 =	sshll.u32 s0, $0xA;
	s2 =	sadd.s32 s3, s2  }
0x8d: {  	s2 =	sadd.s32 s2, s17  }
0x8e: {  	[smem:$0x3FB8] =	sst s2  }
0x8f: {  	_ = 	snop  }
0x90: {  	s2 =	sld [smem:$0x3FD0];
	(tm) =	ssettm $0x1  }
0x91: {  	s18 =	sld [smem:$0x3FFB];
	_ =	sdelay $0x3  }
0x92: {  	_ =	strace s18  }
0x93: {  	s3 =	sld [smem:$0x3FFC];
	_ =	sdelay $0x3  }
0x94: {  	_ =	strace s3  }
0x95: {  	s3 =	sld [smem:$0x3FFD];
	_ =	sdelay $0x3  }
0x96: {  	_ =	strace s3  }
0x97: {  	_ =	strace $0x8FFFFFFF  }
0x98: {  	s19 =	sld [smem:$0x3FDB];
	_ =	sdelay $0x1  }
0x99: {  	s4 =	simm.s32 $_scs_section_size  }
0x9a: {  	s5 =	simm.s32 $_size__tile_overlayer_lowered;
	s6 =	simm.s32 $_tile_overlayer_lowered  }
0x9b: {  	s22 =	simm.s32 $0x1BFF;
	s21 =	sshll.u32 s6, $0x1;
	s3 =	sadd.s32 s4, s19  }
0x9c: {  	s7 =	simm.s32 $0x0;
	s20 =	sshll.u32 s5, $0x1;
	s5 =	sadd.s32 s21, s3  }
0x9d: {  	[timem:s7], [sflag:s22] =	dma.local [hbm:s5], s20  }
0x9e: {  	_ =	swait.ge [sflag:s22], s20  }
0x9f: {  	s4 =	ssub.s32 $0x0, s20;
	[sflag:s22] =	ssyncset.done $0x0  }
0xa0: {  	[sflag:s22] =	ssyncadd.s32 s4;
	_ =	sdelay $0x1  }
0xa1: {  	s23 =	simm.s32 $0x1B8B  }
0xa2: {  	_ =	swait.ge [sflag:s23], $0x1  }
0xa3: {  	[sflag:s23] =	ssyncset.done $0x0  }
0xa4: {  	s25 =	simm.s32 $0x1B8E;
	s24 =	sld [smem:$0x3FFE];
	[sflag:s23] =	ssyncadd.s32 $0xFFFFFFFF  }
0xa5: {  	s26 =	simm.s32 $execute0_lowered;
	[smem:$0x3FD2] =	sst s25  }
0xa6: {  	s5 =	sshll.u32 s26, $0x1;
	_ =	strace $0x80000049;
	[dreg:$0x1] =	wrdreg $0xFFFFFFFF  }
0xa7: {  	s28 =	simm.s32 $_size_execute0_lowered;
	s3 =	sadd.s32 s3, s5;
	[dreg:$0x0] =	wrdreg $0x0  }
0xa8: {  	s5 =	sshll.u32 s28, $0x1;
	[dreg:$0x2] =	wrdreg s3  }
0xa9: {  	[dreg:$0x3] =	wrdreg s5  }
0xaa: {  	[dreg:$0x4] =	wrdreg $0xC0  }
0xab: {  	_ =	task [dreg:s7], $0x5FFFF  }
0xac: {  	[dreg:$0x1] =	wrdreg $0xFFFFFFFF  }
0xad: {  	[dreg:$0x0] =	wrdreg $0x60  }
0xae: {  	[dreg:$0x2] =	wrdreg s24  }
0xaf: {  	[dreg:$0x3] =	wrdreg s2  }
0xb0: {  	[dreg:$0x4] =	wrdreg $0x0  }
0xb1: {  	[dreg:$0x5] =	wrdreg $0x9  }
0xb2: {  	_ =	task.clear_ibuf [dreg:s7], $0x6FFFF;
	_ =	strace $0x90000049  }
0xb3: {  	s29 =	simm.s32 $0x9;
	_ =	strace $0x8000004B  }
0xb4: {  	_ =	swait.ge [sflag:s29], $0x1  }
0xb5: {  	[sflag:s29] =	ssyncadd.s32 $0xFFFFFFFF  }
0xb6: {  	_ =	strace $0x9000004B  }
0xb7: {  	_ =	sfence  }
0xb8: {  	s30 =	sld [smem:$0x0];
	_ =	sdelay $0x2  }
0xb9: {  	s31 =	sshll.u32 s1, $0xD;
	s1 =	sshrl.u32 s1, $0x2  }
0xba: {  	s3 =	sand.u32 $0x4000, s31;
	s1 =	sadd.s32 s1, s30  }
0xbb: {  	s0 =	sor.u32 s3, s0;
	s1 =	sshll.u32 s1, $0x11  }
0xbc: {  	s0 =	sor.u32 s1, s0  }
0xbd: {  	s0 =	sadd.s32 $0x8F2B, s0  }
0xbe: {  	[sflag:s0] =	ssyncadd.remote.s32 $0x1  }
0xbf: {  	_ =	sfence.sel $0xFFFF  }
0xc0: {  	[dreg:$0x0] =	wrdreg $0xFFFFFFFF;
	(pc) =	sbr.abs _section_cstart, $3  }
0xc1: {  	[dreg:$0x1] =	wrdreg $0xFFFFFFFF  }
0xc2: {  	_ =	task.clear_ibuf [dreg:s7], $0x2FFFF;
	_ =	strace $0x9FFFFFFF  }
0xc3: {  	(tm) =	ssettm $0x7FFFFFFF  }
tec
execute0_lowered:
.L_overlay_start_1:
0x0: {  	(tag) =	ssettag $0x1  }
0x1: {  	s0 =	rddreg [dreg:$0x0]  }
0x2: {  	s2 =	rddreg [dreg:$0x2]  }
0x3: {  	s3 =	simm.s32 $0x0;
	s1 =	srdreg.scid;
	s16 =	stileid.u32  }
0x4: {  	s19 =	simm.s32 $0x3;
	s21 =	simm.s32 $0x186A8;
	s28 =	simm.s32 $0x18728  }
0x5: {  	s29 =	simm.s32 $0x19AA8;
	s30 =	simm.s32 $0x187A8;
	s31 =	simm.s32 $0x1A2A8  }
0x6: {  	s18 =	simm.s32 $0x1;
	s20 =	simm.s32 $0x18928;
	[smem:$0x7FF] =	sst s3  }
0x7: {  	s4 =	sadd.s32 $0xAC00, s0;
	s6 =	sadd.s32 $0x192000, s0;
	s9 =	sand.u32 $0x1, s1  }
0x8: {  	s7 =	sadd.s32 $0x131000, s0;
	s8 =	sadd.s32 $0x6CA00, s0;
	s5 =	smul.u32 $0x61C00, s16  }
0x9: {  	s14 =	smul.u32 $0x18700, s16;
	s15 =	sadd.s32 $0x16E900, s2;
	p0 =	seq.s32 s16, $0xF  }
0xa: {  	_ =	strace $0x8000004A;
	s1 =	sshll.u32 s9, $0x3;
	s10 =	sshll.u32 s9, $0x1  }
0xb: {  	s11 =	ssub.s32 $0x2, s9;
	s12 =	smul.u32 $0x186A00, s9;
	s15 =	sshrl.u32 @p0 s15, $0x3  }
0xc: {  	v0 =	vmov s9;
	s9 =	simm.s32 $0x18A28;
	s1 =	sadd.s32 s1, s0;
	s10 =	sadd.s32 s10, s0  }
0xd: {  	s13 =	sshrl.u32 s11, $0x1;
	s0 =	sadd.s32 $0x1C3000, s0;
	s5 =	sshrl.u32 s5, $0x2  }
0xe: {  	s13 =	ssub.s32 s11, s13;
	s5 =	sadd.s32 s5, s2;
	s1 =	sadd.s32 $0x163400, s1  }
0xf: {  	s22 =	sadd.s32 s14, s12;
	s23 =	sadd.s32 $0x130C00, s10;
	s11 =	smul.u32 $0x310, s16  }
0x10: {  	s25 =	sshrl.u32 s12, $0x3;
	s10 =	sadd.s32 s14, s2;
	[dreg:$0x4] =	wrdreg s1  }
0x11: {  	s12 =	simm.s32 $0x0;
	[dreg:$0x5] =	wrdreg s23;
	s24 =	sshrl.u32 s22, $0x3  }
0x12: {  	s26 =	smax.u32 s13, $0x1;
	s22 =	simm.s32 $0x188A8;
	s23 =	simm.s32 $0x18AA8  }
0x13: {  	s1 =	sadd.s32 s0, s24;
	s0 =	sadd.s32 s0, s25;
	[dreg:$0x8] =	wrdreg s26  }
0x14: {  	s25 =	simm.s32 $0x80;
	[dreg:$0x6] =	wrdreg s1;
	s0 =	sadd.s32 $0x2DD20, s0  }
0x15: {  	s26 =	simm.s32 $0x192A8;
	[dreg:$0x7] =	wrdreg s0;
	s0 =	sshll.u32 @!p0 s16, $0x6  }
0x16: {  	s1 =	simm.s32 $0x189A8;
	s16 =	sor.u32 @!p0 $0x1C03, s0;
	s0 =	sshrl.u32 @!p0 s5, $0x3  }
0x17: {  	s5 =	simm.s32 $0x1AAA8;
	[dreg:$0x9] =	wrdreg s0;
	s0 =	sshrl.u32 @!p0 s10, $0x3  }
0x18: {  	s10 =	simm.s32 $0x2;
	[dreg:$0xa] =	wrdreg s0;
	s0 =	simm.s32 $0x18828  }
.LBB2_1:
0x19: {  	s13 =	simm.s32 @p0 $0x1FC3;
	s14 =	rddreg [dreg:$0x1]  }
0x1a: {  	[spmem:s15], [sflag:s13] =	dma.local @p0 [hbm:s14], $0x3030  }
0x1b: {  	s13 =	simm.s32 @p0 $0x3  }
0x1c: {  	_ =	swait.ge @p0 [sflag:s13], $0x3030  }
0x1d: {  	[sflag:s13] =	ssyncset.done @p0 $0x0  }
0x1e: {  	[sflag:s13] =	ssyncadd.s32 @p0 $0xFFFFCFD0;
	s13 =	rddreg [dreg:$0x9]  }
0x1f: {  	[spmem:s13], [sflag:s16] =	dma.local @!p0 [hbm:s14], $0x30E0  }
0x20: {  	s13 =	simm.s32 @!p0 $0x3  }
0x21: {  	_ =	swait.ge @!p0 [sflag:s13], $0x30E0  }
0x22: {  	[sflag:s13] =	ssyncset.done @!p0 $0x0  }
0x23: {  	s24 =	simm.s32 $0x1B2A8;
	s17 =	rddreg [dreg:$0x4];
	[sflag:s13] =	ssyncadd.s32 @!p0 $0xFFFFCF20  }
0x24: {  	[tilespmem:s24], [sflag:$0x3] =	stream.linear.gather [hbm4b:s17+s3], $0x40, $0x38;
	[tilespmem:$0x1B2F8] =	vst v63  }
0x25: {  	_ =	swait.ge [sflag:s19], $0x40  }
0x26: {  	[sflag:s19] =	ssyncset.done $0x0  }
0x27: {  	s24 =	simm.s32 $0x1B2E8;
	s17 =	rddreg [dreg:$0x5];
	[sflag:s19] =	ssyncadd.s32 $0xFFFFFFC0  }
0x28: {  	[tilespmem:s24], [sflag:$0x3] =	stream.linear.gather [hbm4b:s17+s3], $0x10, $0x38;
	[tilespmem:$0x1B2F8] =	vst v63  }
0x29: {  	_ =	swait.ge [sflag:s19], $0x10  }
0x2a: {  	[sflag:s19] =	ssyncset.done $0x0  }
0x2b: {  	[sflag:s19] =	ssyncadd.s32 $0xFFFFFFF0  }
0x2c: {  	[bflag:$0x0] =	sbarrier.arrive $0xFFFF  }
0x2d: {  	v1 =	vld [tilespmem:$0x1B2A8]  }
0x2e: {  	v2 =	vld [tilespmem:$0x1B2B8]  }
0x2f: {  	v3 =	vld [tilespmem:$0x1B2C8]  }
0x30: {  	v4 =	vld [tilespmem:$0x1B2D8]  }
0x31: {  	s13 =	simm.s32 $0x0;
	v5 =	vld [tilespmem:$0x1B2E8]  }
.LBB2_2:
0x32: {  	s14 =	sshll.u32 s13, $0x2  }
0x33: {  	s14 =	sadd.s32 s11, s14  }
0x34: {  	s17 =	sshll.u32 s14, $0x4  }
0x35: {  	s24 =	sadd.s32 s6, s17  }
0x36: {  	[tilespmem:s21], [sflag:$0x3] =	stream.linear.gather [hbm4b:s24+s3], $0x200, $0x38;
	[tilespmem:$0x1B2F8] =	vst v63  }
0x37: {  	_ =	swait.ge [sflag:s19], $0x200  }
0x38: {  	[sflag:s19] =	ssyncset.done $0x0  }
0x39: {  	s17 =	sadd.s32 s7, s17;
	[sflag:s19] =	ssyncadd.s32 $0xFFFFFE00  }
0x3a: {  	[tilespmem:s22], [sflag:$0x3] =	stream.linear.gather [hbm4b:s17+s3], $0x200, $0x38;
	[tilespmem:$0x1B2F8] =	vst v63  }
0x3b: {  	_ =	swait.ge [sflag:s19], $0x200  }
0x3c: {  	s14 =	sshll.u32 s14, $0x6;
	[sflag:s19] =	ssyncset.done $0x0  }
0x3d: {  	s14 =	sadd.s32 s8, s14;
	[sflag:s19] =	ssyncadd.s32 $0xFFFFFE00  }
0x3e: {  	[tilespmem:s23], [sflag:$0x3] =	stream.linear.gather [hbm4b:s14+s3], $0x800, $0x38;
	[tilespmem:$0x1B2F8] =	vst v63  }
0x3f: {  	_ =	swait.ge [sflag:s19], $0x800  }
0x40: {  	[sflag:s19] =	ssyncset.done $0x0  }
0x41: {  	[sflag:s19] =	ssyncadd.s32 $0xFFFFF800  }
0x42: {  	v6 =	vld [tilespmem:$0x186A8]  }
0x43: {  	v7 =	vld [tilespmem:$0x186B8]  }
0x44: {  	v8 =	vld [tilespmem:$0x186C8]  }
0x45: {  	v9 =	vld [tilespmem:$0x186D8]  }
0x46: {  	v10 =	vld [tilespmem:$0x186E8]  }
0x47: {  	v11 =	vld [tilespmem:$0x186F8];
	v6 =	vshll.u32 v6, $0x1  }
0x48: {  	v12 =	vld [tilespmem:$0x18708];
	v7 =	vshll.u32 v7, $0x1;
	v6 =	vor.u32 v0, v6  }
0x49: {  	v39 =	vld [tilespmem:$0x18718];
	[tilespmem:$0x186A8] =	vst v6;
	v6 =	vor.u32 v0, v7;
	v7 =	vshll.u32 v8, $0x1  }
0x4a: {  	v40 =	vld [tilespmem:$0x18728];
	[tilespmem:$0x186B8] =	vst v6;
	v6 =	vor.u32 v0, v7;
	v7 =	vshll.u32 v9, $0x1  }
0x4b: {  	v41 =	vld [tilespmem:$0x18738];
	[tilespmem:$0x186C8] =	vst v6;
	v6 =	vor.u32 v0, v7;
	v7 =	vshll.u32 v10, $0x1  }
0x4c: {  	v42 =	vld [tilespmem:$0x18748];
	[tilespmem:$0x186D8] =	vst v6;
	v6 =	vor.u32 v0, v7;
	v7 =	vshll.u32 v11, $0x1  }
0x4d: {  	v43 =	vld [tilespmem:$0x18758];
	[tilespmem:$0x186E8] =	vst v6;
	v6 =	vor.u32 v0, v7;
	v7 =	vshll.u32 v12, $0x1  }
0x4e: {  	v44 =	vld [tilespmem:$0x18768];
	[tilespmem:$0x186F8] =	vst v6;
	v6 =	vor.u32 v0, v7;
	v7 =	vshll.u32 v39, $0x1  }
0x4f: {  	v45 =	vld [tilespmem:$0x18778];
	[tilespmem:$0x18708] =	vst v6;
	v6 =	vor.u32 v0, v7;
	v7 =	vshll.u32 v40, $0x1  }
0x50: {  	v46 =	vld [tilespmem:$0x18788];
	[tilespmem:$0x18718] =	vst v6;
	v6 =	vor.u32 v0, v7;
	v7 =	vshll.u32 v41, $0x1  }
0x51: {  	v47 =	vld [tilespmem:$0x18798];
	[tilespmem:$0x18728] =	vst v6;
	v6 =	vor.u32 v0, v7;
	v7 =	vshll.u32 v42, $0x1  }
0x52: {  	v48 =	vld [tilespmem:$0x187A8];
	[tilespmem:$0x18738] =	vst v6;
	v6 =	vor.u32 v0, v7;
	v7 =	vshll.u32 v43, $0x1  }
0x53: {  	v49 =	vld [tilespmem:$0x187B8];
	[tilespmem:$0x18748] =	vst v6;
	v6 =	vor.u32 v0, v7;
	v7 =	vshll.u32 v44, $0x1  }
0x54: {  	v50 =	vld [tilespmem:$0x187C8];
	[tilespmem:$0x18758] =	vst v6;
	v6 =	vor.u32 v0, v7;
	v7 =	vshll.u32 v45, $0x1  }
0x55: {  	v51 =	vld [tilespmem:$0x187D8];
	[tilespmem:$0x18768] =	vst v6;
	v6 =	vor.u32 v0, v7;
	v7 =	vshll.u32 v46, $0x1  }
0x56: {  	v52 =	vld [tilespmem:$0x187E8];
	[tilespmem:$0x18778] =	vst v6;
	v6 =	vor.u32 v0, v7;
	v7 =	vshll.u32 v47, $0x1  }
0x57: {  	v53 =	vld [tilespmem:$0x187F8];
	[tilespmem:$0x18788] =	vst v6;
	v6 =	vor.u32 v0, v7;
	v7 =	vshll.u32 v48, $0x1  }
0x58: {  	v54 =	vld [tilespmem:$0x18808];
	[tilespmem:$0x18798] =	vst v6;
	v6 =	vor.u32 v0, v7;
	v7 =	vshll.u32 v49, $0x1  }
0x59: {  	v55 =	vld [tilespmem:$0x18818];
	[tilespmem:$0x187A8] =	vst v6;
	v6 =	vor.u32 v0, v7;
	v7 =	vshll.u32 v50, $0x1  }
0x5a: {  	v56 =	vld [tilespmem:$0x18828];
	[tilespmem:$0x187B8] =	vst v6;
	v6 =	vor.u32 v0, v7;
	v7 =	vshll.u32 v51, $0x1  }
0x5b: {  	v57 =	vld [tilespmem:$0x18838];
	[tilespmem:$0x187C8] =	vst v6;
	v6 =	vor.u32 v0, v7;
	v7 =	vshll.u32 v52, $0x1  }
0x5c: {  	v58 =	vld [tilespmem:$0x18848];
	[tilespmem:$0x187D8] =	vst v6;
	v6 =	vor.u32 v0, v7;
	v7 =	vshll.u32 v53, $0x1  }
0x5d: {  	v59 =	vld [tilespmem:$0x18858];
	[tilespmem:$0x187E8] =	vst v6;
	v6 =	vor.u32 v0, v7;
	v7 =	vshll.u32 v54, $0x1  }
0x5e: {  	v60 =	vld [tilespmem:$0x18868];
	[tilespmem:$0x187F8] =	vst v6;
	v6 =	vor.u32 v0, v7;
	v7 =	vshll.u32 v55, $0x1  }
0x5f: {  	v61 =	vld [tilespmem:$0x18878];
	[tilespmem:$0x18808] =	vst v6;
	v6 =	vor.u32 v0, v7;
	v7 =	vshll.u32 v56, $0x1  }
0x60: {  	v62 =	vld [tilespmem:$0x18888];
	[tilespmem:$0x18818] =	vst v6;
	v6 =	vor.u32 v0, v7;
	v7 =	vshll.u32 v57, $0x1  }
0x61: {  	v63 =	vld [tilespmem:$0x18898];
	[tilespmem:$0x18828] =	vst v6;
	v6 =	vor.u32 v0, v7;
	v7 =	vshll.u32 v58, $0x1  }
0x62: {  	[tilespmem:$0x18838] =	vst v6;
	v6 =	vor.u32 v0, v7;
	v7 =	vshll.u32 v59, $0x1  }
0x63: {  	[tilespmem:$0x18848] =	vst v6;
	v6 =	vor.u32 v0, v7;
	v7 =	vshll.u32 v60, $0x1  }
0x64: {  	[tilespmem:$0x18858] =	vst v6;
	v6 =	vor.u32 v0, v7;
	v7 =	vshll.u32 v61, $0x1  }
0x65: {  	[tilespmem:$0x18868] =	vst v6;
	v6 =	vor.u32 v0, v7;
	v7 =	vshll.u32 v62, $0x1  }
0x66: {  	[tilespmem:$0x18878] =	vst v6;
	v6 =	vor.u32 v0, v7;
	v7 =	vshll.u32 v63, $0x1  }
0x67: {  	[tilespmem:$0x18888] =	vst v6;
	v6 =	vor.u32 v0, v7  }
0x68: {  	[tilespmem:$0x18898] =	vst v6  }
0x69: {  	[tilespmem:s26], [sflag:$0x1] =	stream.indirect.gather [hbm4b:s4+s25], $0x10, s21, s25, $0xb8;
	[tilespmem:$0x1B2F8] =	vst v63  }
0x6a: {  	_ = 	snop  }
0x6b: {  	[tilespmem:s29], [sflag:$0x1] =	stream.indirect.gather [hbm4b:s4+s25], $0x10, s28, s25, $0xb8;
	[tilespmem:$0x1B2F8] =	vst v63  }
0x6c: {  	_ = 	snop  }
0x6d: {  	[tilespmem:s31], [sflag:$0x1] =	stream.indirect.gather [hbm4b:s4+s25], $0x10, s30, s25, $0xb8;
	[tilespmem:$0x1B2F8] =	vst v63  }
0x6e: {  	_ = 	snop  }
0x6f: {  	[tilespmem:s5], [sflag:$0x1] =	stream.indirect.gather [hbm4b:s4+s25], $0x10, s0, s25, $0xb8;
	[tilespmem:$0x1B2F8] =	vst v63  }
0x70: {  	_ =	swait.ge [sflag:s18], $0x800  }
0x71: {  	[sflag:s18] =	ssyncset.done $0x0  }
0x72: {  	[sflag:s18] =	ssyncadd.s32 $0xFFFFF800  }
0x73: {  	_ =	swait.ge [sflag:s18], $0x800  }
0x74: {  	[sflag:s18] =	ssyncset.done $0x0  }
0x75: {  	[sflag:s18] =	ssyncadd.s32 $0xFFFFF800  }
0x76: {  	_ =	swait.ge [sflag:s18], $0x800  }
0x77: {  	[sflag:s18] =	ssyncset.done $0x0  }
0x78: {  	[sflag:s18] =	ssyncadd.s32 $0xFFFFF800  }
0x79: {  	_ =	swait.ge [sflag:s18], $0x800  }
0x7a: {  	s24 =	simm.s32 $0x18AC8;
	[sflag:s18] =	ssyncset.done $0x0  }
0x7b: {  	s17 =	simm.s32 $0x19328;
	s14 =	simm.s32 $0xFFFFFFFC;
	[sflag:s18] =	ssyncadd.s32 $0xFFFFF800  }
.LBB2_3:
0x7c: {  	v6 =	vld [tilespmem:s24+$0xFFFFFFE0];
	_ =	sdelay $0x4  }
0x7d: {  	v7 =	vbroadcast v6, $0x0;
	_ =	sdelay $0x1  }
0x7e: {  	v8 =	vbroadcast v6, $0x1;
	v7 =	vmul.f32 v7, v1;
	_ =	sdelay $0x1  }
0x7f: {  	v9 =	vbroadcast v6, $0x2;
	v8 =	vmul.f32 v8, v2;
	v7 =	vadd.f32 v7, v5;
	_ =	sdelay $0x1  }
0x80: {  	v60 =	vbroadcast v6, $0x3;
	v59 =	vmul.f32 v9, v3;
	v7 =	vadd.f32 v7, v8  }
0x81: {  	v10 =	vld [tilespmem:s17+$0xFFFFFF80]  }
0x82: {  	v61 =	vmul.f32 v60, v4;
	v7 =	vadd.f32 v7, v59  }
0x83: {  	v62 =	vbroadcast v6, $0x4  }
0x84: {  	v7 =	vadd.f32 v7, v61  }
0x85: {  	v12 =	vbroadcast v6, $0x5;
	v63 =	vmul.f32 v62, v1  }
0x86: {  	v7 =	vadd.f32 v7, v10  }
0x87: {  	v13 =	vbroadcast v6, $0x6;
	v9 =	vmul.f32 v12, v2;
	v8 =	vadd.f32 v63, v5  }
0x88: {  	v7 =	vmax.f32 v7, $0.0e+00  }
0x89: {  	v15 =	vbroadcast v6, $0x7;
	v14 =	vmul.f32 v13, v3;
	[tilespmem:s17+$0xFFFFFF80] =	vst v7;
	v7 =	vadd.f32 v8, v9  }
0x8a: {  	v16 =	vld [tilespmem:s17+$0xFFFFFF90]  }
0x8b: {  	v17 =	vmul.f32 v15, v4;
	v7 =	vadd.f32 v7, v14  }
0x8c: {  	v18 =	vbroadcast v6, $0x8  }
0x8d: {  	v7 =	vadd.f32 v7, v17  }
0x8e: {  	v20 =	vbroadcast v6, $0x9;
	v19 =	vmul.f32 v18, v1  }
0x8f: {  	v7 =	vadd.f32 v7, v16  }
0x90: {  	v21 =	vbroadcast v6, $0xA;
	v8 =	vadd.f32 v19, v5;
	v9 =	vmul.f32 v20, v2  }
0x91: {  	v7 =	vmax.f32 v7, $0.0e+00  }
0x92: {  	v23 =	vbroadcast v6, $0xB;
	v22 =	vmul.f32 v21, v3;
	[tilespmem:s17+$0xFFFFFF90] =	vst v7;
	v7 =	vadd.f32 v8, v9  }
0x93: {  	v24 =	vld [tilespmem:s17+$0xFFFFFFA0]  }
0x94: {  	v25 =	vmul.f32 v23, v4;
	v7 =	vadd.f32 v7, v22  }
0x95: {  	v26 =	vbroadcast v6, $0xC  }
0x96: {  	v7 =	vadd.f32 v7, v25  }
0x97: {  	v28 =	vbroadcast v6, $0xD;
	v27 =	vmul.f32 v26, v1  }
0x98: {  	v7 =	vadd.f32 v7, v24  }
0x99: {  	v29 =	vbroadcast v6, $0xE;
	v8 =	vadd.f32 v27, v5;
	v9 =	vmul.f32 v28, v2  }
0x9a: {  	v7 =	vmax.f32 v7, $0.0e+00  }
0x9b: {  	v6 =	vbroadcast v6, $0xF;
	v30 =	vmul.f32 v29, v3;
	[tilespmem:s17+$0xFFFFFFA0] =	vst v7;
	v7 =	vadd.f32 v8, v9  }
0x9c: {  	v31 =	vld [tilespmem:s17+$0xFFFFFFB0]  }
0x9d: {  	v6 =	vmul.f32 v6, v4;
	v7 =	vadd.f32 v7, v30;
	_ =	sdelay $0x1  }
0x9e: {  	v6 =	vadd.f32 v7, v6;
	_ =	sdelay $0x1  }
0x9f: {  	v6 =	vadd.f32 v31, v6;
	_ =	sdelay $0x1  }
0xa0: {  	v6 =	vmax.f32 v6, $0.0e+00  }
0xa1: {  	[tilespmem:s17+$0xFFFFFFB0] =	vst v6  }
0xa2: {  	v6 =	vld [tilespmem:s24+$0xFFFFFFF0];
	_ =	sdelay $0x4  }
0xa3: {  	v7 =	vbroadcast v6, $0x0;
	_ =	sdelay $0x1  }
0xa4: {  	v32 =	vbroadcast v6, $0x1;
	v7 =	vmul.f32 v7, v1;
	_ =	sdelay $0x1  }
0xa5: {  	v33 =	vbroadcast v6, $0x2;
	v8 =	vmul.f32 v32, v2;
	v7 =	vadd.f32 v7, v5;
	_ =	sdelay $0x1  }
0xa6: {  	v35 =	vbroadcast v6, $0x3;
	v34 =	vmul.f32 v33, v3;
	v7 =	vadd.f32 v7, v8  }
0xa7: {  	v36 =	vld [tilespmem:s17+$0xFFFFFFC0]  }
0xa8: {  	v37 =	vmul.f32 v35, v4;
	v7 =	vadd.f32 v7, v34  }
0xa9: {  	v38 =	vbroadcast v6, $0x4  }
0xaa: {  	v7 =	vadd.f32 v7, v37  }
0xab: {  	v40 =	vbroadcast v6, $0x5;
	v39 =	vmul.f32 v38, v1  }
0xac: {  	v7 =	vadd.f32 v7, v36  }
0xad: {  	v41 =	vbroadcast v6, $0x6;
	v9 =	vmul.f32 v40, v2;
	v8 =	vadd.f32 v39, v5  }
0xae: {  	v7 =	vmax.f32 v7, $0.0e+00  }
0xaf: {  	v43 =	vbroadcast v6, $0x7;
	v42 =	vmul.f32 v41, v3;
	[tilespmem:s17+$0xFFFFFFC0] =	vst v7;
	v7 =	vadd.f32 v8, v9  }
0xb0: {  	v44 =	vld [tilespmem:s17+$0xFFFFFFD0]  }
0xb1: {  	v45 =	vmul.f32 v43, v4;
	v7 =	vadd.f32 v7, v42  }
0xb2: {  	v46 =	vbroadcast v6, $0x8  }
0xb3: {  	v7 =	vadd.f32 v7, v45  }
0xb4: {  	v48 =	vbroadcast v6, $0x9;
	v47 =	vmul.f32 v46, v1  }
0xb5: {  	v7 =	vadd.f32 v7, v44  }
0xb6: {  	v49 =	vbroadcast v6, $0xA;
	v8 =	vadd.f32 v47, v5;
	v9 =	vmul.f32 v48, v2  }
0xb7: {  	v7 =	vmax.f32 v7, $0.0e+00  }
0xb8: {  	v51 =	vbroadcast v6, $0xB;
	v50 =	vmul.f32 v49, v3;
	[tilespmem:s17+$0xFFFFFFD0] =	vst v7;
	v7 =	vadd.f32 v8, v9  }
0xb9: {  	v52 =	vld [tilespmem:s17+$0xFFFFFFE0]  }
0xba: {  	v53 =	vmul.f32 v51, v4;
	v7 =	vadd.f32 v7, v50  }
0xbb: {  	v54 =	vbroadcast v6, $0xC  }
0xbc: {  	v7 =	vadd.f32 v7, v53  }
0xbd: {  	v56 =	vbroadcast v6, $0xD;
	v55 =	vmul.f32 v54, v1  }
0xbe: {  	v7 =	vadd.f32 v7, v52  }
0xbf: {  	v57 =	vbroadcast v6, $0xE;
	v8 =	vadd.f32 v55, v5;
	v9 =	vmul.f32 v56, v2  }
0xc0: {  	v7 =	vmax.f32 v7, $0.0e+00  }
0xc1: {  	v6 =	vbroadcast v6, $0xF;
	v58 =	vmul.f32 v57, v3;
	[tilespmem:s17+$0xFFFFFFE0] =	vst v7;
	v7 =	vadd.f32 v8, v9  }
0xc2: {  	v59 =	vld [tilespmem:s17+$0xFFFFFFF0]  }
0xc3: {  	v6 =	vmul.f32 v6, v4;
	v7 =	vadd.f32 v7, v58;
	_ =	sdelay $0x1  }
0xc4: {  	v6 =	vadd.f32 v7, v6;
	_ =	sdelay $0x1  }
0xc5: {  	v6 =	vadd.f32 v59, v6;
	_ =	sdelay $0x1  }
0xc6: {  	v6 =	vmax.f32 v6, $0.0e+00  }
0xc7: {  	[tilespmem:s17+$0xFFFFFFF0] =	vst v6  }
0xc8: {  	v6 =	vld [tilespmem:s24+$0x0];
	_ =	sdelay $0x4  }
0xc9: {  	v7 =	vbroadcast v6, $0x0;
	_ =	sdelay $0x1  }
0xca: {  	v60 =	vbroadcast v6, $0x1;
	v7 =	vmul.f32 v7, v1;
	_ =	sdelay $0x1  }
0xcb: {  	v61 =	vbroadcast v6, $0x2;
	v8 =	vmul.f32 v60, v2;
	v7 =	vadd.f32 v7, v5;
	_ =	sdelay $0x1  }
0xcc: {  	v63 =	vbroadcast v6, $0x3;
	v62 =	vmul.f32 v61, v3;
	v7 =	vadd.f32 v7, v8  }
0xcd: {  	v12 =	vld [tilespmem:s17+$0x0]  }
0xce: {  	v13 =	vmul.f32 v63, v4;
	v7 =	vadd.f32 v7, v62  }
0xcf: {  	v14 =	vbroadcast v6, $0x4  }
0xd0: {  	v7 =	vadd.f32 v7, v13  }
0xd1: {  	v16 =	vbroadcast v6, $0x5;
	v15 =	vmul.f32 v14, v1  }
0xd2: {  	v7 =	vadd.f32 v7, v12  }
0xd3: {  	v17 =	vbroadcast v6, $0x6;
	v9 =	vmul.f32 v16, v2;
	v8 =	vadd.f32 v15, v5  }
0xd4: {  	v7 =	vmax.f32 v7, $0.0e+00  }
0xd5: {  	v19 =	vbroadcast v6, $0x7;
	v18 =	vmul.f32 v17, v3;
	[tilespmem:s17+$0x0] =	vst v7;
	v7 =	vadd.f32 v8, v9  }
0xd6: {  	v20 =	vld [tilespmem:s17+$0x10]  }
0xd7: {  	v21 =	vmul.f32 v19, v4;
	v7 =	vadd.f32 v7, v18  }
0xd8: {  	v22 =	vbroadcast v6, $0x8  }
0xd9: {  	v7 =	vadd.f32 v7, v21  }
0xda: {  	v24 =	vbroadcast v6, $0x9;
	v23 =	vmul.f32 v22, v1  }
0xdb: {  	v7 =	vadd.f32 v7, v20  }
0xdc: {  	v25 =	vbroadcast v6, $0xA;
	v8 =	vadd.f32 v23, v5;
	v9 =	vmul.f32 v24, v2  }
0xdd: {  	v7 =	vmax.f32 v7, $0.0e+00  }
0xde: {  	v27 =	vbroadcast v6, $0xB;
	v26 =	vmul.f32 v25, v3;
	[tilespmem:s17+$0x10] =	vst v7;
	v7 =	vadd.f32 v8, v9  }
0xdf: {  	v28 =	vld [tilespmem:s17+$0x20]  }
0xe0: {  	v29 =	vmul.f32 v27, v4;
	v7 =	vadd.f32 v7, v26  }
0xe1: {  	v30 =	vbroadcast v6, $0xC  }
0xe2: {  	v7 =	vadd.f32 v7, v29  }
0xe3: {  	v32 =	vbroadcast v6, $0xD;
	v31 =	vmul.f32 v30, v1  }
0xe4: {  	v7 =	vadd.f32 v7, v28  }
0xe5: {  	v33 =	vbroadcast v6, $0xE;
	v8 =	vadd.f32 v31, v5;
	v9 =	vmul.f32 v32, v2  }
0xe6: {  	v7 =	vmax.f32 v7, $0.0e+00  }
0xe7: {  	v6 =	vbroadcast v6, $0xF;
	v34 =	vmul.f32 v33, v3;
	[tilespmem:s17+$0x20] =	vst v7;
	v7 =	vadd.f32 v8, v9  }
0xe8: {  	v35 =	vld [tilespmem:s17+$0x30]  }
0xe9: {  	v6 =	vmul.f32 v6, v4;
	v7 =	vadd.f32 v7, v34;
	_ =	sdelay $0x1  }
0xea: {  	v6 =	vadd.f32 v7, v6;
	_ =	sdelay $0x1  }
0xeb: {  	v6 =	vadd.f32 v35, v6;
	_ =	sdelay $0x1  }
0xec: {  	v6 =	vmax.f32 v6, $0.0e+00  }
0xed: {  	[tilespmem:s17+$0x30] =	vst v6  }
0xee: {  	v6 =	vld [tilespmem:s24+$0x10];
	_ =	sdelay $0x4  }
0xef: {  	v7 =	vbroadcast v6, $0x0;
	_ =	sdelay $0x1  }
0xf0: {  	v36 =	vbroadcast v6, $0x1;
	v7 =	vmul.f32 v7, v1;
	_ =	sdelay $0x1  }
0xf1: {  	v37 =	vbroadcast v6, $0x2;
	v8 =	vmul.f32 v36, v2;
	v7 =	vadd.f32 v7, v5;
	_ =	sdelay $0x1  }
0xf2: {  	v39 =	vbroadcast v6, $0x3;
	v38 =	vmul.f32 v37, v3;
	v7 =	vadd.f32 v7, v8  }
0xf3: {  	v40 =	vld [tilespmem:s17+$0x40]  }
0xf4: {  	v41 =	vmul.f32 v39, v4;
	v7 =	vadd.f32 v7, v38  }
0xf5: {  	v42 =	vbroadcast v6, $0x4  }
0xf6: {  	v7 =	vadd.f32 v7, v41  }
0xf7: {  	v44 =	vbroadcast v6, $0x5;
	v43 =	vmul.f32 v42, v1  }
0xf8: {  	v7 =	vadd.f32 v7, v40  }
0xf9: {  	v45 =	vbroadcast v6, $0x6;
	v9 =	vmul.f32 v44, v2;
	v8 =	vadd.f32 v43, v5  }
0xfa: {  	v7 =	vmax.f32 v7, $0.0e+00  }
0xfb: {  	v47 =	vbroadcast v6, $0x7;
	v46 =	vmul.f32 v45, v3;
	[tilespmem:s17+$0x40] =	vst v7;
	v7 =	vadd.f32 v8, v9  }
0xfc: {  	v48 =	vld [tilespmem:s17+$0x50]  }
0xfd: {  	v49 =	vmul.f32 v47, v4;
	v7 =	vadd.f32 v7, v46  }
0xfe: {  	v50 =	vbroadcast v6, $0x8  }
0xff: {  	v7 =	vadd.f32 v7, v49  }
0x100: {  	v52 =	vbroadcast v6, $0x9;
	v51 =	vmul.f32 v50, v1  }
0x101: {  	v7 =	vadd.f32 v7, v48  }
0x102: {  	v53 =	vbroadcast v6, $0xA;
	v8 =	vadd.f32 v51, v5;
	v9 =	vmul.f32 v52, v2  }
0x103: {  	v7 =	vmax.f32 v7, $0.0e+00  }
0x104: {  	v55 =	vbroadcast v6, $0xB;
	v54 =	vmul.f32 v53, v3;
	[tilespmem:s17+$0x50] =	vst v7;
	v7 =	vadd.f32 v8, v9  }
0x105: {  	v56 =	vld [tilespmem:s17+$0x60]  }
0x106: {  	v57 =	vmul.f32 v55, v4;
	v7 =	vadd.f32 v7, v54  }
0x107: {  	v58 =	vbroadcast v6, $0xC  }
0x108: {  	v7 =	vadd.f32 v7, v57  }
0x109: {  	v60 =	vbroadcast v6, $0xD;
	v59 =	vmul.f32 v58, v1  }
0x10a: {  	v7 =	vadd.f32 v7, v56  }
0x10b: {  	v61 =	vbroadcast v6, $0xE;
	v8 =	vadd.f32 v59, v5;
	v9 =	vmul.f32 v60, v2  }
0x10c: {  	v7 =	vmax.f32 v7, $0.0e+00  }
0x10d: {  	v6 =	vbroadcast v6, $0xF;
	v62 =	vmul.f32 v61, v3;
	[tilespmem:s17+$0x60] =	vst v7;
	v7 =	vadd.f32 v8, v9  }
0x10e: {  	v63 =	vld [tilespmem:s17+$0x70]  }
0x10f: {  	v6 =	vmul.f32 v6, v4;
	v7 =	vadd.f32 v7, v62  }
0x110: {  	s14 =	sadd.s32 $0x4, s14  }
0x111: {  	p1 =	slt.u32 s14, $0x7C;
	v6 =	vadd.f32 v7, v6  }
.Ltmp0:
0x112: {  	_ = 	snop;
	(pc) =	sbr.rel @p1 .LBB2_3-.Ltmp0, $3  }
0x113: {  	v6 =	vadd.f32 v63, v6;
	_ =	sdelay $0x1  }
0x114: {  	v6 =	vmax.f32 v6, $0.0e+00  }
0x115: {  	s24 =	sadd.s32 $0x40, s24;
	[tilespmem:s17+$0x70] =	vst v6;
	s17 =	sadd.s32 $0x100, s17  }
0x116: {  	[spmem:s2] =	stream.indirect.scatter.add.f32 [tilespmem:s26], [sflag:$0x2], $0x10, s22, s25, $0xb8;
	[tilespmem:$0x1B2F8] =	vst v63  }
0x117: {  	_ = 	snop  }
0x118: {  	[spmem:s2] =	stream.indirect.scatter.add.f32 [tilespmem:s29], [sflag:$0x2], $0x10, s20, s25, $0xb8;
	[tilespmem:$0x1B2F8] =	vst v63  }
0x119: {  	_ = 	snop  }
0x11a: {  	[spmem:s2] =	stream.indirect.scatter.add.f32 [tilespmem:s31], [sflag:$0x2], $0x10, s1, s25, $0xb8;
	[tilespmem:$0x1B2F8] =	vst v63  }
0x11b: {  	_ = 	snop  }
0x11c: {  	[spmem:s2] =	stream.indirect.scatter.add.f32 [tilespmem:s5], [sflag:$0x2], $0x10, s9, s25, $0xb8;
	[tilespmem:$0x1B2F8] =	vst v63  }
0x11d: {  	_ =	swait.ge [sflag:s10], $0x800  }
0x11e: {  	[sflag:s10] =	ssyncset.done $0x0  }
0x11f: {  	[sflag:s10] =	ssyncadd.s32 $0xFFFFF800  }
0x120: {  	_ =	swait.ge [sflag:s10], $0x800  }
0x121: {  	[sflag:s10] =	ssyncset.done $0x0  }
0x122: {  	s13 =	sadd.s32 $0x1, s13;
	[sflag:s10] =	ssyncadd.s32 $0xFFFFF800  }
0x123: {  	p1 =	sne.s32 s13, $0xC4;
	_ =	swait.ge [sflag:s10], $0x800  }
.Ltmp1:
0x124: {  	[sflag:s10] =	ssyncset.done $0x0;
	(pc) =	sbr.rel @p1 .LBB2_2-.Ltmp1, $4  }
0x125: {  	[sflag:s10] =	ssyncadd.s32 $0xFFFFF800  }
0x126: {  	_ =	swait.ge [sflag:s10], $0x800  }
0x127: {  	[sflag:s10] =	ssyncset.done $0x0  }
0x128: {  	[sflag:s10] =	ssyncadd.s32 $0xFFFFF800  }
0x129: {  	[bflag:$0x0] =	sbarrier.arrive $0xFFFF  }
0x12a: {  	s13 =	simm.s32 @p0 $0x1FC3;
	s14 =	rddreg [dreg:$0x7]  }
0x12b: {  	[hbm:s14], [sflag:s13] =	dma.local @p0 [spmem:s15], $0x3020  }
0x12c: {  	s13 =	simm.s32 @p0 $0x3  }
0x12d: {  	_ =	swait.ge @p0 [sflag:s13], $0x3020  }
0x12e: {  	[sflag:s13] =	ssyncset.done @p0 $0x0;
	s14 =	rddreg [dreg:$0xa]  }
0x12f: {  	[sflag:s13] =	ssyncadd.s32 @p0 $0xFFFFCFE0;
	s13 =	rddreg [dreg:$0x6]  }
0x130: {  	[hbm:s13], [sflag:s16] =	dma.local @!p0 [spmem:s14], $0x30E0  }
0x131: {  	s13 =	simm.s32 @!p0 $0x3  }
0x132: {  	_ =	swait.ge @!p0 [sflag:s13], $0x30E0  }
0x133: {  	s12 =	sadd.s32 $0x1, s12;
	s24 =	rddreg [dreg:$0x8]  }
0x134: {  	p1 =	sne.s32 s12, s24  }
.Ltmp2:
0x135: {  	_ = 	snop;
	(pc) =	sbr.rel @p1 .LBB2_1-.Ltmp2, $3  }
0x136: {  	_ =	sdelay $0x1  }
0x137: {  	[sflag:s13] =	ssyncset.done @!p0 $0x0  }
0x138: {  	[sflag:s13] =	ssyncadd.s32 @!p0 $0xFFFFCF20  }
0x139: {  	_ =	sfence.sel $0x180000  }
0x13a: {  	[bflag:$0x0] =	sbarrier.arrive $0xFFFF  }
0x13b: {  	_ =	strace $0x9000004A  }
0x13c: {  	s0 =	stileid.u32;
	[bflag:$0x2] =	sbarrier.arrive $0xFFFF  }
0x13d: {  	p0 =	sne.s32 s0, $0x0;
	s0 =	rddreg [dreg:$0x3]  }
0x13e: {  	s0 =	sadd.s32 @!p0 $0x100000, s0  }
0x13f: {  	[sflag:s0] =	ssyncadd.tile.s32 @!p0 $0x1;
	_ =	shalt  }
.Lfunc_end2:
_tile_overlayer_lowered:
.L_overlay_start_2:
0x140: {  	(tag) =	ssettag $0x2  }
0x141: {  	s0 =	rddreg [dreg:$0x0];
	s2 =	stileid.u32  }
0x142: {  	s1 =	rddreg [dreg:$0x1];
	p0 =	sne.s32 s2, $0x0  }
0x143: {  	s3 =	rddreg [dreg:$0x2];
	[bflag:$0x3] =	sbarrier.arrive $0xFFFF;
	s2 =	simm.s32 @!p0 $0x1C03  }
0x144: {  	[timem:s3], [sflag:s2] =	dma.local @!p0 [hbm:s0], s1  }
0x145: {  	s0 =	simm.s32 @!p0 $0x3  }
0x146: {  	_ =	swait.ge @!p0 [sflag:s0], s1  }
0x147: {  	s1 =	ssub.s32 @!p0 $0x0, s1;
	[sflag:s0] =	ssyncset.done @!p0 $0x0  }
0x148: {  	[sflag:s0] =	ssyncadd.s32 @!p0 s1  }
0x149: {  	[bflag:$0x3] =	sbarrier.arrive $0xFFFF  }
0x14a: {  	_ =	shalt  }

// kernel: kernel.18.cloned.1.call-start
scs
__scs_entry_jumppad:
0x0: {  	(pc) =	sbr.rel $0x88, $3  }
0x1: {  	(tag) =	ssettag $0x0;
	lr =	simm.s32 $0x1  }
0x2: {  	[smem:$0x3F91] =	sst lr;
	_ =	strace $0xD0000000  }
0x3: {  	_ = 	snop  }
0x4: {  	_ = 	snop  }
0x5: {  	_ = 	snop  }
0x6: {  	_ = 	snop  }
0x7: {  	_ = 	snop  }
__scs_overlays_trampoline_lowered:
0x8: {  	[smem:$0x3FA0] =	sst s0  }
0x9: {  	[smem:$0x3FA1] =	sst s1  }
0xa: {  	[smem:$0x3FA2] =	sst s2  }
0xb: {  	[smem:$0x3FA3] =	sst s3  }
0xc: {  	[smem:$0x3FA4] =	sst s4  }
0xd: {  	[smem:$0x3FA5] =	sst s5  }
0xe: {  	[smem:$0x3FA6] =	sst s6  }
0xf: {  	[smem:$0x3FA7] =	sst s7  }
0x10: {  	[smem:$0x3FA8] =	sst s8  }
0x11: {  	[smem:$0x3FA9] =	sst s9;
	s0 =	simm.s32 @!p0 $0x0  }
0x12: {  	s1 =	sld [smem:$0x3F8F];
	s0 =	simm.s32 @p0 $0x1  }
0x13: {  	[smem:$0x3FAA] =	sst s0;
	s0 =	simm.s32 @!p1 $0x0  }
0x14: {  	s2 =	sld [smem:$0x3F8E];
	s0 =	simm.s32 @p1 $0x1  }
0x15: {  	[smem:$0x3FAB] =	sst s0;
	s0 =	simm.s32 @!p2 $0x0  }
0x16: {  	s3 =	sld [smem:$0x3FDB];
	s0 =	simm.s32 @p2 $0x1  }
0x17: {  	s4 =	simm.s32 $0x1BF5;
	[smem:$0x3FAD] =	sst s0  }
0x18: {  	s0 =	sld [smem:$0x3F90];
	_ =	swait.ge [sflag:s4], $0x0  }
0x19: {  	s7 =	sld [smem:$0x3F91]  }
0x1a: {  	s8 =	sadd.s32 $0xFFFFE003, lr  }
0x1b: {  	s9 =	sadd.s32 $0xFFFFFEF7, lr;
	s5 =	simm.s32 $0xFFFFFFFF;
	p2 =	slt.u32 s8, $0xFFFFF086  }
0x1c: {  	p1 =	slt.u32 s9, $0xF7A;
	s5 =	simm.s32 @!p2 $0x0  }
0x1d: {  	s5 =	simm.s32 @p1 $0x1;
	p0 =	seq.s32 s7, s2  }
0x1e: {  	s7 =	smul.u32 @!p0 $0xF7A, s2;
	p2 =	seq.s32 @!p0 s5, $0x0  }
0x1f: {  	s9 =	smul.u32 $0xF7A, s1;
	s8 =	simm.s32 @!p0 $0x1BF5;
	p2 =	por !p2, p0  }
0x20: {  	[sflag:s8] =	ssyncset.s32 @!p0 $0xFFFFF086;
	s6 =	sadd.s32 @!p0 s3, s7;
	s7 =	simm.s32 @!p0 $0x108  }
0x21: {  	s3 =	sadd.s32 s3, s9;
	s6 =	sadd.s32 @!p0 $0x88, s6;
	s7 =	simm.s32 @p2 $0x1082  }
0x22: {  	[simem:s7], [sflag:s8] =	dma.local @!p0 [hbm:s6], $0xF7A  }
0x23: {  	s9 =	sor.u32 $0xD0000000, s2;
	s6 =	simm.s32 $0x108;
	_ =	swait.ge @!p0 [sflag:s8], $0x0  }
0x24: {  	s3 =	sadd.s32 $0x88, s3;
	s6 =	simm.s32 @!p1 $0x1082;
	[sflag:s4] =	ssyncset.s32 $0xFFFFF086  }
0x25: {  	[simem:s6], [sflag:s4] =	dma.local [hbm:s3], $0xF7A  }
0x26: {  	[smem:$0x3F91] =	sst s1;
	(tag) =	ssettag s2;
	_ =	strace s9  }
0x27: {  	s1 =	sld [smem:$0x3FA1]  }
0x28: {  	s2 =	sld [smem:$0x3FA2]  }
0x29: {  	s4 =	sld [smem:$0x3FA4]  }
0x2a: {  	p0 =	seq.s32 s5, $0x0;
	s5 =	sld [smem:$0x3FA5]  }
0x2b: {  	s6 =	sld [smem:$0x3FA6]  }
0x2c: {  	s7 =	sld [smem:$0x3FA7]  }
0x2d: {  	s3 =	simm.s32 $0x108;
	s8 =	sld [smem:$0x3FA8]  }
0x2e: {  	s3 =	simm.s32 @!p0 $0x1082;
	s9 =	sld [smem:$0x3FA9]  }
0x2f: {  	lr =	sadd.s32 s0, s3;
	s0 =	sld [smem:$0x3FA0]  }
0x30: {  	s3 =	sld [smem:$0x3FA3]  }
0x31: {  	[smem:$0x3FAC] =	sst s10  }
0x32: {  	s10 =	sld [smem:$0x3FAA];
	_ =	sdelay $0x3  }
0x33: {  	p0 =	seq.s32 s10, $0x1;
	s10 =	sld [smem:$0x3FAC];
	_ =	sdelay $0x3  }
0x34: {  	[smem:$0x3FAC] =	sst s10  }
0x35: {  	s10 =	sld [smem:$0x3FAB];
	_ =	sdelay $0x3  }
0x36: {  	p1 =	seq.s32 s10, $0x1;
	s10 =	sld [smem:$0x3FAC];
	_ =	sdelay $0x3  }
0x37: {  	[smem:$0x3FAC] =	sst s10  }
0x38: {  	s10 =	sld [smem:$0x3FAD]  }
0x39: {  	_ = 	snop;
	(pc) =	sbr.ind lr, $3  }
0x3a: {  	_ = 	snop  }
0x3b: {  	_ = 	snop  }
0x3c: {  	p2 =	seq.s32 s10, $0x1;
	s10 =	sld [smem:$0x3FAC]  }
0x3d: {  	_ =	shalt  }
0x3e: {  	_ =	shalt  }
0x3f: {  	_ =	shalt  }
0x40: {  	_ =	shalt  }
0x41: {  	_ =	shalt  }
0x42: {  	_ =	shalt  }
0x43: {  	_ =	shalt  }
0x44: {  	_ =	shalt  }
0x45: {  	_ =	shalt  }
0x46: {  	_ =	shalt  }
0x47: {  	_ =	shalt  }
0x48: {  	_ =	shalt  }
0x49: {  	_ =	shalt  }
0x4a: {  	_ =	shalt  }
0x4b: {  	_ =	shalt  }
0x4c: {  	_ =	shalt  }
0x4d: {  	_ =	shalt  }
0x4e: {  	_ =	shalt  }
0x4f: {  	_ =	shalt  }
0x50: {  	_ =	shalt  }
0x51: {  	_ =	shalt  }
0x52: {  	_ =	shalt  }
0x53: {  	_ =	shalt  }
0x54: {  	_ =	shalt  }
0x55: {  	_ =	shalt  }
0x56: {  	_ =	shalt  }
0x57: {  	_ =	shalt  }
0x58: {  	_ =	shalt  }
0x59: {  	_ =	shalt  }
0x5a: {  	_ =	shalt  }
0x5b: {  	_ =	shalt  }
0x5c: {  	_ =	shalt  }
0x5d: {  	_ =	shalt  }
0x5e: {  	_ =	shalt  }
0x5f: {  	_ =	shalt  }
0x60: {  	_ =	shalt  }
0x61: {  	_ =	shalt  }
0x62: {  	_ =	shalt  }
0x63: {  	_ =	shalt  }
0x64: {  	_ =	shalt  }
0x65: {  	_ =	shalt  }
0x66: {  	_ =	shalt  }
0x67: {  	_ =	shalt  }
0x68: {  	_ =	shalt  }
0x69: {  	_ =	shalt  }
0x6a: {  	_ =	shalt  }
0x6b: {  	_ =	shalt  }
0x6c: {  	_ =	shalt  }
0x6d: {  	_ =	shalt  }
0x6e: {  	_ =	shalt  }
0x6f: {  	_ =	shalt  }
0x70: {  	_ =	shalt  }
0x71: {  	_ =	shalt  }
0x72: {  	_ =	shalt  }
0x73: {  	_ =	shalt  }
0x74: {  	_ =	shalt  }
0x75: {  	_ =	shalt  }
0x76: {  	_ =	shalt  }
0x77: {  	_ =	shalt  }
0x78: {  	_ =	shalt  }
0x79: {  	_ =	shalt  }
0x7a: {  	_ =	shalt  }
0x7b: {  	_ =	shalt  }
0x7c: {  	_ =	shalt  }
0x7d: {  	_ =	shalt  }
0x7e: {  	_ =	shalt  }
0x7f: {  	_ =	shalt  }
0x80: {  	_ =	shalt  }
0x81: {  	_ =	shalt  }
0x82: {  	_ =	shalt  }
0x83: {  	_ =	shalt  }
0x84: {  	_ =	shalt  }
0x85: {  	_ =	shalt  }
0x86: {  	_ =	shalt  }
0x87: {  	_ =	shalt  }
.Lfunc_end0:
.L_simem_size_0:
called_computation.2_lowered:
.L_overlay_start_0:
0x88: {  	s2 =	sld [smem:$0x3FD9]  }
0x89: {  	s3 =	sld [smem:$0x3FFE];
	_ =	sdelay $0x1  }
0x8a: {  	s1 =	srdreg.scid  }
0x8b: {  	s0 =	sand.u32 $0x1, s1  }
0x8c: {  	s17 =	sshll.u32 s0, $0xA;
	s2 =	sadd.s32 s3, s2  }
0x8d: {  	s2 =	sadd.s32 s2, s17  }
0x8e: {  	[smem:$0x3FB8] =	sst s2  }
0x8f: {  	_ = 	snop  }
0x90: {  	s2 =	sld [smem:$0x3FD0];
	(tm) =	ssettm $0x1  }
0x91: {  	s18 =	sld [smem:$0x3FFB];
	_ =	sdelay $0x3  }
0x92: {  	_ =	strace s18  }
0x93: {  	s3 =	sld [smem:$0x3FFC];
	_ =	sdelay $0x3  }
0x94: {  	_ =	strace s3  }
0x95: {  	s3 =	sld [smem:$0x3FFD];
	_ =	sdelay $0x3  }
0x96: {  	_ =	strace s3  }
0x97: {  	_ =	strace $0x8FFFFFFF  }
0x98: {  	s19 =	sld [smem:$0x3FDB];
	_ =	sdelay $0x1  }
0x99: {  	s4 =	simm.s32 $_scs_section_size  }
0x9a: {  	s5 =	simm.s32 $_size__tile_overlayer_lowered;
	s6 =	simm.s32 $_tile_overlayer_lowered  }
0x9b: {  	s22 =	simm.s32 $0x1BFF;
	s21 =	sshll.u32 s6, $0x1;
	s3 =	sadd.s32 s4, s19  }
0x9c: {  	s7 =	simm.s32 $0x0;
	s20 =	sshll.u32 s5, $0x1;
	s5 =	sadd.s32 s21, s3  }
0x9d: {  	[timem:s7], [sflag:s22] =	dma.local [hbm:s5], s20  }
0x9e: {  	_ =	swait.ge [sflag:s22], s20  }
0x9f: {  	s4 =	ssub.s32 $0x0, s20;
	[sflag:s22] =	ssyncset.done $0x0  }
0xa0: {  	[sflag:s22] =	ssyncadd.s32 s4;
	_ =	sdelay $0x1  }
0xa1: {  	s23 =	simm.s32 $0x1B8B  }
0xa2: {  	_ =	swait.ge [sflag:s23], $0x1  }
0xa3: {  	[sflag:s23] =	ssyncset.done $0x0  }
0xa4: {  	s25 =	simm.s32 $0x1B8E;
	s24 =	sld [smem:$0x3FFE];
	[sflag:s23] =	ssyncadd.s32 $0xFFFFFFFF  }
0xa5: {  	s26 =	simm.s32 $execute0_lowered;
	[smem:$0x3FD2] =	sst s25  }
0xa6: {  	s5 =	sshll.u32 s26, $0x1;
	_ =	strace $0x8000004C;
	[dreg:$0x1] =	wrdreg $0xFFFFFFFF  }
0xa7: {  	s28 =	simm.s32 $_size_execute0_lowered;
	s3 =	sadd.s32 s3, s5;
	[dreg:$0x0] =	wrdreg $0x0  }
0xa8: {  	s5 =	sshll.u32 s28, $0x1;
	[dreg:$0x2] =	wrdreg s3  }
0xa9: {  	[dreg:$0x3] =	wrdreg s5  }
0xaa: {  	[dreg:$0x4] =	wrdreg $0xC0  }
0xab: {  	_ =	task [dreg:s7], $0x5FFFF  }
0xac: {  	[dreg:$0x1] =	wrdreg $0xFFFFFFFF  }
0xad: {  	[dreg:$0x0] =	wrdreg $0x60  }
0xae: {  	[dreg:$0x2] =	wrdreg s24  }
0xaf: {  	[dreg:$0x3] =	wrdreg s2  }
0xb0: {  	[dreg:$0x4] =	wrdreg $0x0  }
0xb1: {  	[dreg:$0x5] =	wrdreg $0x9  }
0xb2: {  	_ =	task.clear_ibuf [dreg:s7], $0x6FFFF;
	_ =	strace $0x9000004C  }
0xb3: {  	s29 =	simm.s32 $0x9;
	_ =	strace $0x8000004E  }
0xb4: {  	_ =	swait.ge [sflag:s29], $0x1  }
0xb5: {  	[sflag:s29] =	ssyncadd.s32 $0xFFFFFFFF  }
0xb6: {  	_ =	strace $0x9000004E  }
0xb7: {  	_ =	sfence  }
0xb8: {  	s30 =	sld [smem:$0x0];
	_ =	sdelay $0x2  }
0xb9: {  	s31 =	sshll.u32 s1, $0xD;
	s1 =	sshrl.u32 s1, $0x2  }
0xba: {  	s3 =	sand.u32 $0x4000, s31;
	s1 =	sadd.s32 s1, s30  }
0xbb: {  	s0 =	sor.u32 s3, s0;
	s1 =	sshll.u32 s1, $0x11  }
0xbc: {  	s0 =	sor.u32 s1, s0  }
0xbd: {  	s0 =	sadd.s32 $0x8F2B, s0  }
0xbe: {  	[sflag:s0] =	ssyncadd.remote.s32 $0x1  }
0xbf: {  	_ =	sfence.sel $0xFFFF  }
0xc0: {  	[dreg:$0x0] =	wrdreg $0xFFFFFFFF;
	(pc) =	sbr.abs _section_cstart, $3  }
0xc1: {  	[dreg:$0x1] =	wrdreg $0xFFFFFFFF  }
0xc2: {  	_ =	task.clear_ibuf [dreg:s7], $0x2FFFF;
	_ =	strace $0x9FFFFFFF  }
0xc3: {  	(tm) =	ssettm $0x7FFFFFFF  }
tec
execute0_lowered:
.L_overlay_start_1:
0x0: {  	(tag) =	ssettag $0x1  }
0x1: {  	s0 =	rddreg [dreg:$0x0]  }
0x2: {  	s2 =	rddreg [dreg:$0x2]  }
0x3: {  	s3 =	simm.s32 $0x0;
	s1 =	srdreg.scid;
	s16 =	stileid.u32  }
0x4: {  	s19 =	simm.s32 $0x3;
	s21 =	simm.s32 $0x186A8;
	s28 =	simm.s32 $0x18728  }
0x5: {  	s29 =	simm.s32 $0x19AA8;
	s30 =	simm.s32 $0x187A8;
	s31 =	simm.s32 $0x1A2A8  }
0x6: {  	s18 =	simm.s32 $0x1;
	s20 =	simm.s32 $0x18928;
	[smem:$0x7FF] =	sst s3  }
0x7: {  	s4 =	sadd.s32 $0xAA00, s0;
	s6 =	sadd.s32 $0x192000, s0;
	s9 =	sand.u32 $0x1, s1  }
0x8: {  	s7 =	sadd.s32 $0x131000, s0;
	s8 =	sadd.s32 $0x6CA00, s0;
	s5 =	smul.u32 $0x61C00, s16  }
0x9: {  	s14 =	smul.u32 $0x18700, s16;
	s15 =	sadd.s32 $0x16E900, s2;
	p0 =	seq.s32 s16, $0xF  }
0xa: {  	_ =	strace $0x8000004D;
	s1 =	sshll.u32 s9, $0x3;
	s10 =	sshll.u32 s9, $0x1  }
0xb: {  	s11 =	ssub.s32 $0x2, s9;
	s12 =	smul.u32 $0x186A00, s9;
	s15 =	sshrl.u32 @p0 s15, $0x3  }
0xc: {  	v0 =	vmov s9;
	s9 =	simm.s32 $0x18A28;
	s1 =	sadd.s32 s1, s0;
	s10 =	sadd.s32 s10, s0  }
0xd: {  	s13 =	sshrl.u32 s11, $0x1;
	s0 =	sadd.s32 $0x1C3000, s0;
	s5 =	sshrl.u32 s5, $0x2  }
0xe: {  	s13 =	ssub.s32 s11, s13;
	s5 =	sadd.s32 s5, s2;
	s22 =	sadd.s32 s14, s12  }
0xf: {  	s1 =	sadd.s32 $0x6C800, s1;
	s23 =	sadd.s32 $0x130E00, s10;
	s11 =	smul.u32 $0x310, s16  }
0x10: {  	s25 =	sshrl.u32 s12, $0x3;
	s10 =	sadd.s32 s14, s2;
	[dreg:$0x4] =	wrdreg s1  }
0x11: {  	s12 =	simm.s32 $0x0;
	[dreg:$0x5] =	wrdreg s23;
	s24 =	sshrl.u32 s22, $0x3  }
0x12: {  	s26 =	smax.u32 s13, $0x1;
	s22 =	simm.s32 $0x188A8;
	s23 =	simm.s32 $0x18AA8  }
0x13: {  	s1 =	sadd.s32 s0, s24;
	s0 =	sadd.s32 s0, s25;
	[dreg:$0x8] =	wrdreg s26  }
0x14: {  	s25 =	simm.s32 $0x80;
	[dreg:$0x6] =	wrdreg s1;
	s0 =	sadd.s32 $0x2DD20, s0  }
0x15: {  	s26 =	simm.s32 $0x192A8;
	[dreg:$0x7] =	wrdreg s0;
	s0 =	sshll.u32 @!p0 s16, $0x6  }
0x16: {  	s1 =	simm.s32 $0x189A8;
	s16 =	sor.u32 @!p0 $0x1C03, s0;
	s0 =	sshrl.u32 @!p0 s5, $0x3  }
0x17: {  	s5 =	simm.s32 $0x1AAA8;
	[dreg:$0x9] =	wrdreg s0;
	s0 =	sshrl.u32 @!p0 s10, $0x3  }
0x18: {  	s10 =	simm.s32 $0x2;
	[dreg:$0xa] =	wrdreg s0;
	s0 =	simm.s32 $0x18828  }
.LBB2_1:
0x19: {  	s13 =	simm.s32 @p0 $0x1FC3;
	s14 =	rddreg [dreg:$0x1]  }
0x1a: {  	[spmem:s15], [sflag:s13] =	dma.local @p0 [hbm:s14], $0x3030  }
0x1b: {  	s13 =	simm.s32 @p0 $0x3  }
0x1c: {  	_ =	swait.ge @p0 [sflag:s13], $0x3030  }
0x1d: {  	[sflag:s13] =	ssyncset.done @p0 $0x0  }
0x1e: {  	[sflag:s13] =	ssyncadd.s32 @p0 $0xFFFFCFD0;
	s13 =	rddreg [dreg:$0x9]  }
0x1f: {  	[spmem:s13], [sflag:s16] =	dma.local @!p0 [hbm:s14], $0x30E0  }
0x20: {  	s13 =	simm.s32 @!p0 $0x3  }
0x21: {  	_ =	swait.ge @!p0 [sflag:s13], $0x30E0  }
0x22: {  	[sflag:s13] =	ssyncset.done @!p0 $0x0  }
0x23: {  	s24 =	simm.s32 $0x1B2A8;
	s17 =	rddreg [dreg:$0x4];
	[sflag:s13] =	ssyncadd.s32 @!p0 $0xFFFFCF20  }
0x24: {  	[tilespmem:s24], [sflag:$0x3] =	stream.linear.gather [hbm4b:s17+s3], $0x40, $0x38;
	[tilespmem:$0x1B2F8] =	vst v63  }
0x25: {  	_ =	swait.ge [sflag:s19], $0x40  }
0x26: {  	[sflag:s19] =	ssyncset.done $0x0  }
0x27: {  	s24 =	simm.s32 $0x1B2E8;
	s17 =	rddreg [dreg:$0x5];
	[sflag:s19] =	ssyncadd.s32 $0xFFFFFFC0  }
0x28: {  	[tilespmem:s24], [sflag:$0x3] =	stream.linear.gather [hbm4b:s17+s3], $0x10, $0x38;
	[tilespmem:$0x1B2F8] =	vst v63  }
0x29: {  	_ =	swait.ge [sflag:s19], $0x10  }
0x2a: {  	[sflag:s19] =	ssyncset.done $0x0  }
0x2b: {  	[sflag:s19] =	ssyncadd.s32 $0xFFFFFFF0  }
0x2c: {  	[bflag:$0x0] =	sbarrier.arrive $0xFFFF  }
0x2d: {  	v1 =	vld [tilespmem:$0x1B2A8]  }
0x2e: {  	v2 =	vld [tilespmem:$0x1B2B8]  }
0x2f: {  	v3 =	vld [tilespmem:$0x1B2C8]  }
0x30: {  	v4 =	vld [tilespmem:$0x1B2D8]  }
0x31: {  	s13 =	simm.s32 $0x0;
	v5 =	vld [tilespmem:$0x1B2E8]  }
.LBB2_2:
0x32: {  	s14 =	sshll.u32 s13, $0x2  }
0x33: {  	s14 =	sadd.s32 s11, s14  }
0x34: {  	s17 =	sshll.u32 s14, $0x4  }
0x35: {  	s24 =	sadd.s32 s6, s17  }
0x36: {  	[tilespmem:s21], [sflag:$0x3] =	stream.linear.gather [hbm4b:s24+s3], $0x200, $0x38;
	[tilespmem:$0x1B2F8] =	vst v63  }
0x37: {  	_ =	swait.ge [sflag:s19], $0x200  }
0x38: {  	[sflag:s19] =	ssyncset.done $0x0  }
0x39: {  	s17 =	sadd.s32 s7, s17;
	[sflag:s19] =	ssyncadd.s32 $0xFFFFFE00  }
0x3a: {  	[tilespmem:s22], [sflag:$0x3] =	stream.linear.gather [hbm4b:s17+s3], $0x200, $0x38;
	[tilespmem:$0x1B2F8] =	vst v63  }
0x3b: {  	_ =	swait.ge [sflag:s19], $0x200  }
0x3c: {  	s14 =	sshll.u32 s14, $0x6;
	[sflag:s19] =	ssyncset.done $0x0  }
0x3d: {  	s14 =	sadd.s32 s8, s14;
	[sflag:s19] =	ssyncadd.s32 $0xFFFFFE00  }
0x3e: {  	[tilespmem:s23], [sflag:$0x3] =	stream.linear.gather [hbm4b:s14+s3], $0x800, $0x38;
	[tilespmem:$0x1B2F8] =	vst v63  }
0x3f: {  	_ =	swait.ge [sflag:s19], $0x800  }
0x40: {  	[sflag:s19] =	ssyncset.done $0x0  }
0x41: {  	[sflag:s19] =	ssyncadd.s32 $0xFFFFF800  }
0x42: {  	v6 =	vld [tilespmem:$0x186A8]  }
0x43: {  	v7 =	vld [tilespmem:$0x186B8]  }
0x44: {  	v8 =	vld [tilespmem:$0x186C8]  }
0x45: {  	v9 =	vld [tilespmem:$0x186D8]  }
0x46: {  	v10 =	vld [tilespmem:$0x186E8]  }
0x47: {  	v11 =	vld [tilespmem:$0x186F8];
	v6 =	vshll.u32 v6, $0x1  }
0x48: {  	v12 =	vld [tilespmem:$0x18708];
	v7 =	vshll.u32 v7, $0x1;
	v6 =	vor.u32 v0, v6  }
0x49: {  	v39 =	vld [tilespmem:$0x18718];
	[tilespmem:$0x186A8] =	vst v6;
	v6 =	vor.u32 v0, v7;
	v7 =	vshll.u32 v8, $0x1  }
0x4a: {  	v40 =	vld [tilespmem:$0x18728];
	[tilespmem:$0x186B8] =	vst v6;
	v6 =	vor.u32 v0, v7;
	v7 =	vshll.u32 v9, $0x1  }
0x4b: {  	v41 =	vld [tilespmem:$0x18738];
	[tilespmem:$0x186C8] =	vst v6;
	v6 =	vor.u32 v0, v7;
	v7 =	vshll.u32 v10, $0x1  }
0x4c: {  	v42 =	vld [tilespmem:$0x18748];
	[tilespmem:$0x186D8] =	vst v6;
	v6 =	vor.u32 v0, v7;
	v7 =	vshll.u32 v11, $0x1  }
0x4d: {  	v43 =	vld [tilespmem:$0x18758];
	[tilespmem:$0x186E8] =	vst v6;
	v6 =	vor.u32 v0, v7;
	v7 =	vshll.u32 v12, $0x1  }
0x4e: {  	v44 =	vld [tilespmem:$0x18768];
	[tilespmem:$0x186F8] =	vst v6;
	v6 =	vor.u32 v0, v7;
	v7 =	vshll.u32 v39, $0x1  }
0x4f: {  	v45 =	vld [tilespmem:$0x18778];
	[tilespmem:$0x18708] =	vst v6;
	v6 =	vor.u32 v0, v7;
	v7 =	vshll.u32 v40, $0x1  }
0x50: {  	v46 =	vld [tilespmem:$0x18788];
	[tilespmem:$0x18718] =	vst v6;
	v6 =	vor.u32 v0, v7;
	v7 =	vshll.u32 v41, $0x1  }
0x51: {  	v47 =	vld [tilespmem:$0x18798];
	[tilespmem:$0x18728] =	vst v6;
	v6 =	vor.u32 v0, v7;
	v7 =	vshll.u32 v42, $0x1  }
0x52: {  	v48 =	vld [tilespmem:$0x187A8];
	[tilespmem:$0x18738] =	vst v6;
	v6 =	vor.u32 v0, v7;
	v7 =	vshll.u32 v43, $0x1  }
0x53: {  	v49 =	vld [tilespmem:$0x187B8];
	[tilespmem:$0x18748] =	vst v6;
	v6 =	vor.u32 v0, v7;
	v7 =	vshll.u32 v44, $0x1  }
0x54: {  	v50 =	vld [tilespmem:$0x187C8];
	[tilespmem:$0x18758] =	vst v6;
	v6 =	vor.u32 v0, v7;
	v7 =	vshll.u32 v45, $0x1  }
0x55: {  	v51 =	vld [tilespmem:$0x187D8];
	[tilespmem:$0x18768] =	vst v6;
	v6 =	vor.u32 v0, v7;
	v7 =	vshll.u32 v46, $0x1  }
0x56: {  	v52 =	vld [tilespmem:$0x187E8];
	[tilespmem:$0x18778] =	vst v6;
	v6 =	vor.u32 v0, v7;
	v7 =	vshll.u32 v47, $0x1  }
0x57: {  	v53 =	vld [tilespmem:$0x187F8];
	[tilespmem:$0x18788] =	vst v6;
	v6 =	vor.u32 v0, v7;
	v7 =	vshll.u32 v48, $0x1  }
0x58: {  	v54 =	vld [tilespmem:$0x18808];
	[tilespmem:$0x18798] =	vst v6;
	v6 =	vor.u32 v0, v7;
	v7 =	vshll.u32 v49, $0x1  }
0x59: {  	v55 =	vld [tilespmem:$0x18818];
	[tilespmem:$0x187A8] =	vst v6;
	v6 =	vor.u32 v0, v7;
	v7 =	vshll.u32 v50, $0x1  }
0x5a: {  	v56 =	vld [tilespmem:$0x18828];
	[tilespmem:$0x187B8] =	vst v6;
	v6 =	vor.u32 v0, v7;
	v7 =	vshll.u32 v51, $0x1  }
0x5b: {  	v57 =	vld [tilespmem:$0x18838];
	[tilespmem:$0x187C8] =	vst v6;
	v6 =	vor.u32 v0, v7;
	v7 =	vshll.u32 v52, $0x1  }
0x5c: {  	v58 =	vld [tilespmem:$0x18848];
	[tilespmem:$0x187D8] =	vst v6;
	v6 =	vor.u32 v0, v7;
	v7 =	vshll.u32 v53, $0x1  }
0x5d: {  	v59 =	vld [tilespmem:$0x18858];
	[tilespmem:$0x187E8] =	vst v6;
	v6 =	vor.u32 v0, v7;
	v7 =	vshll.u32 v54, $0x1  }
0x5e: {  	v60 =	vld [tilespmem:$0x18868];
	[tilespmem:$0x187F8] =	vst v6;
	v6 =	vor.u32 v0, v7;
	v7 =	vshll.u32 v55, $0x1  }
0x5f: {  	v61 =	vld [tilespmem:$0x18878];
	[tilespmem:$0x18808] =	vst v6;
	v6 =	vor.u32 v0, v7;
	v7 =	vshll.u32 v56, $0x1  }
0x60: {  	v62 =	vld [tilespmem:$0x18888];
	[tilespmem:$0x18818] =	vst v6;
	v6 =	vor.u32 v0, v7;
	v7 =	vshll.u32 v57, $0x1  }
0x61: {  	v63 =	vld [tilespmem:$0x18898];
	[tilespmem:$0x18828] =	vst v6;
	v6 =	vor.u32 v0, v7;
	v7 =	vshll.u32 v58, $0x1  }
0x62: {  	[tilespmem:$0x18838] =	vst v6;
	v6 =	vor.u32 v0, v7;
	v7 =	vshll.u32 v59, $0x1  }
0x63: {  	[tilespmem:$0x18848] =	vst v6;
	v6 =	vor.u32 v0, v7;
	v7 =	vshll.u32 v60, $0x1  }
0x64: {  	[tilespmem:$0x18858] =	vst v6;
	v6 =	vor.u32 v0, v7;
	v7 =	vshll.u32 v61, $0x1  }
0x65: {  	[tilespmem:$0x18868] =	vst v6;
	v6 =	vor.u32 v0, v7;
	v7 =	vshll.u32 v62, $0x1  }
0x66: {  	[tilespmem:$0x18878] =	vst v6;
	v6 =	vor.u32 v0, v7;
	v7 =	vshll.u32 v63, $0x1  }
0x67: {  	[tilespmem:$0x18888] =	vst v6;
	v6 =	vor.u32 v0, v7  }
0x68: {  	[tilespmem:$0x18898] =	vst v6  }
0x69: {  	[tilespmem:s26], [sflag:$0x1] =	stream.indirect.gather [hbm4b:s4+s25], $0x10, s21, s25, $0xb8;
	[tilespmem:$0x1B2F8] =	vst v63  }
0x6a: {  	_ = 	snop  }
0x6b: {  	[tilespmem:s29], [sflag:$0x1] =	stream.indirect.gather [hbm4b:s4+s25], $0x10, s28, s25, $0xb8;
	[tilespmem:$0x1B2F8] =	vst v63  }
0x6c: {  	_ = 	snop  }
0x6d: {  	[tilespmem:s31], [sflag:$0x1] =	stream.indirect.gather [hbm4b:s4+s25], $0x10, s30, s25, $0xb8;
	[tilespmem:$0x1B2F8] =	vst v63  }
0x6e: {  	_ = 	snop  }
0x6f: {  	[tilespmem:s5], [sflag:$0x1] =	stream.indirect.gather [hbm4b:s4+s25], $0x10, s0, s25, $0xb8;
	[tilespmem:$0x1B2F8] =	vst v63  }
0x70: {  	_ =	swait.ge [sflag:s18], $0x800  }
0x71: {  	[sflag:s18] =	ssyncset.done $0x0  }
0x72: {  	[sflag:s18] =	ssyncadd.s32 $0xFFFFF800  }
0x73: {  	_ =	swait.ge [sflag:s18], $0x800  }
0x74: {  	[sflag:s18] =	ssyncset.done $0x0  }
0x75: {  	[sflag:s18] =	ssyncadd.s32 $0xFFFFF800  }
0x76: {  	_ =	swait.ge [sflag:s18], $0x800  }
0x77: {  	[sflag:s18] =	ssyncset.done $0x0  }
0x78: {  	[sflag:s18] =	ssyncadd.s32 $0xFFFFF800  }
0x79: {  	_ =	swait.ge [sflag:s18], $0x800  }
0x7a: {  	s24 =	simm.s32 $0x18AC8;
	[sflag:s18] =	ssyncset.done $0x0  }
0x7b: {  	s17 =	simm.s32 $0x19328;
	s14 =	simm.s32 $0xFFFFFFFC;
	[sflag:s18] =	ssyncadd.s32 $0xFFFFF800  }
.LBB2_3:
0x7c: {  	v6 =	vld [tilespmem:s24+$0xFFFFFFE0];
	_ =	sdelay $0x4  }
0x7d: {  	v7 =	vbroadcast v6, $0x0;
	_ =	sdelay $0x1  }
0x7e: {  	v8 =	vbroadcast v6, $0x1;
	v7 =	vmul.f32 v7, v1;
	_ =	sdelay $0x1  }
0x7f: {  	v9 =	vbroadcast v6, $0x2;
	v8 =	vmul.f32 v8, v2;
	v7 =	vadd.f32 v7, v5;
	_ =	sdelay $0x1  }
0x80: {  	v60 =	vbroadcast v6, $0x3;
	v59 =	vmul.f32 v9, v3;
	v7 =	vadd.f32 v7, v8  }
0x81: {  	v10 =	vld [tilespmem:s17+$0xFFFFFF80]  }
0x82: {  	v61 =	vmul.f32 v60, v4;
	v7 =	vadd.f32 v7, v59  }
0x83: {  	v62 =	vbroadcast v6, $0x4  }
0x84: {  	v7 =	vadd.f32 v7, v61  }
0x85: {  	v12 =	vbroadcast v6, $0x5;
	v63 =	vmul.f32 v62, v1  }
0x86: {  	v7 =	vadd.f32 v7, v10  }
0x87: {  	v13 =	vbroadcast v6, $0x6;
	v9 =	vmul.f32 v12, v2;
	v8 =	vadd.f32 v63, v5  }
0x88: {  	v7 =	vmax.f32 v7, $0.0e+00  }
0x89: {  	v15 =	vbroadcast v6, $0x7;
	v14 =	vmul.f32 v13, v3;
	[tilespmem:s17+$0xFFFFFF80] =	vst v7;
	v7 =	vadd.f32 v8, v9  }
0x8a: {  	v16 =	vld [tilespmem:s17+$0xFFFFFF90]  }
0x8b: {  	v17 =	vmul.f32 v15, v4;
	v7 =	vadd.f32 v7, v14  }
0x8c: {  	v18 =	vbroadcast v6, $0x8  }
0x8d: {  	v7 =	vadd.f32 v7, v17  }
0x8e: {  	v20 =	vbroadcast v6, $0x9;
	v19 =	vmul.f32 v18, v1  }
0x8f: {  	v7 =	vadd.f32 v7, v16  }
0x90: {  	v21 =	vbroadcast v6, $0xA;
	v8 =	vadd.f32 v19, v5;
	v9 =	vmul.f32 v20, v2  }
0x91: {  	v7 =	vmax.f32 v7, $0.0e+00  }
0x92: {  	v23 =	vbroadcast v6, $0xB;
	v22 =	vmul.f32 v21, v3;
	[tilespmem:s17+$0xFFFFFF90] =	vst v7;
	v7 =	vadd.f32 v8, v9  }
0x93: {  	v24 =	vld [tilespmem:s17+$0xFFFFFFA0]  }
0x94: {  	v25 =	vmul.f32 v23, v4;
	v7 =	vadd.f32 v7, v22  }
0x95: {  	v26 =	vbroadcast v6, $0xC  }
0x96: {  	v7 =	vadd.f32 v7, v25  }
0x97: {  	v28 =	vbroadcast v6, $0xD;
	v27 =	vmul.f32 v26, v1  }
0x98: {  	v7 =	vadd.f32 v7, v24  }
0x99: {  	v29 =	vbroadcast v6, $0xE;
	v8 =	vadd.f32 v27, v5;
	v9 =	vmul.f32 v28, v2  }
0x9a: {  	v7 =	vmax.f32 v7, $0.0e+00  }
0x9b: {  	v6 =	vbroadcast v6, $0xF;
	v30 =	vmul.f32 v29, v3;
	[tilespmem:s17+$0xFFFFFFA0] =	vst v7;
	v7 =	vadd.f32 v8, v9  }
0x9c: {  	v31 =	vld [tilespmem:s17+$0xFFFFFFB0]  }
0x9d: {  	v6 =	vmul.f32 v6, v4;
	v7 =	vadd.f32 v7, v30;
	_ =	sdelay $0x1  }
0x9e: {  	v6 =	vadd.f32 v7, v6;
	_ =	sdelay $0x1  }
0x9f: {  	v6 =	vadd.f32 v31, v6;
	_ =	sdelay $0x1  }
0xa0: {  	v6 =	vmax.f32 v6, $0.0e+00  }
0xa1: {  	[tilespmem:s17+$0xFFFFFFB0] =	vst v6  }
0xa2: {  	v6 =	vld [tilespmem:s24+$0xFFFFFFF0];
	_ =	sdelay $0x4  }
0xa3: {  	v7 =	vbroadcast v6, $0x0;
	_ =	sdelay $0x1  }
0xa4: {  	v32 =	vbroadcast v6, $0x1;
	v7 =	vmul.f32 v7, v1;
	_ =	sdelay $0x1  }
0xa5: {  	v33 =	vbroadcast v6, $0x2;
	v8 =	vmul.f32 v32, v2;
	v7 =	vadd.f32 v7, v5;
	_ =	sdelay $0x1  }
0xa6: {  	v35 =	vbroadcast v6, $0x3;
	v34 =	vmul.f32 v33, v3;
	v7 =	vadd.f32 v7, v8  }
0xa7: {  	v36 =	vld [tilespmem:s17+$0xFFFFFFC0]  }
0xa8: {  	v37 =	vmul.f32 v35, v4;
	v7 =	vadd.f32 v7, v34  }
0xa9: {  	v38 =	vbroadcast v6, $0x4  }
0xaa: {  	v7 =	vadd.f32 v7, v37  }
0xab: {  	v40 =	vbroadcast v6, $0x5;
	v39 =	vmul.f32 v38, v1  }
0xac: {  	v7 =	vadd.f32 v7, v36  }
0xad: {  	v41 =	vbroadcast v6, $0x6;
	v9 =	vmul.f32 v40, v2;
	v8 =	vadd.f32 v39, v5  }
0xae: {  	v7 =	vmax.f32 v7, $0.0e+00  }
0xaf: {  	v43 =	vbroadcast v6, $0x7;
	v42 =	vmul.f32 v41, v3;
	[tilespmem:s17+$0xFFFFFFC0] =	vst v7;
	v7 =	vadd.f32 v8, v9  }
0xb0: {  	v44 =	vld [tilespmem:s17+$0xFFFFFFD0]  }
0xb1: {  	v45 =	vmul.f32 v43, v4;
	v7 =	vadd.f32 v7, v42  }
0xb2: {  	v46 =	vbroadcast v6, $0x8  }
0xb3: {  	v7 =	vadd.f32 v7, v45  }
0xb4: {  	v48 =	vbroadcast v6, $0x9;
	v47 =	vmul.f32 v46, v1  }
0xb5: {  	v7 =	vadd.f32 v7, v44  }
0xb6: {  	v49 =	vbroadcast v6, $0xA;
	v8 =	vadd.f32 v47, v5;
	v9 =	vmul.f32 v48, v2  }
0xb7: {  	v7 =	vmax.f32 v7, $0.0e+00  }
0xb8: {  	v51 =	vbroadcast v6, $0xB;
	v50 =	vmul.f32 v49, v3;
	[tilespmem:s17+$0xFFFFFFD0] =	vst v7;
	v7 =	vadd.f32 v8, v9  }
0xb9: {  	v52 =	vld [tilespmem:s17+$0xFFFFFFE0]  }
0xba: {  	v53 =	vmul.f32 v51, v4;
	v7 =	vadd.f32 v7, v50  }
0xbb: {  	v54 =	vbroadcast v6, $0xC  }
0xbc: {  	v7 =	vadd.f32 v7, v53  }
0xbd: {  	v56 =	vbroadcast v6, $0xD;
	v55 =	vmul.f32 v54, v1  }
0xbe: {  	v7 =	vadd.f32 v7, v52  }
0xbf: {  	v57 =	vbroadcast v6, $0xE;
	v8 =	vadd.f32 v55, v5;
	v9 =	vmul.f32 v56, v2  }
0xc0: {  	v7 =	vmax.f32 v7, $0.0e+00  }
0xc1: {  	v6 =	vbroadcast v6, $0xF;
	v58 =	vmul.f32 v57, v3;
	[tilespmem:s17+$0xFFFFFFE0] =	vst v7;
	v7 =	vadd.f32 v8, v9  }
0xc2: {  	v59 =	vld [tilespmem:s17+$0xFFFFFFF0]  }
0xc3: {  	v6 =	vmul.f32 v6, v4;
	v7 =	vadd.f32 v7, v58;
	_ =	sdelay $0x1  }
0xc4: {  	v6 =	vadd.f32 v7, v6;
	_ =	sdelay $0x1  }
0xc5: {  	v6 =	vadd.f32 v59, v6;
	_ =	sdelay $0x1  }
0xc6: {  	v6 =	vmax.f32 v6, $0.0e+00  }
0xc7: {  	[tilespmem:s17+$0xFFFFFFF0] =	vst v6  }
0xc8: {  	v6 =	vld [tilespmem:s24+$0x0];
	_ =	sdelay $0x4  }
0xc9: {  	v7 =	vbroadcast v6, $0x0;
	_ =	sdelay $0x1  }
0xca: {  	v60 =	vbroadcast v6, $0x1;
	v7 =	vmul.f32 v7, v1;
	_ =	sdelay $0x1  }
0xcb: {  	v61 =	vbroadcast v6, $0x2;
	v8 =	vmul.f32 v60, v2;
	v7 =	vadd.f32 v7, v5;
	_ =	sdelay $0x1  }
0xcc: {  	v63 =	vbroadcast v6, $0x3;
	v62 =	vmul.f32 v61, v3;
	v7 =	vadd.f32 v7, v8  }
0xcd: {  	v12 =	vld [tilespmem:s17+$0x0]  }
0xce: {  	v13 =	vmul.f32 v63, v4;
	v7 =	vadd.f32 v7, v62  }
0xcf: {  	v14 =	vbroadcast v6, $0x4  }
0xd0: {  	v7 =	vadd.f32 v7, v13  }
0xd1: {  	v16 =	vbroadcast v6, $0x5;
	v15 =	vmul.f32 v14, v1  }
0xd2: {  	v7 =	vadd.f32 v7, v12  }
0xd3: {  	v17 =	vbroadcast v6, $0x6;
	v9 =	vmul.f32 v16, v2;
	v8 =	vadd.f32 v15, v5  }
0xd4: {  	v7 =	vmax.f32 v7, $0.0e+00  }
0xd5: {  	v19 =	vbroadcast v6, $0x7;
	v18 =	vmul.f32 v17, v3;
	[tilespmem:s17+$0x0] =	vst v7;
	v7 =	vadd.f32 v8, v9  }
0xd6: {  	v20 =	vld [tilespmem:s17+$0x10]  }
0xd7: {  	v21 =	vmul.f32 v19, v4;
	v7 =	vadd.f32 v7, v18  }
0xd8: {  	v22 =	vbroadcast v6, $0x8  }
0xd9: {  	v7 =	vadd.f32 v7, v21  }
0xda: {  	v24 =	vbroadcast v6, $0x9;
	v23 =	vmul.f32 v22, v1  }
0xdb: {  	v7 =	vadd.f32 v7, v20  }
0xdc: {  	v25 =	vbroadcast v6, $0xA;
	v8 =	vadd.f32 v23, v5;
	v9 =	vmul.f32 v24, v2  }
0xdd: {  	v7 =	vmax.f32 v7, $0.0e+00  }
0xde: {  	v27 =	vbroadcast v6, $0xB;
	v26 =	vmul.f32 v25, v3;
	[tilespmem:s17+$0x10] =	vst v7;
	v7 =	vadd.f32 v8, v9  }
0xdf: {  	v28 =	vld [tilespmem:s17+$0x20]  }
0xe0: {  	v29 =	vmul.f32 v27, v4;
	v7 =	vadd.f32 v7, v26  }
0xe1: {  	v30 =	vbroadcast v6, $0xC  }
0xe2: {  	v7 =	vadd.f32 v7, v29  }
0xe3: {  	v32 =	vbroadcast v6, $0xD;
	v31 =	vmul.f32 v30, v1  }
0xe4: {  	v7 =	vadd.f32 v7, v28  }
0xe5: {  	v33 =	vbroadcast v6, $0xE;
	v8 =	vadd.f32 v31, v5;
	v9 =	vmul.f32 v32, v2  }
0xe6: {  	v7 =	vmax.f32 v7, $0.0e+00  }
0xe7: {  	v6 =	vbroadcast v6, $0xF;
	v34 =	vmul.f32 v33, v3;
	[tilespmem:s17+$0x20] =	vst v7;
	v7 =	vadd.f32 v8, v9  }
0xe8: {  	v35 =	vld [tilespmem:s17+$0x30]  }
0xe9: {  	v6 =	vmul.f32 v6, v4;
	v7 =	vadd.f32 v7, v34;
	_ =	sdelay $0x1  }
0xea: {  	v6 =	vadd.f32 v7, v6;
	_ =	sdelay $0x1  }
0xeb: {  	v6 =	vadd.f32 v35, v6;
	_ =	sdelay $0x1  }
0xec: {  	v6 =	vmax.f32 v6, $0.0e+00  }
0xed: {  	[tilespmem:s17+$0x30] =	vst v6  }
0xee: {  	v6 =	vld [tilespmem:s24+$0x10];
	_ =	sdelay $0x4  }
0xef: {  	v7 =	vbroadcast v6, $0x0;
	_ =	sdelay $0x1  }
0xf0: {  	v36 =	vbroadcast v6, $0x1;
	v7 =	vmul.f32 v7, v1;
	_ =	sdelay $0x1  }
0xf1: {  	v37 =	vbroadcast v6, $0x2;
	v8 =	vmul.f32 v36, v2;
	v7 =	vadd.f32 v7, v5;
	_ =	sdelay $0x1  }
0xf2: {  	v39 =	vbroadcast v6, $0x3;
	v38 =	vmul.f32 v37, v3;
	v7 =	vadd.f32 v7, v8  }
0xf3: {  	v40 =	vld [tilespmem:s17+$0x40]  }
0xf4: {  	v41 =	vmul.f32 v39, v4;
	v7 =	vadd.f32 v7, v38  }
0xf5: {  	v42 =	vbroadcast v6, $0x4  }
0xf6: {  	v7 =	vadd.f32 v7, v41  }
0xf7: {  	v44 =	vbroadcast v6, $0x5;
	v43 =	vmul.f32 v42, v1  }
0xf8: {  	v7 =	vadd.f32 v7, v40  }
0xf9: {  	v45 =	vbroadcast v6, $0x6;
	v9 =	vmul.f32 v44, v2;
	v8 =	vadd.f32 v43, v5  }
0xfa: {  	v7 =	vmax.f32 v7, $0.0e+00  }
0xfb: {  	v47 =	vbroadcast v6, $0x7;
	v46 =	vmul.f32 v45, v3;
	[tilespmem:s17+$0x40] =	vst v7;
	v7 =	vadd.f32 v8, v9  }
0xfc: {  	v48 =	vld [tilespmem:s17+$0x50]  }
0xfd: {  	v49 =	vmul.f32 v47, v4;
	v7 =	vadd.f32 v7, v46  }
0xfe: {  	v50 =	vbroadcast v6, $0x8  }
0xff: {  	v7 =	vadd.f32 v7, v49  }
0x100: {  	v52 =	vbroadcast v6, $0x9;
	v51 =	vmul.f32 v50, v1  }
0x101: {  	v7 =	vadd.f32 v7, v48  }
0x102: {  	v53 =	vbroadcast v6, $0xA;
	v8 =	vadd.f32 v51, v5;
	v9 =	vmul.f32 v52, v2  }
0x103: {  	v7 =	vmax.f32 v7, $0.0e+00  }
0x104: {  	v55 =	vbroadcast v6, $0xB;
	v54 =	vmul.f32 v53, v3;
	[tilespmem:s17+$0x50] =	vst v7;
	v7 =	vadd.f32 v8, v9  }
0x105: {  	v56 =	vld [tilespmem:s17+$0x60]  }
0x106: {  	v57 =	vmul.f32 v55, v4;
	v7 =	vadd.f32 v7, v54  }
0x107: {  	v58 =	vbroadcast v6, $0xC  }
0x108: {  	v7 =	vadd.f32 v7, v57  }
0x109: {  	v60 =	vbroadcast v6, $0xD;
	v59 =	vmul.f32 v58, v1  }
0x10a: {  	v7 =	vadd.f32 v7, v56  }
0x10b: {  	v61 =	vbroadcast v6, $0xE;
	v8 =	vadd.f32 v59, v5;
	v9 =	vmul.f32 v60, v2  }
0x10c: {  	v7 =	vmax.f32 v7, $0.0e+00  }
0x10d: {  	v6 =	vbroadcast v6, $0xF;
	v62 =	vmul.f32 v61, v3;
	[tilespmem:s17+$0x60] =	vst v7;
	v7 =	vadd.f32 v8, v9  }
0x10e: {  	v63 =	vld [tilespmem:s17+$0x70]  }
0x10f: {  	v6 =	vmul.f32 v6, v4;
	v7 =	vadd.f32 v7, v62  }
0x110: {  	s14 =	sadd.s32 $0x4, s14  }
0x111: {  	p1 =	slt.u32 s14, $0x7C;
	v6 =	vadd.f32 v7, v6  }
.Ltmp0:
0x112: {  	_ = 	snop;
	(pc) =	sbr.rel @p1 .LBB2_3-.Ltmp0, $3  }
0x113: {  	v6 =	vadd.f32 v63, v6;
	_ =	sdelay $0x1  }
0x114: {  	v6 =	vmax.f32 v6, $0.0e+00  }
0x115: {  	s24 =	sadd.s32 $0x40, s24;
	[tilespmem:s17+$0x70] =	vst v6;
	s17 =	sadd.s32 $0x100, s17  }
0x116: {  	[spmem:s2] =	stream.indirect.scatter.add.f32 [tilespmem:s26], [sflag:$0x2], $0x10, s22, s25, $0xb8;
	[tilespmem:$0x1B2F8] =	vst v63  }
0x117: {  	_ = 	snop  }
0x118: {  	[spmem:s2] =	stream.indirect.scatter.add.f32 [tilespmem:s29], [sflag:$0x2], $0x10, s20, s25, $0xb8;
	[tilespmem:$0x1B2F8] =	vst v63  }
0x119: {  	_ = 	snop  }
0x11a: {  	[spmem:s2] =	stream.indirect.scatter.add.f32 [tilespmem:s31], [sflag:$0x2], $0x10, s1, s25, $0xb8;
	[tilespmem:$0x1B2F8] =	vst v63  }
0x11b: {  	_ = 	snop  }
0x11c: {  	[spmem:s2] =	stream.indirect.scatter.add.f32 [tilespmem:s5], [sflag:$0x2], $0x10, s9, s25, $0xb8;
	[tilespmem:$0x1B2F8] =	vst v63  }
0x11d: {  	_ =	swait.ge [sflag:s10], $0x800  }
0x11e: {  	[sflag:s10] =	ssyncset.done $0x0  }
0x11f: {  	[sflag:s10] =	ssyncadd.s32 $0xFFFFF800  }
0x120: {  	_ =	swait.ge [sflag:s10], $0x800  }
0x121: {  	[sflag:s10] =	ssyncset.done $0x0  }
0x122: {  	s13 =	sadd.s32 $0x1, s13;
	[sflag:s10] =	ssyncadd.s32 $0xFFFFF800  }
0x123: {  	p1 =	sne.s32 s13, $0xC4;
	_ =	swait.ge [sflag:s10], $0x800  }
.Ltmp1:
0x124: {  	[sflag:s10] =	ssyncset.done $0x0;
	(pc) =	sbr.rel @p1 .LBB2_2-.Ltmp1, $4  }
0x125: {  	[sflag:s10] =	ssyncadd.s32 $0xFFFFF800  }
0x126: {  	_ =	swait.ge [sflag:s10], $0x800  }
0x127: {  	[sflag:s10] =	ssyncset.done $0x0  }
0x128: {  	[sflag:s10] =	ssyncadd.s32 $0xFFFFF800  }
0x129: {  	[bflag:$0x0] =	sbarrier.arrive $0xFFFF  }
0x12a: {  	s13 =	simm.s32 @p0 $0x1FC3;
	s14 =	rddreg [dreg:$0x7]  }
0x12b: {  	[hbm:s14], [sflag:s13] =	dma.local @p0 [spmem:s15], $0x3020  }
0x12c: {  	s13 =	simm.s32 @p0 $0x3  }
0x12d: {  	_ =	swait.ge @p0 [sflag:s13], $0x3020  }
0x12e: {  	[sflag:s13] =	ssyncset.done @p0 $0x0;
	s14 =	rddreg [dreg:$0xa]  }
0x12f: {  	[sflag:s13] =	ssyncadd.s32 @p0 $0xFFFFCFE0;
	s13 =	rddreg [dreg:$0x6]  }
0x130: {  	[hbm:s13], [sflag:s16] =	dma.local @!p0 [spmem:s14], $0x30E0  }
0x131: {  	s13 =	simm.s32 @!p0 $0x3  }
0x132: {  	_ =	swait.ge @!p0 [sflag:s13], $0x30E0  }
0x133: {  	s12 =	sadd.s32 $0x1, s12;
	s24 =	rddreg [dreg:$0x8]  }
0x134: {  	p1 =	sne.s32 s12, s24  }
.Ltmp2:
0x135: {  	_ = 	snop;
	(pc) =	sbr.rel @p1 .LBB2_1-.Ltmp2, $3  }
0x136: {  	_ =	sdelay $0x1  }
0x137: {  	[sflag:s13] =	ssyncset.done @!p0 $0x0  }
0x138: {  	[sflag:s13] =	ssyncadd.s32 @!p0 $0xFFFFCF20  }
0x139: {  	_ =	sfence.sel $0x180000  }
0x13a: {  	[bflag:$0x0] =	sbarrier.arrive $0xFFFF  }
0x13b: {  	_ =	strace $0x9000004D  }
0x13c: {  	s0 =	stileid.u32;
	[bflag:$0x2] =	sbarrier.arrive $0xFFFF  }
0x13d: {  	p0 =	sne.s32 s0, $0x0;
	s0 =	rddreg [dreg:$0x3]  }
0x13e: {  	s0 =	sadd.s32 @!p0 $0x100000, s0  }
0x13f: {  	[sflag:s0] =	ssyncadd.tile.s32 @!p0 $0x1;
	_ =	shalt  }
.Lfunc_end2:
_tile_overlayer_lowered:
.L_overlay_start_2:
0x140: {  	(tag) =	ssettag $0x2  }
0x141: {  	s0 =	rddreg [dreg:$0x0];
	s2 =	stileid.u32  }
0x142: {  	s1 =	rddreg [dreg:$0x1];
	p0 =	sne.s32 s2, $0x0  }
0x143: {  	s3 =	rddreg [dreg:$0x2];
	[bflag:$0x3] =	sbarrier.arrive $0xFFFF;
	s2 =	simm.s32 @!p0 $0x1C03  }
0x144: {  	[timem:s3], [sflag:s2] =	dma.local @!p0 [hbm:s0], s1  }
0x145: {  	s0 =	simm.s32 @!p0 $0x3  }
0x146: {  	_ =	swait.ge @!p0 [sflag:s0], s1  }
0x147: {  	s1 =	ssub.s32 @!p0 $0x0, s1;
	[sflag:s0] =	ssyncset.done @!p0 $0x0  }
0x148: {  	[sflag:s0] =	ssyncadd.s32 @!p0 s1  }
0x149: {  	[bflag:$0x3] =	sbarrier.arrive $0xFFFF  }
0x14a: {  	_ =	shalt  }

</sc_bundles>
